<compile_context>
chip_gen: v7x
topology: tpu7x:2x2x1
jax: 0.10.2.dev20260603
libtpu: 0.0.44.dev20260713+nightly
codegen_flags: <defaults>
</compile_context>

<pallas_src>
import functools
import math

import jax
import jax.numpy as jnp
from jax import lax
from jax.experimental import pallas as pl
from jax.experimental.pallas import tpu as pltpu
from jax.experimental.pallas import tpu_sc as plsc

N_BLOCK = 2
WIN = 256
D = 384
NH = 12
DH = D // NH
HID = int(D * 4.0)
B = 2
N = 2048
R = B * N
NWIN = R // WIN
EPS = 1e-5

SC_NC = 2
SC_NS = 16
SC_NW = SC_NC * SC_NS
ROWS_PER_W = R // SC_NW


def _sc_scatter_body(table_hbm, idx_hbm, out_hbm, idx_v, rows_v, sem_r):
    wid = lax.axis_index("s") * SC_NC + lax.axis_index("c")
    base = wid * ROWS_PER_W
    pltpu.sync_copy(idx_hbm.at[wid], idx_v)
    pltpu.sync_copy(table_hbm.at[pl.ds(base, ROWS_PER_W)], rows_v)
    pltpu.async_copy(rows_v, out_hbm.at[idx_v], sem_r).wait()


def _sc_gather_body(table_hbm, idx_hbm, out_hbm, idx_v, rows_v, sem_r):
    wid = lax.axis_index("s") * SC_NC + lax.axis_index("c")
    base = wid * ROWS_PER_W
    pltpu.sync_copy(idx_hbm.at[wid], idx_v)
    pltpu.async_copy(table_hbm.at[idx_v], rows_v, sem_r).wait()
    pltpu.sync_copy(rows_v, out_hbm.at[pl.ds(base, ROWS_PER_W)])


def _sc_gs_body(table_hbm, idxg_hbm, idxs_hbm, out_hbm,
                idxg_v, idxs_v, rows_v, sem_g, sem_s):
    wid = lax.axis_index("s") * SC_NC + lax.axis_index("c")
    pltpu.sync_copy(idxg_hbm.at[wid], idxg_v)
    pltpu.sync_copy(idxs_hbm.at[wid], idxs_v)
    pltpu.async_copy(table_hbm.at[idxg_v], rows_v, sem_g).wait()
    pltpu.async_copy(rows_v, out_hbm.at[idxs_v], sem_s).wait()


def _sc_mesh():
    return plsc.VectorSubcoreMesh(
        core_axis_name="c", subcore_axis_name="s",
        num_cores=SC_NC, num_subcores=SC_NS)


_ROWS_SCRATCH = pltpu.VMEM((ROWS_PER_W, D), jnp.float32)
_IDX_1D = pltpu.VMEM((ROWS_PER_W,), jnp.int32)
_ROWS_OUT = jax.ShapeDtypeStruct((R, D), jnp.float32)


@functools.cache
def _sc_move_kernel(kind):
    body, scratch = {
        "scatter": (_sc_scatter_body,
                    [_IDX_1D, _ROWS_SCRATCH, pltpu.SemaphoreType.DMA]),
        "gather": (_sc_gather_body,
                   [_IDX_1D, _ROWS_SCRATCH, pltpu.SemaphoreType.DMA]),
        "gs": (_sc_gs_body,
               [_IDX_1D, _IDX_1D, _ROWS_SCRATCH,
                pltpu.SemaphoreType.DMA, pltpu.SemaphoreType.DMA]),
    }[kind]
    return pl.kernel(
        body,
        out_type=_ROWS_OUT,
        mesh=_sc_mesh(),
        scratch_types=scratch,
    )


def _sc_scatter(table, idx):
    return _sc_move_kernel("scatter")(table, idx)


def _sc_gather(table, idx):
    return _sc_move_kernel("gather")(table, idx)


def _sc_gather_scatter(table, idxg, idxs):
    return _sc_move_kernel("gs")(table, idxg, idxs)


def _bn_affine(st, gb_ref, grow, brow):
    mean = st[0:1, :] * (1.0 / R)
    var = st[1:2, :] * (1.0 / R) - mean * mean
    scale = gb_ref[grow:grow + 1, :] * lax.rsqrt(var + EPS)
    shift = gb_ref[brow:brow + 1, :] - mean * scale
    return scale, shift


def _out_stats(y, i, ost_ref):
    s = jnp.sum(y, axis=0, keepdims=True)
    ss = jnp.sum(y * y, axis=0, keepdims=True)
    blk = jnp.concatenate([s, ss, jnp.zeros((6, D), jnp.float32)], axis=0)

    @pl.when(i == 0)
    def _():
        ost_ref[...] = blk

    @pl.when(i > 0)
    def _():
        ost_ref[...] += blk


_HG = 4
_NG = NH // _HG
_GW = _HG * DH


def _nt(a, b, out_dtype=jnp.float32):
    return lax.dot_general(a, b, (((1,), (1,)), ((), ())),
                           preferred_element_type=out_dtype)


_MCH = 2 * WIN
_NMS = R // _MCH


def _block_body(emit_stats, st_ref, gb_ref, x_ref, wqkv_ref, wproj_ref,
                w1_ref, w2_ref, y_ref, ost_ref, h_vmem, st2_vmem,
                wqkv_bf, wproj_bf, w1_bf, w2_bf):
    i = pl.program_id(0)
    is_attn = i < _NMS

    @pl.when(is_attn & (i == 0))
    def _cast_weights():
        wq = wqkv_ref[0]
        rowid = lax.broadcasted_iota(jnp.int32, (3 * D, D), 0)
        wq = jnp.where(rowid < D, wq * (1.0 / math.sqrt(DH)), wq)
        wqkv_bf[...] = wq.astype(jnp.bfloat16)
        wproj_bf[...] = wproj_ref[0].astype(jnp.bfloat16)
        w1_bf[...] = w1_ref[0].astype(jnp.bfloat16)
        w2_bf[...] = w2_ref[0].astype(jnp.bfloat16)

    @pl.when(is_attn)
    def _attn_phase():
        x2 = x_ref[...]
        scale, shift = _bn_affine(st_ref[...], gb_ref, 0, 1)
        lane = lax.broadcasted_iota(jnp.int32, (1, _GW), 1)
        blk = jnp.zeros((8, D), jnp.float32)
        for w in range(2):
            x = x2[w * WIN:(w + 1) * WIN, :]
            xn = (x * scale + shift).astype(jnp.bfloat16)
            qkvb = _nt(xn, wqkv_bf[...]).astype(jnp.bfloat16)
            outs = []
            for g in range(_NG):
                q4 = qkvb[:, g * _GW:(g + 1) * _GW]
                k4 = qkvb[:, D + g * _GW:D + (g + 1) * _GW]
                v4 = qkvb[:, 2 * D + g * _GW:2 * D + (g + 1) * _GW]
                bdk = jnp.concatenate(
                    [jnp.where((lane >= h * DH) & (lane < (h + 1) * DH),
                               k4, 0) for h in range(_HG)], axis=0)
                s4 = _nt(q4, bdk)
                e4 = jnp.exp(s4)
                p4 = jnp.concatenate(
                    [e4[:, h * WIN:(h + 1) * WIN]
                     / jnp.sum(e4[:, h * WIN:(h + 1) * WIN], axis=-1,
                               keepdims=True) for h in range(_HG)],
                    axis=1).astype(jnp.bfloat16)
                bdv = jnp.concatenate(
                    [jnp.where((lane >= h * DH) & (lane < (h + 1) * DH),
                               v4, 0) for h in range(_HG)], axis=0)
                outs.append(jnp.dot(p4, bdv,
                                    preferred_element_type=jnp.float32))
            o = jnp.concatenate(outs, axis=1).astype(jnp.bfloat16)
            h_out = x + _nt(o, wproj_bf[...])
            h_vmem[pl.ds((2 * i + w) * WIN, WIN), :] = h_out
            s = jnp.sum(h_out, axis=0, keepdims=True)
            ss = jnp.sum(h_out * h_out, axis=0, keepdims=True)
            blk = blk + jnp.concatenate(
                [s, ss, jnp.zeros((6, D), jnp.float32)], axis=0)

        @pl.when(i == 0)
        def _():
            st2_vmem[...] = blk

        @pl.when(i > 0)
        def _():
            st2_vmem[...] += blk

    @pl.when(jnp.logical_not(is_attn))
    def _mlp_phase():
        c = i - _NMS
        hrow = h_vmem[pl.ds(c * _MCH, _MCH), :]
        scale, shift = _bn_affine(st2_vmem[...], gb_ref, 2, 3)
        hn = (hrow * scale + shift).astype(jnp.bfloat16)
        a = _nt(hn, w1_bf[...])
        a = jnp.maximum(a, 0.0).astype(jnp.bfloat16)
        y = hrow + _nt(a, w2_bf[...])
        y_ref[...] = y
        if emit_stats:
            _out_stats(y, c, ost_ref)


def _block_call(blk_i, st, gb, xp, qkv_w, proj_w, fc1_w, fc2_w,
                emit_stats=True):
    return pl.pallas_call(
        functools.partial(_block_body, emit_stats),
        grid=(2 * _NMS,),
        in_specs=[
            pl.BlockSpec((8, D), lambda i: (0, 0)),
            pl.BlockSpec((8, D), lambda i: (0, 0)),
            pl.BlockSpec((_MCH, D), lambda i: (jnp.where(i < _NMS, i, 0), 0)),
            pl.BlockSpec((1, 3 * D, D), lambda i, b=blk_i: (b, 0, 0)),
            pl.BlockSpec((1, D, D), lambda i, b=blk_i: (b, 0, 0)),
            pl.BlockSpec((1, HID, D), lambda i, b=blk_i: (b, 0, 0)),
            pl.BlockSpec((1, D, HID), lambda i, b=blk_i: (b, 0, 0)),
        ],
        out_specs=[
            pl.BlockSpec((_MCH, D),
                         lambda i: (jnp.where(i < _NMS, i, i - _NMS), 0)),
            pl.BlockSpec((8, D), lambda i: (0, 0)),
        ],
        out_shape=[
            jax.ShapeDtypeStruct((R, D), jnp.float32),
            jax.ShapeDtypeStruct((8, D), jnp.float32),
        ],
        scratch_shapes=[
            pltpu.VMEM((R, D), jnp.float32),
            pltpu.VMEM((8, D), jnp.float32),
            pltpu.VMEM((3 * D, D), jnp.bfloat16),
            pltpu.VMEM((D, D), jnp.bfloat16),
            pltpu.VMEM((HID, D), jnp.bfloat16),
            pltpu.VMEM((D, HID), jnp.bfloat16),
        ],
    )(st, gb, xp, qkv_w, proj_w, fc1_w, fc2_w)


_CH = 256
_NCH = N // _CH


_XCH = R // (2 * B)


def _rank_body(prow_ref, x_ref, out_ref, st_ref):
    r = pl.program_id(0)
    xc = x_ref[...]
    s = jnp.sum(xc, axis=0, keepdims=True)
    ss = jnp.sum(xc * xc, axis=0, keepdims=True)
    blk = jnp.concatenate([s, ss, jnp.zeros((6, D), jnp.float32)], axis=0)

    @pl.when(r == 0)
    def _():
        st_ref[...] = blk

    @pl.when(r > 0)
    def _():
        st_ref[...] += blk

    prow = prow_ref[0]
    pr8 = jnp.concatenate(
        [prow[:, c * _CH:(c + 1) * _CH] for c in range(_NCH)], axis=0)
    tcol = jnp.transpose(pr8)
    tri = (lax.broadcasted_iota(jnp.int32, (_CH, _CH), 0)
           < lax.broadcasted_iota(jnp.int32, (_CH, _CH), 1))
    chunks = []
    for ci in range(_NCH):
        pi = prow[:, ci * _CH:(ci + 1) * _CH]
        acc = jnp.zeros((1, _CH), jnp.float32)
        for cj in range(_NCH):
            pj = tcol[:, cj:cj + 1]
            if cj < ci:
                cmp = pj <= pi
            elif cj > ci:
                cmp = pj < pi
            else:
                cmp = (pj < pi) | ((pj == pi) & tri)
            acc = acc + jnp.sum(cmp.astype(jnp.float32), axis=0, keepdims=True)
        chunks.append(acc)
    rank = jnp.concatenate(chunks, axis=1).astype(jnp.int32)
    out_ref[0] = rank + (r % 2) * N


def _rank_call(prow, xf):
    return pl.pallas_call(
        _rank_body,
        grid=(2 * B,),
        in_specs=[
            pl.BlockSpec((1, 1, N), lambda r: (r, 0, 0)),
            pl.BlockSpec((_XCH, D), lambda r: (r, 0)),
        ],
        out_specs=[
            pl.BlockSpec((1, 1, N), lambda r: (r, 0, 0)),
            pl.BlockSpec((8, D), lambda r: (0, 0)),
        ],
        out_shape=[
            jax.ShapeDtypeStruct((2 * B, 1, N), jnp.int32),
            jax.ShapeDtypeStruct((8, D), jnp.float32),
        ],
    )(prow, xf)


def _perm_indices(z, xf):
    kidx = jax.random.key(42)

    def get_proj(key):
        v = jax.random.normal(key, (3,), dtype=jnp.float32)
        v = v / jnp.linalg.norm(v)
        return jnp.einsum('bnc,c->bn', z, v)

    p1 = get_proj(jax.random.fold_in(kidx, 1))
    p2 = get_proj(jax.random.fold_in(kidx, 2))
    P = jnp.concatenate([p1, p2], axis=0)
    ranks3, st = _rank_call(P[:, None, :], xf)
    ranks = ranks3.reshape(2 * B, N)
    idx1 = ranks[0:B].reshape(SC_NW, ROWS_PER_W)
    idx2 = ranks[B:2 * B].reshape(SC_NW, ROWS_PER_W)
    return idx1, idx2, st


def kernel(x, z, qkv_w, proj_w, fc1_w, fc2_w, bn1_g, bn1_b, bn2_g, bn2_b):
    xf = x.reshape(R, D)
    idx1, idx2, st = _perm_indices(z, xf)

    zpad = jnp.zeros((4, D), jnp.float32)
    gb = [jnp.concatenate([bn1_g[i][None], bn1_b[i][None],
                           bn2_g[i][None], bn2_b[i][None], zpad], axis=0)
          for i in range(N_BLOCK)]

    xp = _sc_scatter(xf, idx1)
    y, st3 = _block_call(0, st, gb[0], xp, qkv_w, proj_w, fc1_w, fc2_w)
    xp2 = _sc_gather_scatter(y, idx1, idx2)
    y2, _ = _block_call(1, st3, gb[1], xp2, qkv_w, proj_w, fc1_w, fc2_w,
                        emit_stats=False)
    out = _sc_gather(y2, idx2)
    return out.reshape(B, N, D), z

# --- scband reference (transcript-rebuilt; emitter-appended) ---
"""Pipeline reference for scband-random-seq-win-trans-block-32899449487878 (READ-ONLY COPY).

The authoritative reference and input builder live on the scoring server;
editing this copy changes nothing except your own understanding.
"""

import jax, jax.numpy as jnp
import numpy as np

N_BLOCK = 2
WIN_SZ = 256
D_FEAT = 384
N_HEAD = 12
RATIO = 4.0
HIDDEN = int(D_FEAT * RATIO)


def setup_inputs(seed: int = 0) -> dict:
    key = jax.random.key(seed)
    ks = jax.random.split(key, 12)
    B, N = 2, 2048
    x = jax.random.normal(ks[0], (B, N, D_FEAT), dtype=jnp.float32)
    z = jax.random.normal(ks[1], (B, N, 3), dtype=jnp.float32)
    qkv_w = jax.random.normal(ks[2], (N_BLOCK, 3 * D_FEAT, D_FEAT), dtype=jnp.float32) * 0.02
    proj_w = jax.random.normal(ks[3], (N_BLOCK, D_FEAT, D_FEAT), dtype=jnp.float32) * 0.02
    fc1_w = jax.random.normal(ks[4], (N_BLOCK, HIDDEN, D_FEAT), dtype=jnp.float32) * 0.02
    fc2_w = jax.random.normal(ks[5], (N_BLOCK, D_FEAT, HIDDEN), dtype=jnp.float32) * 0.02
    bn1_g = jnp.ones((N_BLOCK, D_FEAT), dtype=jnp.float32)
    bn1_b = jnp.zeros((N_BLOCK, D_FEAT), dtype=jnp.float32)
    bn2_g = jnp.ones((N_BLOCK, D_FEAT), dtype=jnp.float32)
    bn2_b = jnp.zeros((N_BLOCK, D_FEAT), dtype=jnp.float32)
    return {"x": x, "z": z, "qkv_w": qkv_w, "proj_w": proj_w, "fc1_w": fc1_w,
            "fc2_w": fc2_w, "bn1_g": bn1_g, "bn1_b": bn1_b, "bn2_g": bn2_g, "bn2_b": bn2_b}


def _get_idx(z, key):
    # Random3DGetIdx: serialize points by projecting coords onto a random 3D direction
    v = jax.random.normal(key, (3,), dtype=jnp.float32)
    v = v / jnp.linalg.norm(v)
    proj = jnp.einsum('bnc,c->bn', z, v)
    idx_pa = jnp.argsort(proj, axis=1)          # partition (permutation) indices
    idx_re = jnp.argsort(idx_pa, axis=1)        # reverse (inverse permutation) indices
    return idx_pa, idx_re


def _gather(t, idx):
    return jnp.take_along_axis(t, idx[:, :, None], axis=1)


def _bn(x, g, b, eps=1e-5):
    m = jnp.mean(x, axis=(0, 1), keepdims=True)
    v = jnp.var(x, axis=(0, 1), keepdims=True)
    return (x - m) / jnp.sqrt(v + eps) * g + b


def _win_attn(x, qkv_w, proj_w):
    B, N, d = x.shape
    nw = N // WIN_SZ
    dh = d // N_HEAD
    xw = x.reshape(B * nw, WIN_SZ, d)
    qkv = xw @ qkv_w.T
    qkv = qkv.reshape(B * nw, WIN_SZ, 3, N_HEAD, dh).transpose(2, 0, 3, 1, 4)
    q, k, v = qkv[0], qkv[1], qkv[2]
    attn = jax.nn.softmax((q @ jnp.swapaxes(k, -1, -2)) / jnp.sqrt(float(dh)), axis=-1)
    o = (attn @ v).transpose(0, 2, 1, 3).reshape(B * nw, WIN_SZ, d)
    o = o @ proj_w.T
    return o.reshape(B, N, d)


def reference(x, z, qkv_w, proj_w, fc1_w, fc2_w, bn1_g, bn1_b, bn2_g, bn2_b):
    kidx = jax.random.key(42)
    idx_pa_1, idx_re_1 = _get_idx(z, jax.random.fold_in(kidx, 1))
    idx_pa_2, idx_re_2 = _get_idx(z, jax.random.fold_in(kidx, 2))
    for i in range(N_BLOCK):
        idx_pa = idx_pa_1 if i % 2 == 0 else idx_pa_2
        idx_re = idx_re_1 if i % 2 == 0 else idx_re_2
        # SpaceExpansion: permute into serialized order
        x = _gather(x, idx_pa)
        z = _gather(z, idx_pa)
        # SeqWinTransLayer: window attention + MLP (pre-norm, BN over (B,N))
        h = x + _win_attn(_bn(x, bn1_g[i], bn1_b[i]), qkv_w[i], proj_w[i])
        hm = _bn(h, bn2_g[i], bn2_b[i])
        h = h + jax.nn.relu(hm @ fc1_w[i].T) @ fc2_w[i].T
        x = h
        # SpaceReverse: restore original order
        x = _gather(x, idx_re)
        z = _gather(z, idx_re)
    return (x, z)

if __name__ == "__main__":
    import jax
    _d = setup_inputs()
    print(jax.jit(kernel)(*tuple(_d.values())))

</pallas_src>

<mosaic_0001>
#map = affine_map<(d0, d1) -> (0, 0)>
module attributes {stable_mosaic.version = 14 : i64} {
  func.func @_sc_gs_body(%arg0: i32, %arg1: i32, %arg2: memref<4096x384xf32, #tpu.memory_space<hbm>>, %arg3: memref<32x128xi32, #tpu.memory_space<hbm>>, %arg4: memref<32x128xi32, #tpu.memory_space<hbm>>, %arg5: memref<4096x384xf32, #tpu.memory_space<hbm>>, %arg6: memref<128xi32, #tpu.memory_space<vmem>>, %arg7: memref<128xi32, #tpu.memory_space<vmem>>, %arg8: memref<128x384xf32, #tpu.memory_space<vmem>>, %arg9: memref<!tpu.dma_semaphore, #tpu.memory_space<semaphore_mem>>, %arg10: memref<!tpu.dma_semaphore, #tpu.memory_space<semaphore_mem>>) attributes {dimension_semantics = [#tpu.dimension_semantics<core_parallel>, #tpu.dimension_semantics<subcore_parallel>], iteration_bounds = array<i64: 2, 16>, scalar_prefetch = 0 : i64, scratch_operands = 5 : i64, tpu.core_type = #tpu.core_type<sc_vector_subcore>, window_params = [{transform_indices = #map}, {transform_indices = #map}, {transform_indices = #map}, {transform_indices = #map}]} {
    %mul3A = arith.constant 2 : i32
    %mul3A_0 = arith.muli %arg1, %mul3A : i32
    %add3A = arith.addi %mul3A_0, %arg0 : i32
    "tpu.region"() ({
      %run_scoped3A = tpu.sem_alloc : memref<!tpu.dma_semaphore, #tpu.memory_space<semaphore_mem>>
      %dma_start3A_11 = arith.constant 0 : i32
      %dma_start3A_12 = tpu.memref_slice %arg3[%add3A, %dma_start3A_11] : memref<32x128xi32, #tpu.memory_space<hbm>> -> memref<1x128xi32, #tpu.memory_space<hbm>>
      %dma_start3A_13 = tpu.memref_squeeze %dma_start3A_12 : memref<1x128xi32, #tpu.memory_space<hbm>> -> memref<128xi32, #tpu.memory_space<hbm>>
      %dma_start3A_14 = arith.constant 0 : i32
      %dma_start3A_15 = tpu.memref_slice %arg3[%add3A, %dma_start3A_14] : memref<32x128xi32, #tpu.memory_space<hbm>> -> memref<1x128xi32, #tpu.memory_space<hbm>>
      %dma_start3A_16 = tpu.memref_squeeze %dma_start3A_15 : memref<1x128xi32, #tpu.memory_space<hbm>> -> memref<128xi32, #tpu.memory_space<hbm>>
      tpu.enqueue_dma source(%dma_start3A_16 : memref<128xi32, #tpu.memory_space<hbm>>) target(%arg6 : memref<128xi32, #tpu.memory_space<vmem>>) target_semaphore(%run_scoped3A : memref<!tpu.dma_semaphore, #tpu.memory_space<semaphore_mem>>)
      %dma_wait3A_17 = arith.constant 0 : i32
      %dma_wait3A_18 = tpu.memref_slice %arg3[%add3A, %dma_wait3A_17] : memref<32x128xi32, #tpu.memory_space<hbm>> -> memref<1x128xi32, #tpu.memory_space<hbm>>
      %dma_wait3A_19 = tpu.memref_squeeze %dma_wait3A_18 : memref<1x128xi32, #tpu.memory_space<hbm>> -> memref<128xi32, #tpu.memory_space<hbm>>
      %dma_wait3A_20 = arith.constant 0 : i32
      %dma_wait3A_21 = tpu.memref_slice %arg3[%add3A, %dma_wait3A_20] : memref<32x128xi32, #tpu.memory_space<hbm>> -> memref<1x128xi32, #tpu.memory_space<hbm>>
      %dma_wait3A_22 = tpu.memref_squeeze %dma_wait3A_21 : memref<1x128xi32, #tpu.memory_space<hbm>> -> memref<128xi32, #tpu.memory_space<hbm>>
      tpu.wait_dma2 semaphore(%run_scoped3A : memref<!tpu.dma_semaphore, #tpu.memory_space<semaphore_mem>>) src(%dma_wait3A_22 : memref<128xi32, #tpu.memory_space<hbm>>) dst(%arg6 : memref<128xi32, #tpu.memory_space<vmem>>)
      tpu.yield
    }) : () -> ()
    "tpu.region"() ({
      %run_scoped3A = tpu.sem_alloc : memref<!tpu.dma_semaphore, #tpu.memory_space<semaphore_mem>>
      %dma_start3A_11 = arith.constant 0 : i32
      %dma_start3A_12 = tpu.memref_slice %arg4[%add3A, %dma_start3A_11] : memref<32x128xi32, #tpu.memory_space<hbm>> -> memref<1x128xi32, #tpu.memory_space<hbm>>
      %dma_start3A_13 = tpu.memref_squeeze %dma_start3A_12 : memref<1x128xi32, #tpu.memory_space<hbm>> -> memref<128xi32, #tpu.memory_space<hbm>>
      %dma_start3A_14 = arith.constant 0 : i32
      %dma_start3A_15 = tpu.memref_slice %arg4[%add3A, %dma_start3A_14] : memref<32x128xi32, #tpu.memory_space<hbm>> -> memref<1x128xi32, #tpu.memory_space<hbm>>
      %dma_start3A_16 = tpu.memref_squeeze %dma_start3A_15 : memref<1x128xi32, #tpu.memory_space<hbm>> -> memref<128xi32, #tpu.memory_space<hbm>>
      tpu.enqueue_dma source(%dma_start3A_16 : memref<128xi32, #tpu.memory_space<hbm>>) target(%arg7 : memref<128xi32, #tpu.memory_space<vmem>>) target_semaphore(%run_scoped3A : memref<!tpu.dma_semaphore, #tpu.memory_space<semaphore_mem>>)
      %dma_wait3A_17 = arith.constant 0 : i32
      %dma_wait3A_18 = tpu.memref_slice %arg4[%add3A, %dma_wait3A_17] : memref<32x128xi32, #tpu.memory_space<hbm>> -> memref<1x128xi32, #tpu.memory_space<hbm>>
      %dma_wait3A_19 = tpu.memref_squeeze %dma_wait3A_18 : memref<1x128xi32, #tpu.memory_space<hbm>> -> memref<128xi32, #tpu.memory_space<hbm>>
      %dma_wait3A_20 = arith.constant 0 : i32
      %dma_wait3A_21 = tpu.memref_slice %arg4[%add3A, %dma_wait3A_20] : memref<32x128xi32, #tpu.memory_space<hbm>> -> memref<1x128xi32, #tpu.memory_space<hbm>>
      %dma_wait3A_22 = tpu.memref_squeeze %dma_wait3A_21 : memref<1x128xi32, #tpu.memory_space<hbm>> -> memref<128xi32, #tpu.memory_space<hbm>>
      tpu.wait_dma2 semaphore(%run_scoped3A : memref<!tpu.dma_semaphore, #tpu.memory_space<semaphore_mem>>) src(%dma_wait3A_22 : memref<128xi32, #tpu.memory_space<hbm>>) dst(%arg7 : memref<128xi32, #tpu.memory_space<vmem>>)
      tpu.yield
    }) : () -> ()
    %dma_start3A = arith.constant 0 : i32
    %dma_start3A_1 = arith.constant 0 : i32
    %dma_start3A_2 = tpu.memref_slice %arg2[%dma_start3A, %dma_start3A_1] : memref<4096x384xf32, #tpu.memory_space<hbm>> -> memref<4096x384xf32, #tpu.memory_space<hbm>>
    tpu.enqueue_indirect_dma source(%dma_start3A_2 : memref<4096x384xf32, #tpu.memory_space<hbm>>) target(%arg8 : memref<128x384xf32, #tpu.memory_space<vmem>>) offsets(%arg6 : memref<128xi32, #tpu.memory_space<vmem>>) semaphore(%arg9 : memref<!tpu.dma_semaphore, #tpu.memory_space<semaphore_mem>>)
    %dma_wait3A = arith.constant 0 : i32
    %dma_wait3A_3 = arith.constant 0 : i32
    %dma_wait3A_4 = tpu.memref_slice %arg2[%dma_wait3A, %dma_wait3A_3] : memref<4096x384xf32, #tpu.memory_space<hbm>> -> memref<4096x384xf32, #tpu.memory_space<hbm>>
    tpu.wait_indirect_dma semaphore(%arg9 : memref<!tpu.dma_semaphore, #tpu.memory_space<semaphore_mem>>) src(%dma_wait3A_4 : memref<4096x384xf32, #tpu.memory_space<hbm>>) dst(%arg8 : memref<128x384xf32, #tpu.memory_space<vmem>>)
    %dma_start3A_5 = arith.constant 0 : i32
    %dma_start3A_6 = arith.constant 0 : i32
    %dma_start3A_7 = tpu.memref_slice %arg5[%dma_start3A_5, %dma_start3A_6] : memref<4096x384xf32, #tpu.memory_space<hbm>> -> memref<4096x384xf32, #tpu.memory_space<hbm>>
    tpu.enqueue_indirect_dma source(%arg8 : memref<128x384xf32, #tpu.memory_space<vmem>>) target(%dma_start3A_7 : memref<4096x384xf32, #tpu.memory_space<hbm>>) offsets(%arg7 : memref<128xi32, #tpu.memory_space<vmem>>) semaphore(%arg10 : memref<!tpu.dma_semaphore, #tpu.memory_space<semaphore_mem>>)
    %dma_wait3A_8 = arith.constant 0 : i32
    %dma_wait3A_9 = arith.constant 0 : i32
    %dma_wait3A_10 = tpu.memref_slice %arg5[%dma_wait3A_8, %dma_wait3A_9] : memref<4096x384xf32, #tpu.memory_space<hbm>> -> memref<4096x384xf32, #tpu.memory_space<hbm>>
    tpu.wait_indirect_dma semaphore(%arg10 : memref<!tpu.dma_semaphore, #tpu.memory_space<semaphore_mem>>) src(%arg8 : memref<128x384xf32, #tpu.memory_space<vmem>>) dst(%dma_wait3A_10 : memref<4096x384xf32, #tpu.memory_space<hbm>>)
    return
  }
}

#map = affine_map<(d0, d1) -> (0, 0)>
module attributes {stable_mosaic.version = 14 : i64} {
  func.func @_sc_scatter_body(%arg0: i32, %arg1: i32, %arg2: memref<4096x384xf32, #tpu.memory_space<hbm>>, %arg3: memref<32x128xi32, #tpu.memory_space<hbm>>, %arg4: memref<4096x384xf32, #tpu.memory_space<hbm>>, %arg5: memref<128xi32, #tpu.memory_space<vmem>>, %arg6: memref<128x384xf32, #tpu.memory_space<vmem>>, %arg7: memref<!tpu.dma_semaphore, #tpu.memory_space<semaphore_mem>>) attributes {dimension_semantics = [#tpu.dimension_semantics<core_parallel>, #tpu.dimension_semantics<subcore_parallel>], iteration_bounds = array<i64: 2, 16>, scalar_prefetch = 0 : i64, scratch_operands = 3 : i64, tpu.core_type = #tpu.core_type<sc_vector_subcore>, window_params = [{transform_indices = #map}, {transform_indices = #map}, {transform_indices = #map}]} {
    %mul3A = arith.constant 2 : i32
    %mul3A_0 = arith.muli %arg1, %mul3A : i32
    %add3A = arith.addi %mul3A_0, %arg0 : i32
    %mul3A_1 = arith.constant 128 : i32
    %mul3A_2 = arith.muli %add3A, %mul3A_1 : i32
    "tpu.region"() ({
      %run_scoped3A = tpu.sem_alloc : memref<!tpu.dma_semaphore, #tpu.memory_space<semaphore_mem>>
      %dma_start3A_7 = arith.constant 0 : i32
      %dma_start3A_8 = tpu.memref_slice %arg3[%add3A, %dma_start3A_7] : memref<32x128xi32, #tpu.memory_space<hbm>> -> memref<1x128xi32, #tpu.memory_space<hbm>>
      %dma_start3A_9 = tpu.memref_squeeze %dma_start3A_8 : memref<1x128xi32, #tpu.memory_space<hbm>> -> memref<128xi32, #tpu.memory_space<hbm>>
      %dma_start3A_10 = arith.constant 0 : i32
      %dma_start3A_11 = tpu.memref_slice %arg3[%add3A, %dma_start3A_10] : memref<32x128xi32, #tpu.memory_space<hbm>> -> memref<1x128xi32, #tpu.memory_space<hbm>>
      %dma_start3A_12 = tpu.memref_squeeze %dma_start3A_11 : memref<1x128xi32, #tpu.memory_space<hbm>> -> memref<128xi32, #tpu.memory_space<hbm>>
      tpu.enqueue_dma source(%dma_start3A_12 : memref<128xi32, #tpu.memory_space<hbm>>) target(%arg5 : memref<128xi32, #tpu.memory_space<vmem>>) target_semaphore(%run_scoped3A : memref<!tpu.dma_semaphore, #tpu.memory_space<semaphore_mem>>)
      %dma_wait3A_13 = arith.constant 0 : i32
      %dma_wait3A_14 = tpu.memref_slice %arg3[%add3A, %dma_wait3A_13] : memref<32x128xi32, #tpu.memory_space<hbm>> -> memref<1x128xi32, #tpu.memory_space<hbm>>
      %dma_wait3A_15 = tpu.memref_squeeze %dma_wait3A_14 : memref<1x128xi32, #tpu.memory_space<hbm>> -> memref<128xi32, #tpu.memory_space<hbm>>
      %dma_wait3A_16 = arith.constant 0 : i32
      %dma_wait3A_17 = tpu.memref_slice %arg3[%add3A, %dma_wait3A_16] : memref<32x128xi32, #tpu.memory_space<hbm>> -> memref<1x128xi32, #tpu.memory_space<hbm>>
      %dma_wait3A_18 = tpu.memref_squeeze %dma_wait3A_17 : memref<1x128xi32, #tpu.memory_space<hbm>> -> memref<128xi32, #tpu.memory_space<hbm>>
      tpu.wait_dma2 semaphore(%run_scoped3A : memref<!tpu.dma_semaphore, #tpu.memory_space<semaphore_mem>>) src(%dma_wait3A_18 : memref<128xi32, #tpu.memory_space<hbm>>) dst(%arg5 : memref<128xi32, #tpu.memory_space<vmem>>)
      tpu.yield
    }) : () -> ()
    "tpu.region"() ({
      %run_scoped3A = tpu.sem_alloc : memref<!tpu.dma_semaphore, #tpu.memory_space<semaphore_mem>>
      %dma_start3A_7 = arith.constant 0 : i32
      %dma_start3A_8 = tpu.memref_slice %arg2[%mul3A_2, %dma_start3A_7] : memref<4096x384xf32, #tpu.memory_space<hbm>> -> memref<128x384xf32, #tpu.memory_space<hbm>>
      %dma_start3A_9 = arith.constant 0 : i32
      %dma_start3A_10 = tpu.memref_slice %arg2[%mul3A_2, %dma_start3A_9] : memref<4096x384xf32, #tpu.memory_space<hbm>> -> memref<128x384xf32, #tpu.memory_space<hbm>>
      tpu.enqueue_dma source(%dma_start3A_10 : memref<128x384xf32, #tpu.memory_space<hbm>>) target(%arg6 : memref<128x384xf32, #tpu.memory_space<vmem>>) target_semaphore(%run_scoped3A : memref<!tpu.dma_semaphore, #tpu.memory_space<semaphore_mem>>)
      %dma_wait3A_11 = arith.constant 0 : i32
      %dma_wait3A_12 = tpu.memref_slice %arg2[%mul3A_2, %dma_wait3A_11] : memref<4096x384xf32, #tpu.memory_space<hbm>> -> memref<128x384xf32, #tpu.memory_space<hbm>>
      %dma_wait3A_13 = arith.constant 0 : i32
      %dma_wait3A_14 = tpu.memref_slice %arg2[%mul3A_2, %dma_wait3A_13] : memref<4096x384xf32, #tpu.memory_space<hbm>> -> memref<128x384xf32, #tpu.memory_space<hbm>>
      tpu.wait_dma2 semaphore(%run_scoped3A : memref<!tpu.dma_semaphore, #tpu.memory_space<semaphore_mem>>) src(%dma_wait3A_14 : memref<128x384xf32, #tpu.memory_space<hbm>>) dst(%arg6 : memref<128x384xf32, #tpu.memory_space<vmem>>)
      tpu.yield
    }) : () -> ()
    %dma_start3A = arith.constant 0 : i32
    %dma_start3A_3 = arith.constant 0 : i32
    %dma_start3A_4 = tpu.memref_slice %arg4[%dma_start3A, %dma_start3A_3] : memref<4096x384xf32, #tpu.memory_space<hbm>> -> memref<4096x384xf32, #tpu.memory_space<hbm>>
    tpu.enqueue_indirect_dma source(%arg6 : memref<128x384xf32, #tpu.memory_space<vmem>>) target(%dma_start3A_4 : memref<4096x384xf32, #tpu.memory_space<hbm>>) offsets(%arg5 : memref<128xi32, #tpu.memory_space<vmem>>) semaphore(%arg7 : memref<!tpu.dma_semaphore, #tpu.memory_space<semaphore_mem>>)
    %dma_wait3A = arith.constant 0 : i32
    %dma_wait3A_5 = arith.constant 0 : i32
    %dma_wait3A_6 = tpu.memref_slice %arg4[%dma_wait3A, %dma_wait3A_5] : memref<4096x384xf32, #tpu.memory_space<hbm>> -> memref<4096x384xf32, #tpu.memory_space<hbm>>
    tpu.wait_indirect_dma semaphore(%arg7 : memref<!tpu.dma_semaphore, #tpu.memory_space<semaphore_mem>>) src(%arg6 : memref<128x384xf32, #tpu.memory_space<vmem>>) dst(%dma_wait3A_6 : memref<4096x384xf32, #tpu.memory_space<hbm>>)
    return
  }
}

#map = affine_map<(d0, d1) -> (0, 0)>
module attributes {stable_mosaic.version = 14 : i64} {
  func.func @_sc_gather_body(%arg0: i32, %arg1: i32, %arg2: memref<4096x384xf32, #tpu.memory_space<hbm>>, %arg3: memref<32x128xi32, #tpu.memory_space<hbm>>, %arg4: memref<4096x384xf32, #tpu.memory_space<hbm>>, %arg5: memref<128xi32, #tpu.memory_space<vmem>>, %arg6: memref<128x384xf32, #tpu.memory_space<vmem>>, %arg7: memref<!tpu.dma_semaphore, #tpu.memory_space<semaphore_mem>>) attributes {dimension_semantics = [#tpu.dimension_semantics<core_parallel>, #tpu.dimension_semantics<subcore_parallel>], iteration_bounds = array<i64: 2, 16>, scalar_prefetch = 0 : i64, scratch_operands = 3 : i64, tpu.core_type = #tpu.core_type<sc_vector_subcore>, window_params = [{transform_indices = #map}, {transform_indices = #map}, {transform_indices = #map}]} {
    %mul3A = arith.constant 2 : i32
    %mul3A_0 = arith.muli %arg1, %mul3A : i32
    %add3A = arith.addi %mul3A_0, %arg0 : i32
    %mul3A_1 = arith.constant 128 : i32
    %mul3A_2 = arith.muli %add3A, %mul3A_1 : i32
    "tpu.region"() ({
      %run_scoped3A = tpu.sem_alloc : memref<!tpu.dma_semaphore, #tpu.memory_space<semaphore_mem>>
      %dma_start3A_7 = arith.constant 0 : i32
      %dma_start3A_8 = tpu.memref_slice %arg3[%add3A, %dma_start3A_7] : memref<32x128xi32, #tpu.memory_space<hbm>> -> memref<1x128xi32, #tpu.memory_space<hbm>>
      %dma_start3A_9 = tpu.memref_squeeze %dma_start3A_8 : memref<1x128xi32, #tpu.memory_space<hbm>> -> memref<128xi32, #tpu.memory_space<hbm>>
      %dma_start3A_10 = arith.constant 0 : i32
      %dma_start3A_11 = tpu.memref_slice %arg3[%add3A, %dma_start3A_10] : memref<32x128xi32, #tpu.memory_space<hbm>> -> memref<1x128xi32, #tpu.memory_space<hbm>>
      %dma_start3A_12 = tpu.memref_squeeze %dma_start3A_11 : memref<1x128xi32, #tpu.memory_space<hbm>> -> memref<128xi32, #tpu.memory_space<hbm>>
      tpu.enqueue_dma source(%dma_start3A_12 : memref<128xi32, #tpu.memory_space<hbm>>) target(%arg5 : memref<128xi32, #tpu.memory_space<vmem>>) target_semaphore(%run_scoped3A : memref<!tpu.dma_semaphore, #tpu.memory_space<semaphore_mem>>)
      %dma_wait3A_13 = arith.constant 0 : i32
      %dma_wait3A_14 = tpu.memref_slice %arg3[%add3A, %dma_wait3A_13] : memref<32x128xi32, #tpu.memory_space<hbm>> -> memref<1x128xi32, #tpu.memory_space<hbm>>
      %dma_wait3A_15 = tpu.memref_squeeze %dma_wait3A_14 : memref<1x128xi32, #tpu.memory_space<hbm>> -> memref<128xi32, #tpu.memory_space<hbm>>
      %dma_wait3A_16 = arith.constant 0 : i32
      %dma_wait3A_17 = tpu.memref_slice %arg3[%add3A, %dma_wait3A_16] : memref<32x128xi32, #tpu.memory_space<hbm>> -> memref<1x128xi32, #tpu.memory_space<hbm>>
      %dma_wait3A_18 = tpu.memref_squeeze %dma_wait3A_17 : memref<1x128xi32, #tpu.memory_space<hbm>> -> memref<128xi32, #tpu.memory_space<hbm>>
      tpu.wait_dma2 semaphore(%run_scoped3A : memref<!tpu.dma_semaphore, #tpu.memory_space<semaphore_mem>>) src(%dma_wait3A_18 : memref<128xi32, #tpu.memory_space<hbm>>) dst(%arg5 : memref<128xi32, #tpu.memory_space<vmem>>)
      tpu.yield
    }) : () -> ()
    %dma_start3A = arith.constant 0 : i32
    %dma_start3A_3 = arith.constant 0 : i32
    %dma_start3A_4 = tpu.memref_slice %arg2[%dma_start3A, %dma_start3A_3] : memref<4096x384xf32, #tpu.memory_space<hbm>> -> memref<4096x384xf32, #tpu.memory_space<hbm>>
    tpu.enqueue_indirect_dma source(%dma_start3A_4 : memref<4096x384xf32, #tpu.memory_space<hbm>>) target(%arg6 : memref<128x384xf32, #tpu.memory_space<vmem>>) offsets(%arg5 : memref<128xi32, #tpu.memory_space<vmem>>) semaphore(%arg7 : memref<!tpu.dma_semaphore, #tpu.memory_space<semaphore_mem>>)
    %dma_wait3A = arith.constant 0 : i32
    %dma_wait3A_5 = arith.constant 0 : i32
    %dma_wait3A_6 = tpu.memref_slice %arg2[%dma_wait3A, %dma_wait3A_5] : memref<4096x384xf32, #tpu.memory_space<hbm>> -> memref<4096x384xf32, #tpu.memory_space<hbm>>
    tpu.wait_indirect_dma semaphore(%arg7 : memref<!tpu.dma_semaphore, #tpu.memory_space<semaphore_mem>>) src(%dma_wait3A_6 : memref<4096x384xf32, #tpu.memory_space<hbm>>) dst(%arg6 : memref<128x384xf32, #tpu.memory_space<vmem>>)
    "tpu.region"() ({
      %run_scoped3A = tpu.sem_alloc : memref<!tpu.dma_semaphore, #tpu.memory_space<semaphore_mem>>
      %dma_start3A_7 = arith.constant 0 : i32
      %dma_start3A_8 = tpu.memref_slice %arg4[%mul3A_2, %dma_start3A_7] : memref<4096x384xf32, #tpu.memory_space<hbm>> -> memref<128x384xf32, #tpu.memory_space<hbm>>
      %dma_start3A_9 = arith.constant 0 : i32
      %dma_start3A_10 = tpu.memref_slice %arg4[%mul3A_2, %dma_start3A_9] : memref<4096x384xf32, #tpu.memory_space<hbm>> -> memref<128x384xf32, #tpu.memory_space<hbm>>
      tpu.enqueue_dma source(%arg6 : memref<128x384xf32, #tpu.memory_space<vmem>>) target(%dma_start3A_10 : memref<128x384xf32, #tpu.memory_space<hbm>>) target_semaphore(%run_scoped3A : memref<!tpu.dma_semaphore, #tpu.memory_space<semaphore_mem>>)
      %dma_wait3A_11 = arith.constant 0 : i32
      %dma_wait3A_12 = tpu.memref_slice %arg4[%mul3A_2, %dma_wait3A_11] : memref<4096x384xf32, #tpu.memory_space<hbm>> -> memref<128x384xf32, #tpu.memory_space<hbm>>
      %dma_wait3A_13 = arith.constant 0 : i32
      %dma_wait3A_14 = tpu.memref_slice %arg4[%mul3A_2, %dma_wait3A_13] : memref<4096x384xf32, #tpu.memory_space<hbm>> -> memref<128x384xf32, #tpu.memory_space<hbm>>
      tpu.wait_dma2 semaphore(%run_scoped3A : memref<!tpu.dma_semaphore, #tpu.memory_space<semaphore_mem>>) src(%arg6 : memref<128x384xf32, #tpu.memory_space<vmem>>) dst(%dma_wait3A_14 : memref<128x384xf32, #tpu.memory_space<hbm>>)
      tpu.yield
    }) : () -> ()
    return
  }
}

module attributes {stable_mosaic.version = 14 : i64} {
  func.func @_rank_body(%arg0: i32, %arg1: memref<1x1x2048xf32, #tpu.memory_space<vmem>>, %arg2: memref<1024x384xf32, #tpu.memory_space<vmem>>, %arg3: memref<1x1x2048xi32, #tpu.memory_space<vmem>>, %arg4: memref<8x384xf32, #tpu.memory_space<vmem>>) attributes {dimension_semantics = [#tpu.dimension_semantics<arbitrary>], iteration_bounds = array<i64: 4>, scalar_prefetch = 0 : i64, scratch_operands = 0 : i64, tpu.core_type = #tpu.core_type<tc>, window_params = [{transform_indices = @transform_0, window_bounds = array<i64: 1, 1, 2048>}, {transform_indices = @transform_1, window_bounds = array<i64: 1024, 384>}, {transform_indices = @transform_2, window_bounds = array<i64: 1, 1, 2048>}, {pipeline_mode = #tpu.pipeline_mode<synchronous>, transform_indices = @transform_3, window_bounds = array<i64: 8, 384>}]} {
    %get3A = arith.constant 0 : index
    %get3A_0 = arith.constant 0 : index
    %get3A_1 = vector.load %arg2[%get3A, %get3A_0] : memref<1024x384xf32, #tpu.memory_space<vmem>>, vector<1024x384xf32>
    %reduce_sum3A = arith.constant dense<0.000000e+00> : vector<384xf32>
    %reduce_sum3A_2 = vector.multi_reduction <add>, %get3A_1, %reduce_sum3A [0] : vector<1024x384xf32> to vector<384xf32>
    %broadcast_in_dim3A = vector.shape_cast %reduce_sum3A_2 : vector<384xf32> to vector<1x384xf32>
    %mul3A = arith.mulf %get3A_1, %get3A_1 : vector<1024x384xf32>
    %reduce_sum3A_3 = arith.constant dense<0.000000e+00> : vector<384xf32>
    %reduce_sum3A_4 = vector.multi_reduction <add>, %mul3A, %reduce_sum3A_3 [0] : vector<1024x384xf32> to vector<384xf32>
    %broadcast_in_dim3A_5 = vector.shape_cast %reduce_sum3A_4 : vector<384xf32> to vector<1x384xf32>
    %broadcast_in_dim3A_6 = arith.constant 0.000000e+00 : f32
    %broadcast_in_dim3A_7 = vector.broadcast %broadcast_in_dim3A_6 : f32 to vector<6x384xf32>
    %concatenate3A = tpu.concatenate %broadcast_in_dim3A, %broadcast_in_dim3A_5, %broadcast_in_dim3A_7 in 0 : vector<1x384xf32>, vector<1x384xf32>, vector<6x384xf32> -> vector<8x384xf32>
    %eq3A = arith.constant 0 : i32
    %eq3A_8 = arith.cmpi eq, %arg0, %eq3A : i32
    %convert_element_type3A = arith.extui %eq3A_8 : i1 to i32
    %cond3A = arith.constant 0 : i32
    %cond3A_9 = arith.cmpi ne, %convert_element_type3A, %cond3A : i32
    scf.if %cond3A_9 {
      %swap3A_751 = arith.constant 0 : index
      %swap3A_752 = arith.constant 0 : index
      %swap3A_753 = vector.load %arg4[%swap3A_751, %swap3A_752] : memref<8x384xf32, #tpu.memory_space<vmem>>, vector<8x384xf32>
      tpu.vector_store %arg4[%swap3A_751, %swap3A_752], %concatenate3A {strides = array<i32>} : memref<8x384xf32, #tpu.memory_space<vmem>>, vector<8x384xf32>,
    } else {
    }
    %gt3A = arith.constant 0 : i32
    %gt3A_10 = arith.cmpi sgt, %arg0, %gt3A : i32
    %convert_element_type3A_11 = arith.extui %gt3A_10 : i1 to i32
    %cond3A_12 = arith.constant 0 : i32
    %cond3A_13 = arith.cmpi ne, %convert_element_type3A_11, %cond3A_12 : i32
    scf.if %cond3A_13 {
      %get3A_751 = arith.constant 0 : index
      %get3A_752 = arith.constant 0 : index
      %get3A_753 = vector.load %arg4[%get3A_751, %get3A_752] : memref<8x384xf32, #tpu.memory_space<vmem>>, vector<8x384xf32>
      %add3A_754 = arith.addf %get3A_753, %concatenate3A : vector<8x384xf32>
      %swap3A_755 = arith.constant 0 : index
      %swap3A_756 = arith.constant 0 : index
      %swap3A_757 = vector.load %arg4[%swap3A_755, %swap3A_756] : memref<8x384xf32, #tpu.memory_space<vmem>>, vector<8x384xf32>
      tpu.vector_store %arg4[%swap3A_755, %swap3A_756], %add3A_754 {strides = array<i32>} : memref<8x384xf32, #tpu.memory_space<vmem>>, vector<8x384xf32>,
    } else {
    }
    %get3A_14 = arith.constant 0 : index
    %get3A_15 = arith.constant 0 : index
    %get3A_16 = arith.constant 0 : index
    %get3A_17 = vector.load %arg1[%get3A_14, %get3A_15, %get3A_16] : memref<1x1x2048xf32, #tpu.memory_space<vmem>>, vector<1x1x2048xf32>
    %get3A_18 = vector.shape_cast %get3A_17 : vector<1x1x2048xf32> to vector<1x2048xf32>
    %slice3A = vector.extract_strided_slice %get3A_18 {offsets = [0, 0], sizes = [1, 256], strides = [1, 1]} : vector<1x2048xf32> to vector<1x256xf32>
    %slice3A_19 = vector.extract_strided_slice %get3A_18 {offsets = [0, 256], sizes = [1, 256], strides = [1, 1]} : vector<1x2048xf32> to vector<1x256xf32>
    %slice3A_20 = vector.extract_strided_slice %get3A_18 {offsets = [0, 512], sizes = [1, 256], strides = [1, 1]} : vector<1x2048xf32> to vector<1x256xf32>
    %slice3A_21 = vector.extract_strided_slice %get3A_18 {offsets = [0, 768], sizes = [1, 256], strides = [1, 1]} : vector<1x2048xf32> to vector<1x256xf32>
    %slice3A_22 = vector.extract_strided_slice %get3A_18 {offsets = [0, 1024], sizes = [1, 256], strides = [1, 1]} : vector<1x2048xf32> to vector<1x256xf32>
    %slice3A_23 = vector.extract_strided_slice %get3A_18 {offsets = [0, 1280], sizes = [1, 256], strides = [1, 1]} : vector<1x2048xf32> to vector<1x256xf32>
    %slice3A_24 = vector.extract_strided_slice %get3A_18 {offsets = [0, 1536], sizes = [1, 256], strides = [1, 1]} : vector<1x2048xf32> to vector<1x256xf32>
    %slice3A_25 = vector.extract_strided_slice %get3A_18 {offsets = [0, 1792], sizes = [1, 256], strides = [1, 1]} : vector<1x2048xf32> to vector<1x256xf32>
    %concatenate3A_26 = tpu.concatenate %slice3A, %slice3A_19, %slice3A_20, %slice3A_21, %slice3A_22, %slice3A_23, %slice3A_24, %slice3A_25 in 0 : vector<1x256xf32>, vector<1x256xf32>, vector<1x256xf32>, vector<1x256xf32>, vector<1x256xf32>, vector<1x256xf32>, vector<1x256xf32>, vector<1x256xf32> -> vector<8x256xf32>
    %transpose3A = tpu.transpose %concatenate3A_26, [1, 0] : vector<8x256xf32> -> vector<256x8xf32>
    %iota3A = tpu.iota {dimensions = array<i32: 0>} : vector<256x256xi32>
    %iota3A_27 = tpu.iota {dimensions = array<i32: 1>} : vector<256x256xi32>
    %lt3A = arith.cmpi slt, %iota3A, %iota3A_27 : vector<256x256xi32>
    %slice3A_28 = vector.extract_strided_slice %get3A_18 {offsets = [0, 0], sizes = [1, 256], strides = [1, 1]} : vector<1x2048xf32> to vector<1x256xf32>
    %broadcast_in_dim3A_29 = arith.constant 0.000000e+00 : f32
    %broadcast_in_dim3A_30 = vector.broadcast %broadcast_in_dim3A_29 : f32 to vector<1x256xf32>
    %slice3A_31 = vector.extract_strided_slice %transpose3A {offsets = [0, 0], sizes = [256, 1], strides = [1, 1]} : vector<256x8xf32> to vector<256x1xf32>
    %lt3A_32 = vector.broadcast %slice3A_31 : vector<256x1xf32> to vector<256x256xf32>
    %lt3A_33 = vector.broadcast %slice3A_28 : vector<1x256xf32> to vector<256x256xf32>
    %lt3A_34 = arith.cmpf olt, %lt3A_32, %lt3A_33 : vector<256x256xf32>
    %eq3A_35 = vector.broadcast %slice3A_31 : vector<256x1xf32> to vector<256x256xf32>
    %eq3A_36 = vector.broadcast %slice3A_28 : vector<1x256xf32> to vector<256x256xf32>
    %eq3A_37 = arith.cmpf oeq, %eq3A_35, %eq3A_36 : vector<256x256xf32>
    %and3A = arith.andi %eq3A_37, %lt3A : vector<256x256xi1>
    %or3A = arith.ori %lt3A_34, %and3A : vector<256x256xi1>
    %convert_element_type3A_38 = arith.extui %or3A : vector<256x256xi1> to vector<256x256xi32>
    %convert_element_type3A_39 = arith.sitofp %convert_element_type3A_38 : vector<256x256xi32> to vector<256x256xf32>
    %reduce_sum3A_40 = arith.constant dense<0.000000e+00> : vector<256xf32>
    %reduce_sum3A_41 = vector.multi_reduction <add>, %convert_element_type3A_39, %reduce_sum3A_40 [0] : vector<256x256xf32> to vector<256xf32>
    %broadcast_in_dim3A_42 = vector.shape_cast %reduce_sum3A_41 : vector<256xf32> to vector<1x256xf32>
    %add3A = arith.addf %broadcast_in_dim3A_30, %broadcast_in_dim3A_42 : vector<1x256xf32>
    %slice3A_43 = vector.extract_strided_slice %transpose3A {offsets = [0, 1], sizes = [256, 1], strides = [1, 1]} : vector<256x8xf32> to vector<256x1xf32>
    %lt3A_44 = vector.broadcast %slice3A_43 : vector<256x1xf32> to vector<256x256xf32>
    %lt3A_45 = vector.broadcast %slice3A_28 : vector<1x256xf32> to vector<256x256xf32>
    %lt3A_46 = arith.cmpf olt, %lt3A_44, %lt3A_45 : vector<256x256xf32>
    %convert_element_type3A_47 = arith.extui %lt3A_46 : vector<256x256xi1> to vector<256x256xi32>
    %convert_element_type3A_48 = arith.sitofp %convert_element_type3A_47 : vector<256x256xi32> to vector<256x256xf32>
    %reduce_sum3A_49 = arith.constant dense<0.000000e+00> : vector<256xf32>
    %reduce_sum3A_50 = vector.multi_reduction <add>, %convert_element_type3A_48, %reduce_sum3A_49 [0] : vector<256x256xf32> to vector<256xf32>
    %broadcast_in_dim3A_51 = vector.shape_cast %reduce_sum3A_50 : vector<256xf32> to vector<1x256xf32>
    %add3A_52 = arith.addf %add3A, %broadcast_in_dim3A_51 : vector<1x256xf32>
    %slice3A_53 = vector.extract_strided_slice %transpose3A {offsets = [0, 2], sizes = [256, 1], strides = [1, 1]} : vector<256x8xf32> to vector<256x1xf32>
    %lt3A_54 = vector.broadcast %slice3A_53 : vector<256x1xf32> to vector<256x256xf32>
    %lt3A_55 = vector.broadcast %slice3A_28 : vector<1x256xf32> to vector<256x256xf32>
    %lt3A_56 = arith.cmpf olt, %lt3A_54, %lt3A_55 : vector<256x256xf32>
    %convert_element_type3A_57 = arith.extui %lt3A_56 : vector<256x256xi1> to vector<256x256xi32>
    %convert_element_type3A_58 = arith.sitofp %convert_element_type3A_57 : vector<256x256xi32> to vector<256x256xf32>
    %reduce_sum3A_59 = arith.constant dense<0.000000e+00> : vector<256xf32>
    %reduce_sum3A_60 = vector.multi_reduction <add>, %convert_element_type3A_58, %reduce_sum3A_59 [0] : vector<256x256xf32> to vector<256xf32>
    %broadcast_in_dim3A_61 = vector.shape_cast %reduce_sum3A_60 : vector<256xf32> to vector<1x256xf32>
    %add3A_62 = arith.addf %add3A_52, %broadcast_in_dim3A_61 : vector<1x256xf32>
    %slice3A_63 = vector.extract_strided_slice %transpose3A {offsets = [0, 3], sizes = [256, 1], strides = [1, 1]} : vector<256x8xf32> to vector<256x1xf32>
    %lt3A_64 = vector.broadcast %slice3A_63 : vector<256x1xf32> to vector<256x256xf32>
    %lt3A_65 = vector.broadcast %slice3A_28 : vector<1x256xf32> to vector<256x256xf32>
    %lt3A_66 = arith.cmpf olt, %lt3A_64, %lt3A_65 : vector<256x256xf32>
    %convert_element_type3A_67 = arith.extui %lt3A_66 : vector<256x256xi1> to vector<256x256xi32>
    %convert_element_type3A_68 = arith.sitofp %convert_element_type3A_67 : vector<256x256xi32> to vector<256x256xf32>
    %reduce_sum3A_69 = arith.constant dense<0.000000e+00> : vector<256xf32>
    %reduce_sum3A_70 = vector.multi_reduction <add>, %convert_element_type3A_68, %reduce_sum3A_69 [0] : vector<256x256xf32> to vector<256xf32>
    %broadcast_in_dim3A_71 = vector.shape_cast %reduce_sum3A_70 : vector<256xf32> to vector<1x256xf32>
    %add3A_72 = arith.addf %add3A_62, %broadcast_in_dim3A_71 : vector<1x256xf32>
    %slice3A_73 = vector.extract_strided_slice %transpose3A {offsets = [0, 4], sizes = [256, 1], strides = [1, 1]} : vector<256x8xf32> to vector<256x1xf32>
    %lt3A_74 = vector.broadcast %slice3A_73 : vector<256x1xf32> to vector<256x256xf32>
    %lt3A_75 = vector.broadcast %slice3A_28 : vector<1x256xf32> to vector<256x256xf32>
    %lt3A_76 = arith.cmpf olt, %lt3A_74, %lt3A_75 : vector<256x256xf32>
    %convert_element_type3A_77 = arith.extui %lt3A_76 : vector<256x256xi1> to vector<256x256xi32>
    %convert_element_type3A_78 = arith.sitofp %convert_element_type3A_77 : vector<256x256xi32> to vector<256x256xf32>
    %reduce_sum3A_79 = arith.constant dense<0.000000e+00> : vector<256xf32>
    %reduce_sum3A_80 = vector.multi_reduction <add>, %convert_element_type3A_78, %reduce_sum3A_79 [0] : vector<256x256xf32> to vector<256xf32>
    %broadcast_in_dim3A_81 = vector.shape_cast %reduce_sum3A_80 : vector<256xf32> to vector<1x256xf32>
    %add3A_82 = arith.addf %add3A_72, %broadcast_in_dim3A_81 : vector<1x256xf32>
    %slice3A_83 = vector.extract_strided_slice %transpose3A {offsets = [0, 5], sizes = [256, 1], strides = [1, 1]} : vector<256x8xf32> to vector<256x1xf32>
    %lt3A_84 = vector.broadcast %slice3A_83 : vector<256x1xf32> to vector<256x256xf32>
    %lt3A_85 = vector.broadcast %slice3A_28 : vector<1x256xf32> to vector<256x256xf32>
    %lt3A_86 = arith.cmpf olt, %lt3A_84, %lt3A_85 : vector<256x256xf32>
    %convert_element_type3A_87 = arith.extui %lt3A_86 : vector<256x256xi1> to vector<256x256xi32>
    %convert_element_type3A_88 = arith.sitofp %convert_element_type3A_87 : vector<256x256xi32> to vector<256x256xf32>
    %reduce_sum3A_89 = arith.constant dense<0.000000e+00> : vector<256xf32>
    %reduce_sum3A_90 = vector.multi_reduction <add>, %convert_element_type3A_88, %reduce_sum3A_89 [0] : vector<256x256xf32> to vector<256xf32>
    %broadcast_in_dim3A_91 = vector.shape_cast %reduce_sum3A_90 : vector<256xf32> to vector<1x256xf32>
    %add3A_92 = arith.addf %add3A_82, %broadcast_in_dim3A_91 : vector<1x256xf32>
    %slice3A_93 = vector.extract_strided_slice %transpose3A {offsets = [0, 6], sizes = [256, 1], strides = [1, 1]} : vector<256x8xf32> to vector<256x1xf32>
    %lt3A_94 = vector.broadcast %slice3A_93 : vector<256x1xf32> to vector<256x256xf32>
    %lt3A_95 = vector.broadcast %slice3A_28 : vector<1x256xf32> to vector<256x256xf32>
    %lt3A_96 = arith.cmpf olt, %lt3A_94, %lt3A_95 : vector<256x256xf32>
    %convert_element_type3A_97 = arith.extui %lt3A_96 : vector<256x256xi1> to vector<256x256xi32>
    %convert_element_type3A_98 = arith.sitofp %convert_element_type3A_97 : vector<256x256xi32> to vector<256x256xf32>
    %reduce_sum3A_99 = arith.constant dense<0.000000e+00> : vector<256xf32>
    %reduce_sum3A_100 = vector.multi_reduction <add>, %convert_element_type3A_98, %reduce_sum3A_99 [0] : vector<256x256xf32> to vector<256xf32>
    %broadcast_in_dim3A_101 = vector.shape_cast %reduce_sum3A_100 : vector<256xf32> to vector<1x256xf32>
    %add3A_102 = arith.addf %add3A_92, %broadcast_in_dim3A_101 : vector<1x256xf32>
    %slice3A_103 = vector.extract_strided_slice %transpose3A {offsets = [0, 7], sizes = [256, 1], strides = [1, 1]} : vector<256x8xf32> to vector<256x1xf32>
    %lt3A_104 = vector.broadcast %slice3A_103 : vector<256x1xf32> to vector<256x256xf32>
    %lt3A_105 = vector.broadcast %slice3A_28 : vector<1x256xf32> to vector<256x256xf32>
    %lt3A_106 = arith.cmpf olt, %lt3A_104, %lt3A_105 : vector<256x256xf32>
    %convert_element_type3A_107 = arith.extui %lt3A_106 : vector<256x256xi1> to vector<256x256xi32>
    %convert_element_type3A_108 = arith.sitofp %convert_element_type3A_107 : vector<256x256xi32> to vector<256x256xf32>
    %reduce_sum3A_109 = arith.constant dense<0.000000e+00> : vector<256xf32>
    %reduce_sum3A_110 = vector.multi_reduction <add>, %convert_element_type3A_108, %reduce_sum3A_109 [0] : vector<256x256xf32> to vector<256xf32>
    %broadcast_in_dim3A_111 = vector.shape_cast %reduce_sum3A_110 : vector<256xf32> to vector<1x256xf32>
    %add3A_112 = arith.addf %add3A_102, %broadcast_in_dim3A_111 : vector<1x256xf32>
    %slice3A_113 = vector.extract_strided_slice %get3A_18 {offsets = [0, 256], sizes = [1, 256], strides = [1, 1]} : vector<1x2048xf32> to vector<1x256xf32>
    %broadcast_in_dim3A_114 = arith.constant 0.000000e+00 : f32
    %broadcast_in_dim3A_115 = vector.broadcast %broadcast_in_dim3A_114 : f32 to vector<1x256xf32>
    %slice3A_116 = vector.extract_strided_slice %transpose3A {offsets = [0, 0], sizes = [256, 1], strides = [1, 1]} : vector<256x8xf32> to vector<256x1xf32>
    %le3A = vector.broadcast %slice3A_116 : vector<256x1xf32> to vector<256x256xf32>
    %le3A_117 = vector.broadcast %slice3A_113 : vector<1x256xf32> to vector<256x256xf32>
    %le3A_118 = arith.cmpf ole, %le3A, %le3A_117 : vector<256x256xf32>
    %convert_element_type3A_119 = arith.extui %le3A_118 : vector<256x256xi1> to vector<256x256xi32>
    %convert_element_type3A_120 = arith.sitofp %convert_element_type3A_119 : vector<256x256xi32> to vector<256x256xf32>
    %reduce_sum3A_121 = arith.constant dense<0.000000e+00> : vector<256xf32>
    %reduce_sum3A_122 = vector.multi_reduction <add>, %convert_element_type3A_120, %reduce_sum3A_121 [0] : vector<256x256xf32> to vector<256xf32>
    %broadcast_in_dim3A_123 = vector.shape_cast %reduce_sum3A_122 : vector<256xf32> to vector<1x256xf32>
    %add3A_124 = arith.addf %broadcast_in_dim3A_115, %broadcast_in_dim3A_123 : vector<1x256xf32>
    %slice3A_125 = vector.extract_strided_slice %transpose3A {offsets = [0, 1], sizes = [256, 1], strides = [1, 1]} : vector<256x8xf32> to vector<256x1xf32>
    %lt3A_126 = vector.broadcast %slice3A_125 : vector<256x1xf32> to vector<256x256xf32>
    %lt3A_127 = vector.broadcast %slice3A_113 : vector<1x256xf32> to vector<256x256xf32>
    %lt3A_128 = arith.cmpf olt, %lt3A_126, %lt3A_127 : vector<256x256xf32>
    %eq3A_129 = vector.broadcast %slice3A_125 : vector<256x1xf32> to vector<256x256xf32>
    %eq3A_130 = vector.broadcast %slice3A_113 : vector<1x256xf32> to vector<256x256xf32>
    %eq3A_131 = arith.cmpf oeq, %eq3A_129, %eq3A_130 : vector<256x256xf32>
    %and3A_132 = arith.andi %eq3A_131, %lt3A : vector<256x256xi1>
    %or3A_133 = arith.ori %lt3A_128, %and3A_132 : vector<256x256xi1>
    %convert_element_type3A_134 = arith.extui %or3A_133 : vector<256x256xi1> to vector<256x256xi32>
    %convert_element_type3A_135 = arith.sitofp %convert_element_type3A_134 : vector<256x256xi32> to vector<256x256xf32>
    %reduce_sum3A_136 = arith.constant dense<0.000000e+00> : vector<256xf32>
    %reduce_sum3A_137 = vector.multi_reduction <add>, %convert_element_type3A_135, %reduce_sum3A_136 [0] : vector<256x256xf32> to vector<256xf32>
    %broadcast_in_dim3A_138 = vector.shape_cast %reduce_sum3A_137 : vector<256xf32> to vector<1x256xf32>
    %add3A_139 = arith.addf %add3A_124, %broadcast_in_dim3A_138 : vector<1x256xf32>
    %slice3A_140 = vector.extract_strided_slice %transpose3A {offsets = [0, 2], sizes = [256, 1], strides = [1, 1]} : vector<256x8xf32> to vector<256x1xf32>
    %lt3A_141 = vector.broadcast %slice3A_140 : vector<256x1xf32> to vector<256x256xf32>
    %lt3A_142 = vector.broadcast %slice3A_113 : vector<1x256xf32> to vector<256x256xf32>
    %lt3A_143 = arith.cmpf olt, %lt3A_141, %lt3A_142 : vector<256x256xf32>
    %convert_element_type3A_144 = arith.extui %lt3A_143 : vector<256x256xi1> to vector<256x256xi32>
    %convert_element_type3A_145 = arith.sitofp %convert_element_type3A_144 : vector<256x256xi32> to vector<256x256xf32>
    %reduce_sum3A_146 = arith.constant dense<0.000000e+00> : vector<256xf32>
    %reduce_sum3A_147 = vector.multi_reduction <add>, %convert_element_type3A_145, %reduce_sum3A_146 [0] : vector<256x256xf32> to vector<256xf32>
    %broadcast_in_dim3A_148 = vector.shape_cast %reduce_sum3A_147 : vector<256xf32> to vector<1x256xf32>
    %add3A_149 = arith.addf %add3A_139, %broadcast_in_dim3A_148 : vector<1x256xf32>
    %slice3A_150 = vector.extract_strided_slice %transpose3A {offsets = [0, 3], sizes = [256, 1], strides = [1, 1]} : vector<256x8xf32> to vector<256x1xf32>
    %lt3A_151 = vector.broadcast %slice3A_150 : vector<256x1xf32> to vector<256x256xf32>
    %lt3A_152 = vector.broadcast %slice3A_113 : vector<1x256xf32> to vector<256x256xf32>
    %lt3A_153 = arith.cmpf olt, %lt3A_151, %lt3A_152 : vector<256x256xf32>
    %convert_element_type3A_154 = arith.extui %lt3A_153 : vector<256x256xi1> to vector<256x256xi32>
    %convert_element_type3A_155 = arith.sitofp %convert_element_type3A_154 : vector<256x256xi32> to vector<256x256xf32>
    %reduce_sum3A_156 = arith.constant dense<0.000000e+00> : vector<256xf32>
    %reduce_sum3A_157 = vector.multi_reduction <add>, %convert_element_type3A_155, %reduce_sum3A_156 [0] : vector<256x256xf32> to vector<256xf32>
    %broadcast_in_dim3A_158 = vector.shape_cast %reduce_sum3A_157 : vector<256xf32> to vector<1x256xf32>
    %add3A_159 = arith.addf %add3A_149, %broadcast_in_dim3A_158 : vector<1x256xf32>
    %slice3A_160 = vector.extract_strided_slice %transpose3A {offsets = [0, 4], sizes = [256, 1], strides = [1, 1]} : vector<256x8xf32> to vector<256x1xf32>
    %lt3A_161 = vector.broadcast %slice3A_160 : vector<256x1xf32> to vector<256x256xf32>
    %lt3A_162 = vector.broadcast %slice3A_113 : vector<1x256xf32> to vector<256x256xf32>
    %lt3A_163 = arith.cmpf olt, %lt3A_161, %lt3A_162 : vector<256x256xf32>
    %convert_element_type3A_164 = arith.extui %lt3A_163 : vector<256x256xi1> to vector<256x256xi32>
    %convert_element_type3A_165 = arith.sitofp %convert_element_type3A_164 : vector<256x256xi32> to vector<256x256xf32>
    %reduce_sum3A_166 = arith.constant dense<0.000000e+00> : vector<256xf32>
    %reduce_sum3A_167 = vector.multi_reduction <add>, %convert_element_type3A_165, %reduce_sum3A_166 [0] : vector<256x256xf32> to vector<256xf32>
    %broadcast_in_dim3A_168 = vector.shape_cast %reduce_sum3A_167 : vector<256xf32> to vector<1x256xf32>
    %add3A_169 = arith.addf %add3A_159, %broadcast_in_dim3A_168 : vector<1x256xf32>
    %slice3A_170 = vector.extract_strided_slice %transpose3A {offsets = [0, 5], sizes = [256, 1], strides = [1, 1]} : vector<256x8xf32> to vector<256x1xf32>
    %lt3A_171 = vector.broadcast %slice3A_170 : vector<256x1xf32> to vector<256x256xf32>
    %lt3A_172 = vector.broadcast %slice3A_113 : vector<1x256xf32> to vector<256x256xf32>
    %lt3A_173 = arith.cmpf olt, %lt3A_171, %lt3A_172 : vector<256x256xf32>
    %convert_element_type3A_174 = arith.extui %lt3A_173 : vector<256x256xi1> to vector<256x256xi32>
    %convert_element_type3A_175 = arith.sitofp %convert_element_type3A_174 : vector<256x256xi32> to vector<256x256xf32>
    %reduce_sum3A_176 = arith.constant dense<0.000000e+00> : vector<256xf32>
    %reduce_sum3A_177 = vector.multi_reduction <add>, %convert_element_type3A_175, %reduce_sum3A_176 [0] : vector<256x256xf32> to vector<256xf32>
    %broadcast_in_dim3A_178 = vector.shape_cast %reduce_sum3A_177 : vector<256xf32> to vector<1x256xf32>
    %add3A_179 = arith.addf %add3A_169, %broadcast_in_dim3A_178 : vector<1x256xf32>
    %slice3A_180 = vector.extract_strided_slice %transpose3A {offsets = [0, 6], sizes = [256, 1], strides = [1, 1]} : vector<256x8xf32> to vector<256x1xf32>
    %lt3A_181 = vector.broadcast %slice3A_180 : vector<256x1xf32> to vector<256x256xf32>
    %lt3A_182 = vector.broadcast %slice3A_113 : vector<1x256xf32> to vector<256x256xf32>
    %lt3A_183 = arith.cmpf olt, %lt3A_181, %lt3A_182 : vector<256x256xf32>
    %convert_element_type3A_184 = arith.extui %lt3A_183 : vector<256x256xi1> to vector<256x256xi32>
    %convert_element_type3A_185 = arith.sitofp %convert_element_type3A_184 : vector<256x256xi32> to vector<256x256xf32>
    %reduce_sum3A_186 = arith.constant dense<0.000000e+00> : vector<256xf32>
    %reduce_sum3A_187 = vector.multi_reduction <add>, %convert_element_type3A_185, %reduce_sum3A_186 [0] : vector<256x256xf32> to vector<256xf32>
    %broadcast_in_dim3A_188 = vector.shape_cast %reduce_sum3A_187 : vector<256xf32> to vector<1x256xf32>
    %add3A_189 = arith.addf %add3A_179, %broadcast_in_dim3A_188 : vector<1x256xf32>
    %slice3A_190 = vector.extract_strided_slice %transpose3A {offsets = [0, 7], sizes = [256, 1], strides = [1, 1]} : vector<256x8xf32> to vector<256x1xf32>
    %lt3A_191 = vector.broadcast %slice3A_190 : vector<256x1xf32> to vector<256x256xf32>
    %lt3A_192 = vector.broadcast %slice3A_113 : vector<1x256xf32> to vector<256x256xf32>
    %lt3A_193 = arith.cmpf olt, %lt3A_191, %lt3A_192 : vector<256x256xf32>
    %convert_element_type3A_194 = arith.extui %lt3A_193 : vector<256x256xi1> to vector<256x256xi32>
    %convert_element_type3A_195 = arith.sitofp %convert_element_type3A_194 : vector<256x256xi32> to vector<256x256xf32>
    %reduce_sum3A_196 = arith.constant dense<0.000000e+00> : vector<256xf32>
    %reduce_sum3A_197 = vector.multi_reduction <add>, %convert_element_type3A_195, %reduce_sum3A_196 [0] : vector<256x256xf32> to vector<256xf32>
    %broadcast_in_dim3A_198 = vector.shape_cast %reduce_sum3A_197 : vector<256xf32> to vector<1x256xf32>
    %add3A_199 = arith.addf %add3A_189, %broadcast_in_dim3A_198 : vector<1x256xf32>
    %slice3A_200 = vector.extract_strided_slice %get3A_18 {offsets = [0, 512], sizes = [1, 256], strides = [1, 1]} : vector<1x2048xf32> to vector<1x256xf32>
    %broadcast_in_dim3A_201 = arith.constant 0.000000e+00 : f32
    %broadcast_in_dim3A_202 = vector.broadcast %broadcast_in_dim3A_201 : f32 to vector<1x256xf32>
    %slice3A_203 = vector.extract_strided_slice %transpose3A {offsets = [0, 0], sizes = [256, 1], strides = [1, 1]} : vector<256x8xf32> to vector<256x1xf32>
    %le3A_204 = vector.broadcast %slice3A_203 : vector<256x1xf32> to vector<256x256xf32>
    %le3A_205 = vector.broadcast %slice3A_200 : vector<1x256xf32> to vector<256x256xf32>
    %le3A_206 = arith.cmpf ole, %le3A_204, %le3A_205 : vector<256x256xf32>
    %convert_element_type3A_207 = arith.extui %le3A_206 : vector<256x256xi1> to vector<256x256xi32>
    %convert_element_type3A_208 = arith.sitofp %convert_element_type3A_207 : vector<256x256xi32> to vector<256x256xf32>
    %reduce_sum3A_209 = arith.constant dense<0.000000e+00> : vector<256xf32>
    %reduce_sum3A_210 = vector.multi_reduction <add>, %convert_element_type3A_208, %reduce_sum3A_209 [0] : vector<256x256xf32> to vector<256xf32>
    %broadcast_in_dim3A_211 = vector.shape_cast %reduce_sum3A_210 : vector<256xf32> to vector<1x256xf32>
    %add3A_212 = arith.addf %broadcast_in_dim3A_202, %broadcast_in_dim3A_211 : vector<1x256xf32>
    %slice3A_213 = vector.extract_strided_slice %transpose3A {offsets = [0, 1], sizes = [256, 1], strides = [1, 1]} : vector<256x8xf32> to vector<256x1xf32>
    %le3A_214 = vector.broadcast %slice3A_213 : vector<256x1xf32> to vector<256x256xf32>
    %le3A_215 = vector.broadcast %slice3A_200 : vector<1x256xf32> to vector<256x256xf32>
    %le3A_216 = arith.cmpf ole, %le3A_214, %le3A_215 : vector<256x256xf32>
    %convert_element_type3A_217 = arith.extui %le3A_216 : vector<256x256xi1> to vector<256x256xi32>
    %convert_element_type3A_218 = arith.sitofp %convert_element_type3A_217 : vector<256x256xi32> to vector<256x256xf32>
    %reduce_sum3A_219 = arith.constant dense<0.000000e+00> : vector<256xf32>
    %reduce_sum3A_220 = vector.multi_reduction <add>, %convert_element_type3A_218, %reduce_sum3A_219 [0] : vector<256x256xf32> to vector<256xf32>
    %broadcast_in_dim3A_221 = vector.shape_cast %reduce_sum3A_220 : vector<256xf32> to vector<1x256xf32>
    %add3A_222 = arith.addf %add3A_212, %broadcast_in_dim3A_221 : vector<1x256xf32>
    %slice3A_223 = vector.extract_strided_slice %transpose3A {offsets = [0, 2], sizes = [256, 1], strides = [1, 1]} : vector<256x8xf32> to vector<256x1xf32>
    %lt3A_224 = vector.broadcast %slice3A_223 : vector<256x1xf32> to vector<256x256xf32>
    %lt3A_225 = vector.broadcast %slice3A_200 : vector<1x256xf32> to vector<256x256xf32>
    %lt3A_226 = arith.cmpf olt, %lt3A_224, %lt3A_225 : vector<256x256xf32>
    %eq3A_227 = vector.broadcast %slice3A_223 : vector<256x1xf32> to vector<256x256xf32>
    %eq3A_228 = vector.broadcast %slice3A_200 : vector<1x256xf32> to vector<256x256xf32>
    %eq3A_229 = arith.cmpf oeq, %eq3A_227, %eq3A_228 : vector<256x256xf32>
    %and3A_230 = arith.andi %eq3A_229, %lt3A : vector<256x256xi1>
    %or3A_231 = arith.ori %lt3A_226, %and3A_230 : vector<256x256xi1>
    %convert_element_type3A_232 = arith.extui %or3A_231 : vector<256x256xi1> to vector<256x256xi32>
    %convert_element_type3A_233 = arith.sitofp %convert_element_type3A_232 : vector<256x256xi32> to vector<256x256xf32>
    %reduce_sum3A_234 = arith.constant dense<0.000000e+00> : vector<256xf32>
    %reduce_sum3A_235 = vector.multi_reduction <add>, %convert_element_type3A_233, %reduce_sum3A_234 [0] : vector<256x256xf32> to vector<256xf32>
    %broadcast_in_dim3A_236 = vector.shape_cast %reduce_sum3A_235 : vector<256xf32> to vector<1x256xf32>
    %add3A_237 = arith.addf %add3A_222, %broadcast_in_dim3A_236 : vector<1x256xf32>
    %slice3A_238 = vector.extract_strided_slice %transpose3A {offsets = [0, 3], sizes = [256, 1], strides = [1, 1]} : vector<256x8xf32> to vector<256x1xf32>
    %lt3A_239 = vector.broadcast %slice3A_238 : vector<256x1xf32> to vector<256x256xf32>
    %lt3A_240 = vector.broadcast %slice3A_200 : vector<1x256xf32> to vector<256x256xf32>
    %lt3A_241 = arith.cmpf olt, %lt3A_239, %lt3A_240 : vector<256x256xf32>
    %convert_element_type3A_242 = arith.extui %lt3A_241 : vector<256x256xi1> to vector<256x256xi32>
    %convert_element_type3A_243 = arith.sitofp %convert_element_type3A_242 : vector<256x256xi32> to vector<256x256xf32>
    %reduce_sum3A_244 = arith.constant dense<0.000000e+00> : vector<256xf32>
    %reduce_sum3A_245 = vector.multi_reduction <add>, %convert_element_type3A_243, %reduce_sum3A_244 [0] : vector<256x256xf32> to vector<256xf32>
    %broadcast_in_dim3A_246 = vector.shape_cast %reduce_sum3A_245 : vector<256xf32> to vector<1x256xf32>
    %add3A_247 = arith.addf %add3A_237, %broadcast_in_dim3A_246 : vector<1x256xf32>
    %slice3A_248 = vector.extract_strided_slice %transpose3A {offsets = [0, 4], sizes = [256, 1], strides = [1, 1]} : vector<256x8xf32> to vector<256x1xf32>
    %lt3A_249 = vector.broadcast %slice3A_248 : vector<256x1xf32> to vector<256x256xf32>
    %lt3A_250 = vector.broadcast %slice3A_200 : vector<1x256xf32> to vector<256x256xf32>
    %lt3A_251 = arith.cmpf olt, %lt3A_249, %lt3A_250 : vector<256x256xf32>
    %convert_element_type3A_252 = arith.extui %lt3A_251 : vector<256x256xi1> to vector<256x256xi32>
    %convert_element_type3A_253 = arith.sitofp %convert_element_type3A_252 : vector<256x256xi32> to vector<256x256xf32>
    %reduce_sum3A_254 = arith.constant dense<0.000000e+00> : vector<256xf32>
    %reduce_sum3A_255 = vector.multi_reduction <add>, %convert_element_type3A_253, %reduce_sum3A_254 [0] : vector<256x256xf32> to vector<256xf32>
    %broadcast_in_dim3A_256 = vector.shape_cast %reduce_sum3A_255 : vector<256xf32> to vector<1x256xf32>
    %add3A_257 = arith.addf %add3A_247, %broadcast_in_dim3A_256 : vector<1x256xf32>
    %slice3A_258 = vector.extract_strided_slice %transpose3A {offsets = [0, 5], sizes = [256, 1], strides = [1, 1]} : vector<256x8xf32> to vector<256x1xf32>
    %lt3A_259 = vector.broadcast %slice3A_258 : vector<256x1xf32> to vector<256x256xf32>
    %lt3A_260 = vector.broadcast %slice3A_200 : vector<1x256xf32> to vector<256x256xf32>
    %lt3A_261 = arith.cmpf olt, %lt3A_259, %lt3A_260 : vector<256x256xf32>
    %convert_element_type3A_262 = arith.extui %lt3A_261 : vector<256x256xi1> to vector<256x256xi32>
    %convert_element_type3A_263 = arith.sitofp %convert_element_type3A_262 : vector<256x256xi32> to vector<256x256xf32>
    %reduce_sum3A_264 = arith.constant dense<0.000000e+00> : vector<256xf32>
    %reduce_sum3A_265 = vector.multi_reduction <add>, %convert_element_type3A_263, %reduce_sum3A_264 [0] : vector<256x256xf32> to vector<256xf32>
    %broadcast_in_dim3A_266 = vector.shape_cast %reduce_sum3A_265 : vector<256xf32> to vector<1x256xf32>
    %add3A_267 = arith.addf %add3A_257, %broadcast_in_dim3A_266 : vector<1x256xf32>
    %slice3A_268 = vector.extract_strided_slice %transpose3A {offsets = [0, 6], sizes = [256, 1], strides = [1, 1]} : vector<256x8xf32> to vector<256x1xf32>
    %lt3A_269 = vector.broadcast %slice3A_268 : vector<256x1xf32> to vector<256x256xf32>
    %lt3A_270 = vector.broadcast %slice3A_200 : vector<1x256xf32> to vector<256x256xf32>
    %lt3A_271 = arith.cmpf olt, %lt3A_269, %lt3A_270 : vector<256x256xf32>
    %convert_element_type3A_272 = arith.extui %lt3A_271 : vector<256x256xi1> to vector<256x256xi32>
    %convert_element_type3A_273 = arith.sitofp %convert_element_type3A_272 : vector<256x256xi32> to vector<256x256xf32>
    %reduce_sum3A_274 = arith.constant dense<0.000000e+00> : vector<256xf32>
    %reduce_sum3A_275 = vector.multi_reduction <add>, %convert_element_type3A_273, %reduce_sum3A_274 [0] : vector<256x256xf32> to vector<256xf32>
    %broadcast_in_dim3A_276 = vector.shape_cast %reduce_sum3A_275 : vector<256xf32> to vector<1x256xf32>
    %add3A_277 = arith.addf %add3A_267, %broadcast_in_dim3A_276 : vector<1x256xf32>
    %slice3A_278 = vector.extract_strided_slice %transpose3A {offsets = [0, 7], sizes = [256, 1], strides = [1, 1]} : vector<256x8xf32> to vector<256x1xf32>
    %lt3A_279 = vector.broadcast %slice3A_278 : vector<256x1xf32> to vector<256x256xf32>
    %lt3A_280 = vector.broadcast %slice3A_200 : vector<1x256xf32> to vector<256x256xf32>
    %lt3A_281 = arith.cmpf olt, %lt3A_279, %lt3A_280 : vector<256x256xf32>
    %convert_element_type3A_282 = arith.extui %lt3A_281 : vector<256x256xi1> to vector<256x256xi32>
    %convert_element_type3A_283 = arith.sitofp %convert_element_type3A_282 : vector<256x256xi32> to vector<256x256xf32>
    %reduce_sum3A_284 = arith.constant dense<0.000000e+00> : vector<256xf32>
    %reduce_sum3A_285 = vector.multi_reduction <add>, %convert_element_type3A_283, %reduce_sum3A_284 [0] : vector<256x256xf32> to vector<256xf32>
    %broadcast_in_dim3A_286 = vector.shape_cast %reduce_sum3A_285 : vector<256xf32> to vector<1x256xf32>
    %add3A_287 = arith.addf %add3A_277, %broadcast_in_dim3A_286 : vector<1x256xf32>
    %slice3A_288 = vector.extract_strided_slice %get3A_18 {offsets = [0, 768], sizes = [1, 256], strides = [1, 1]} : vector<1x2048xf32> to vector<1x256xf32>
    %broadcast_in_dim3A_289 = arith.constant 0.000000e+00 : f32
    %broadcast_in_dim3A_290 = vector.broadcast %broadcast_in_dim3A_289 : f32 to vector<1x256xf32>
    %slice3A_291 = vector.extract_strided_slice %transpose3A {offsets = [0, 0], sizes = [256, 1], strides = [1, 1]} : vector<256x8xf32> to vector<256x1xf32>
    %le3A_292 = vector.broadcast %slice3A_291 : vector<256x1xf32> to vector<256x256xf32>
    %le3A_293 = vector.broadcast %slice3A_288 : vector<1x256xf32> to vector<256x256xf32>
    %le3A_294 = arith.cmpf ole, %le3A_292, %le3A_293 : vector<256x256xf32>
    %convert_element_type3A_295 = arith.extui %le3A_294 : vector<256x256xi1> to vector<256x256xi32>
    %convert_element_type3A_296 = arith.sitofp %convert_element_type3A_295 : vector<256x256xi32> to vector<256x256xf32>
    %reduce_sum3A_297 = arith.constant dense<0.000000e+00> : vector<256xf32>
    %reduce_sum3A_298 = vector.multi_reduction <add>, %convert_element_type3A_296, %reduce_sum3A_297 [0] : vector<256x256xf32> to vector<256xf32>
    %broadcast_in_dim3A_299 = vector.shape_cast %reduce_sum3A_298 : vector<256xf32> to vector<1x256xf32>
    %add3A_300 = arith.addf %broadcast_in_dim3A_290, %broadcast_in_dim3A_299 : vector<1x256xf32>
    %slice3A_301 = vector.extract_strided_slice %transpose3A {offsets = [0, 1], sizes = [256, 1], strides = [1, 1]} : vector<256x8xf32> to vector<256x1xf32>
    %le3A_302 = vector.broadcast %slice3A_301 : vector<256x1xf32> to vector<256x256xf32>
    %le3A_303 = vector.broadcast %slice3A_288 : vector<1x256xf32> to vector<256x256xf32>
    %le3A_304 = arith.cmpf ole, %le3A_302, %le3A_303 : vector<256x256xf32>
    %convert_element_type3A_305 = arith.extui %le3A_304 : vector<256x256xi1> to vector<256x256xi32>
    %convert_element_type3A_306 = arith.sitofp %convert_element_type3A_305 : vector<256x256xi32> to vector<256x256xf32>
    %reduce_sum3A_307 = arith.constant dense<0.000000e+00> : vector<256xf32>
    %reduce_sum3A_308 = vector.multi_reduction <add>, %convert_element_type3A_306, %reduce_sum3A_307 [0] : vector<256x256xf32> to vector<256xf32>
    %broadcast_in_dim3A_309 = vector.shape_cast %reduce_sum3A_308 : vector<256xf32> to vector<1x256xf32>
    %add3A_310 = arith.addf %add3A_300, %broadcast_in_dim3A_309 : vector<1x256xf32>
    %slice3A_311 = vector.extract_strided_slice %transpose3A {offsets = [0, 2], sizes = [256, 1], strides = [1, 1]} : vector<256x8xf32> to vector<256x1xf32>
    %le3A_312 = vector.broadcast %slice3A_311 : vector<256x1xf32> to vector<256x256xf32>
    %le3A_313 = vector.broadcast %slice3A_288 : vector<1x256xf32> to vector<256x256xf32>
    %le3A_314 = arith.cmpf ole, %le3A_312, %le3A_313 : vector<256x256xf32>
    %convert_element_type3A_315 = arith.extui %le3A_314 : vector<256x256xi1> to vector<256x256xi32>
    %convert_element_type3A_316 = arith.sitofp %convert_element_type3A_315 : vector<256x256xi32> to vector<256x256xf32>
    %reduce_sum3A_317 = arith.constant dense<0.000000e+00> : vector<256xf32>
    %reduce_sum3A_318 = vector.multi_reduction <add>, %convert_element_type3A_316, %reduce_sum3A_317 [0] : vector<256x256xf32> to vector<256xf32>
    %broadcast_in_dim3A_319 = vector.shape_cast %reduce_sum3A_318 : vector<256xf32> to vector<1x256xf32>
    %add3A_320 = arith.addf %add3A_310, %broadcast_in_dim3A_319 : vector<1x256xf32>
    %slice3A_321 = vector.extract_strided_slice %transpose3A {offsets = [0, 3], sizes = [256, 1], strides = [1, 1]} : vector<256x8xf32> to vector<256x1xf32>
    %lt3A_322 = vector.broadcast %slice3A_321 : vector<256x1xf32> to vector<256x256xf32>
    %lt3A_323 = vector.broadcast %slice3A_288 : vector<1x256xf32> to vector<256x256xf32>
    %lt3A_324 = arith.cmpf olt, %lt3A_322, %lt3A_323 : vector<256x256xf32>
    %eq3A_325 = vector.broadcast %slice3A_321 : vector<256x1xf32> to vector<256x256xf32>
    %eq3A_326 = vector.broadcast %slice3A_288 : vector<1x256xf32> to vector<256x256xf32>
    %eq3A_327 = arith.cmpf oeq, %eq3A_325, %eq3A_326 : vector<256x256xf32>
    %and3A_328 = arith.andi %eq3A_327, %lt3A : vector<256x256xi1>
    %or3A_329 = arith.ori %lt3A_324, %and3A_328 : vector<256x256xi1>
    %convert_element_type3A_330 = arith.extui %or3A_329 : vector<256x256xi1> to vector<256x256xi32>
    %convert_element_type3A_331 = arith.sitofp %convert_element_type3A_330 : vector<256x256xi32> to vector<256x256xf32>
    %reduce_sum3A_332 = arith.constant dense<0.000000e+00> : vector<256xf32>
    %reduce_sum3A_333 = vector.multi_reduction <add>, %convert_element_type3A_331, %reduce_sum3A_332 [0] : vector<256x256xf32> to vector<256xf32>
    %broadcast_in_dim3A_334 = vector.shape_cast %reduce_sum3A_333 : vector<256xf32> to vector<1x256xf32>
    %add3A_335 = arith.addf %add3A_320, %broadcast_in_dim3A_334 : vector<1x256xf32>
    %slice3A_336 = vector.extract_strided_slice %transpose3A {offsets = [0, 4], sizes = [256, 1], strides = [1, 1]} : vector<256x8xf32> to vector<256x1xf32>
    %lt3A_337 = vector.broadcast %slice3A_336 : vector<256x1xf32> to vector<256x256xf32>
    %lt3A_338 = vector.broadcast %slice3A_288 : vector<1x256xf32> to vector<256x256xf32>
    %lt3A_339 = arith.cmpf olt, %lt3A_337, %lt3A_338 : vector<256x256xf32>
    %convert_element_type3A_340 = arith.extui %lt3A_339 : vector<256x256xi1> to vector<256x256xi32>
    %convert_element_type3A_341 = arith.sitofp %convert_element_type3A_340 : vector<256x256xi32> to vector<256x256xf32>
    %reduce_sum3A_342 = arith.constant dense<0.000000e+00> : vector<256xf32>
    %reduce_sum3A_343 = vector.multi_reduction <add>, %convert_element_type3A_341, %reduce_sum3A_342 [0] : vector<256x256xf32> to vector<256xf32>
    %broadcast_in_dim3A_344 = vector.shape_cast %reduce_sum3A_343 : vector<256xf32> to vector<1x256xf32>
    %add3A_345 = arith.addf %add3A_335, %broadcast_in_dim3A_344 : vector<1x256xf32>
    %slice3A_346 = vector.extract_strided_slice %transpose3A {offsets = [0, 5], sizes = [256, 1], strides = [1, 1]} : vector<256x8xf32> to vector<256x1xf32>
    %lt3A_347 = vector.broadcast %slice3A_346 : vector<256x1xf32> to vector<256x256xf32>
    %lt3A_348 = vector.broadcast %slice3A_288 : vector<1x256xf32> to vector<256x256xf32>
    %lt3A_349 = arith.cmpf olt, %lt3A_347, %lt3A_348 : vector<256x256xf32>
    %convert_element_type3A_350 = arith.extui %lt3A_349 : vector<256x256xi1> to vector<256x256xi32>
    %convert_element_type3A_351 = arith.sitofp %convert_element_type3A_350 : vector<256x256xi32> to vector<256x256xf32>
    %reduce_sum3A_352 = arith.constant dense<0.000000e+00> : vector<256xf32>
    %reduce_sum3A_353 = vector.multi_reduction <add>, %convert_element_type3A_351, %reduce_sum3A_352 [0] : vector<256x256xf32> to vector<256xf32>
    %broadcast_in_dim3A_354 = vector.shape_cast %reduce_sum3A_353 : vector<256xf32> to vector<1x256xf32>
    %add3A_355 = arith.addf %add3A_345, %broadcast_in_dim3A_354 : vector<1x256xf32>
    %slice3A_356 = vector.extract_strided_slice %transpose3A {offsets = [0, 6], sizes = [256, 1], strides = [1, 1]} : vector<256x8xf32> to vector<256x1xf32>
    %lt3A_357 = vector.broadcast %slice3A_356 : vector<256x1xf32> to vector<256x256xf32>
    %lt3A_358 = vector.broadcast %slice3A_288 : vector<1x256xf32> to vector<256x256xf32>
    %lt3A_359 = arith.cmpf olt, %lt3A_357, %lt3A_358 : vector<256x256xf32>
    %convert_element_type3A_360 = arith.extui %lt3A_359 : vector<256x256xi1> to vector<256x256xi32>
    %convert_element_type3A_361 = arith.sitofp %convert_element_type3A_360 : vector<256x256xi32> to vector<256x256xf32>
    %reduce_sum3A_362 = arith.constant dense<0.000000e+00> : vector<256xf32>
    %reduce_sum3A_363 = vector.multi_reduction <add>, %convert_element_type3A_361, %reduce_sum3A_362 [0] : vector<256x256xf32> to vector<256xf32>
    %broadcast_in_dim3A_364 = vector.shape_cast %reduce_sum3A_363 : vector<256xf32> to vector<1x256xf32>
    %add3A_365 = arith.addf %add3A_355, %broadcast_in_dim3A_364 : vector<1x256xf32>
    %slice3A_366 = vector.extract_strided_slice %transpose3A {offsets = [0, 7], sizes = [256, 1], strides = [1, 1]} : vector<256x8xf32> to vector<256x1xf32>
    %lt3A_367 = vector.broadcast %slice3A_366 : vector<256x1xf32> to vector<256x256xf32>
    %lt3A_368 = vector.broadcast %slice3A_288 : vector<1x256xf32> to vector<256x256xf32>
    %lt3A_369 = arith.cmpf olt, %lt3A_367, %lt3A_368 : vector<256x256xf32>
    %convert_element_type3A_370 = arith.extui %lt3A_369 : vector<256x256xi1> to vector<256x256xi32>
    %convert_element_type3A_371 = arith.sitofp %convert_element_type3A_370 : vector<256x256xi32> to vector<256x256xf32>
    %reduce_sum3A_372 = arith.constant dense<0.000000e+00> : vector<256xf32>
    %reduce_sum3A_373 = vector.multi_reduction <add>, %convert_element_type3A_371, %reduce_sum3A_372 [0] : vector<256x256xf32> to vector<256xf32>
    %broadcast_in_dim3A_374 = vector.shape_cast %reduce_sum3A_373 : vector<256xf32> to vector<1x256xf32>
    %add3A_375 = arith.addf %add3A_365, %broadcast_in_dim3A_374 : vector<1x256xf32>
    %slice3A_376 = vector.extract_strided_slice %get3A_18 {offsets = [0, 1024], sizes = [1, 256], strides = [1, 1]} : vector<1x2048xf32> to vector<1x256xf32>
    %broadcast_in_dim3A_377 = arith.constant 0.000000e+00 : f32
    %broadcast_in_dim3A_378 = vector.broadcast %broadcast_in_dim3A_377 : f32 to vector<1x256xf32>
    %slice3A_379 = vector.extract_strided_slice %transpose3A {offsets = [0, 0], sizes = [256, 1], strides = [1, 1]} : vector<256x8xf32> to vector<256x1xf32>
    %le3A_380 = vector.broadcast %slice3A_379 : vector<256x1xf32> to vector<256x256xf32>
    %le3A_381 = vector.broadcast %slice3A_376 : vector<1x256xf32> to vector<256x256xf32>
    %le3A_382 = arith.cmpf ole, %le3A_380, %le3A_381 : vector<256x256xf32>
    %convert_element_type3A_383 = arith.extui %le3A_382 : vector<256x256xi1> to vector<256x256xi32>
    %convert_element_type3A_384 = arith.sitofp %convert_element_type3A_383 : vector<256x256xi32> to vector<256x256xf32>
    %reduce_sum3A_385 = arith.constant dense<0.000000e+00> : vector<256xf32>
    %reduce_sum3A_386 = vector.multi_reduction <add>, %convert_element_type3A_384, %reduce_sum3A_385 [0] : vector<256x256xf32> to vector<256xf32>
    %broadcast_in_dim3A_387 = vector.shape_cast %reduce_sum3A_386 : vector<256xf32> to vector<1x256xf32>
    %add3A_388 = arith.addf %broadcast_in_dim3A_378, %broadcast_in_dim3A_387 : vector<1x256xf32>
    %slice3A_389 = vector.extract_strided_slice %transpose3A {offsets = [0, 1], sizes = [256, 1], strides = [1, 1]} : vector<256x8xf32> to vector<256x1xf32>
    %le3A_390 = vector.broadcast %slice3A_389 : vector<256x1xf32> to vector<256x256xf32>
    %le3A_391 = vector.broadcast %slice3A_376 : vector<1x256xf32> to vector<256x256xf32>
    %le3A_392 = arith.cmpf ole, %le3A_390, %le3A_391 : vector<256x256xf32>
    %convert_element_type3A_393 = arith.extui %le3A_392 : vector<256x256xi1> to vector<256x256xi32>
    %convert_element_type3A_394 = arith.sitofp %convert_element_type3A_393 : vector<256x256xi32> to vector<256x256xf32>
    %reduce_sum3A_395 = arith.constant dense<0.000000e+00> : vector<256xf32>
    %reduce_sum3A_396 = vector.multi_reduction <add>, %convert_element_type3A_394, %reduce_sum3A_395 [0] : vector<256x256xf32> to vector<256xf32>
    %broadcast_in_dim3A_397 = vector.shape_cast %reduce_sum3A_396 : vector<256xf32> to vector<1x256xf32>
    %add3A_398 = arith.addf %add3A_388, %broadcast_in_dim3A_397 : vector<1x256xf32>
    %slice3A_399 = vector.extract_strided_slice %transpose3A {offsets = [0, 2], sizes = [256, 1], strides = [1, 1]} : vector<256x8xf32> to vector<256x1xf32>
    %le3A_400 = vector.broadcast %slice3A_399 : vector<256x1xf32> to vector<256x256xf32>
    %le3A_401 = vector.broadcast %slice3A_376 : vector<1x256xf32> to vector<256x256xf32>
    %le3A_402 = arith.cmpf ole, %le3A_400, %le3A_401 : vector<256x256xf32>
    %convert_element_type3A_403 = arith.extui %le3A_402 : vector<256x256xi1> to vector<256x256xi32>
    %convert_element_type3A_404 = arith.sitofp %convert_element_type3A_403 : vector<256x256xi32> to vector<256x256xf32>
    %reduce_sum3A_405 = arith.constant dense<0.000000e+00> : vector<256xf32>
    %reduce_sum3A_406 = vector.multi_reduction <add>, %convert_element_type3A_404, %reduce_sum3A_405 [0] : vector<256x256xf32> to vector<256xf32>
    %broadcast_in_dim3A_407 = vector.shape_cast %reduce_sum3A_406 : vector<256xf32> to vector<1x256xf32>
    %add3A_408 = arith.addf %add3A_398, %broadcast_in_dim3A_407 : vector<1x256xf32>
    %slice3A_409 = vector.extract_strided_slice %transpose3A {offsets = [0, 3], sizes = [256, 1], strides = [1, 1]} : vector<256x8xf32> to vector<256x1xf32>
    %le3A_410 = vector.broadcast %slice3A_409 : vector<256x1xf32> to vector<256x256xf32>
    %le3A_411 = vector.broadcast %slice3A_376 : vector<1x256xf32> to vector<256x256xf32>
    %le3A_412 = arith.cmpf ole, %le3A_410, %le3A_411 : vector<256x256xf32>
    %convert_element_type3A_413 = arith.extui %le3A_412 : vector<256x256xi1> to vector<256x256xi32>
    %convert_element_type3A_414 = arith.sitofp %convert_element_type3A_413 : vector<256x256xi32> to vector<256x256xf32>
    %reduce_sum3A_415 = arith.constant dense<0.000000e+00> : vector<256xf32>
    %reduce_sum3A_416 = vector.multi_reduction <add>, %convert_element_type3A_414, %reduce_sum3A_415 [0] : vector<256x256xf32> to vector<256xf32>
    %broadcast_in_dim3A_417 = vector.shape_cast %reduce_sum3A_416 : vector<256xf32> to vector<1x256xf32>
    %add3A_418 = arith.addf %add3A_408, %broadcast_in_dim3A_417 : vector<1x256xf32>
    %slice3A_419 = vector.extract_strided_slice %transpose3A {offsets = [0, 4], sizes = [256, 1], strides = [1, 1]} : vector<256x8xf32> to vector<256x1xf32>
    %lt3A_420 = vector.broadcast %slice3A_419 : vector<256x1xf32> to vector<256x256xf32>
    %lt3A_421 = vector.broadcast %slice3A_376 : vector<1x256xf32> to vector<256x256xf32>
    %lt3A_422 = arith.cmpf olt, %lt3A_420, %lt3A_421 : vector<256x256xf32>
    %eq3A_423 = vector.broadcast %slice3A_419 : vector<256x1xf32> to vector<256x256xf32>
    %eq3A_424 = vector.broadcast %slice3A_376 : vector<1x256xf32> to vector<256x256xf32>
    %eq3A_425 = arith.cmpf oeq, %eq3A_423, %eq3A_424 : vector<256x256xf32>
    %and3A_426 = arith.andi %eq3A_425, %lt3A : vector<256x256xi1>
    %or3A_427 = arith.ori %lt3A_422, %and3A_426 : vector<256x256xi1>
    %convert_element_type3A_428 = arith.extui %or3A_427 : vector<256x256xi1> to vector<256x256xi32>
    %convert_element_type3A_429 = arith.sitofp %convert_element_type3A_428 : vector<256x256xi32> to vector<256x256xf32>
    %reduce_sum3A_430 = arith.constant dense<0.000000e+00> : vector<256xf32>
    %reduce_sum3A_431 = vector.multi_reduction <add>, %convert_element_type3A_429, %reduce_sum3A_430 [0] : vector<256x256xf32> to vector<256xf32>
    %broadcast_in_dim3A_432 = vector.shape_cast %reduce_sum3A_431 : vector<256xf32> to vector<1x256xf32>
    %add3A_433 = arith.addf %add3A_418, %broadcast_in_dim3A_432 : vector<1x256xf32>
    %slice3A_434 = vector.extract_strided_slice %transpose3A {offsets = [0, 5], sizes = [256, 1], strides = [1, 1]} : vector<256x8xf32> to vector<256x1xf32>
    %lt3A_435 = vector.broadcast %slice3A_434 : vector<256x1xf32> to vector<256x256xf32>
    %lt3A_436 = vector.broadcast %slice3A_376 : vector<1x256xf32> to vector<256x256xf32>
    %lt3A_437 = arith.cmpf olt, %lt3A_435, %lt3A_436 : vector<256x256xf32>
    %convert_element_type3A_438 = arith.extui %lt3A_437 : vector<256x256xi1> to vector<256x256xi32>
    %convert_element_type3A_439 = arith.sitofp %convert_element_type3A_438 : vector<256x256xi32> to vector<256x256xf32>
    %reduce_sum3A_440 = arith.constant dense<0.000000e+00> : vector<256xf32>
    %reduce_sum3A_441 = vector.multi_reduction <add>, %convert_element_type3A_439, %reduce_sum3A_440 [0] : vector<256x256xf32> to vector<256xf32>
    %broadcast_in_dim3A_442 = vector.shape_cast %reduce_sum3A_441 : vector<256xf32> to vector<1x256xf32>
    %add3A_443 = arith.addf %add3A_433, %broadcast_in_dim3A_442 : vector<1x256xf32>
    %slice3A_444 = vector.extract_strided_slice %transpose3A {offsets = [0, 6], sizes = [256, 1], strides = [1, 1]} : vector<256x8xf32> to vector<256x1xf32>
    %lt3A_445 = vector.broadcast %slice3A_444 : vector<256x1xf32> to vector<256x256xf32>
    %lt3A_446 = vector.broadcast %slice3A_376 : vector<1x256xf32> to vector<256x256xf32>
    %lt3A_447 = arith.cmpf olt, %lt3A_445, %lt3A_446 : vector<256x256xf32>
    %convert_element_type3A_448 = arith.extui %lt3A_447 : vector<256x256xi1> to vector<256x256xi32>
    %convert_element_type3A_449 = arith.sitofp %convert_element_type3A_448 : vector<256x256xi32> to vector<256x256xf32>
    %reduce_sum3A_450 = arith.constant dense<0.000000e+00> : vector<256xf32>
    %reduce_sum3A_451 = vector.multi_reduction <add>, %convert_element_type3A_449, %reduce_sum3A_450 [0] : vector<256x256xf32> to vector<256xf32>
    %broadcast_in_dim3A_452 = vector.shape_cast %reduce_sum3A_451 : vector<256xf32> to vector<1x256xf32>
    %add3A_453 = arith.addf %add3A_443, %broadcast_in_dim3A_452 : vector<1x256xf32>
    %slice3A_454 = vector.extract_strided_slice %transpose3A {offsets = [0, 7], sizes = [256, 1], strides = [1, 1]} : vector<256x8xf32> to vector<256x1xf32>
    %lt3A_455 = vector.broadcast %slice3A_454 : vector<256x1xf32> to vector<256x256xf32>
    %lt3A_456 = vector.broadcast %slice3A_376 : vector<1x256xf32> to vector<256x256xf32>
    %lt3A_457 = arith.cmpf olt, %lt3A_455, %lt3A_456 : vector<256x256xf32>
    %convert_element_type3A_458 = arith.extui %lt3A_457 : vector<256x256xi1> to vector<256x256xi32>
    %convert_element_type3A_459 = arith.sitofp %convert_element_type3A_458 : vector<256x256xi32> to vector<256x256xf32>
    %reduce_sum3A_460 = arith.constant dense<0.000000e+00> : vector<256xf32>
    %reduce_sum3A_461 = vector.multi_reduction <add>, %convert_element_type3A_459, %reduce_sum3A_460 [0] : vector<256x256xf32> to vector<256xf32>
    %broadcast_in_dim3A_462 = vector.shape_cast %reduce_sum3A_461 : vector<256xf32> to vector<1x256xf32>
    %add3A_463 = arith.addf %add3A_453, %broadcast_in_dim3A_462 : vector<1x256xf32>
    %slice3A_464 = vector.extract_strided_slice %get3A_18 {offsets = [0, 1280], sizes = [1, 256], strides = [1, 1]} : vector<1x2048xf32> to vector<1x256xf32>
    %broadcast_in_dim3A_465 = arith.constant 0.000000e+00 : f32
    %broadcast_in_dim3A_466 = vector.broadcast %broadcast_in_dim3A_465 : f32 to vector<1x256xf32>
    %slice3A_467 = vector.extract_strided_slice %transpose3A {offsets = [0, 0], sizes = [256, 1], strides = [1, 1]} : vector<256x8xf32> to vector<256x1xf32>
    %le3A_468 = vector.broadcast %slice3A_467 : vector<256x1xf32> to vector<256x256xf32>
    %le3A_469 = vector.broadcast %slice3A_464 : vector<1x256xf32> to vector<256x256xf32>
    %le3A_470 = arith.cmpf ole, %le3A_468, %le3A_469 : vector<256x256xf32>
    %convert_element_type3A_471 = arith.extui %le3A_470 : vector<256x256xi1> to vector<256x256xi32>
    %convert_element_type3A_472 = arith.sitofp %convert_element_type3A_471 : vector<256x256xi32> to vector<256x256xf32>
    %reduce_sum3A_473 = arith.constant dense<0.000000e+00> : vector<256xf32>
    %reduce_sum3A_474 = vector.multi_reduction <add>, %convert_element_type3A_472, %reduce_sum3A_473 [0] : vector<256x256xf32> to vector<256xf32>
    %broadcast_in_dim3A_475 = vector.shape_cast %reduce_sum3A_474 : vector<256xf32> to vector<1x256xf32>
    %add3A_476 = arith.addf %broadcast_in_dim3A_466, %broadcast_in_dim3A_475 : vector<1x256xf32>
    %slice3A_477 = vector.extract_strided_slice %transpose3A {offsets = [0, 1], sizes = [256, 1], strides = [1, 1]} : vector<256x8xf32> to vector<256x1xf32>
    %le3A_478 = vector.broadcast %slice3A_477 : vector<256x1xf32> to vector<256x256xf32>
    %le3A_479 = vector.broadcast %slice3A_464 : vector<1x256xf32> to vector<256x256xf32>
    %le3A_480 = arith.cmpf ole, %le3A_478, %le3A_479 : vector<256x256xf32>
    %convert_element_type3A_481 = arith.extui %le3A_480 : vector<256x256xi1> to vector<256x256xi32>
    %convert_element_type3A_482 = arith.sitofp %convert_element_type3A_481 : vector<256x256xi32> to vector<256x256xf32>
    %reduce_sum3A_483 = arith.constant dense<0.000000e+00> : vector<256xf32>
    %reduce_sum3A_484 = vector.multi_reduction <add>, %convert_element_type3A_482, %reduce_sum3A_483 [0] : vector<256x256xf32> to vector<256xf32>
    %broadcast_in_dim3A_485 = vector.shape_cast %reduce_sum3A_484 : vector<256xf32> to vector<1x256xf32>
    %add3A_486 = arith.addf %add3A_476, %broadcast_in_dim3A_485 : vector<1x256xf32>
    %slice3A_487 = vector.extract_strided_slice %transpose3A {offsets = [0, 2], sizes = [256, 1], strides = [1, 1]} : vector<256x8xf32> to vector<256x1xf32>
    %le3A_488 = vector.broadcast %slice3A_487 : vector<256x1xf32> to vector<256x256xf32>
    %le3A_489 = vector.broadcast %slice3A_464 : vector<1x256xf32> to vector<256x256xf32>
    %le3A_490 = arith.cmpf ole, %le3A_488, %le3A_489 : vector<256x256xf32>
    %convert_element_type3A_491 = arith.extui %le3A_490 : vector<256x256xi1> to vector<256x256xi32>
    %convert_element_type3A_492 = arith.sitofp %convert_element_type3A_491 : vector<256x256xi32> to vector<256x256xf32>
    %reduce_sum3A_493 = arith.constant dense<0.000000e+00> : vector<256xf32>
    %reduce_sum3A_494 = vector.multi_reduction <add>, %convert_element_type3A_492, %reduce_sum3A_493 [0] : vector<256x256xf32> to vector<256xf32>
    %broadcast_in_dim3A_495 = vector.shape_cast %reduce_sum3A_494 : vector<256xf32> to vector<1x256xf32>
    %add3A_496 = arith.addf %add3A_486, %broadcast_in_dim3A_495 : vector<1x256xf32>
    %slice3A_497 = vector.extract_strided_slice %transpose3A {offsets = [0, 3], sizes = [256, 1], strides = [1, 1]} : vector<256x8xf32> to vector<256x1xf32>
    %le3A_498 = vector.broadcast %slice3A_497 : vector<256x1xf32> to vector<256x256xf32>
    %le3A_499 = vector.broadcast %slice3A_464 : vector<1x256xf32> to vector<256x256xf32>
    %le3A_500 = arith.cmpf ole, %le3A_498, %le3A_499 : vector<256x256xf32>
    %convert_element_type3A_501 = arith.extui %le3A_500 : vector<256x256xi1> to vector<256x256xi32>
    %convert_element_type3A_502 = arith.sitofp %convert_element_type3A_501 : vector<256x256xi32> to vector<256x256xf32>
    %reduce_sum3A_503 = arith.constant dense<0.000000e+00> : vector<256xf32>
    %reduce_sum3A_504 = vector.multi_reduction <add>, %convert_element_type3A_502, %reduce_sum3A_503 [0] : vector<256x256xf32> to vector<256xf32>
    %broadcast_in_dim3A_505 = vector.shape_cast %reduce_sum3A_504 : vector<256xf32> to vector<1x256xf32>
    %add3A_506 = arith.addf %add3A_496, %broadcast_in_dim3A_505 : vector<1x256xf32>
    %slice3A_507 = vector.extract_strided_slice %transpose3A {offsets = [0, 4], sizes = [256, 1], strides = [1, 1]} : vector<256x8xf32> to vector<256x1xf32>
    %le3A_508 = vector.broadcast %slice3A_507 : vector<256x1xf32> to vector<256x256xf32>
    %le3A_509 = vector.broadcast %slice3A_464 : vector<1x256xf32> to vector<256x256xf32>
    %le3A_510 = arith.cmpf ole, %le3A_508, %le3A_509 : vector<256x256xf32>
    %convert_element_type3A_511 = arith.extui %le3A_510 : vector<256x256xi1> to vector<256x256xi32>
    %convert_element_type3A_512 = arith.sitofp %convert_element_type3A_511 : vector<256x256xi32> to vector<256x256xf32>
    %reduce_sum3A_513 = arith.constant dense<0.000000e+00> : vector<256xf32>
    %reduce_sum3A_514 = vector.multi_reduction <add>, %convert_element_type3A_512, %reduce_sum3A_513 [0] : vector<256x256xf32> to vector<256xf32>
    %broadcast_in_dim3A_515 = vector.shape_cast %reduce_sum3A_514 : vector<256xf32> to vector<1x256xf32>
    %add3A_516 = arith.addf %add3A_506, %broadcast_in_dim3A_515 : vector<1x256xf32>
    %slice3A_517 = vector.extract_strided_slice %transpose3A {offsets = [0, 5], sizes = [256, 1], strides = [1, 1]} : vector<256x8xf32> to vector<256x1xf32>
    %lt3A_518 = vector.broadcast %slice3A_517 : vector<256x1xf32> to vector<256x256xf32>
    %lt3A_519 = vector.broadcast %slice3A_464 : vector<1x256xf32> to vector<256x256xf32>
    %lt3A_520 = arith.cmpf olt, %lt3A_518, %lt3A_519 : vector<256x256xf32>
    %eq3A_521 = vector.broadcast %slice3A_517 : vector<256x1xf32> to vector<256x256xf32>
    %eq3A_522 = vector.broadcast %slice3A_464 : vector<1x256xf32> to vector<256x256xf32>
    %eq3A_523 = arith.cmpf oeq, %eq3A_521, %eq3A_522 : vector<256x256xf32>
    %and3A_524 = arith.andi %eq3A_523, %lt3A : vector<256x256xi1>
    %or3A_525 = arith.ori %lt3A_520, %and3A_524 : vector<256x256xi1>
    %convert_element_type3A_526 = arith.extui %or3A_525 : vector<256x256xi1> to vector<256x256xi32>
    %convert_element_type3A_527 = arith.sitofp %convert_element_type3A_526 : vector<256x256xi32> to vector<256x256xf32>
    %reduce_sum3A_528 = arith.constant dense<0.000000e+00> : vector<256xf32>
    %reduce_sum3A_529 = vector.multi_reduction <add>, %convert_element_type3A_527, %reduce_sum3A_528 [0] : vector<256x256xf32> to vector<256xf32>
    %broadcast_in_dim3A_530 = vector.shape_cast %reduce_sum3A_529 : vector<256xf32> to vector<1x256xf32>
    %add3A_531 = arith.addf %add3A_516, %broadcast_in_dim3A_530 : vector<1x256xf32>
    %slice3A_532 = vector.extract_strided_slice %transpose3A {offsets = [0, 6], sizes = [256, 1], strides = [1, 1]} : vector<256x8xf32> to vector<256x1xf32>
    %lt3A_533 = vector.broadcast %slice3A_532 : vector<256x1xf32> to vector<256x256xf32>
    %lt3A_534 = vector.broadcast %slice3A_464 : vector<1x256xf32> to vector<256x256xf32>
    %lt3A_535 = arith.cmpf olt, %lt3A_533, %lt3A_534 : vector<256x256xf32>
    %convert_element_type3A_536 = arith.extui %lt3A_535 : vector<256x256xi1> to vector<256x256xi32>
    %convert_element_type3A_537 = arith.sitofp %convert_element_type3A_536 : vector<256x256xi32> to vector<256x256xf32>
    %reduce_sum3A_538 = arith.constant dense<0.000000e+00> : vector<256xf32>
    %reduce_sum3A_539 = vector.multi_reduction <add>, %convert_element_type3A_537, %reduce_sum3A_538 [0] : vector<256x256xf32> to vector<256xf32>
    %broadcast_in_dim3A_540 = vector.shape_cast %reduce_sum3A_539 : vector<256xf32> to vector<1x256xf32>
    %add3A_541 = arith.addf %add3A_531, %broadcast_in_dim3A_540 : vector<1x256xf32>
    %slice3A_542 = vector.extract_strided_slice %transpose3A {offsets = [0, 7], sizes = [256, 1], strides = [1, 1]} : vector<256x8xf32> to vector<256x1xf32>
    %lt3A_543 = vector.broadcast %slice3A_542 : vector<256x1xf32> to vector<256x256xf32>
    %lt3A_544 = vector.broadcast %slice3A_464 : vector<1x256xf32> to vector<256x256xf32>
    %lt3A_545 = arith.cmpf olt, %lt3A_543, %lt3A_544 : vector<256x256xf32>
    %convert_element_type3A_546 = arith.extui %lt3A_545 : vector<256x256xi1> to vector<256x256xi32>
    %convert_element_type3A_547 = arith.sitofp %convert_element_type3A_546 : vector<256x256xi32> to vector<256x256xf32>
    %reduce_sum3A_548 = arith.constant dense<0.000000e+00> : vector<256xf32>
    %reduce_sum3A_549 = vector.multi_reduction <add>, %convert_element_type3A_547, %reduce_sum3A_548 [0] : vector<256x256xf32> to vector<256xf32>
    %broadcast_in_dim3A_550 = vector.shape_cast %reduce_sum3A_549 : vector<256xf32> to vector<1x256xf32>
    %add3A_551 = arith.addf %add3A_541, %broadcast_in_dim3A_550 : vector<1x256xf32>
    %slice3A_552 = vector.extract_strided_slice %get3A_18 {offsets = [0, 1536], sizes = [1, 256], strides = [1, 1]} : vector<1x2048xf32> to vector<1x256xf32>
    %broadcast_in_dim3A_553 = arith.constant 0.000000e+00 : f32
    %broadcast_in_dim3A_554 = vector.broadcast %broadcast_in_dim3A_553 : f32 to vector<1x256xf32>
    %slice3A_555 = vector.extract_strided_slice %transpose3A {offsets = [0, 0], sizes = [256, 1], strides = [1, 1]} : vector<256x8xf32> to vector<256x1xf32>
    %le3A_556 = vector.broadcast %slice3A_555 : vector<256x1xf32> to vector<256x256xf32>
    %le3A_557 = vector.broadcast %slice3A_552 : vector<1x256xf32> to vector<256x256xf32>
    %le3A_558 = arith.cmpf ole, %le3A_556, %le3A_557 : vector<256x256xf32>
    %convert_element_type3A_559 = arith.extui %le3A_558 : vector<256x256xi1> to vector<256x256xi32>
    %convert_element_type3A_560 = arith.sitofp %convert_element_type3A_559 : vector<256x256xi32> to vector<256x256xf32>
    %reduce_sum3A_561 = arith.constant dense<0.000000e+00> : vector<256xf32>
    %reduce_sum3A_562 = vector.multi_reduction <add>, %convert_element_type3A_560, %reduce_sum3A_561 [0] : vector<256x256xf32> to vector<256xf32>
    %broadcast_in_dim3A_563 = vector.shape_cast %reduce_sum3A_562 : vector<256xf32> to vector<1x256xf32>
    %add3A_564 = arith.addf %broadcast_in_dim3A_554, %broadcast_in_dim3A_563 : vector<1x256xf32>
    %slice3A_565 = vector.extract_strided_slice %transpose3A {offsets = [0, 1], sizes = [256, 1], strides = [1, 1]} : vector<256x8xf32> to vector<256x1xf32>
    %le3A_566 = vector.broadcast %slice3A_565 : vector<256x1xf32> to vector<256x256xf32>
    %le3A_567 = vector.broadcast %slice3A_552 : vector<1x256xf32> to vector<256x256xf32>
    %le3A_568 = arith.cmpf ole, %le3A_566, %le3A_567 : vector<256x256xf32>
    %convert_element_type3A_569 = arith.extui %le3A_568 : vector<256x256xi1> to vector<256x256xi32>
    %convert_element_type3A_570 = arith.sitofp %convert_element_type3A_569 : vector<256x256xi32> to vector<256x256xf32>
    %reduce_sum3A_571 = arith.constant dense<0.000000e+00> : vector<256xf32>
    %reduce_sum3A_572 = vector.multi_reduction <add>, %convert_element_type3A_570, %reduce_sum3A_571 [0] : vector<256x256xf32> to vector<256xf32>
    %broadcast_in_dim3A_573 = vector.shape_cast %reduce_sum3A_572 : vector<256xf32> to vector<1x256xf32>
    %add3A_574 = arith.addf %add3A_564, %broadcast_in_dim3A_573 : vector<1x256xf32>
    %slice3A_575 = vector.extract_strided_slice %transpose3A {offsets = [0, 2], sizes = [256, 1], strides = [1, 1]} : vector<256x8xf32> to vector<256x1xf32>
    %le3A_576 = vector.broadcast %slice3A_575 : vector<256x1xf32> to vector<256x256xf32>
    %le3A_577 = vector.broadcast %slice3A_552 : vector<1x256xf32> to vector<256x256xf32>
    %le3A_578 = arith.cmpf ole, %le3A_576, %le3A_577 : vector<256x256xf32>
    %convert_element_type3A_579 = arith.extui %le3A_578 : vector<256x256xi1> to vector<256x256xi32>
    %convert_element_type3A_580 = arith.sitofp %convert_element_type3A_579 : vector<256x256xi32> to vector<256x256xf32>
    %reduce_sum3A_581 = arith.constant dense<0.000000e+00> : vector<256xf32>
    %reduce_sum3A_582 = vector.multi_reduction <add>, %convert_element_type3A_580, %reduce_sum3A_581 [0] : vector<256x256xf32> to vector<256xf32>
    %broadcast_in_dim3A_583 = vector.shape_cast %reduce_sum3A_582 : vector<256xf32> to vector<1x256xf32>
    %add3A_584 = arith.addf %add3A_574, %broadcast_in_dim3A_583 : vector<1x256xf32>
    %slice3A_585 = vector.extract_strided_slice %transpose3A {offsets = [0, 3], sizes = [256, 1], strides = [1, 1]} : vector<256x8xf32> to vector<256x1xf32>
    %le3A_586 = vector.broadcast %slice3A_585 : vector<256x1xf32> to vector<256x256xf32>
    %le3A_587 = vector.broadcast %slice3A_552 : vector<1x256xf32> to vector<256x256xf32>
    %le3A_588 = arith.cmpf ole, %le3A_586, %le3A_587 : vector<256x256xf32>
    %convert_element_type3A_589 = arith.extui %le3A_588 : vector<256x256xi1> to vector<256x256xi32>
    %convert_element_type3A_590 = arith.sitofp %convert_element_type3A_589 : vector<256x256xi32> to vector<256x256xf32>
    %reduce_sum3A_591 = arith.constant dense<0.000000e+00> : vector<256xf32>
    %reduce_sum3A_592 = vector.multi_reduction <add>, %convert_element_type3A_590, %reduce_sum3A_591 [0] : vector<256x256xf32> to vector<256xf32>
    %broadcast_in_dim3A_593 = vector.shape_cast %reduce_sum3A_592 : vector<256xf32> to vector<1x256xf32>
    %add3A_594 = arith.addf %add3A_584, %broadcast_in_dim3A_593 : vector<1x256xf32>
    %slice3A_595 = vector.extract_strided_slice %transpose3A {offsets = [0, 4], sizes = [256, 1], strides = [1, 1]} : vector<256x8xf32> to vector<256x1xf32>
    %le3A_596 = vector.broadcast %slice3A_595 : vector<256x1xf32> to vector<256x256xf32>
    %le3A_597 = vector.broadcast %slice3A_552 : vector<1x256xf32> to vector<256x256xf32>
    %le3A_598 = arith.cmpf ole, %le3A_596, %le3A_597 : vector<256x256xf32>
    %convert_element_type3A_599 = arith.extui %le3A_598 : vector<256x256xi1> to vector<256x256xi32>
    %convert_element_type3A_600 = arith.sitofp %convert_element_type3A_599 : vector<256x256xi32> to vector<256x256xf32>
    %reduce_sum3A_601 = arith.constant dense<0.000000e+00> : vector<256xf32>
    %reduce_sum3A_602 = vector.multi_reduction <add>, %convert_element_type3A_600, %reduce_sum3A_601 [0] : vector<256x256xf32> to vector<256xf32>
    %broadcast_in_dim3A_603 = vector.shape_cast %reduce_sum3A_602 : vector<256xf32> to vector<1x256xf32>
    %add3A_604 = arith.addf %add3A_594, %broadcast_in_dim3A_603 : vector<1x256xf32>
    %slice3A_605 = vector.extract_strided_slice %transpose3A {offsets = [0, 5], sizes = [256, 1], strides = [1, 1]} : vector<256x8xf32> to vector<256x1xf32>
    %le3A_606 = vector.broadcast %slice3A_605 : vector<256x1xf32> to vector<256x256xf32>
    %le3A_607 = vector.broadcast %slice3A_552 : vector<1x256xf32> to vector<256x256xf32>
    %le3A_608 = arith.cmpf ole, %le3A_606, %le3A_607 : vector<256x256xf32>
    %convert_element_type3A_609 = arith.extui %le3A_608 : vector<256x256xi1> to vector<256x256xi32>
    %convert_element_type3A_610 = arith.sitofp %convert_element_type3A_609 : vector<256x256xi32> to vector<256x256xf32>
    %reduce_sum3A_611 = arith.constant dense<0.000000e+00> : vector<256xf32>
    %reduce_sum3A_612 = vector.multi_reduction <add>, %convert_element_type3A_610, %reduce_sum3A_611 [0] : vector<256x256xf32> to vector<256xf32>
    %broadcast_in_dim3A_613 = vector.shape_cast %reduce_sum3A_612 : vector<256xf32> to vector<1x256xf32>
    %add3A_614 = arith.addf %add3A_604, %broadcast_in_dim3A_613 : vector<1x256xf32>
    %slice3A_615 = vector.extract_strided_slice %transpose3A {offsets = [0, 6], sizes = [256, 1], strides = [1, 1]} : vector<256x8xf32> to vector<256x1xf32>
    %lt3A_616 = vector.broadcast %slice3A_615 : vector<256x1xf32> to vector<256x256xf32>
    %lt3A_617 = vector.broadcast %slice3A_552 : vector<1x256xf32> to vector<256x256xf32>
    %lt3A_618 = arith.cmpf olt, %lt3A_616, %lt3A_617 : vector<256x256xf32>
    %eq3A_619 = vector.broadcast %slice3A_615 : vector<256x1xf32> to vector<256x256xf32>
    %eq3A_620 = vector.broadcast %slice3A_552 : vector<1x256xf32> to vector<256x256xf32>
    %eq3A_621 = arith.cmpf oeq, %eq3A_619, %eq3A_620 : vector<256x256xf32>
    %and3A_622 = arith.andi %eq3A_621, %lt3A : vector<256x256xi1>
    %or3A_623 = arith.ori %lt3A_618, %and3A_622 : vector<256x256xi1>
    %convert_element_type3A_624 = arith.extui %or3A_623 : vector<256x256xi1> to vector<256x256xi32>
    %convert_element_type3A_625 = arith.sitofp %convert_element_type3A_624 : vector<256x256xi32> to vector<256x256xf32>
    %reduce_sum3A_626 = arith.constant dense<0.000000e+00> : vector<256xf32>
    %reduce_sum3A_627 = vector.multi_reduction <add>, %convert_element_type3A_625, %reduce_sum3A_626 [0] : vector<256x256xf32> to vector<256xf32>
    %broadcast_in_dim3A_628 = vector.shape_cast %reduce_sum3A_627 : vector<256xf32> to vector<1x256xf32>
    %add3A_629 = arith.addf %add3A_614, %broadcast_in_dim3A_628 : vector<1x256xf32>
    %slice3A_630 = vector.extract_strided_slice %transpose3A {offsets = [0, 7], sizes = [256, 1], strides = [1, 1]} : vector<256x8xf32> to vector<256x1xf32>
    %lt3A_631 = vector.broadcast %slice3A_630 : vector<256x1xf32> to vector<256x256xf32>
    %lt3A_632 = vector.broadcast %slice3A_552 : vector<1x256xf32> to vector<256x256xf32>
    %lt3A_633 = arith.cmpf olt, %lt3A_631, %lt3A_632 : vector<256x256xf32>
    %convert_element_type3A_634 = arith.extui %lt3A_633 : vector<256x256xi1> to vector<256x256xi32>
    %convert_element_type3A_635 = arith.sitofp %convert_element_type3A_634 : vector<256x256xi32> to vector<256x256xf32>
    %reduce_sum3A_636 = arith.constant dense<0.000000e+00> : vector<256xf32>
    %reduce_sum3A_637 = vector.multi_reduction <add>, %convert_element_type3A_635, %reduce_sum3A_636 [0] : vector<256x256xf32> to vector<256xf32>
    %broadcast_in_dim3A_638 = vector.shape_cast %reduce_sum3A_637 : vector<256xf32> to vector<1x256xf32>
    %add3A_639 = arith.addf %add3A_629, %broadcast_in_dim3A_638 : vector<1x256xf32>
    %slice3A_640 = vector.extract_strided_slice %get3A_18 {offsets = [0, 1792], sizes = [1, 256], strides = [1, 1]} : vector<1x2048xf32> to vector<1x256xf32>
    %broadcast_in_dim3A_641 = arith.constant 0.000000e+00 : f32
    %broadcast_in_dim3A_642 = vector.broadcast %broadcast_in_dim3A_641 : f32 to vector<1x256xf32>
    %slice3A_643 = vector.extract_strided_slice %transpose3A {offsets = [0, 0], sizes = [256, 1], strides = [1, 1]} : vector<256x8xf32> to vector<256x1xf32>
    %le3A_644 = vector.broadcast %slice3A_643 : vector<256x1xf32> to vector<256x256xf32>
    %le3A_645 = vector.broadcast %slice3A_640 : vector<1x256xf32> to vector<256x256xf32>
    %le3A_646 = arith.cmpf ole, %le3A_644, %le3A_645 : vector<256x256xf32>
    %convert_element_type3A_647 = arith.extui %le3A_646 : vector<256x256xi1> to vector<256x256xi32>
    %convert_element_type3A_648 = arith.sitofp %convert_element_type3A_647 : vector<256x256xi32> to vector<256x256xf32>
    %reduce_sum3A_649 = arith.constant dense<0.000000e+00> : vector<256xf32>
    %reduce_sum3A_650 = vector.multi_reduction <add>, %convert_element_type3A_648, %reduce_sum3A_649 [0] : vector<256x256xf32> to vector<256xf32>
    %broadcast_in_dim3A_651 = vector.shape_cast %reduce_sum3A_650 : vector<256xf32> to vector<1x256xf32>
    %add3A_652 = arith.addf %broadcast_in_dim3A_642, %broadcast_in_dim3A_651 : vector<1x256xf32>
    %slice3A_653 = vector.extract_strided_slice %transpose3A {offsets = [0, 1], sizes = [256, 1], strides = [1, 1]} : vector<256x8xf32> to vector<256x1xf32>
    %le3A_654 = vector.broadcast %slice3A_653 : vector<256x1xf32> to vector<256x256xf32>
    %le3A_655 = vector.broadcast %slice3A_640 : vector<1x256xf32> to vector<256x256xf32>
    %le3A_656 = arith.cmpf ole, %le3A_654, %le3A_655 : vector<256x256xf32>
    %convert_element_type3A_657 = arith.extui %le3A_656 : vector<256x256xi1> to vector<256x256xi32>
    %convert_element_type3A_658 = arith.sitofp %convert_element_type3A_657 : vector<256x256xi32> to vector<256x256xf32>
    %reduce_sum3A_659 = arith.constant dense<0.000000e+00> : vector<256xf32>
    %reduce_sum3A_660 = vector.multi_reduction <add>, %convert_element_type3A_658, %reduce_sum3A_659 [0] : vector<256x256xf32> to vector<256xf32>
    %broadcast_in_dim3A_661 = vector.shape_cast %reduce_sum3A_660 : vector<256xf32> to vector<1x256xf32>
    %add3A_662 = arith.addf %add3A_652, %broadcast_in_dim3A_661 : vector<1x256xf32>
    %slice3A_663 = vector.extract_strided_slice %transpose3A {offsets = [0, 2], sizes = [256, 1], strides = [1, 1]} : vector<256x8xf32> to vector<256x1xf32>
    %le3A_664 = vector.broadcast %slice3A_663 : vector<256x1xf32> to vector<256x256xf32>
    %le3A_665 = vector.broadcast %slice3A_640 : vector<1x256xf32> to vector<256x256xf32>
    %le3A_666 = arith.cmpf ole, %le3A_664, %le3A_665 : vector<256x256xf32>
    %convert_element_type3A_667 = arith.extui %le3A_666 : vector<256x256xi1> to vector<256x256xi32>
    %convert_element_type3A_668 = arith.sitofp %convert_element_type3A_667 : vector<256x256xi32> to vector<256x256xf32>
    %reduce_sum3A_669 = arith.constant dense<0.000000e+00> : vector<256xf32>
    %reduce_sum3A_670 = vector.multi_reduction <add>, %convert_element_type3A_668, %reduce_sum3A_669 [0] : vector<256x256xf32> to vector<256xf32>
    %broadcast_in_dim3A_671 = vector.shape_cast %reduce_sum3A_670 : vector<256xf32> to vector<1x256xf32>
    %add3A_672 = arith.addf %add3A_662, %broadcast_in_dim3A_671 : vector<1x256xf32>
    %slice3A_673 = vector.extract_strided_slice %transpose3A {offsets = [0, 3], sizes = [256, 1], strides = [1, 1]} : vector<256x8xf32> to vector<256x1xf32>
    %le3A_674 = vector.broadcast %slice3A_673 : vector<256x1xf32> to vector<256x256xf32>
    %le3A_675 = vector.broadcast %slice3A_640 : vector<1x256xf32> to vector<256x256xf32>
    %le3A_676 = arith.cmpf ole, %le3A_674, %le3A_675 : vector<256x256xf32>
    %convert_element_type3A_677 = arith.extui %le3A_676 : vector<256x256xi1> to vector<256x256xi32>
    %convert_element_type3A_678 = arith.sitofp %convert_element_type3A_677 : vector<256x256xi32> to vector<256x256xf32>
    %reduce_sum3A_679 = arith.constant dense<0.000000e+00> : vector<256xf32>
    %reduce_sum3A_680 = vector.multi_reduction <add>, %convert_element_type3A_678, %reduce_sum3A_679 [0] : vector<256x256xf32> to vector<256xf32>
    %broadcast_in_dim3A_681 = vector.shape_cast %reduce_sum3A_680 : vector<256xf32> to vector<1x256xf32>
    %add3A_682 = arith.addf %add3A_672, %broadcast_in_dim3A_681 : vector<1x256xf32>
    %slice3A_683 = vector.extract_strided_slice %transpose3A {offsets = [0, 4], sizes = [256, 1], strides = [1, 1]} : vector<256x8xf32> to vector<256x1xf32>
    %le3A_684 = vector.broadcast %slice3A_683 : vector<256x1xf32> to vector<256x256xf32>
    %le3A_685 = vector.broadcast %slice3A_640 : vector<1x256xf32> to vector<256x256xf32>
    %le3A_686 = arith.cmpf ole, %le3A_684, %le3A_685 : vector<256x256xf32>
    %convert_element_type3A_687 = arith.extui %le3A_686 : vector<256x256xi1> to vector<256x256xi32>
    %convert_element_type3A_688 = arith.sitofp %convert_element_type3A_687 : vector<256x256xi32> to vector<256x256xf32>
    %reduce_sum3A_689 = arith.constant dense<0.000000e+00> : vector<256xf32>
    %reduce_sum3A_690 = vector.multi_reduction <add>, %convert_element_type3A_688, %reduce_sum3A_689 [0] : vector<256x256xf32> to vector<256xf32>
    %broadcast_in_dim3A_691 = vector.shape_cast %reduce_sum3A_690 : vector<256xf32> to vector<1x256xf32>
    %add3A_692 = arith.addf %add3A_682, %broadcast_in_dim3A_691 : vector<1x256xf32>
    %slice3A_693 = vector.extract_strided_slice %transpose3A {offsets = [0, 5], sizes = [256, 1], strides = [1, 1]} : vector<256x8xf32> to vector<256x1xf32>
    %le3A_694 = vector.broadcast %slice3A_693 : vector<256x1xf32> to vector<256x256xf32>
    %le3A_695 = vector.broadcast %slice3A_640 : vector<1x256xf32> to vector<256x256xf32>
    %le3A_696 = arith.cmpf ole, %le3A_694, %le3A_695 : vector<256x256xf32>
    %convert_element_type3A_697 = arith.extui %le3A_696 : vector<256x256xi1> to vector<256x256xi32>
    %convert_element_type3A_698 = arith.sitofp %convert_element_type3A_697 : vector<256x256xi32> to vector<256x256xf32>
    %reduce_sum3A_699 = arith.constant dense<0.000000e+00> : vector<256xf32>
    %reduce_sum3A_700 = vector.multi_reduction <add>, %convert_element_type3A_698, %reduce_sum3A_699 [0] : vector<256x256xf32> to vector<256xf32>
    %broadcast_in_dim3A_701 = vector.shape_cast %reduce_sum3A_700 : vector<256xf32> to vector<1x256xf32>
    %add3A_702 = arith.addf %add3A_692, %broadcast_in_dim3A_701 : vector<1x256xf32>
    %slice3A_703 = vector.extract_strided_slice %transpose3A {offsets = [0, 6], sizes = [256, 1], strides = [1, 1]} : vector<256x8xf32> to vector<256x1xf32>
    %le3A_704 = vector.broadcast %slice3A_703 : vector<256x1xf32> to vector<256x256xf32>
    %le3A_705 = vector.broadcast %slice3A_640 : vector<1x256xf32> to vector<256x256xf32>
    %le3A_706 = arith.cmpf ole, %le3A_704, %le3A_705 : vector<256x256xf32>
    %convert_element_type3A_707 = arith.extui %le3A_706 : vector<256x256xi1> to vector<256x256xi32>
    %convert_element_type3A_708 = arith.sitofp %convert_element_type3A_707 : vector<256x256xi32> to vector<256x256xf32>
    %reduce_sum3A_709 = arith.constant dense<0.000000e+00> : vector<256xf32>
    %reduce_sum3A_710 = vector.multi_reduction <add>, %convert_element_type3A_708, %reduce_sum3A_709 [0] : vector<256x256xf32> to vector<256xf32>
    %broadcast_in_dim3A_711 = vector.shape_cast %reduce_sum3A_710 : vector<256xf32> to vector<1x256xf32>
    %add3A_712 = arith.addf %add3A_702, %broadcast_in_dim3A_711 : vector<1x256xf32>
    %slice3A_713 = vector.extract_strided_slice %transpose3A {offsets = [0, 7], sizes = [256, 1], strides = [1, 1]} : vector<256x8xf32> to vector<256x1xf32>
    %lt3A_714 = vector.broadcast %slice3A_713 : vector<256x1xf32> to vector<256x256xf32>
    %lt3A_715 = vector.broadcast %slice3A_640 : vector<1x256xf32> to vector<256x256xf32>
    %lt3A_716 = arith.cmpf olt, %lt3A_714, %lt3A_715 : vector<256x256xf32>
    %eq3A_717 = vector.broadcast %slice3A_713 : vector<256x1xf32> to vector<256x256xf32>
    %eq3A_718 = vector.broadcast %slice3A_640 : vector<1x256xf32> to vector<256x256xf32>
    %eq3A_719 = arith.cmpf oeq, %eq3A_717, %eq3A_718 : vector<256x256xf32>
    %and3A_720 = arith.andi %eq3A_719, %lt3A : vector<256x256xi1>
    %or3A_721 = arith.ori %lt3A_716, %and3A_720 : vector<256x256xi1>
    %convert_element_type3A_722 = arith.extui %or3A_721 : vector<256x256xi1> to vector<256x256xi32>
    %convert_element_type3A_723 = arith.sitofp %convert_element_type3A_722 : vector<256x256xi32> to vector<256x256xf32>
    %reduce_sum3A_724 = arith.constant dense<0.000000e+00> : vector<256xf32>
    %reduce_sum3A_725 = vector.multi_reduction <add>, %convert_element_type3A_723, %reduce_sum3A_724 [0] : vector<256x256xf32> to vector<256xf32>
    %broadcast_in_dim3A_726 = vector.shape_cast %reduce_sum3A_725 : vector<256xf32> to vector<1x256xf32>
    %add3A_727 = arith.addf %add3A_712, %broadcast_in_dim3A_726 : vector<1x256xf32>
    %concatenate3A_728 = tpu.concatenate %add3A_112, %add3A_199, %add3A_287, %add3A_375, %add3A_463, %add3A_551, %add3A_639, %add3A_727 in 1 : vector<1x256xf32>, vector<1x256xf32>, vector<1x256xf32>, vector<1x256xf32>, vector<1x256xf32>, vector<1x256xf32>, vector<1x256xf32>, vector<1x256xf32> -> vector<1x2048xf32>
    %convert_element_type3A_729 = arith.fptosi %concatenate3A_728 : vector<1x2048xf32> to vector<1x2048xi32>
    %jit3A = arith.constant 2 : i32
    %eq3A_730 = arith.constant 0 : i32
    %eq3A_731 = arith.cmpi eq, %jit3A, %eq3A_730 : i32
    %jit3A_732 = arith.constant 1 : i32
    %select_n3A = arith.select %eq3A_731, %jit3A_732, %jit3A : i32
    %rem3A = arith.remsi %arg0, %select_n3A : i32
    %ne3A = arith.constant 0 : i32
    %ne3A_733 = arith.cmpi ne, %rem3A, %ne3A : i32
    %lt3A_734 = arith.constant 0 : i32
    %lt3A_735 = arith.cmpi slt, %rem3A, %lt3A_734 : i32
    %lt3A_736 = arith.constant 0 : i32
    %lt3A_737 = arith.cmpi slt, %select_n3A, %lt3A_736 : i32
    %ne3A_738 = arith.xori %lt3A_735, %lt3A_737 : i1
    %and3A_739 = arith.andi %ne3A_738, %ne3A_733 : i1
    %add3A_740 = arith.addi %rem3A, %select_n3A : i32
    %select_n3A_741 = arith.select %and3A_739, %add3A_740, %rem3A : i32
    %mul3A_742 = arith.constant 2048 : i32
    %mul3A_743 = arith.muli %select_n3A_741, %mul3A_742 : i32
    %add3A_744 = vector.broadcast %mul3A_743 : i32 to vector<1x2048xi32>
    %add3A_745 = arith.addi %convert_element_type3A_729, %add3A_744 : vector<1x2048xi32>
    %swap3A = arith.constant 0 : index
    %swap3A_746 = arith.constant 0 : index
    %swap3A_747 = arith.constant 0 : index
    %swap3A_748 = vector.load %arg3[%swap3A, %swap3A_746, %swap3A_747] : memref<1x1x2048xi32, #tpu.memory_space<vmem>>, vector<1x1x2048xi32>
    %swap3A_749 = vector.shape_cast %swap3A_748 : vector<1x1x2048xi32> to vector<1x2048xi32>
    %swap3A_750 = vector.shape_cast %add3A_745 : vector<1x2048xi32> to vector<1x1x2048xi32>
    tpu.vector_store %arg3[%swap3A, %swap3A_746, %swap3A_747], %swap3A_750 {strides = array<i32>} : memref<1x1x2048xi32, #tpu.memory_space<vmem>>, vector<1x1x2048xi32>,
    return
  }
  func.func @transform_0(%arg0: i32) -> (i32, i32, i32) {
    %c0_i32 = arith.constant 0 : i32
    %c0_i32_0 = arith.constant 0 : i32
    %c0_i32_1 = arith.constant 0 : i32
    return %arg0, %c0_i32, %c0_i32_0 : i32, i32, i32
  }
  func.func @transform_1(%arg0: i32) -> (i32, i32) {
    %c0_i32 = arith.constant 0 : i32
    %c0_i32_0 = arith.constant 0 : i32
    return %arg0, %c0_i32 : i32, i32
  }
  func.func @transform_2(%arg0: i32) -> (i32, i32, i32) {
    %c0_i32 = arith.constant 0 : i32
    %c0_i32_0 = arith.constant 0 : i32
    %c0_i32_1 = arith.constant 0 : i32
    return %arg0, %c0_i32, %c0_i32_0 : i32, i32, i32
  }
  func.func @transform_3(%arg0: i32) -> (i32, i32) {
    %c0_i32 = arith.constant 0 : i32
    %c0_i32_0 = arith.constant 0 : i32
    %c0_i32_1 = arith.constant 0 : i32
    return %c0_i32, %c0_i32_0 : i32, i32
  }
}

module attributes {stable_mosaic.version = 14 : i64} {
  func.func @_block_body(%arg0: i32, %arg1: memref<8x384xf32, #tpu.memory_space<vmem>>, %arg2: memref<8x384xf32, #tpu.memory_space<vmem>>, %arg3: memref<512x384xf32, #tpu.memory_space<vmem>>, %arg4: memref<1x1152x384xf32, #tpu.memory_space<vmem>>, %arg5: memref<1x384x384xf32, #tpu.memory_space<vmem>>, %arg6: memref<1x1536x384xf32, #tpu.memory_space<vmem>>, %arg7: memref<1x384x1536xf32, #tpu.memory_space<vmem>>, %arg8: memref<512x384xf32, #tpu.memory_space<vmem>>, %arg9: memref<8x384xf32, #tpu.memory_space<vmem>>, %arg10: memref<4096x384xf32, #tpu.memory_space<vmem>>, %arg11: memref<8x384xf32, #tpu.memory_space<vmem>>, %arg12: memref<1152x384xbf16, #tpu.memory_space<vmem>>, %arg13: memref<384x384xbf16, #tpu.memory_space<vmem>>, %arg14: memref<1536x384xbf16, #tpu.memory_space<vmem>>, %arg15: memref<384x1536xbf16, #tpu.memory_space<vmem>>) attributes {dimension_semantics = [#tpu.dimension_semantics<arbitrary>], iteration_bounds = array<i64: 16>, scalar_prefetch = 0 : i64, scratch_operands = 6 : i64, tpu.core_type = #tpu.core_type<tc>, window_params = [{pipeline_mode = #tpu.pipeline_mode<synchronous>, transform_indices = @transform_0, window_bounds = array<i64: 8, 384>}, {pipeline_mode = #tpu.pipeline_mode<synchronous>, transform_indices = @transform_1, window_bounds = array<i64: 8, 384>}, {transform_indices = @transform_2, window_bounds = array<i64: 512, 384>}, {transform_indices = @transform_3, window_bounds = array<i64: 1, 1152, 384>}, {transform_indices = @transform_4, window_bounds = array<i64: 1, 384, 384>}, {transform_indices = @transform_5, window_bounds = array<i64: 1, 1536, 384>}, {transform_indices = @transform_6, window_bounds = array<i64: 1, 384, 1536>}, {transform_indices = @transform_7, window_bounds = array<i64: 512, 384>}, {pipeline_mode = #tpu.pipeline_mode<synchronous>, transform_indices = @transform_8, window_bounds = array<i64: 8, 384>}]} {
    %lt3A = arith.constant 8 : i32
    %lt3A_0 = arith.cmpi slt, %arg0, %lt3A : i32
    %eq3A = arith.constant 0 : i32
    %eq3A_1 = arith.cmpi eq, %arg0, %eq3A : i32
    %and3A = arith.andi %lt3A_0, %eq3A_1 : i1
    %convert_element_type3A = arith.extui %and3A : i1 to i32
    %cond3A = arith.constant 0 : i32
    %cond3A_2 = arith.cmpi ne, %convert_element_type3A, %cond3A : i32
    scf.if %cond3A_2 {
      %get3A = arith.constant 0 : index
      %get3A_10 = arith.constant 0 : index
      %get3A_11 = arith.constant 0 : index
      %get3A_12 = vector.load %arg4[%get3A, %get3A_10, %get3A_11] : memref<1x1152x384xf32, #tpu.memory_space<vmem>>, vector<1x1152x384xf32>
      %get3A_13 = vector.shape_cast %get3A_12 : vector<1x1152x384xf32> to vector<1152x384xf32>
      %iota3A = tpu.iota {dimensions = array<i32: 0>} : vector<1152x384xi32>
      %lt3A_14 = arith.constant 384 : i32
      %lt3A_15 = vector.broadcast %lt3A_14 : i32 to vector<1152x384xi32>
      %lt3A_16 = arith.cmpi slt, %iota3A, %lt3A_15 : vector<1152x384xi32>
      %mul3A = arith.constant 0.176776692 : f32
      %mul3A_17 = vector.broadcast %mul3A : f32 to vector<1152x384xf32>
      %mul3A_18 = arith.mulf %get3A_13, %mul3A_17 : vector<1152x384xf32>
      %select_n3A = arith.select %lt3A_16, %mul3A_18, %get3A_13 : vector<1152x384xi1>, vector<1152x384xf32>
      %convert_element_type3A_19 = arith.truncf %select_n3A : vector<1152x384xf32> to vector<1152x384xbf16>
      %swap3A = arith.constant 0 : index
      %swap3A_20 = arith.constant 0 : index
      %swap3A_21 = vector.load %arg12[%swap3A, %swap3A_20] : memref<1152x384xbf16, #tpu.memory_space<vmem>>, vector<1152x384xbf16>
      tpu.vector_store %arg12[%swap3A, %swap3A_20], %convert_element_type3A_19 {strides = array<i32>} : memref<1152x384xbf16, #tpu.memory_space<vmem>>, vector<1152x384xbf16>,
      %get3A_22 = arith.constant 0 : index
      %get3A_23 = arith.constant 0 : index
      %get3A_24 = arith.constant 0 : index
      %get3A_25 = vector.load %arg5[%get3A_22, %get3A_23, %get3A_24] : memref<1x384x384xf32, #tpu.memory_space<vmem>>, vector<1x384x384xf32>
      %get3A_26 = vector.shape_cast %get3A_25 : vector<1x384x384xf32> to vector<384x384xf32>
      %convert_element_type3A_27 = arith.truncf %get3A_26 : vector<384x384xf32> to vector<384x384xbf16>
      %swap3A_28 = arith.constant 0 : index
      %swap3A_29 = arith.constant 0 : index
      %swap3A_30 = vector.load %arg13[%swap3A_28, %swap3A_29] : memref<384x384xbf16, #tpu.memory_space<vmem>>, vector<384x384xbf16>
      tpu.vector_store %arg13[%swap3A_28, %swap3A_29], %convert_element_type3A_27 {strides = array<i32>} : memref<384x384xbf16, #tpu.memory_space<vmem>>, vector<384x384xbf16>,
      %get3A_31 = arith.constant 0 : index
      %get3A_32 = arith.constant 0 : index
      %get3A_33 = arith.constant 0 : index
      %get3A_34 = vector.load %arg6[%get3A_31, %get3A_32, %get3A_33] : memref<1x1536x384xf32, #tpu.memory_space<vmem>>, vector<1x1536x384xf32>
      %get3A_35 = vector.shape_cast %get3A_34 : vector<1x1536x384xf32> to vector<1536x384xf32>
      %convert_element_type3A_36 = arith.truncf %get3A_35 : vector<1536x384xf32> to vector<1536x384xbf16>
      %swap3A_37 = arith.constant 0 : index
      %swap3A_38 = arith.constant 0 : index
      %swap3A_39 = vector.load %arg14[%swap3A_37, %swap3A_38] : memref<1536x384xbf16, #tpu.memory_space<vmem>>, vector<1536x384xbf16>
      tpu.vector_store %arg14[%swap3A_37, %swap3A_38], %convert_element_type3A_36 {strides = array<i32>} : memref<1536x384xbf16, #tpu.memory_space<vmem>>, vector<1536x384xbf16>,
      %get3A_40 = arith.constant 0 : index
      %get3A_41 = arith.constant 0 : index
      %get3A_42 = arith.constant 0 : index
      %get3A_43 = vector.load %arg7[%get3A_40, %get3A_41, %get3A_42] : memref<1x384x1536xf32, #tpu.memory_space<vmem>>, vector<1x384x1536xf32>
      %get3A_44 = vector.shape_cast %get3A_43 : vector<1x384x1536xf32> to vector<384x1536xf32>
      %convert_element_type3A_45 = arith.truncf %get3A_44 : vector<384x1536xf32> to vector<384x1536xbf16>
      %swap3A_46 = arith.constant 0 : index
      %swap3A_47 = arith.constant 0 : index
      %swap3A_48 = vector.load %arg15[%swap3A_46, %swap3A_47] : memref<384x1536xbf16, #tpu.memory_space<vmem>>, vector<384x1536xbf16>
      tpu.vector_store %arg15[%swap3A_46, %swap3A_47], %convert_element_type3A_45 {strides = array<i32>} : memref<384x1536xbf16, #tpu.memory_space<vmem>>, vector<384x1536xbf16>,
    } else {
    }
    %convert_element_type3A_3 = arith.extui %lt3A_0 : i1 to i32
    %cond3A_4 = arith.constant 0 : i32
    %cond3A_5 = arith.cmpi ne, %convert_element_type3A_3, %cond3A_4 : i32
    scf.if %cond3A_5 {
      %get3A = arith.constant 0 : index
      %get3A_10 = arith.constant 0 : index
      %get3A_11 = vector.load %arg3[%get3A, %get3A_10] : memref<512x384xf32, #tpu.memory_space<vmem>>, vector<512x384xf32>
      %get3A_12 = arith.constant 0 : index
      %get3A_13 = arith.constant 0 : index
      %get3A_14 = vector.load %arg1[%get3A_12, %get3A_13] : memref<8x384xf32, #tpu.memory_space<vmem>>, vector<8x384xf32>
      %slice3A = vector.extract_strided_slice %get3A_14 {offsets = [0, 0], sizes = [1, 384], strides = [1, 1]} : vector<8x384xf32> to vector<1x384xf32>
      %mul3A = arith.constant 2.44140625E-4 : f32
      %mul3A_15 = vector.broadcast %mul3A : f32 to vector<1x384xf32>
      %mul3A_16 = arith.mulf %slice3A, %mul3A_15 : vector<1x384xf32>
      %slice3A_17 = vector.extract_strided_slice %get3A_14 {offsets = [1, 0], sizes = [1, 384], strides = [1, 1]} : vector<8x384xf32> to vector<1x384xf32>
      %mul3A_18 = arith.constant 2.44140625E-4 : f32
      %mul3A_19 = vector.broadcast %mul3A_18 : f32 to vector<1x384xf32>
      %mul3A_20 = arith.mulf %slice3A_17, %mul3A_19 : vector<1x384xf32>
      %mul3A_21 = arith.mulf %mul3A_16, %mul3A_16 : vector<1x384xf32>
      %sub3A = arith.subf %mul3A_20, %mul3A_21 : vector<1x384xf32>
      %get3A_22 = arith.constant 0 : index
      %get3A_23 = arith.constant 0 : index
      %get3A_24 = vector.load %arg2[%get3A_22, %get3A_23] : memref<8x384xf32, #tpu.memory_space<vmem>>, vector<1x384xf32>
      %add3A = arith.constant 9.99999974E-6 : f32
      %add3A_25 = vector.broadcast %add3A : f32 to vector<1x384xf32>
      %add3A_26 = arith.addf %sub3A, %add3A_25 : vector<1x384xf32>
      %rsqrt3A = math.rsqrt %add3A_26 : vector<1x384xf32>
      %mul3A_27 = arith.mulf %get3A_24, %rsqrt3A : vector<1x384xf32>
      %get3A_28 = arith.constant 1 : index
      %get3A_29 = arith.constant 0 : index
      %get3A_30 = vector.load %arg2[%get3A_28, %get3A_29] : memref<8x384xf32, #tpu.memory_space<vmem>>, vector<1x384xf32>
      %mul3A_31 = arith.mulf %mul3A_16, %mul3A_27 : vector<1x384xf32>
      %sub3A_32 = arith.subf %get3A_30, %mul3A_31 : vector<1x384xf32>
      %iota3A = tpu.iota {dimensions = array<i32: 1>} : vector<1x128xi32>
      %broadcast_in_dim3A = arith.constant 0.000000e+00 : f32
      %broadcast_in_dim3A_33 = vector.broadcast %broadcast_in_dim3A : f32 to vector<8x384xf32>
      %slice3A_34 = vector.extract_strided_slice %get3A_11 {offsets = [0, 0], sizes = [256, 384], strides = [1, 1]} : vector<512x384xf32> to vector<256x384xf32>
      %mul3A_35 = vector.broadcast %mul3A_27 : vector<1x384xf32> to vector<256x384xf32>
      %mul3A_36 = arith.mulf %slice3A_34, %mul3A_35 : vector<256x384xf32>
      %add3A_37 = vector.broadcast %sub3A_32 : vector<1x384xf32> to vector<256x384xf32>
      %add3A_38 = arith.addf %mul3A_36, %add3A_37 : vector<256x384xf32>
      %convert_element_type3A_39 = arith.truncf %add3A_38 : vector<256x384xf32> to vector<256x384xbf16>
      %get3A_40 = arith.constant 0 : index
      %get3A_41 = arith.constant 0 : index
      %get3A_42 = vector.load %arg12[%get3A_40, %get3A_41] : memref<1152x384xbf16, #tpu.memory_space<vmem>>, vector<1152x384xbf16>
      %dot_general3A = arith.constant dense<0.000000e+00> : vector<256x1152xf32>
      %dot_general3A_43 = tpu.matmul %convert_element_type3A_39, %get3A_42, %dot_general3A {dimension_numbers = #tpu.dot_dimension_numbers<[1], [1], [0], [0], [0, 0, 1, 0], [], []>, transpose_lhs_hint = false} : vector<256x384xbf16>, vector<1152x384xbf16>, vector<256x1152xf32> -> vector<256x1152xf32>
      %convert_element_type3A_44 = arith.truncf %dot_general3A_43 : vector<256x1152xf32> to vector<256x1152xbf16>
      %slice3A_45 = vector.extract_strided_slice %convert_element_type3A_44 {offsets = [0, 0], sizes = [256, 128], strides = [1, 1]} : vector<256x1152xbf16> to vector<256x128xbf16>
      %slice3A_46 = vector.extract_strided_slice %convert_element_type3A_44 {offsets = [0, 384], sizes = [256, 128], strides = [1, 1]} : vector<256x1152xbf16> to vector<256x128xbf16>
      %slice3A_47 = vector.extract_strided_slice %convert_element_type3A_44 {offsets = [0, 768], sizes = [256, 128], strides = [1, 1]} : vector<256x1152xbf16> to vector<256x128xbf16>
      %ge3A = arith.constant 0 : i32
      %ge3A_48 = vector.broadcast %ge3A : i32 to vector<1x128xi32>
      %ge3A_49 = arith.cmpi sge, %iota3A, %ge3A_48 : vector<1x128xi32>
      %lt3A_50 = arith.constant 32 : i32
      %lt3A_51 = vector.broadcast %lt3A_50 : i32 to vector<1x128xi32>
      %lt3A_52 = arith.cmpi slt, %iota3A, %lt3A_51 : vector<1x128xi32>
      %and3A_53 = arith.andi %ge3A_49, %lt3A_52 : vector<1x128xi1>
      %jit3A = arith.constant 0 : i32
      %convert_element_type3A_54 = arith.sitofp %jit3A : i32 to bf16
      %broadcast_in_dim3A_55 = vector.shape_cast %and3A_53 : vector<1x128xi1> to vector<1x128xi1>
      %broadcast_in_dim3A_56 = vector.broadcast %broadcast_in_dim3A_55 : vector<1x128xi1> to vector<256x128xi1>
      %broadcast_in_dim3A_57 = vector.broadcast %convert_element_type3A_54 : bf16 to vector<256x128xbf16>
      %select_n3A = arith.select %broadcast_in_dim3A_56, %slice3A_46, %broadcast_in_dim3A_57 : vector<256x128xi1>, vector<256x128xbf16>
      %ge3A_58 = arith.constant 32 : i32
      %ge3A_59 = vector.broadcast %ge3A_58 : i32 to vector<1x128xi32>
      %ge3A_60 = arith.cmpi sge, %iota3A, %ge3A_59 : vector<1x128xi32>
      %lt3A_61 = arith.constant 64 : i32
      %lt3A_62 = vector.broadcast %lt3A_61 : i32 to vector<1x128xi32>
      %lt3A_63 = arith.cmpi slt, %iota3A, %lt3A_62 : vector<1x128xi32>
      %and3A_64 = arith.andi %ge3A_60, %lt3A_63 : vector<1x128xi1>
      %jit3A_65 = arith.constant 0 : i32
      %convert_element_type3A_66 = arith.sitofp %jit3A_65 : i32 to bf16
      %broadcast_in_dim3A_67 = vector.shape_cast %and3A_64 : vector<1x128xi1> to vector<1x128xi1>
      %broadcast_in_dim3A_68 = vector.broadcast %broadcast_in_dim3A_67 : vector<1x128xi1> to vector<256x128xi1>
      %broadcast_in_dim3A_69 = vector.broadcast %convert_element_type3A_66 : bf16 to vector<256x128xbf16>
      %select_n3A_70 = arith.select %broadcast_in_dim3A_68, %slice3A_46, %broadcast_in_dim3A_69 : vector<256x128xi1>, vector<256x128xbf16>
      %ge3A_71 = arith.constant 64 : i32
      %ge3A_72 = vector.broadcast %ge3A_71 : i32 to vector<1x128xi32>
      %ge3A_73 = arith.cmpi sge, %iota3A, %ge3A_72 : vector<1x128xi32>
      %lt3A_74 = arith.constant 96 : i32
      %lt3A_75 = vector.broadcast %lt3A_74 : i32 to vector<1x128xi32>
      %lt3A_76 = arith.cmpi slt, %iota3A, %lt3A_75 : vector<1x128xi32>
      %and3A_77 = arith.andi %ge3A_73, %lt3A_76 : vector<1x128xi1>
      %jit3A_78 = arith.constant 0 : i32
      %convert_element_type3A_79 = arith.sitofp %jit3A_78 : i32 to bf16
      %broadcast_in_dim3A_80 = vector.shape_cast %and3A_77 : vector<1x128xi1> to vector<1x128xi1>
      %broadcast_in_dim3A_81 = vector.broadcast %broadcast_in_dim3A_80 : vector<1x128xi1> to vector<256x128xi1>
      %broadcast_in_dim3A_82 = vector.broadcast %convert_element_type3A_79 : bf16 to vector<256x128xbf16>
      %select_n3A_83 = arith.select %broadcast_in_dim3A_81, %slice3A_46, %broadcast_in_dim3A_82 : vector<256x128xi1>, vector<256x128xbf16>
      %ge3A_84 = arith.constant 96 : i32
      %ge3A_85 = vector.broadcast %ge3A_84 : i32 to vector<1x128xi32>
      %ge3A_86 = arith.cmpi sge, %iota3A, %ge3A_85 : vector<1x128xi32>
      %lt3A_87 = arith.constant 128 : i32
      %lt3A_88 = vector.broadcast %lt3A_87 : i32 to vector<1x128xi32>
      %lt3A_89 = arith.cmpi slt, %iota3A, %lt3A_88 : vector<1x128xi32>
      %and3A_90 = arith.andi %ge3A_86, %lt3A_89 : vector<1x128xi1>
      %jit3A_91 = arith.constant 0 : i32
      %convert_element_type3A_92 = arith.sitofp %jit3A_91 : i32 to bf16
      %broadcast_in_dim3A_93 = vector.shape_cast %and3A_90 : vector<1x128xi1> to vector<1x128xi1>
      %broadcast_in_dim3A_94 = vector.broadcast %broadcast_in_dim3A_93 : vector<1x128xi1> to vector<256x128xi1>
      %broadcast_in_dim3A_95 = vector.broadcast %convert_element_type3A_92 : bf16 to vector<256x128xbf16>
      %select_n3A_96 = arith.select %broadcast_in_dim3A_94, %slice3A_46, %broadcast_in_dim3A_95 : vector<256x128xi1>, vector<256x128xbf16>
      %concatenate3A = tpu.concatenate %select_n3A, %select_n3A_70, %select_n3A_83, %select_n3A_96 in 0 : vector<256x128xbf16>, vector<256x128xbf16>, vector<256x128xbf16>, vector<256x128xbf16> -> vector<1024x128xbf16>
      %dot_general3A_97 = arith.constant dense<0.000000e+00> : vector<256x1024xf32>
      %dot_general3A_98 = tpu.matmul %slice3A_45, %concatenate3A, %dot_general3A_97 {dimension_numbers = #tpu.dot_dimension_numbers<[1], [1], [0], [0], [0, 0, 1, 0], [], []>, transpose_lhs_hint = false} : vector<256x128xbf16>, vector<1024x128xbf16>, vector<256x1024xf32> -> vector<256x1024xf32>
      %exp3A = math.exp %dot_general3A_98 : vector<256x1024xf32>
      %slice3A_99 = vector.extract_strided_slice %exp3A {offsets = [0, 0], sizes = [256, 256], strides = [1, 1]} : vector<256x1024xf32> to vector<256x256xf32>
      %slice3A_100 = vector.extract_strided_slice %exp3A {offsets = [0, 0], sizes = [256, 256], strides = [1, 1]} : vector<256x1024xf32> to vector<256x256xf32>
      %reduce_sum3A = arith.constant dense<0.000000e+00> : vector<256xf32>
      %reduce_sum3A_101 = vector.multi_reduction <add>, %slice3A_100, %reduce_sum3A [1] : vector<256x256xf32> to vector<256xf32>
      %broadcast_in_dim3A_102 = vector.shape_cast %reduce_sum3A_101 : vector<256xf32> to vector<256x1xf32>
      %div3A = vector.broadcast %broadcast_in_dim3A_102 : vector<256x1xf32> to vector<256x256xf32>
      %div3A_103 = arith.divf %slice3A_99, %div3A : vector<256x256xf32>
      %slice3A_104 = vector.extract_strided_slice %exp3A {offsets = [0, 256], sizes = [256, 256], strides = [1, 1]} : vector<256x1024xf32> to vector<256x256xf32>
      %slice3A_105 = vector.extract_strided_slice %exp3A {offsets = [0, 256], sizes = [256, 256], strides = [1, 1]} : vector<256x1024xf32> to vector<256x256xf32>
      %reduce_sum3A_106 = arith.constant dense<0.000000e+00> : vector<256xf32>
      %reduce_sum3A_107 = vector.multi_reduction <add>, %slice3A_105, %reduce_sum3A_106 [1] : vector<256x256xf32> to vector<256xf32>
      %broadcast_in_dim3A_108 = vector.shape_cast %reduce_sum3A_107 : vector<256xf32> to vector<256x1xf32>
      %div3A_109 = vector.broadcast %broadcast_in_dim3A_108 : vector<256x1xf32> to vector<256x256xf32>
      %div3A_110 = arith.divf %slice3A_104, %div3A_109 : vector<256x256xf32>
      %slice3A_111 = vector.extract_strided_slice %exp3A {offsets = [0, 512], sizes = [256, 256], strides = [1, 1]} : vector<256x1024xf32> to vector<256x256xf32>
      %slice3A_112 = vector.extract_strided_slice %exp3A {offsets = [0, 512], sizes = [256, 256], strides = [1, 1]} : vector<256x1024xf32> to vector<256x256xf32>
      %reduce_sum3A_113 = arith.constant dense<0.000000e+00> : vector<256xf32>
      %reduce_sum3A_114 = vector.multi_reduction <add>, %slice3A_112, %reduce_sum3A_113 [1] : vector<256x256xf32> to vector<256xf32>
      %broadcast_in_dim3A_115 = vector.shape_cast %reduce_sum3A_114 : vector<256xf32> to vector<256x1xf32>
      %div3A_116 = vector.broadcast %broadcast_in_dim3A_115 : vector<256x1xf32> to vector<256x256xf32>
      %div3A_117 = arith.divf %slice3A_111, %div3A_116 : vector<256x256xf32>
      %slice3A_118 = vector.extract_strided_slice %exp3A {offsets = [0, 768], sizes = [256, 256], strides = [1, 1]} : vector<256x1024xf32> to vector<256x256xf32>
      %slice3A_119 = vector.extract_strided_slice %exp3A {offsets = [0, 768], sizes = [256, 256], strides = [1, 1]} : vector<256x1024xf32> to vector<256x256xf32>
      %reduce_sum3A_120 = arith.constant dense<0.000000e+00> : vector<256xf32>
      %reduce_sum3A_121 = vector.multi_reduction <add>, %slice3A_119, %reduce_sum3A_120 [1] : vector<256x256xf32> to vector<256xf32>
      %broadcast_in_dim3A_122 = vector.shape_cast %reduce_sum3A_121 : vector<256xf32> to vector<256x1xf32>
      %div3A_123 = vector.broadcast %broadcast_in_dim3A_122 : vector<256x1xf32> to vector<256x256xf32>
      %div3A_124 = arith.divf %slice3A_118, %div3A_123 : vector<256x256xf32>
      %concatenate3A_125 = tpu.concatenate %div3A_103, %div3A_110, %div3A_117, %div3A_124 in 1 : vector<256x256xf32>, vector<256x256xf32>, vector<256x256xf32>, vector<256x256xf32> -> vector<256x1024xf32>
      %convert_element_type3A_126 = arith.truncf %concatenate3A_125 : vector<256x1024xf32> to vector<256x1024xbf16>
      %ge3A_127 = arith.constant 0 : i32
      %ge3A_128 = vector.broadcast %ge3A_127 : i32 to vector<1x128xi32>
      %ge3A_129 = arith.cmpi sge, %iota3A, %ge3A_128 : vector<1x128xi32>
      %lt3A_130 = arith.constant 32 : i32
      %lt3A_131 = vector.broadcast %lt3A_130 : i32 to vector<1x128xi32>
      %lt3A_132 = arith.cmpi slt, %iota3A, %lt3A_131 : vector<1x128xi32>
      %and3A_133 = arith.andi %ge3A_129, %lt3A_132 : vector<1x128xi1>
      %jit3A_134 = arith.constant 0 : i32
      %convert_element_type3A_135 = arith.sitofp %jit3A_134 : i32 to bf16
      %broadcast_in_dim3A_136 = vector.shape_cast %and3A_133 : vector<1x128xi1> to vector<1x128xi1>
      %broadcast_in_dim3A_137 = vector.broadcast %broadcast_in_dim3A_136 : vector<1x128xi1> to vector<256x128xi1>
      %broadcast_in_dim3A_138 = vector.broadcast %convert_element_type3A_135 : bf16 to vector<256x128xbf16>
      %select_n3A_139 = arith.select %broadcast_in_dim3A_137, %slice3A_47, %broadcast_in_dim3A_138 : vector<256x128xi1>, vector<256x128xbf16>
      %ge3A_140 = arith.constant 32 : i32
      %ge3A_141 = vector.broadcast %ge3A_140 : i32 to vector<1x128xi32>
      %ge3A_142 = arith.cmpi sge, %iota3A, %ge3A_141 : vector<1x128xi32>
      %lt3A_143 = arith.constant 64 : i32
      %lt3A_144 = vector.broadcast %lt3A_143 : i32 to vector<1x128xi32>
      %lt3A_145 = arith.cmpi slt, %iota3A, %lt3A_144 : vector<1x128xi32>
      %and3A_146 = arith.andi %ge3A_142, %lt3A_145 : vector<1x128xi1>
      %jit3A_147 = arith.constant 0 : i32
      %convert_element_type3A_148 = arith.sitofp %jit3A_147 : i32 to bf16
      %broadcast_in_dim3A_149 = vector.shape_cast %and3A_146 : vector<1x128xi1> to vector<1x128xi1>
      %broadcast_in_dim3A_150 = vector.broadcast %broadcast_in_dim3A_149 : vector<1x128xi1> to vector<256x128xi1>
      %broadcast_in_dim3A_151 = vector.broadcast %convert_element_type3A_148 : bf16 to vector<256x128xbf16>
      %select_n3A_152 = arith.select %broadcast_in_dim3A_150, %slice3A_47, %broadcast_in_dim3A_151 : vector<256x128xi1>, vector<256x128xbf16>
      %ge3A_153 = arith.constant 64 : i32
      %ge3A_154 = vector.broadcast %ge3A_153 : i32 to vector<1x128xi32>
      %ge3A_155 = arith.cmpi sge, %iota3A, %ge3A_154 : vector<1x128xi32>
      %lt3A_156 = arith.constant 96 : i32
      %lt3A_157 = vector.broadcast %lt3A_156 : i32 to vector<1x128xi32>
      %lt3A_158 = arith.cmpi slt, %iota3A, %lt3A_157 : vector<1x128xi32>
      %and3A_159 = arith.andi %ge3A_155, %lt3A_158 : vector<1x128xi1>
      %jit3A_160 = arith.constant 0 : i32
      %convert_element_type3A_161 = arith.sitofp %jit3A_160 : i32 to bf16
      %broadcast_in_dim3A_162 = vector.shape_cast %and3A_159 : vector<1x128xi1> to vector<1x128xi1>
      %broadcast_in_dim3A_163 = vector.broadcast %broadcast_in_dim3A_162 : vector<1x128xi1> to vector<256x128xi1>
      %broadcast_in_dim3A_164 = vector.broadcast %convert_element_type3A_161 : bf16 to vector<256x128xbf16>
      %select_n3A_165 = arith.select %broadcast_in_dim3A_163, %slice3A_47, %broadcast_in_dim3A_164 : vector<256x128xi1>, vector<256x128xbf16>
      %ge3A_166 = arith.constant 96 : i32
      %ge3A_167 = vector.broadcast %ge3A_166 : i32 to vector<1x128xi32>
      %ge3A_168 = arith.cmpi sge, %iota3A, %ge3A_167 : vector<1x128xi32>
      %lt3A_169 = arith.constant 128 : i32
      %lt3A_170 = vector.broadcast %lt3A_169 : i32 to vector<1x128xi32>
      %lt3A_171 = arith.cmpi slt, %iota3A, %lt3A_170 : vector<1x128xi32>
      %and3A_172 = arith.andi %ge3A_168, %lt3A_171 : vector<1x128xi1>
      %jit3A_173 = arith.constant 0 : i32
      %convert_element_type3A_174 = arith.sitofp %jit3A_173 : i32 to bf16
      %broadcast_in_dim3A_175 = vector.shape_cast %and3A_172 : vector<1x128xi1> to vector<1x128xi1>
      %broadcast_in_dim3A_176 = vector.broadcast %broadcast_in_dim3A_175 : vector<1x128xi1> to vector<256x128xi1>
      %broadcast_in_dim3A_177 = vector.broadcast %convert_element_type3A_174 : bf16 to vector<256x128xbf16>
      %select_n3A_178 = arith.select %broadcast_in_dim3A_176, %slice3A_47, %broadcast_in_dim3A_177 : vector<256x128xi1>, vector<256x128xbf16>
      %concatenate3A_179 = tpu.concatenate %select_n3A_139, %select_n3A_152, %select_n3A_165, %select_n3A_178 in 0 : vector<256x128xbf16>, vector<256x128xbf16>, vector<256x128xbf16>, vector<256x128xbf16> -> vector<1024x128xbf16>
      %dot_general3A_180 = arith.constant dense<0.000000e+00> : vector<256x128xf32>
      %dot_general3A_181 = tpu.matmul %convert_element_type3A_126, %concatenate3A_179, %dot_general3A_180 {dimension_numbers = #tpu.dot_dimension_numbers<[1], [0], [0], [1], [0, 0, 1, 1], [], []>, transpose_lhs_hint = false} : vector<256x1024xbf16>, vector<1024x128xbf16>, vector<256x128xf32> -> vector<256x128xf32>
      %slice3A_182 = vector.extract_strided_slice %convert_element_type3A_44 {offsets = [0, 128], sizes = [256, 128], strides = [1, 1]} : vector<256x1152xbf16> to vector<256x128xbf16>
      %slice3A_183 = vector.extract_strided_slice %convert_element_type3A_44 {offsets = [0, 512], sizes = [256, 128], strides = [1, 1]} : vector<256x1152xbf16> to vector<256x128xbf16>
      %slice3A_184 = vector.extract_strided_slice %convert_element_type3A_44 {offsets = [0, 896], sizes = [256, 128], strides = [1, 1]} : vector<256x1152xbf16> to vector<256x128xbf16>
      %ge3A_185 = arith.constant 0 : i32
      %ge3A_186 = vector.broadcast %ge3A_185 : i32 to vector<1x128xi32>
      %ge3A_187 = arith.cmpi sge, %iota3A, %ge3A_186 : vector<1x128xi32>
      %lt3A_188 = arith.constant 32 : i32
      %lt3A_189 = vector.broadcast %lt3A_188 : i32 to vector<1x128xi32>
      %lt3A_190 = arith.cmpi slt, %iota3A, %lt3A_189 : vector<1x128xi32>
      %and3A_191 = arith.andi %ge3A_187, %lt3A_190 : vector<1x128xi1>
      %jit3A_192 = arith.constant 0 : i32
      %convert_element_type3A_193 = arith.sitofp %jit3A_192 : i32 to bf16
      %broadcast_in_dim3A_194 = vector.shape_cast %and3A_191 : vector<1x128xi1> to vector<1x128xi1>
      %broadcast_in_dim3A_195 = vector.broadcast %broadcast_in_dim3A_194 : vector<1x128xi1> to vector<256x128xi1>
      %broadcast_in_dim3A_196 = vector.broadcast %convert_element_type3A_193 : bf16 to vector<256x128xbf16>
      %select_n3A_197 = arith.select %broadcast_in_dim3A_195, %slice3A_183, %broadcast_in_dim3A_196 : vector<256x128xi1>, vector<256x128xbf16>
      %ge3A_198 = arith.constant 32 : i32
      %ge3A_199 = vector.broadcast %ge3A_198 : i32 to vector<1x128xi32>
      %ge3A_200 = arith.cmpi sge, %iota3A, %ge3A_199 : vector<1x128xi32>
      %lt3A_201 = arith.constant 64 : i32
      %lt3A_202 = vector.broadcast %lt3A_201 : i32 to vector<1x128xi32>
      %lt3A_203 = arith.cmpi slt, %iota3A, %lt3A_202 : vector<1x128xi32>
      %and3A_204 = arith.andi %ge3A_200, %lt3A_203 : vector<1x128xi1>
      %jit3A_205 = arith.constant 0 : i32
      %convert_element_type3A_206 = arith.sitofp %jit3A_205 : i32 to bf16
      %broadcast_in_dim3A_207 = vector.shape_cast %and3A_204 : vector<1x128xi1> to vector<1x128xi1>
      %broadcast_in_dim3A_208 = vector.broadcast %broadcast_in_dim3A_207 : vector<1x128xi1> to vector<256x128xi1>
      %broadcast_in_dim3A_209 = vector.broadcast %convert_element_type3A_206 : bf16 to vector<256x128xbf16>
      %select_n3A_210 = arith.select %broadcast_in_dim3A_208, %slice3A_183, %broadcast_in_dim3A_209 : vector<256x128xi1>, vector<256x128xbf16>
      %ge3A_211 = arith.constant 64 : i32
      %ge3A_212 = vector.broadcast %ge3A_211 : i32 to vector<1x128xi32>
      %ge3A_213 = arith.cmpi sge, %iota3A, %ge3A_212 : vector<1x128xi32>
      %lt3A_214 = arith.constant 96 : i32
      %lt3A_215 = vector.broadcast %lt3A_214 : i32 to vector<1x128xi32>
      %lt3A_216 = arith.cmpi slt, %iota3A, %lt3A_215 : vector<1x128xi32>
      %and3A_217 = arith.andi %ge3A_213, %lt3A_216 : vector<1x128xi1>
      %jit3A_218 = arith.constant 0 : i32
      %convert_element_type3A_219 = arith.sitofp %jit3A_218 : i32 to bf16
      %broadcast_in_dim3A_220 = vector.shape_cast %and3A_217 : vector<1x128xi1> to vector<1x128xi1>
      %broadcast_in_dim3A_221 = vector.broadcast %broadcast_in_dim3A_220 : vector<1x128xi1> to vector<256x128xi1>
      %broadcast_in_dim3A_222 = vector.broadcast %convert_element_type3A_219 : bf16 to vector<256x128xbf16>
      %select_n3A_223 = arith.select %broadcast_in_dim3A_221, %slice3A_183, %broadcast_in_dim3A_222 : vector<256x128xi1>, vector<256x128xbf16>
      %ge3A_224 = arith.constant 96 : i32
      %ge3A_225 = vector.broadcast %ge3A_224 : i32 to vector<1x128xi32>
      %ge3A_226 = arith.cmpi sge, %iota3A, %ge3A_225 : vector<1x128xi32>
      %lt3A_227 = arith.constant 128 : i32
      %lt3A_228 = vector.broadcast %lt3A_227 : i32 to vector<1x128xi32>
      %lt3A_229 = arith.cmpi slt, %iota3A, %lt3A_228 : vector<1x128xi32>
      %and3A_230 = arith.andi %ge3A_226, %lt3A_229 : vector<1x128xi1>
      %jit3A_231 = arith.constant 0 : i32
      %convert_element_type3A_232 = arith.sitofp %jit3A_231 : i32 to bf16
      %broadcast_in_dim3A_233 = vector.shape_cast %and3A_230 : vector<1x128xi1> to vector<1x128xi1>
      %broadcast_in_dim3A_234 = vector.broadcast %broadcast_in_dim3A_233 : vector<1x128xi1> to vector<256x128xi1>
      %broadcast_in_dim3A_235 = vector.broadcast %convert_element_type3A_232 : bf16 to vector<256x128xbf16>
      %select_n3A_236 = arith.select %broadcast_in_dim3A_234, %slice3A_183, %broadcast_in_dim3A_235 : vector<256x128xi1>, vector<256x128xbf16>
      %concatenate3A_237 = tpu.concatenate %select_n3A_197, %select_n3A_210, %select_n3A_223, %select_n3A_236 in 0 : vector<256x128xbf16>, vector<256x128xbf16>, vector<256x128xbf16>, vector<256x128xbf16> -> vector<1024x128xbf16>
      %dot_general3A_238 = arith.constant dense<0.000000e+00> : vector<256x1024xf32>
      %dot_general3A_239 = tpu.matmul %slice3A_182, %concatenate3A_237, %dot_general3A_238 {dimension_numbers = #tpu.dot_dimension_numbers<[1], [1], [0], [0], [0, 0, 1, 0], [], []>, transpose_lhs_hint = false} : vector<256x128xbf16>, vector<1024x128xbf16>, vector<256x1024xf32> -> vector<256x1024xf32>
      %exp3A_240 = math.exp %dot_general3A_239 : vector<256x1024xf32>
      %slice3A_241 = vector.extract_strided_slice %exp3A_240 {offsets = [0, 0], sizes = [256, 256], strides = [1, 1]} : vector<256x1024xf32> to vector<256x256xf32>
      %slice3A_242 = vector.extract_strided_slice %exp3A_240 {offsets = [0, 0], sizes = [256, 256], strides = [1, 1]} : vector<256x1024xf32> to vector<256x256xf32>
      %reduce_sum3A_243 = arith.constant dense<0.000000e+00> : vector<256xf32>
      %reduce_sum3A_244 = vector.multi_reduction <add>, %slice3A_242, %reduce_sum3A_243 [1] : vector<256x256xf32> to vector<256xf32>
      %broadcast_in_dim3A_245 = vector.shape_cast %reduce_sum3A_244 : vector<256xf32> to vector<256x1xf32>
      %div3A_246 = vector.broadcast %broadcast_in_dim3A_245 : vector<256x1xf32> to vector<256x256xf32>
      %div3A_247 = arith.divf %slice3A_241, %div3A_246 : vector<256x256xf32>
      %slice3A_248 = vector.extract_strided_slice %exp3A_240 {offsets = [0, 256], sizes = [256, 256], strides = [1, 1]} : vector<256x1024xf32> to vector<256x256xf32>
      %slice3A_249 = vector.extract_strided_slice %exp3A_240 {offsets = [0, 256], sizes = [256, 256], strides = [1, 1]} : vector<256x1024xf32> to vector<256x256xf32>
      %reduce_sum3A_250 = arith.constant dense<0.000000e+00> : vector<256xf32>
      %reduce_sum3A_251 = vector.multi_reduction <add>, %slice3A_249, %reduce_sum3A_250 [1] : vector<256x256xf32> to vector<256xf32>
      %broadcast_in_dim3A_252 = vector.shape_cast %reduce_sum3A_251 : vector<256xf32> to vector<256x1xf32>
      %div3A_253 = vector.broadcast %broadcast_in_dim3A_252 : vector<256x1xf32> to vector<256x256xf32>
      %div3A_254 = arith.divf %slice3A_248, %div3A_253 : vector<256x256xf32>
      %slice3A_255 = vector.extract_strided_slice %exp3A_240 {offsets = [0, 512], sizes = [256, 256], strides = [1, 1]} : vector<256x1024xf32> to vector<256x256xf32>
      %slice3A_256 = vector.extract_strided_slice %exp3A_240 {offsets = [0, 512], sizes = [256, 256], strides = [1, 1]} : vector<256x1024xf32> to vector<256x256xf32>
      %reduce_sum3A_257 = arith.constant dense<0.000000e+00> : vector<256xf32>
      %reduce_sum3A_258 = vector.multi_reduction <add>, %slice3A_256, %reduce_sum3A_257 [1] : vector<256x256xf32> to vector<256xf32>
      %broadcast_in_dim3A_259 = vector.shape_cast %reduce_sum3A_258 : vector<256xf32> to vector<256x1xf32>
      %div3A_260 = vector.broadcast %broadcast_in_dim3A_259 : vector<256x1xf32> to vector<256x256xf32>
      %div3A_261 = arith.divf %slice3A_255, %div3A_260 : vector<256x256xf32>
      %slice3A_262 = vector.extract_strided_slice %exp3A_240 {offsets = [0, 768], sizes = [256, 256], strides = [1, 1]} : vector<256x1024xf32> to vector<256x256xf32>
      %slice3A_263 = vector.extract_strided_slice %exp3A_240 {offsets = [0, 768], sizes = [256, 256], strides = [1, 1]} : vector<256x1024xf32> to vector<256x256xf32>
      %reduce_sum3A_264 = arith.constant dense<0.000000e+00> : vector<256xf32>
      %reduce_sum3A_265 = vector.multi_reduction <add>, %slice3A_263, %reduce_sum3A_264 [1] : vector<256x256xf32> to vector<256xf32>
      %broadcast_in_dim3A_266 = vector.shape_cast %reduce_sum3A_265 : vector<256xf32> to vector<256x1xf32>
      %div3A_267 = vector.broadcast %broadcast_in_dim3A_266 : vector<256x1xf32> to vector<256x256xf32>
      %div3A_268 = arith.divf %slice3A_262, %div3A_267 : vector<256x256xf32>
      %concatenate3A_269 = tpu.concatenate %div3A_247, %div3A_254, %div3A_261, %div3A_268 in 1 : vector<256x256xf32>, vector<256x256xf32>, vector<256x256xf32>, vector<256x256xf32> -> vector<256x1024xf32>
      %convert_element_type3A_270 = arith.truncf %concatenate3A_269 : vector<256x1024xf32> to vector<256x1024xbf16>
      %ge3A_271 = arith.constant 0 : i32
      %ge3A_272 = vector.broadcast %ge3A_271 : i32 to vector<1x128xi32>
      %ge3A_273 = arith.cmpi sge, %iota3A, %ge3A_272 : vector<1x128xi32>
      %lt3A_274 = arith.constant 32 : i32
      %lt3A_275 = vector.broadcast %lt3A_274 : i32 to vector<1x128xi32>
      %lt3A_276 = arith.cmpi slt, %iota3A, %lt3A_275 : vector<1x128xi32>
      %and3A_277 = arith.andi %ge3A_273, %lt3A_276 : vector<1x128xi1>
      %jit3A_278 = arith.constant 0 : i32
      %convert_element_type3A_279 = arith.sitofp %jit3A_278 : i32 to bf16
      %broadcast_in_dim3A_280 = vector.shape_cast %and3A_277 : vector<1x128xi1> to vector<1x128xi1>
      %broadcast_in_dim3A_281 = vector.broadcast %broadcast_in_dim3A_280 : vector<1x128xi1> to vector<256x128xi1>
      %broadcast_in_dim3A_282 = vector.broadcast %convert_element_type3A_279 : bf16 to vector<256x128xbf16>
      %select_n3A_283 = arith.select %broadcast_in_dim3A_281, %slice3A_184, %broadcast_in_dim3A_282 : vector<256x128xi1>, vector<256x128xbf16>
      %ge3A_284 = arith.constant 32 : i32
      %ge3A_285 = vector.broadcast %ge3A_284 : i32 to vector<1x128xi32>
      %ge3A_286 = arith.cmpi sge, %iota3A, %ge3A_285 : vector<1x128xi32>
      %lt3A_287 = arith.constant 64 : i32
      %lt3A_288 = vector.broadcast %lt3A_287 : i32 to vector<1x128xi32>
      %lt3A_289 = arith.cmpi slt, %iota3A, %lt3A_288 : vector<1x128xi32>
      %and3A_290 = arith.andi %ge3A_286, %lt3A_289 : vector<1x128xi1>
      %jit3A_291 = arith.constant 0 : i32
      %convert_element_type3A_292 = arith.sitofp %jit3A_291 : i32 to bf16
      %broadcast_in_dim3A_293 = vector.shape_cast %and3A_290 : vector<1x128xi1> to vector<1x128xi1>
      %broadcast_in_dim3A_294 = vector.broadcast %broadcast_in_dim3A_293 : vector<1x128xi1> to vector<256x128xi1>
      %broadcast_in_dim3A_295 = vector.broadcast %convert_element_type3A_292 : bf16 to vector<256x128xbf16>
      %select_n3A_296 = arith.select %broadcast_in_dim3A_294, %slice3A_184, %broadcast_in_dim3A_295 : vector<256x128xi1>, vector<256x128xbf16>
      %ge3A_297 = arith.constant 64 : i32
      %ge3A_298 = vector.broadcast %ge3A_297 : i32 to vector<1x128xi32>
      %ge3A_299 = arith.cmpi sge, %iota3A, %ge3A_298 : vector<1x128xi32>
      %lt3A_300 = arith.constant 96 : i32
      %lt3A_301 = vector.broadcast %lt3A_300 : i32 to vector<1x128xi32>
      %lt3A_302 = arith.cmpi slt, %iota3A, %lt3A_301 : vector<1x128xi32>
      %and3A_303 = arith.andi %ge3A_299, %lt3A_302 : vector<1x128xi1>
      %jit3A_304 = arith.constant 0 : i32
      %convert_element_type3A_305 = arith.sitofp %jit3A_304 : i32 to bf16
      %broadcast_in_dim3A_306 = vector.shape_cast %and3A_303 : vector<1x128xi1> to vector<1x128xi1>
      %broadcast_in_dim3A_307 = vector.broadcast %broadcast_in_dim3A_306 : vector<1x128xi1> to vector<256x128xi1>
      %broadcast_in_dim3A_308 = vector.broadcast %convert_element_type3A_305 : bf16 to vector<256x128xbf16>
      %select_n3A_309 = arith.select %broadcast_in_dim3A_307, %slice3A_184, %broadcast_in_dim3A_308 : vector<256x128xi1>, vector<256x128xbf16>
      %ge3A_310 = arith.constant 96 : i32
      %ge3A_311 = vector.broadcast %ge3A_310 : i32 to vector<1x128xi32>
      %ge3A_312 = arith.cmpi sge, %iota3A, %ge3A_311 : vector<1x128xi32>
      %lt3A_313 = arith.constant 128 : i32
      %lt3A_314 = vector.broadcast %lt3A_313 : i32 to vector<1x128xi32>
      %lt3A_315 = arith.cmpi slt, %iota3A, %lt3A_314 : vector<1x128xi32>
      %and3A_316 = arith.andi %ge3A_312, %lt3A_315 : vector<1x128xi1>
      %jit3A_317 = arith.constant 0 : i32
      %convert_element_type3A_318 = arith.sitofp %jit3A_317 : i32 to bf16
      %broadcast_in_dim3A_319 = vector.shape_cast %and3A_316 : vector<1x128xi1> to vector<1x128xi1>
      %broadcast_in_dim3A_320 = vector.broadcast %broadcast_in_dim3A_319 : vector<1x128xi1> to vector<256x128xi1>
      %broadcast_in_dim3A_321 = vector.broadcast %convert_element_type3A_318 : bf16 to vector<256x128xbf16>
      %select_n3A_322 = arith.select %broadcast_in_dim3A_320, %slice3A_184, %broadcast_in_dim3A_321 : vector<256x128xi1>, vector<256x128xbf16>
      %concatenate3A_323 = tpu.concatenate %select_n3A_283, %select_n3A_296, %select_n3A_309, %select_n3A_322 in 0 : vector<256x128xbf16>, vector<256x128xbf16>, vector<256x128xbf16>, vector<256x128xbf16> -> vector<1024x128xbf16>
      %dot_general3A_324 = arith.constant dense<0.000000e+00> : vector<256x128xf32>
      %dot_general3A_325 = tpu.matmul %convert_element_type3A_270, %concatenate3A_323, %dot_general3A_324 {dimension_numbers = #tpu.dot_dimension_numbers<[1], [0], [0], [1], [0, 0, 1, 1], [], []>, transpose_lhs_hint = false} : vector<256x1024xbf16>, vector<1024x128xbf16>, vector<256x128xf32> -> vector<256x128xf32>
      %slice3A_326 = vector.extract_strided_slice %convert_element_type3A_44 {offsets = [0, 256], sizes = [256, 128], strides = [1, 1]} : vector<256x1152xbf16> to vector<256x128xbf16>
      %slice3A_327 = vector.extract_strided_slice %convert_element_type3A_44 {offsets = [0, 640], sizes = [256, 128], strides = [1, 1]} : vector<256x1152xbf16> to vector<256x128xbf16>
      %slice3A_328 = vector.extract_strided_slice %convert_element_type3A_44 {offsets = [0, 1024], sizes = [256, 128], strides = [1, 1]} : vector<256x1152xbf16> to vector<256x128xbf16>
      %ge3A_329 = arith.constant 0 : i32
      %ge3A_330 = vector.broadcast %ge3A_329 : i32 to vector<1x128xi32>
      %ge3A_331 = arith.cmpi sge, %iota3A, %ge3A_330 : vector<1x128xi32>
      %lt3A_332 = arith.constant 32 : i32
      %lt3A_333 = vector.broadcast %lt3A_332 : i32 to vector<1x128xi32>
      %lt3A_334 = arith.cmpi slt, %iota3A, %lt3A_333 : vector<1x128xi32>
      %and3A_335 = arith.andi %ge3A_331, %lt3A_334 : vector<1x128xi1>
      %jit3A_336 = arith.constant 0 : i32
      %convert_element_type3A_337 = arith.sitofp %jit3A_336 : i32 to bf16
      %broadcast_in_dim3A_338 = vector.shape_cast %and3A_335 : vector<1x128xi1> to vector<1x128xi1>
      %broadcast_in_dim3A_339 = vector.broadcast %broadcast_in_dim3A_338 : vector<1x128xi1> to vector<256x128xi1>
      %broadcast_in_dim3A_340 = vector.broadcast %convert_element_type3A_337 : bf16 to vector<256x128xbf16>
      %select_n3A_341 = arith.select %broadcast_in_dim3A_339, %slice3A_327, %broadcast_in_dim3A_340 : vector<256x128xi1>, vector<256x128xbf16>
      %ge3A_342 = arith.constant 32 : i32
      %ge3A_343 = vector.broadcast %ge3A_342 : i32 to vector<1x128xi32>
      %ge3A_344 = arith.cmpi sge, %iota3A, %ge3A_343 : vector<1x128xi32>
      %lt3A_345 = arith.constant 64 : i32
      %lt3A_346 = vector.broadcast %lt3A_345 : i32 to vector<1x128xi32>
      %lt3A_347 = arith.cmpi slt, %iota3A, %lt3A_346 : vector<1x128xi32>
      %and3A_348 = arith.andi %ge3A_344, %lt3A_347 : vector<1x128xi1>
      %jit3A_349 = arith.constant 0 : i32
      %convert_element_type3A_350 = arith.sitofp %jit3A_349 : i32 to bf16
      %broadcast_in_dim3A_351 = vector.shape_cast %and3A_348 : vector<1x128xi1> to vector<1x128xi1>
      %broadcast_in_dim3A_352 = vector.broadcast %broadcast_in_dim3A_351 : vector<1x128xi1> to vector<256x128xi1>
      %broadcast_in_dim3A_353 = vector.broadcast %convert_element_type3A_350 : bf16 to vector<256x128xbf16>
      %select_n3A_354 = arith.select %broadcast_in_dim3A_352, %slice3A_327, %broadcast_in_dim3A_353 : vector<256x128xi1>, vector<256x128xbf16>
      %ge3A_355 = arith.constant 64 : i32
      %ge3A_356 = vector.broadcast %ge3A_355 : i32 to vector<1x128xi32>
      %ge3A_357 = arith.cmpi sge, %iota3A, %ge3A_356 : vector<1x128xi32>
      %lt3A_358 = arith.constant 96 : i32
      %lt3A_359 = vector.broadcast %lt3A_358 : i32 to vector<1x128xi32>
      %lt3A_360 = arith.cmpi slt, %iota3A, %lt3A_359 : vector<1x128xi32>
      %and3A_361 = arith.andi %ge3A_357, %lt3A_360 : vector<1x128xi1>
      %jit3A_362 = arith.constant 0 : i32
      %convert_element_type3A_363 = arith.sitofp %jit3A_362 : i32 to bf16
      %broadcast_in_dim3A_364 = vector.shape_cast %and3A_361 : vector<1x128xi1> to vector<1x128xi1>
      %broadcast_in_dim3A_365 = vector.broadcast %broadcast_in_dim3A_364 : vector<1x128xi1> to vector<256x128xi1>
      %broadcast_in_dim3A_366 = vector.broadcast %convert_element_type3A_363 : bf16 to vector<256x128xbf16>
      %select_n3A_367 = arith.select %broadcast_in_dim3A_365, %slice3A_327, %broadcast_in_dim3A_366 : vector<256x128xi1>, vector<256x128xbf16>
      %ge3A_368 = arith.constant 96 : i32
      %ge3A_369 = vector.broadcast %ge3A_368 : i32 to vector<1x128xi32>
      %ge3A_370 = arith.cmpi sge, %iota3A, %ge3A_369 : vector<1x128xi32>
      %lt3A_371 = arith.constant 128 : i32
      %lt3A_372 = vector.broadcast %lt3A_371 : i32 to vector<1x128xi32>
      %lt3A_373 = arith.cmpi slt, %iota3A, %lt3A_372 : vector<1x128xi32>
      %and3A_374 = arith.andi %ge3A_370, %lt3A_373 : vector<1x128xi1>
      %jit3A_375 = arith.constant 0 : i32
      %convert_element_type3A_376 = arith.sitofp %jit3A_375 : i32 to bf16
      %broadcast_in_dim3A_377 = vector.shape_cast %and3A_374 : vector<1x128xi1> to vector<1x128xi1>
      %broadcast_in_dim3A_378 = vector.broadcast %broadcast_in_dim3A_377 : vector<1x128xi1> to vector<256x128xi1>
      %broadcast_in_dim3A_379 = vector.broadcast %convert_element_type3A_376 : bf16 to vector<256x128xbf16>
      %select_n3A_380 = arith.select %broadcast_in_dim3A_378, %slice3A_327, %broadcast_in_dim3A_379 : vector<256x128xi1>, vector<256x128xbf16>
      %concatenate3A_381 = tpu.concatenate %select_n3A_341, %select_n3A_354, %select_n3A_367, %select_n3A_380 in 0 : vector<256x128xbf16>, vector<256x128xbf16>, vector<256x128xbf16>, vector<256x128xbf16> -> vector<1024x128xbf16>
      %dot_general3A_382 = arith.constant dense<0.000000e+00> : vector<256x1024xf32>
      %dot_general3A_383 = tpu.matmul %slice3A_326, %concatenate3A_381, %dot_general3A_382 {dimension_numbers = #tpu.dot_dimension_numbers<[1], [1], [0], [0], [0, 0, 1, 0], [], []>, transpose_lhs_hint = false} : vector<256x128xbf16>, vector<1024x128xbf16>, vector<256x1024xf32> -> vector<256x1024xf32>
      %exp3A_384 = math.exp %dot_general3A_383 : vector<256x1024xf32>
      %slice3A_385 = vector.extract_strided_slice %exp3A_384 {offsets = [0, 0], sizes = [256, 256], strides = [1, 1]} : vector<256x1024xf32> to vector<256x256xf32>
      %slice3A_386 = vector.extract_strided_slice %exp3A_384 {offsets = [0, 0], sizes = [256, 256], strides = [1, 1]} : vector<256x1024xf32> to vector<256x256xf32>
      %reduce_sum3A_387 = arith.constant dense<0.000000e+00> : vector<256xf32>
      %reduce_sum3A_388 = vector.multi_reduction <add>, %slice3A_386, %reduce_sum3A_387 [1] : vector<256x256xf32> to vector<256xf32>
      %broadcast_in_dim3A_389 = vector.shape_cast %reduce_sum3A_388 : vector<256xf32> to vector<256x1xf32>
      %div3A_390 = vector.broadcast %broadcast_in_dim3A_389 : vector<256x1xf32> to vector<256x256xf32>
      %div3A_391 = arith.divf %slice3A_385, %div3A_390 : vector<256x256xf32>
      %slice3A_392 = vector.extract_strided_slice %exp3A_384 {offsets = [0, 256], sizes = [256, 256], strides = [1, 1]} : vector<256x1024xf32> to vector<256x256xf32>
      %slice3A_393 = vector.extract_strided_slice %exp3A_384 {offsets = [0, 256], sizes = [256, 256], strides = [1, 1]} : vector<256x1024xf32> to vector<256x256xf32>
      %reduce_sum3A_394 = arith.constant dense<0.000000e+00> : vector<256xf32>
      %reduce_sum3A_395 = vector.multi_reduction <add>, %slice3A_393, %reduce_sum3A_394 [1] : vector<256x256xf32> to vector<256xf32>
      %broadcast_in_dim3A_396 = vector.shape_cast %reduce_sum3A_395 : vector<256xf32> to vector<256x1xf32>
      %div3A_397 = vector.broadcast %broadcast_in_dim3A_396 : vector<256x1xf32> to vector<256x256xf32>
      %div3A_398 = arith.divf %slice3A_392, %div3A_397 : vector<256x256xf32>
      %slice3A_399 = vector.extract_strided_slice %exp3A_384 {offsets = [0, 512], sizes = [256, 256], strides = [1, 1]} : vector<256x1024xf32> to vector<256x256xf32>
      %slice3A_400 = vector.extract_strided_slice %exp3A_384 {offsets = [0, 512], sizes = [256, 256], strides = [1, 1]} : vector<256x1024xf32> to vector<256x256xf32>
      %reduce_sum3A_401 = arith.constant dense<0.000000e+00> : vector<256xf32>
      %reduce_sum3A_402 = vector.multi_reduction <add>, %slice3A_400, %reduce_sum3A_401 [1] : vector<256x256xf32> to vector<256xf32>
      %broadcast_in_dim3A_403 = vector.shape_cast %reduce_sum3A_402 : vector<256xf32> to vector<256x1xf32>
      %div3A_404 = vector.broadcast %broadcast_in_dim3A_403 : vector<256x1xf32> to vector<256x256xf32>
      %div3A_405 = arith.divf %slice3A_399, %div3A_404 : vector<256x256xf32>
      %slice3A_406 = vector.extract_strided_slice %exp3A_384 {offsets = [0, 768], sizes = [256, 256], strides = [1, 1]} : vector<256x1024xf32> to vector<256x256xf32>
      %slice3A_407 = vector.extract_strided_slice %exp3A_384 {offsets = [0, 768], sizes = [256, 256], strides = [1, 1]} : vector<256x1024xf32> to vector<256x256xf32>
      %reduce_sum3A_408 = arith.constant dense<0.000000e+00> : vector<256xf32>
      %reduce_sum3A_409 = vector.multi_reduction <add>, %slice3A_407, %reduce_sum3A_408 [1] : vector<256x256xf32> to vector<256xf32>
      %broadcast_in_dim3A_410 = vector.shape_cast %reduce_sum3A_409 : vector<256xf32> to vector<256x1xf32>
      %div3A_411 = vector.broadcast %broadcast_in_dim3A_410 : vector<256x1xf32> to vector<256x256xf32>
      %div3A_412 = arith.divf %slice3A_406, %div3A_411 : vector<256x256xf32>
      %concatenate3A_413 = tpu.concatenate %div3A_391, %div3A_398, %div3A_405, %div3A_412 in 1 : vector<256x256xf32>, vector<256x256xf32>, vector<256x256xf32>, vector<256x256xf32> -> vector<256x1024xf32>
      %convert_element_type3A_414 = arith.truncf %concatenate3A_413 : vector<256x1024xf32> to vector<256x1024xbf16>
      %ge3A_415 = arith.constant 0 : i32
      %ge3A_416 = vector.broadcast %ge3A_415 : i32 to vector<1x128xi32>
      %ge3A_417 = arith.cmpi sge, %iota3A, %ge3A_416 : vector<1x128xi32>
      %lt3A_418 = arith.constant 32 : i32
      %lt3A_419 = vector.broadcast %lt3A_418 : i32 to vector<1x128xi32>
      %lt3A_420 = arith.cmpi slt, %iota3A, %lt3A_419 : vector<1x128xi32>
      %and3A_421 = arith.andi %ge3A_417, %lt3A_420 : vector<1x128xi1>
      %jit3A_422 = arith.constant 0 : i32
      %convert_element_type3A_423 = arith.sitofp %jit3A_422 : i32 to bf16
      %broadcast_in_dim3A_424 = vector.shape_cast %and3A_421 : vector<1x128xi1> to vector<1x128xi1>
      %broadcast_in_dim3A_425 = vector.broadcast %broadcast_in_dim3A_424 : vector<1x128xi1> to vector<256x128xi1>
      %broadcast_in_dim3A_426 = vector.broadcast %convert_element_type3A_423 : bf16 to vector<256x128xbf16>
      %select_n3A_427 = arith.select %broadcast_in_dim3A_425, %slice3A_328, %broadcast_in_dim3A_426 : vector<256x128xi1>, vector<256x128xbf16>
      %ge3A_428 = arith.constant 32 : i32
      %ge3A_429 = vector.broadcast %ge3A_428 : i32 to vector<1x128xi32>
      %ge3A_430 = arith.cmpi sge, %iota3A, %ge3A_429 : vector<1x128xi32>
      %lt3A_431 = arith.constant 64 : i32
      %lt3A_432 = vector.broadcast %lt3A_431 : i32 to vector<1x128xi32>
      %lt3A_433 = arith.cmpi slt, %iota3A, %lt3A_432 : vector<1x128xi32>
      %and3A_434 = arith.andi %ge3A_430, %lt3A_433 : vector<1x128xi1>
      %jit3A_435 = arith.constant 0 : i32
      %convert_element_type3A_436 = arith.sitofp %jit3A_435 : i32 to bf16
      %broadcast_in_dim3A_437 = vector.shape_cast %and3A_434 : vector<1x128xi1> to vector<1x128xi1>
      %broadcast_in_dim3A_438 = vector.broadcast %broadcast_in_dim3A_437 : vector<1x128xi1> to vector<256x128xi1>
      %broadcast_in_dim3A_439 = vector.broadcast %convert_element_type3A_436 : bf16 to vector<256x128xbf16>
      %select_n3A_440 = arith.select %broadcast_in_dim3A_438, %slice3A_328, %broadcast_in_dim3A_439 : vector<256x128xi1>, vector<256x128xbf16>
      %ge3A_441 = arith.constant 64 : i32
      %ge3A_442 = vector.broadcast %ge3A_441 : i32 to vector<1x128xi32>
      %ge3A_443 = arith.cmpi sge, %iota3A, %ge3A_442 : vector<1x128xi32>
      %lt3A_444 = arith.constant 96 : i32
      %lt3A_445 = vector.broadcast %lt3A_444 : i32 to vector<1x128xi32>
      %lt3A_446 = arith.cmpi slt, %iota3A, %lt3A_445 : vector<1x128xi32>
      %and3A_447 = arith.andi %ge3A_443, %lt3A_446 : vector<1x128xi1>
      %jit3A_448 = arith.constant 0 : i32
      %convert_element_type3A_449 = arith.sitofp %jit3A_448 : i32 to bf16
      %broadcast_in_dim3A_450 = vector.shape_cast %and3A_447 : vector<1x128xi1> to vector<1x128xi1>
      %broadcast_in_dim3A_451 = vector.broadcast %broadcast_in_dim3A_450 : vector<1x128xi1> to vector<256x128xi1>
      %broadcast_in_dim3A_452 = vector.broadcast %convert_element_type3A_449 : bf16 to vector<256x128xbf16>
      %select_n3A_453 = arith.select %broadcast_in_dim3A_451, %slice3A_328, %broadcast_in_dim3A_452 : vector<256x128xi1>, vector<256x128xbf16>
      %ge3A_454 = arith.constant 96 : i32
      %ge3A_455 = vector.broadcast %ge3A_454 : i32 to vector<1x128xi32>
      %ge3A_456 = arith.cmpi sge, %iota3A, %ge3A_455 : vector<1x128xi32>
      %lt3A_457 = arith.constant 128 : i32
      %lt3A_458 = vector.broadcast %lt3A_457 : i32 to vector<1x128xi32>
      %lt3A_459 = arith.cmpi slt, %iota3A, %lt3A_458 : vector<1x128xi32>
      %and3A_460 = arith.andi %ge3A_456, %lt3A_459 : vector<1x128xi1>
      %jit3A_461 = arith.constant 0 : i32
      %convert_element_type3A_462 = arith.sitofp %jit3A_461 : i32 to bf16
      %broadcast_in_dim3A_463 = vector.shape_cast %and3A_460 : vector<1x128xi1> to vector<1x128xi1>
      %broadcast_in_dim3A_464 = vector.broadcast %broadcast_in_dim3A_463 : vector<1x128xi1> to vector<256x128xi1>
      %broadcast_in_dim3A_465 = vector.broadcast %convert_element_type3A_462 : bf16 to vector<256x128xbf16>
      %select_n3A_466 = arith.select %broadcast_in_dim3A_464, %slice3A_328, %broadcast_in_dim3A_465 : vector<256x128xi1>, vector<256x128xbf16>
      %concatenate3A_467 = tpu.concatenate %select_n3A_427, %select_n3A_440, %select_n3A_453, %select_n3A_466 in 0 : vector<256x128xbf16>, vector<256x128xbf16>, vector<256x128xbf16>, vector<256x128xbf16> -> vector<1024x128xbf16>
      %dot_general3A_468 = arith.constant dense<0.000000e+00> : vector<256x128xf32>
      %dot_general3A_469 = tpu.matmul %convert_element_type3A_414, %concatenate3A_467, %dot_general3A_468 {dimension_numbers = #tpu.dot_dimension_numbers<[1], [0], [0], [1], [0, 0, 1, 1], [], []>, transpose_lhs_hint = false} : vector<256x1024xbf16>, vector<1024x128xbf16>, vector<256x128xf32> -> vector<256x128xf32>
      %concatenate3A_470 = tpu.concatenate %dot_general3A_181, %dot_general3A_325, %dot_general3A_469 in 1 : vector<256x128xf32>, vector<256x128xf32>, vector<256x128xf32> -> vector<256x384xf32>
      %convert_element_type3A_471 = arith.truncf %concatenate3A_470 : vector<256x384xf32> to vector<256x384xbf16>
      %get3A_472 = arith.constant 0 : index
      %get3A_473 = arith.constant 0 : index
      %get3A_474 = vector.load %arg13[%get3A_472, %get3A_473] : memref<384x384xbf16, #tpu.memory_space<vmem>>, vector<384x384xbf16>
      %dot_general3A_475 = arith.constant dense<0.000000e+00> : vector<256x384xf32>
      %dot_general3A_476 = tpu.matmul %convert_element_type3A_471, %get3A_474, %dot_general3A_475 {dimension_numbers = #tpu.dot_dimension_numbers<[1], [1], [0], [0], [0, 0, 1, 0], [], []>, transpose_lhs_hint = false} : vector<256x384xbf16>, vector<384x384xbf16>, vector<256x384xf32> -> vector<256x384xf32>
      %add3A_477 = arith.addf %slice3A_34, %dot_general3A_476 : vector<256x384xf32>
      %mul3A_478 = arith.constant 2 : i32
      %mul3A_479 = arith.muli %mul3A_478, %arg0 : i32
      %add3A_480 = arith.constant 0 : i32
      %add3A_481 = arith.addi %mul3A_479, %add3A_480 : i32
      %mul3A_482 = arith.constant 256 : i32
      %mul3A_483 = arith.muli %add3A_481, %mul3A_482 : i32
      %swap3A = arith.index_cast %mul3A_483 : i32 to index
      %swap3A_484 = arith.constant 0 : index
      %swap3A_485 = vector.load %arg10[%swap3A, %swap3A_484] : memref<4096x384xf32, #tpu.memory_space<vmem>>, vector<256x384xf32>
      tpu.vector_store %arg10[%swap3A, %swap3A_484], %add3A_477 {strides = array<i32>} : memref<4096x384xf32, #tpu.memory_space<vmem>>, vector<256x384xf32>,
      %reduce_sum3A_486 = arith.constant dense<0.000000e+00> : vector<384xf32>
      %reduce_sum3A_487 = vector.multi_reduction <add>, %add3A_477, %reduce_sum3A_486 [0] : vector<256x384xf32> to vector<384xf32>
      %broadcast_in_dim3A_488 = vector.shape_cast %reduce_sum3A_487 : vector<384xf32> to vector<1x384xf32>
      %mul3A_489 = arith.mulf %add3A_477, %add3A_477 : vector<256x384xf32>
      %reduce_sum3A_490 = arith.constant dense<0.000000e+00> : vector<384xf32>
      %reduce_sum3A_491 = vector.multi_reduction <add>, %mul3A_489, %reduce_sum3A_490 [0] : vector<256x384xf32> to vector<384xf32>
      %broadcast_in_dim3A_492 = vector.shape_cast %reduce_sum3A_491 : vector<384xf32> to vector<1x384xf32>
      %broadcast_in_dim3A_493 = arith.constant 0.000000e+00 : f32
      %broadcast_in_dim3A_494 = vector.broadcast %broadcast_in_dim3A_493 : f32 to vector<6x384xf32>
      %concatenate3A_495 = tpu.concatenate %broadcast_in_dim3A_488, %broadcast_in_dim3A_492, %broadcast_in_dim3A_494 in 0 : vector<1x384xf32>, vector<1x384xf32>, vector<6x384xf32> -> vector<8x384xf32>
      %add3A_496 = arith.addf %broadcast_in_dim3A_33, %concatenate3A_495 : vector<8x384xf32>
      %slice3A_497 = vector.extract_strided_slice %get3A_11 {offsets = [256, 0], sizes = [256, 384], strides = [1, 1]} : vector<512x384xf32> to vector<256x384xf32>
      %mul3A_498 = vector.broadcast %mul3A_27 : vector<1x384xf32> to vector<256x384xf32>
      %mul3A_499 = arith.mulf %slice3A_497, %mul3A_498 : vector<256x384xf32>
      %add3A_500 = vector.broadcast %sub3A_32 : vector<1x384xf32> to vector<256x384xf32>
      %add3A_501 = arith.addf %mul3A_499, %add3A_500 : vector<256x384xf32>
      %convert_element_type3A_502 = arith.truncf %add3A_501 : vector<256x384xf32> to vector<256x384xbf16>
      %get3A_503 = arith.constant 0 : index
      %get3A_504 = arith.constant 0 : index
      %get3A_505 = vector.load %arg12[%get3A_503, %get3A_504] : memref<1152x384xbf16, #tpu.memory_space<vmem>>, vector<1152x384xbf16>
      %dot_general3A_506 = arith.constant dense<0.000000e+00> : vector<256x1152xf32>
      %dot_general3A_507 = tpu.matmul %convert_element_type3A_502, %get3A_505, %dot_general3A_506 {dimension_numbers = #tpu.dot_dimension_numbers<[1], [1], [0], [0], [0, 0, 1, 0], [], []>, transpose_lhs_hint = false} : vector<256x384xbf16>, vector<1152x384xbf16>, vector<256x1152xf32> -> vector<256x1152xf32>
      %convert_element_type3A_508 = arith.truncf %dot_general3A_507 : vector<256x1152xf32> to vector<256x1152xbf16>
      %slice3A_509 = vector.extract_strided_slice %convert_element_type3A_508 {offsets = [0, 0], sizes = [256, 128], strides = [1, 1]} : vector<256x1152xbf16> to vector<256x128xbf16>
      %slice3A_510 = vector.extract_strided_slice %convert_element_type3A_508 {offsets = [0, 384], sizes = [256, 128], strides = [1, 1]} : vector<256x1152xbf16> to vector<256x128xbf16>
      %slice3A_511 = vector.extract_strided_slice %convert_element_type3A_508 {offsets = [0, 768], sizes = [256, 128], strides = [1, 1]} : vector<256x1152xbf16> to vector<256x128xbf16>
      %ge3A_512 = arith.constant 0 : i32
      %ge3A_513 = vector.broadcast %ge3A_512 : i32 to vector<1x128xi32>
      %ge3A_514 = arith.cmpi sge, %iota3A, %ge3A_513 : vector<1x128xi32>
      %lt3A_515 = arith.constant 32 : i32
      %lt3A_516 = vector.broadcast %lt3A_515 : i32 to vector<1x128xi32>
      %lt3A_517 = arith.cmpi slt, %iota3A, %lt3A_516 : vector<1x128xi32>
      %and3A_518 = arith.andi %ge3A_514, %lt3A_517 : vector<1x128xi1>
      %jit3A_519 = arith.constant 0 : i32
      %convert_element_type3A_520 = arith.sitofp %jit3A_519 : i32 to bf16
      %broadcast_in_dim3A_521 = vector.shape_cast %and3A_518 : vector<1x128xi1> to vector<1x128xi1>
      %broadcast_in_dim3A_522 = vector.broadcast %broadcast_in_dim3A_521 : vector<1x128xi1> to vector<256x128xi1>
      %broadcast_in_dim3A_523 = vector.broadcast %convert_element_type3A_520 : bf16 to vector<256x128xbf16>
      %select_n3A_524 = arith.select %broadcast_in_dim3A_522, %slice3A_510, %broadcast_in_dim3A_523 : vector<256x128xi1>, vector<256x128xbf16>
      %ge3A_525 = arith.constant 32 : i32
      %ge3A_526 = vector.broadcast %ge3A_525 : i32 to vector<1x128xi32>
      %ge3A_527 = arith.cmpi sge, %iota3A, %ge3A_526 : vector<1x128xi32>
      %lt3A_528 = arith.constant 64 : i32
      %lt3A_529 = vector.broadcast %lt3A_528 : i32 to vector<1x128xi32>
      %lt3A_530 = arith.cmpi slt, %iota3A, %lt3A_529 : vector<1x128xi32>
      %and3A_531 = arith.andi %ge3A_527, %lt3A_530 : vector<1x128xi1>
      %jit3A_532 = arith.constant 0 : i32
      %convert_element_type3A_533 = arith.sitofp %jit3A_532 : i32 to bf16
      %broadcast_in_dim3A_534 = vector.shape_cast %and3A_531 : vector<1x128xi1> to vector<1x128xi1>
      %broadcast_in_dim3A_535 = vector.broadcast %broadcast_in_dim3A_534 : vector<1x128xi1> to vector<256x128xi1>
      %broadcast_in_dim3A_536 = vector.broadcast %convert_element_type3A_533 : bf16 to vector<256x128xbf16>
      %select_n3A_537 = arith.select %broadcast_in_dim3A_535, %slice3A_510, %broadcast_in_dim3A_536 : vector<256x128xi1>, vector<256x128xbf16>
      %ge3A_538 = arith.constant 64 : i32
      %ge3A_539 = vector.broadcast %ge3A_538 : i32 to vector<1x128xi32>
      %ge3A_540 = arith.cmpi sge, %iota3A, %ge3A_539 : vector<1x128xi32>
      %lt3A_541 = arith.constant 96 : i32
      %lt3A_542 = vector.broadcast %lt3A_541 : i32 to vector<1x128xi32>
      %lt3A_543 = arith.cmpi slt, %iota3A, %lt3A_542 : vector<1x128xi32>
      %and3A_544 = arith.andi %ge3A_540, %lt3A_543 : vector<1x128xi1>
      %jit3A_545 = arith.constant 0 : i32
      %convert_element_type3A_546 = arith.sitofp %jit3A_545 : i32 to bf16
      %broadcast_in_dim3A_547 = vector.shape_cast %and3A_544 : vector<1x128xi1> to vector<1x128xi1>
      %broadcast_in_dim3A_548 = vector.broadcast %broadcast_in_dim3A_547 : vector<1x128xi1> to vector<256x128xi1>
      %broadcast_in_dim3A_549 = vector.broadcast %convert_element_type3A_546 : bf16 to vector<256x128xbf16>
      %select_n3A_550 = arith.select %broadcast_in_dim3A_548, %slice3A_510, %broadcast_in_dim3A_549 : vector<256x128xi1>, vector<256x128xbf16>
      %ge3A_551 = arith.constant 96 : i32
      %ge3A_552 = vector.broadcast %ge3A_551 : i32 to vector<1x128xi32>
      %ge3A_553 = arith.cmpi sge, %iota3A, %ge3A_552 : vector<1x128xi32>
      %lt3A_554 = arith.constant 128 : i32
      %lt3A_555 = vector.broadcast %lt3A_554 : i32 to vector<1x128xi32>
      %lt3A_556 = arith.cmpi slt, %iota3A, %lt3A_555 : vector<1x128xi32>
      %and3A_557 = arith.andi %ge3A_553, %lt3A_556 : vector<1x128xi1>
      %jit3A_558 = arith.constant 0 : i32
      %convert_element_type3A_559 = arith.sitofp %jit3A_558 : i32 to bf16
      %broadcast_in_dim3A_560 = vector.shape_cast %and3A_557 : vector<1x128xi1> to vector<1x128xi1>
      %broadcast_in_dim3A_561 = vector.broadcast %broadcast_in_dim3A_560 : vector<1x128xi1> to vector<256x128xi1>
      %broadcast_in_dim3A_562 = vector.broadcast %convert_element_type3A_559 : bf16 to vector<256x128xbf16>
      %select_n3A_563 = arith.select %broadcast_in_dim3A_561, %slice3A_510, %broadcast_in_dim3A_562 : vector<256x128xi1>, vector<256x128xbf16>
      %concatenate3A_564 = tpu.concatenate %select_n3A_524, %select_n3A_537, %select_n3A_550, %select_n3A_563 in 0 : vector<256x128xbf16>, vector<256x128xbf16>, vector<256x128xbf16>, vector<256x128xbf16> -> vector<1024x128xbf16>
      %dot_general3A_565 = arith.constant dense<0.000000e+00> : vector<256x1024xf32>
      %dot_general3A_566 = tpu.matmul %slice3A_509, %concatenate3A_564, %dot_general3A_565 {dimension_numbers = #tpu.dot_dimension_numbers<[1], [1], [0], [0], [0, 0, 1, 0], [], []>, transpose_lhs_hint = false} : vector<256x128xbf16>, vector<1024x128xbf16>, vector<256x1024xf32> -> vector<256x1024xf32>
      %exp3A_567 = math.exp %dot_general3A_566 : vector<256x1024xf32>
      %slice3A_568 = vector.extract_strided_slice %exp3A_567 {offsets = [0, 0], sizes = [256, 256], strides = [1, 1]} : vector<256x1024xf32> to vector<256x256xf32>
      %slice3A_569 = vector.extract_strided_slice %exp3A_567 {offsets = [0, 0], sizes = [256, 256], strides = [1, 1]} : vector<256x1024xf32> to vector<256x256xf32>
      %reduce_sum3A_570 = arith.constant dense<0.000000e+00> : vector<256xf32>
      %reduce_sum3A_571 = vector.multi_reduction <add>, %slice3A_569, %reduce_sum3A_570 [1] : vector<256x256xf32> to vector<256xf32>
      %broadcast_in_dim3A_572 = vector.shape_cast %reduce_sum3A_571 : vector<256xf32> to vector<256x1xf32>
      %div3A_573 = vector.broadcast %broadcast_in_dim3A_572 : vector<256x1xf32> to vector<256x256xf32>
      %div3A_574 = arith.divf %slice3A_568, %div3A_573 : vector<256x256xf32>
      %slice3A_575 = vector.extract_strided_slice %exp3A_567 {offsets = [0, 256], sizes = [256, 256], strides = [1, 1]} : vector<256x1024xf32> to vector<256x256xf32>
      %slice3A_576 = vector.extract_strided_slice %exp3A_567 {offsets = [0, 256], sizes = [256, 256], strides = [1, 1]} : vector<256x1024xf32> to vector<256x256xf32>
      %reduce_sum3A_577 = arith.constant dense<0.000000e+00> : vector<256xf32>
      %reduce_sum3A_578 = vector.multi_reduction <add>, %slice3A_576, %reduce_sum3A_577 [1] : vector<256x256xf32> to vector<256xf32>
      %broadcast_in_dim3A_579 = vector.shape_cast %reduce_sum3A_578 : vector<256xf32> to vector<256x1xf32>
      %div3A_580 = vector.broadcast %broadcast_in_dim3A_579 : vector<256x1xf32> to vector<256x256xf32>
      %div3A_581 = arith.divf %slice3A_575, %div3A_580 : vector<256x256xf32>
      %slice3A_582 = vector.extract_strided_slice %exp3A_567 {offsets = [0, 512], sizes = [256, 256], strides = [1, 1]} : vector<256x1024xf32> to vector<256x256xf32>
      %slice3A_583 = vector.extract_strided_slice %exp3A_567 {offsets = [0, 512], sizes = [256, 256], strides = [1, 1]} : vector<256x1024xf32> to vector<256x256xf32>
      %reduce_sum3A_584 = arith.constant dense<0.000000e+00> : vector<256xf32>
      %reduce_sum3A_585 = vector.multi_reduction <add>, %slice3A_583, %reduce_sum3A_584 [1] : vector<256x256xf32> to vector<256xf32>
      %broadcast_in_dim3A_586 = vector.shape_cast %reduce_sum3A_585 : vector<256xf32> to vector<256x1xf32>
      %div3A_587 = vector.broadcast %broadcast_in_dim3A_586 : vector<256x1xf32> to vector<256x256xf32>
      %div3A_588 = arith.divf %slice3A_582, %div3A_587 : vector<256x256xf32>
      %slice3A_589 = vector.extract_strided_slice %exp3A_567 {offsets = [0, 768], sizes = [256, 256], strides = [1, 1]} : vector<256x1024xf32> to vector<256x256xf32>
      %slice3A_590 = vector.extract_strided_slice %exp3A_567 {offsets = [0, 768], sizes = [256, 256], strides = [1, 1]} : vector<256x1024xf32> to vector<256x256xf32>
      %reduce_sum3A_591 = arith.constant dense<0.000000e+00> : vector<256xf32>
      %reduce_sum3A_592 = vector.multi_reduction <add>, %slice3A_590, %reduce_sum3A_591 [1] : vector<256x256xf32> to vector<256xf32>
      %broadcast_in_dim3A_593 = vector.shape_cast %reduce_sum3A_592 : vector<256xf32> to vector<256x1xf32>
      %div3A_594 = vector.broadcast %broadcast_in_dim3A_593 : vector<256x1xf32> to vector<256x256xf32>
      %div3A_595 = arith.divf %slice3A_589, %div3A_594 : vector<256x256xf32>
      %concatenate3A_596 = tpu.concatenate %div3A_574, %div3A_581, %div3A_588, %div3A_595 in 1 : vector<256x256xf32>, vector<256x256xf32>, vector<256x256xf32>, vector<256x256xf32> -> vector<256x1024xf32>
      %convert_element_type3A_597 = arith.truncf %concatenate3A_596 : vector<256x1024xf32> to vector<256x1024xbf16>
      %ge3A_598 = arith.constant 0 : i32
      %ge3A_599 = vector.broadcast %ge3A_598 : i32 to vector<1x128xi32>
      %ge3A_600 = arith.cmpi sge, %iota3A, %ge3A_599 : vector<1x128xi32>
      %lt3A_601 = arith.constant 32 : i32
      %lt3A_602 = vector.broadcast %lt3A_601 : i32 to vector<1x128xi32>
      %lt3A_603 = arith.cmpi slt, %iota3A, %lt3A_602 : vector<1x128xi32>
      %and3A_604 = arith.andi %ge3A_600, %lt3A_603 : vector<1x128xi1>
      %jit3A_605 = arith.constant 0 : i32
      %convert_element_type3A_606 = arith.sitofp %jit3A_605 : i32 to bf16
      %broadcast_in_dim3A_607 = vector.shape_cast %and3A_604 : vector<1x128xi1> to vector<1x128xi1>
      %broadcast_in_dim3A_608 = vector.broadcast %broadcast_in_dim3A_607 : vector<1x128xi1> to vector<256x128xi1>
      %broadcast_in_dim3A_609 = vector.broadcast %convert_element_type3A_606 : bf16 to vector<256x128xbf16>
      %select_n3A_610 = arith.select %broadcast_in_dim3A_608, %slice3A_511, %broadcast_in_dim3A_609 : vector<256x128xi1>, vector<256x128xbf16>
      %ge3A_611 = arith.constant 32 : i32
      %ge3A_612 = vector.broadcast %ge3A_611 : i32 to vector<1x128xi32>
      %ge3A_613 = arith.cmpi sge, %iota3A, %ge3A_612 : vector<1x128xi32>
      %lt3A_614 = arith.constant 64 : i32
      %lt3A_615 = vector.broadcast %lt3A_614 : i32 to vector<1x128xi32>
      %lt3A_616 = arith.cmpi slt, %iota3A, %lt3A_615 : vector<1x128xi32>
      %and3A_617 = arith.andi %ge3A_613, %lt3A_616 : vector<1x128xi1>
      %jit3A_618 = arith.constant 0 : i32
      %convert_element_type3A_619 = arith.sitofp %jit3A_618 : i32 to bf16
      %broadcast_in_dim3A_620 = vector.shape_cast %and3A_617 : vector<1x128xi1> to vector<1x128xi1>
      %broadcast_in_dim3A_621 = vector.broadcast %broadcast_in_dim3A_620 : vector<1x128xi1> to vector<256x128xi1>
      %broadcast_in_dim3A_622 = vector.broadcast %convert_element_type3A_619 : bf16 to vector<256x128xbf16>
      %select_n3A_623 = arith.select %broadcast_in_dim3A_621, %slice3A_511, %broadcast_in_dim3A_622 : vector<256x128xi1>, vector<256x128xbf16>
      %ge3A_624 = arith.constant 64 : i32
      %ge3A_625 = vector.broadcast %ge3A_624 : i32 to vector<1x128xi32>
      %ge3A_626 = arith.cmpi sge, %iota3A, %ge3A_625 : vector<1x128xi32>
      %lt3A_627 = arith.constant 96 : i32
      %lt3A_628 = vector.broadcast %lt3A_627 : i32 to vector<1x128xi32>
      %lt3A_629 = arith.cmpi slt, %iota3A, %lt3A_628 : vector<1x128xi32>
      %and3A_630 = arith.andi %ge3A_626, %lt3A_629 : vector<1x128xi1>
      %jit3A_631 = arith.constant 0 : i32
      %convert_element_type3A_632 = arith.sitofp %jit3A_631 : i32 to bf16
      %broadcast_in_dim3A_633 = vector.shape_cast %and3A_630 : vector<1x128xi1> to vector<1x128xi1>
      %broadcast_in_dim3A_634 = vector.broadcast %broadcast_in_dim3A_633 : vector<1x128xi1> to vector<256x128xi1>
      %broadcast_in_dim3A_635 = vector.broadcast %convert_element_type3A_632 : bf16 to vector<256x128xbf16>
      %select_n3A_636 = arith.select %broadcast_in_dim3A_634, %slice3A_511, %broadcast_in_dim3A_635 : vector<256x128xi1>, vector<256x128xbf16>
      %ge3A_637 = arith.constant 96 : i32
      %ge3A_638 = vector.broadcast %ge3A_637 : i32 to vector<1x128xi32>
      %ge3A_639 = arith.cmpi sge, %iota3A, %ge3A_638 : vector<1x128xi32>
      %lt3A_640 = arith.constant 128 : i32
      %lt3A_641 = vector.broadcast %lt3A_640 : i32 to vector<1x128xi32>
      %lt3A_642 = arith.cmpi slt, %iota3A, %lt3A_641 : vector<1x128xi32>
      %and3A_643 = arith.andi %ge3A_639, %lt3A_642 : vector<1x128xi1>
      %jit3A_644 = arith.constant 0 : i32
      %convert_element_type3A_645 = arith.sitofp %jit3A_644 : i32 to bf16
      %broadcast_in_dim3A_646 = vector.shape_cast %and3A_643 : vector<1x128xi1> to vector<1x128xi1>
      %broadcast_in_dim3A_647 = vector.broadcast %broadcast_in_dim3A_646 : vector<1x128xi1> to vector<256x128xi1>
      %broadcast_in_dim3A_648 = vector.broadcast %convert_element_type3A_645 : bf16 to vector<256x128xbf16>
      %select_n3A_649 = arith.select %broadcast_in_dim3A_647, %slice3A_511, %broadcast_in_dim3A_648 : vector<256x128xi1>, vector<256x128xbf16>
      %concatenate3A_650 = tpu.concatenate %select_n3A_610, %select_n3A_623, %select_n3A_636, %select_n3A_649 in 0 : vector<256x128xbf16>, vector<256x128xbf16>, vector<256x128xbf16>, vector<256x128xbf16> -> vector<1024x128xbf16>
      %dot_general3A_651 = arith.constant dense<0.000000e+00> : vector<256x128xf32>
      %dot_general3A_652 = tpu.matmul %convert_element_type3A_597, %concatenate3A_650, %dot_general3A_651 {dimension_numbers = #tpu.dot_dimension_numbers<[1], [0], [0], [1], [0, 0, 1, 1], [], []>, transpose_lhs_hint = false} : vector<256x1024xbf16>, vector<1024x128xbf16>, vector<256x128xf32> -> vector<256x128xf32>
      %slice3A_653 = vector.extract_strided_slice %convert_element_type3A_508 {offsets = [0, 128], sizes = [256, 128], strides = [1, 1]} : vector<256x1152xbf16> to vector<256x128xbf16>
      %slice3A_654 = vector.extract_strided_slice %convert_element_type3A_508 {offsets = [0, 512], sizes = [256, 128], strides = [1, 1]} : vector<256x1152xbf16> to vector<256x128xbf16>
      %slice3A_655 = vector.extract_strided_slice %convert_element_type3A_508 {offsets = [0, 896], sizes = [256, 128], strides = [1, 1]} : vector<256x1152xbf16> to vector<256x128xbf16>
      %ge3A_656 = arith.constant 0 : i32
      %ge3A_657 = vector.broadcast %ge3A_656 : i32 to vector<1x128xi32>
      %ge3A_658 = arith.cmpi sge, %iota3A, %ge3A_657 : vector<1x128xi32>
      %lt3A_659 = arith.constant 32 : i32
      %lt3A_660 = vector.broadcast %lt3A_659 : i32 to vector<1x128xi32>
      %lt3A_661 = arith.cmpi slt, %iota3A, %lt3A_660 : vector<1x128xi32>
      %and3A_662 = arith.andi %ge3A_658, %lt3A_661 : vector<1x128xi1>
      %jit3A_663 = arith.constant 0 : i32
      %convert_element_type3A_664 = arith.sitofp %jit3A_663 : i32 to bf16
      %broadcast_in_dim3A_665 = vector.shape_cast %and3A_662 : vector<1x128xi1> to vector<1x128xi1>
      %broadcast_in_dim3A_666 = vector.broadcast %broadcast_in_dim3A_665 : vector<1x128xi1> to vector<256x128xi1>
      %broadcast_in_dim3A_667 = vector.broadcast %convert_element_type3A_664 : bf16 to vector<256x128xbf16>
      %select_n3A_668 = arith.select %broadcast_in_dim3A_666, %slice3A_654, %broadcast_in_dim3A_667 : vector<256x128xi1>, vector<256x128xbf16>
      %ge3A_669 = arith.constant 32 : i32
      %ge3A_670 = vector.broadcast %ge3A_669 : i32 to vector<1x128xi32>
      %ge3A_671 = arith.cmpi sge, %iota3A, %ge3A_670 : vector<1x128xi32>
      %lt3A_672 = arith.constant 64 : i32
      %lt3A_673 = vector.broadcast %lt3A_672 : i32 to vector<1x128xi32>
      %lt3A_674 = arith.cmpi slt, %iota3A, %lt3A_673 : vector<1x128xi32>
      %and3A_675 = arith.andi %ge3A_671, %lt3A_674 : vector<1x128xi1>
      %jit3A_676 = arith.constant 0 : i32
      %convert_element_type3A_677 = arith.sitofp %jit3A_676 : i32 to bf16
      %broadcast_in_dim3A_678 = vector.shape_cast %and3A_675 : vector<1x128xi1> to vector<1x128xi1>
      %broadcast_in_dim3A_679 = vector.broadcast %broadcast_in_dim3A_678 : vector<1x128xi1> to vector<256x128xi1>
      %broadcast_in_dim3A_680 = vector.broadcast %convert_element_type3A_677 : bf16 to vector<256x128xbf16>
      %select_n3A_681 = arith.select %broadcast_in_dim3A_679, %slice3A_654, %broadcast_in_dim3A_680 : vector<256x128xi1>, vector<256x128xbf16>
      %ge3A_682 = arith.constant 64 : i32
      %ge3A_683 = vector.broadcast %ge3A_682 : i32 to vector<1x128xi32>
      %ge3A_684 = arith.cmpi sge, %iota3A, %ge3A_683 : vector<1x128xi32>
      %lt3A_685 = arith.constant 96 : i32
      %lt3A_686 = vector.broadcast %lt3A_685 : i32 to vector<1x128xi32>
      %lt3A_687 = arith.cmpi slt, %iota3A, %lt3A_686 : vector<1x128xi32>
      %and3A_688 = arith.andi %ge3A_684, %lt3A_687 : vector<1x128xi1>
      %jit3A_689 = arith.constant 0 : i32
      %convert_element_type3A_690 = arith.sitofp %jit3A_689 : i32 to bf16
      %broadcast_in_dim3A_691 = vector.shape_cast %and3A_688 : vector<1x128xi1> to vector<1x128xi1>
      %broadcast_in_dim3A_692 = vector.broadcast %broadcast_in_dim3A_691 : vector<1x128xi1> to vector<256x128xi1>
      %broadcast_in_dim3A_693 = vector.broadcast %convert_element_type3A_690 : bf16 to vector<256x128xbf16>
      %select_n3A_694 = arith.select %broadcast_in_dim3A_692, %slice3A_654, %broadcast_in_dim3A_693 : vector<256x128xi1>, vector<256x128xbf16>
      %ge3A_695 = arith.constant 96 : i32
      %ge3A_696 = vector.broadcast %ge3A_695 : i32 to vector<1x128xi32>
      %ge3A_697 = arith.cmpi sge, %iota3A, %ge3A_696 : vector<1x128xi32>
      %lt3A_698 = arith.constant 128 : i32
      %lt3A_699 = vector.broadcast %lt3A_698 : i32 to vector<1x128xi32>
      %lt3A_700 = arith.cmpi slt, %iota3A, %lt3A_699 : vector<1x128xi32>
      %and3A_701 = arith.andi %ge3A_697, %lt3A_700 : vector<1x128xi1>
      %jit3A_702 = arith.constant 0 : i32
      %convert_element_type3A_703 = arith.sitofp %jit3A_702 : i32 to bf16
      %broadcast_in_dim3A_704 = vector.shape_cast %and3A_701 : vector<1x128xi1> to vector<1x128xi1>
      %broadcast_in_dim3A_705 = vector.broadcast %broadcast_in_dim3A_704 : vector<1x128xi1> to vector<256x128xi1>
      %broadcast_in_dim3A_706 = vector.broadcast %convert_element_type3A_703 : bf16 to vector<256x128xbf16>
      %select_n3A_707 = arith.select %broadcast_in_dim3A_705, %slice3A_654, %broadcast_in_dim3A_706 : vector<256x128xi1>, vector<256x128xbf16>
      %concatenate3A_708 = tpu.concatenate %select_n3A_668, %select_n3A_681, %select_n3A_694, %select_n3A_707 in 0 : vector<256x128xbf16>, vector<256x128xbf16>, vector<256x128xbf16>, vector<256x128xbf16> -> vector<1024x128xbf16>
      %dot_general3A_709 = arith.constant dense<0.000000e+00> : vector<256x1024xf32>
      %dot_general3A_710 = tpu.matmul %slice3A_653, %concatenate3A_708, %dot_general3A_709 {dimension_numbers = #tpu.dot_dimension_numbers<[1], [1], [0], [0], [0, 0, 1, 0], [], []>, transpose_lhs_hint = false} : vector<256x128xbf16>, vector<1024x128xbf16>, vector<256x1024xf32> -> vector<256x1024xf32>
      %exp3A_711 = math.exp %dot_general3A_710 : vector<256x1024xf32>
      %slice3A_712 = vector.extract_strided_slice %exp3A_711 {offsets = [0, 0], sizes = [256, 256], strides = [1, 1]} : vector<256x1024xf32> to vector<256x256xf32>
      %slice3A_713 = vector.extract_strided_slice %exp3A_711 {offsets = [0, 0], sizes = [256, 256], strides = [1, 1]} : vector<256x1024xf32> to vector<256x256xf32>
      %reduce_sum3A_714 = arith.constant dense<0.000000e+00> : vector<256xf32>
      %reduce_sum3A_715 = vector.multi_reduction <add>, %slice3A_713, %reduce_sum3A_714 [1] : vector<256x256xf32> to vector<256xf32>
      %broadcast_in_dim3A_716 = vector.shape_cast %reduce_sum3A_715 : vector<256xf32> to vector<256x1xf32>
      %div3A_717 = vector.broadcast %broadcast_in_dim3A_716 : vector<256x1xf32> to vector<256x256xf32>
      %div3A_718 = arith.divf %slice3A_712, %div3A_717 : vector<256x256xf32>
      %slice3A_719 = vector.extract_strided_slice %exp3A_711 {offsets = [0, 256], sizes = [256, 256], strides = [1, 1]} : vector<256x1024xf32> to vector<256x256xf32>
      %slice3A_720 = vector.extract_strided_slice %exp3A_711 {offsets = [0, 256], sizes = [256, 256], strides = [1, 1]} : vector<256x1024xf32> to vector<256x256xf32>
      %reduce_sum3A_721 = arith.constant dense<0.000000e+00> : vector<256xf32>
      %reduce_sum3A_722 = vector.multi_reduction <add>, %slice3A_720, %reduce_sum3A_721 [1] : vector<256x256xf32> to vector<256xf32>
      %broadcast_in_dim3A_723 = vector.shape_cast %reduce_sum3A_722 : vector<256xf32> to vector<256x1xf32>
      %div3A_724 = vector.broadcast %broadcast_in_dim3A_723 : vector<256x1xf32> to vector<256x256xf32>
      %div3A_725 = arith.divf %slice3A_719, %div3A_724 : vector<256x256xf32>
      %slice3A_726 = vector.extract_strided_slice %exp3A_711 {offsets = [0, 512], sizes = [256, 256], strides = [1, 1]} : vector<256x1024xf32> to vector<256x256xf32>
      %slice3A_727 = vector.extract_strided_slice %exp3A_711 {offsets = [0, 512], sizes = [256, 256], strides = [1, 1]} : vector<256x1024xf32> to vector<256x256xf32>
      %reduce_sum3A_728 = arith.constant dense<0.000000e+00> : vector<256xf32>
      %reduce_sum3A_729 = vector.multi_reduction <add>, %slice3A_727, %reduce_sum3A_728 [1] : vector<256x256xf32> to vector<256xf32>
      %broadcast_in_dim3A_730 = vector.shape_cast %reduce_sum3A_729 : vector<256xf32> to vector<256x1xf32>
      %div3A_731 = vector.broadcast %broadcast_in_dim3A_730 : vector<256x1xf32> to vector<256x256xf32>
      %div3A_732 = arith.divf %slice3A_726, %div3A_731 : vector<256x256xf32>
      %slice3A_733 = vector.extract_strided_slice %exp3A_711 {offsets = [0, 768], sizes = [256, 256], strides = [1, 1]} : vector<256x1024xf32> to vector<256x256xf32>
      %slice3A_734 = vector.extract_strided_slice %exp3A_711 {offsets = [0, 768], sizes = [256, 256], strides = [1, 1]} : vector<256x1024xf32> to vector<256x256xf32>
      %reduce_sum3A_735 = arith.constant dense<0.000000e+00> : vector<256xf32>
      %reduce_sum3A_736 = vector.multi_reduction <add>, %slice3A_734, %reduce_sum3A_735 [1] : vector<256x256xf32> to vector<256xf32>
      %broadcast_in_dim3A_737 = vector.shape_cast %reduce_sum3A_736 : vector<256xf32> to vector<256x1xf32>
      %div3A_738 = vector.broadcast %broadcast_in_dim3A_737 : vector<256x1xf32> to vector<256x256xf32>
      %div3A_739 = arith.divf %slice3A_733, %div3A_738 : vector<256x256xf32>
      %concatenate3A_740 = tpu.concatenate %div3A_718, %div3A_725, %div3A_732, %div3A_739 in 1 : vector<256x256xf32>, vector<256x256xf32>, vector<256x256xf32>, vector<256x256xf32> -> vector<256x1024xf32>
      %convert_element_type3A_741 = arith.truncf %concatenate3A_740 : vector<256x1024xf32> to vector<256x1024xbf16>
      %ge3A_742 = arith.constant 0 : i32
      %ge3A_743 = vector.broadcast %ge3A_742 : i32 to vector<1x128xi32>
      %ge3A_744 = arith.cmpi sge, %iota3A, %ge3A_743 : vector<1x128xi32>
      %lt3A_745 = arith.constant 32 : i32
      %lt3A_746 = vector.broadcast %lt3A_745 : i32 to vector<1x128xi32>
      %lt3A_747 = arith.cmpi slt, %iota3A, %lt3A_746 : vector<1x128xi32>
      %and3A_748 = arith.andi %ge3A_744, %lt3A_747 : vector<1x128xi1>
      %jit3A_749 = arith.constant 0 : i32
      %convert_element_type3A_750 = arith.sitofp %jit3A_749 : i32 to bf16
      %broadcast_in_dim3A_751 = vector.shape_cast %and3A_748 : vector<1x128xi1> to vector<1x128xi1>
      %broadcast_in_dim3A_752 = vector.broadcast %broadcast_in_dim3A_751 : vector<1x128xi1> to vector<256x128xi1>
      %broadcast_in_dim3A_753 = vector.broadcast %convert_element_type3A_750 : bf16 to vector<256x128xbf16>
      %select_n3A_754 = arith.select %broadcast_in_dim3A_752, %slice3A_655, %broadcast_in_dim3A_753 : vector<256x128xi1>, vector<256x128xbf16>
      %ge3A_755 = arith.constant 32 : i32
      %ge3A_756 = vector.broadcast %ge3A_755 : i32 to vector<1x128xi32>
      %ge3A_757 = arith.cmpi sge, %iota3A, %ge3A_756 : vector<1x128xi32>
      %lt3A_758 = arith.constant 64 : i32
      %lt3A_759 = vector.broadcast %lt3A_758 : i32 to vector<1x128xi32>
      %lt3A_760 = arith.cmpi slt, %iota3A, %lt3A_759 : vector<1x128xi32>
      %and3A_761 = arith.andi %ge3A_757, %lt3A_760 : vector<1x128xi1>
      %jit3A_762 = arith.constant 0 : i32
      %convert_element_type3A_763 = arith.sitofp %jit3A_762 : i32 to bf16
      %broadcast_in_dim3A_764 = vector.shape_cast %and3A_761 : vector<1x128xi1> to vector<1x128xi1>
      %broadcast_in_dim3A_765 = vector.broadcast %broadcast_in_dim3A_764 : vector<1x128xi1> to vector<256x128xi1>
      %broadcast_in_dim3A_766 = vector.broadcast %convert_element_type3A_763 : bf16 to vector<256x128xbf16>
      %select_n3A_767 = arith.select %broadcast_in_dim3A_765, %slice3A_655, %broadcast_in_dim3A_766 : vector<256x128xi1>, vector<256x128xbf16>
      %ge3A_768 = arith.constant 64 : i32
      %ge3A_769 = vector.broadcast %ge3A_768 : i32 to vector<1x128xi32>
      %ge3A_770 = arith.cmpi sge, %iota3A, %ge3A_769 : vector<1x128xi32>
      %lt3A_771 = arith.constant 96 : i32
      %lt3A_772 = vector.broadcast %lt3A_771 : i32 to vector<1x128xi32>
      %lt3A_773 = arith.cmpi slt, %iota3A, %lt3A_772 : vector<1x128xi32>
      %and3A_774 = arith.andi %ge3A_770, %lt3A_773 : vector<1x128xi1>
      %jit3A_775 = arith.constant 0 : i32
      %convert_element_type3A_776 = arith.sitofp %jit3A_775 : i32 to bf16
      %broadcast_in_dim3A_777 = vector.shape_cast %and3A_774 : vector<1x128xi1> to vector<1x128xi1>
      %broadcast_in_dim3A_778 = vector.broadcast %broadcast_in_dim3A_777 : vector<1x128xi1> to vector<256x128xi1>
      %broadcast_in_dim3A_779 = vector.broadcast %convert_element_type3A_776 : bf16 to vector<256x128xbf16>
      %select_n3A_780 = arith.select %broadcast_in_dim3A_778, %slice3A_655, %broadcast_in_dim3A_779 : vector<256x128xi1>, vector<256x128xbf16>
      %ge3A_781 = arith.constant 96 : i32
      %ge3A_782 = vector.broadcast %ge3A_781 : i32 to vector<1x128xi32>
      %ge3A_783 = arith.cmpi sge, %iota3A, %ge3A_782 : vector<1x128xi32>
      %lt3A_784 = arith.constant 128 : i32
      %lt3A_785 = vector.broadcast %lt3A_784 : i32 to vector<1x128xi32>
      %lt3A_786 = arith.cmpi slt, %iota3A, %lt3A_785 : vector<1x128xi32>
      %and3A_787 = arith.andi %ge3A_783, %lt3A_786 : vector<1x128xi1>
      %jit3A_788 = arith.constant 0 : i32
      %convert_element_type3A_789 = arith.sitofp %jit3A_788 : i32 to bf16
      %broadcast_in_dim3A_790 = vector.shape_cast %and3A_787 : vector<1x128xi1> to vector<1x128xi1>
      %broadcast_in_dim3A_791 = vector.broadcast %broadcast_in_dim3A_790 : vector<1x128xi1> to vector<256x128xi1>
      %broadcast_in_dim3A_792 = vector.broadcast %convert_element_type3A_789 : bf16 to vector<256x128xbf16>
      %select_n3A_793 = arith.select %broadcast_in_dim3A_791, %slice3A_655, %broadcast_in_dim3A_792 : vector<256x128xi1>, vector<256x128xbf16>
      %concatenate3A_794 = tpu.concatenate %select_n3A_754, %select_n3A_767, %select_n3A_780, %select_n3A_793 in 0 : vector<256x128xbf16>, vector<256x128xbf16>, vector<256x128xbf16>, vector<256x128xbf16> -> vector<1024x128xbf16>
      %dot_general3A_795 = arith.constant dense<0.000000e+00> : vector<256x128xf32>
      %dot_general3A_796 = tpu.matmul %convert_element_type3A_741, %concatenate3A_794, %dot_general3A_795 {dimension_numbers = #tpu.dot_dimension_numbers<[1], [0], [0], [1], [0, 0, 1, 1], [], []>, transpose_lhs_hint = false} : vector<256x1024xbf16>, vector<1024x128xbf16>, vector<256x128xf32> -> vector<256x128xf32>
      %slice3A_797 = vector.extract_strided_slice %convert_element_type3A_508 {offsets = [0, 256], sizes = [256, 128], strides = [1, 1]} : vector<256x1152xbf16> to vector<256x128xbf16>
      %slice3A_798 = vector.extract_strided_slice %convert_element_type3A_508 {offsets = [0, 640], sizes = [256, 128], strides = [1, 1]} : vector<256x1152xbf16> to vector<256x128xbf16>
      %slice3A_799 = vector.extract_strided_slice %convert_element_type3A_508 {offsets = [0, 1024], sizes = [256, 128], strides = [1, 1]} : vector<256x1152xbf16> to vector<256x128xbf16>
      %ge3A_800 = arith.constant 0 : i32
      %ge3A_801 = vector.broadcast %ge3A_800 : i32 to vector<1x128xi32>
      %ge3A_802 = arith.cmpi sge, %iota3A, %ge3A_801 : vector<1x128xi32>
      %lt3A_803 = arith.constant 32 : i32
      %lt3A_804 = vector.broadcast %lt3A_803 : i32 to vector<1x128xi32>
      %lt3A_805 = arith.cmpi slt, %iota3A, %lt3A_804 : vector<1x128xi32>
      %and3A_806 = arith.andi %ge3A_802, %lt3A_805 : vector<1x128xi1>
      %jit3A_807 = arith.constant 0 : i32
      %convert_element_type3A_808 = arith.sitofp %jit3A_807 : i32 to bf16
      %broadcast_in_dim3A_809 = vector.shape_cast %and3A_806 : vector<1x128xi1> to vector<1x128xi1>
      %broadcast_in_dim3A_810 = vector.broadcast %broadcast_in_dim3A_809 : vector<1x128xi1> to vector<256x128xi1>
      %broadcast_in_dim3A_811 = vector.broadcast %convert_element_type3A_808 : bf16 to vector<256x128xbf16>
      %select_n3A_812 = arith.select %broadcast_in_dim3A_810, %slice3A_798, %broadcast_in_dim3A_811 : vector<256x128xi1>, vector<256x128xbf16>
      %ge3A_813 = arith.constant 32 : i32
      %ge3A_814 = vector.broadcast %ge3A_813 : i32 to vector<1x128xi32>
      %ge3A_815 = arith.cmpi sge, %iota3A, %ge3A_814 : vector<1x128xi32>
      %lt3A_816 = arith.constant 64 : i32
      %lt3A_817 = vector.broadcast %lt3A_816 : i32 to vector<1x128xi32>
      %lt3A_818 = arith.cmpi slt, %iota3A, %lt3A_817 : vector<1x128xi32>
      %and3A_819 = arith.andi %ge3A_815, %lt3A_818 : vector<1x128xi1>
      %jit3A_820 = arith.constant 0 : i32
      %convert_element_type3A_821 = arith.sitofp %jit3A_820 : i32 to bf16
      %broadcast_in_dim3A_822 = vector.shape_cast %and3A_819 : vector<1x128xi1> to vector<1x128xi1>
      %broadcast_in_dim3A_823 = vector.broadcast %broadcast_in_dim3A_822 : vector<1x128xi1> to vector<256x128xi1>
      %broadcast_in_dim3A_824 = vector.broadcast %convert_element_type3A_821 : bf16 to vector<256x128xbf16>
      %select_n3A_825 = arith.select %broadcast_in_dim3A_823, %slice3A_798, %broadcast_in_dim3A_824 : vector<256x128xi1>, vector<256x128xbf16>
      %ge3A_826 = arith.constant 64 : i32
      %ge3A_827 = vector.broadcast %ge3A_826 : i32 to vector<1x128xi32>
      %ge3A_828 = arith.cmpi sge, %iota3A, %ge3A_827 : vector<1x128xi32>
      %lt3A_829 = arith.constant 96 : i32
      %lt3A_830 = vector.broadcast %lt3A_829 : i32 to vector<1x128xi32>
      %lt3A_831 = arith.cmpi slt, %iota3A, %lt3A_830 : vector<1x128xi32>
      %and3A_832 = arith.andi %ge3A_828, %lt3A_831 : vector<1x128xi1>
      %jit3A_833 = arith.constant 0 : i32
      %convert_element_type3A_834 = arith.sitofp %jit3A_833 : i32 to bf16
      %broadcast_in_dim3A_835 = vector.shape_cast %and3A_832 : vector<1x128xi1> to vector<1x128xi1>
      %broadcast_in_dim3A_836 = vector.broadcast %broadcast_in_dim3A_835 : vector<1x128xi1> to vector<256x128xi1>
      %broadcast_in_dim3A_837 = vector.broadcast %convert_element_type3A_834 : bf16 to vector<256x128xbf16>
      %select_n3A_838 = arith.select %broadcast_in_dim3A_836, %slice3A_798, %broadcast_in_dim3A_837 : vector<256x128xi1>, vector<256x128xbf16>
      %ge3A_839 = arith.constant 96 : i32
      %ge3A_840 = vector.broadcast %ge3A_839 : i32 to vector<1x128xi32>
      %ge3A_841 = arith.cmpi sge, %iota3A, %ge3A_840 : vector<1x128xi32>
      %lt3A_842 = arith.constant 128 : i32
      %lt3A_843 = vector.broadcast %lt3A_842 : i32 to vector<1x128xi32>
      %lt3A_844 = arith.cmpi slt, %iota3A, %lt3A_843 : vector<1x128xi32>
      %and3A_845 = arith.andi %ge3A_841, %lt3A_844 : vector<1x128xi1>
      %jit3A_846 = arith.constant 0 : i32
      %convert_element_type3A_847 = arith.sitofp %jit3A_846 : i32 to bf16
      %broadcast_in_dim3A_848 = vector.shape_cast %and3A_845 : vector<1x128xi1> to vector<1x128xi1>
      %broadcast_in_dim3A_849 = vector.broadcast %broadcast_in_dim3A_848 : vector<1x128xi1> to vector<256x128xi1>
      %broadcast_in_dim3A_850 = vector.broadcast %convert_element_type3A_847 : bf16 to vector<256x128xbf16>
      %select_n3A_851 = arith.select %broadcast_in_dim3A_849, %slice3A_798, %broadcast_in_dim3A_850 : vector<256x128xi1>, vector<256x128xbf16>
      %concatenate3A_852 = tpu.concatenate %select_n3A_812, %select_n3A_825, %select_n3A_838, %select_n3A_851 in 0 : vector<256x128xbf16>, vector<256x128xbf16>, vector<256x128xbf16>, vector<256x128xbf16> -> vector<1024x128xbf16>
      %dot_general3A_853 = arith.constant dense<0.000000e+00> : vector<256x1024xf32>
      %dot_general3A_854 = tpu.matmul %slice3A_797, %concatenate3A_852, %dot_general3A_853 {dimension_numbers = #tpu.dot_dimension_numbers<[1], [1], [0], [0], [0, 0, 1, 0], [], []>, transpose_lhs_hint = false} : vector<256x128xbf16>, vector<1024x128xbf16>, vector<256x1024xf32> -> vector<256x1024xf32>
      %exp3A_855 = math.exp %dot_general3A_854 : vector<256x1024xf32>
      %slice3A_856 = vector.extract_strided_slice %exp3A_855 {offsets = [0, 0], sizes = [256, 256], strides = [1, 1]} : vector<256x1024xf32> to vector<256x256xf32>
      %slice3A_857 = vector.extract_strided_slice %exp3A_855 {offsets = [0, 0], sizes = [256, 256], strides = [1, 1]} : vector<256x1024xf32> to vector<256x256xf32>
      %reduce_sum3A_858 = arith.constant dense<0.000000e+00> : vector<256xf32>
      %reduce_sum3A_859 = vector.multi_reduction <add>, %slice3A_857, %reduce_sum3A_858 [1] : vector<256x256xf32> to vector<256xf32>
      %broadcast_in_dim3A_860 = vector.shape_cast %reduce_sum3A_859 : vector<256xf32> to vector<256x1xf32>
      %div3A_861 = vector.broadcast %broadcast_in_dim3A_860 : vector<256x1xf32> to vector<256x256xf32>
      %div3A_862 = arith.divf %slice3A_856, %div3A_861 : vector<256x256xf32>
      %slice3A_863 = vector.extract_strided_slice %exp3A_855 {offsets = [0, 256], sizes = [256, 256], strides = [1, 1]} : vector<256x1024xf32> to vector<256x256xf32>
      %slice3A_864 = vector.extract_strided_slice %exp3A_855 {offsets = [0, 256], sizes = [256, 256], strides = [1, 1]} : vector<256x1024xf32> to vector<256x256xf32>
      %reduce_sum3A_865 = arith.constant dense<0.000000e+00> : vector<256xf32>
      %reduce_sum3A_866 = vector.multi_reduction <add>, %slice3A_864, %reduce_sum3A_865 [1] : vector<256x256xf32> to vector<256xf32>
      %broadcast_in_dim3A_867 = vector.shape_cast %reduce_sum3A_866 : vector<256xf32> to vector<256x1xf32>
      %div3A_868 = vector.broadcast %broadcast_in_dim3A_867 : vector<256x1xf32> to vector<256x256xf32>
      %div3A_869 = arith.divf %slice3A_863, %div3A_868 : vector<256x256xf32>
      %slice3A_870 = vector.extract_strided_slice %exp3A_855 {offsets = [0, 512], sizes = [256, 256], strides = [1, 1]} : vector<256x1024xf32> to vector<256x256xf32>
      %slice3A_871 = vector.extract_strided_slice %exp3A_855 {offsets = [0, 512], sizes = [256, 256], strides = [1, 1]} : vector<256x1024xf32> to vector<256x256xf32>
      %reduce_sum3A_872 = arith.constant dense<0.000000e+00> : vector<256xf32>
      %reduce_sum3A_873 = vector.multi_reduction <add>, %slice3A_871, %reduce_sum3A_872 [1] : vector<256x256xf32> to vector<256xf32>
      %broadcast_in_dim3A_874 = vector.shape_cast %reduce_sum3A_873 : vector<256xf32> to vector<256x1xf32>
      %div3A_875 = vector.broadcast %broadcast_in_dim3A_874 : vector<256x1xf32> to vector<256x256xf32>
      %div3A_876 = arith.divf %slice3A_870, %div3A_875 : vector<256x256xf32>
      %slice3A_877 = vector.extract_strided_slice %exp3A_855 {offsets = [0, 768], sizes = [256, 256], strides = [1, 1]} : vector<256x1024xf32> to vector<256x256xf32>
      %slice3A_878 = vector.extract_strided_slice %exp3A_855 {offsets = [0, 768], sizes = [256, 256], strides = [1, 1]} : vector<256x1024xf32> to vector<256x256xf32>
      %reduce_sum3A_879 = arith.constant dense<0.000000e+00> : vector<256xf32>
      %reduce_sum3A_880 = vector.multi_reduction <add>, %slice3A_878, %reduce_sum3A_879 [1] : vector<256x256xf32> to vector<256xf32>
      %broadcast_in_dim3A_881 = vector.shape_cast %reduce_sum3A_880 : vector<256xf32> to vector<256x1xf32>
      %div3A_882 = vector.broadcast %broadcast_in_dim3A_881 : vector<256x1xf32> to vector<256x256xf32>
      %div3A_883 = arith.divf %slice3A_877, %div3A_882 : vector<256x256xf32>
      %concatenate3A_884 = tpu.concatenate %div3A_862, %div3A_869, %div3A_876, %div3A_883 in 1 : vector<256x256xf32>, vector<256x256xf32>, vector<256x256xf32>, vector<256x256xf32> -> vector<256x1024xf32>
      %convert_element_type3A_885 = arith.truncf %concatenate3A_884 : vector<256x1024xf32> to vector<256x1024xbf16>
      %ge3A_886 = arith.constant 0 : i32
      %ge3A_887 = vector.broadcast %ge3A_886 : i32 to vector<1x128xi32>
      %ge3A_888 = arith.cmpi sge, %iota3A, %ge3A_887 : vector<1x128xi32>
      %lt3A_889 = arith.constant 32 : i32
      %lt3A_890 = vector.broadcast %lt3A_889 : i32 to vector<1x128xi32>
      %lt3A_891 = arith.cmpi slt, %iota3A, %lt3A_890 : vector<1x128xi32>
      %and3A_892 = arith.andi %ge3A_888, %lt3A_891 : vector<1x128xi1>
      %jit3A_893 = arith.constant 0 : i32
      %convert_element_type3A_894 = arith.sitofp %jit3A_893 : i32 to bf16
      %broadcast_in_dim3A_895 = vector.shape_cast %and3A_892 : vector<1x128xi1> to vector<1x128xi1>
      %broadcast_in_dim3A_896 = vector.broadcast %broadcast_in_dim3A_895 : vector<1x128xi1> to vector<256x128xi1>
      %broadcast_in_dim3A_897 = vector.broadcast %convert_element_type3A_894 : bf16 to vector<256x128xbf16>
      %select_n3A_898 = arith.select %broadcast_in_dim3A_896, %slice3A_799, %broadcast_in_dim3A_897 : vector<256x128xi1>, vector<256x128xbf16>
      %ge3A_899 = arith.constant 32 : i32
      %ge3A_900 = vector.broadcast %ge3A_899 : i32 to vector<1x128xi32>
      %ge3A_901 = arith.cmpi sge, %iota3A, %ge3A_900 : vector<1x128xi32>
      %lt3A_902 = arith.constant 64 : i32
      %lt3A_903 = vector.broadcast %lt3A_902 : i32 to vector<1x128xi32>
      %lt3A_904 = arith.cmpi slt, %iota3A, %lt3A_903 : vector<1x128xi32>
      %and3A_905 = arith.andi %ge3A_901, %lt3A_904 : vector<1x128xi1>
      %jit3A_906 = arith.constant 0 : i32
      %convert_element_type3A_907 = arith.sitofp %jit3A_906 : i32 to bf16
      %broadcast_in_dim3A_908 = vector.shape_cast %and3A_905 : vector<1x128xi1> to vector<1x128xi1>
      %broadcast_in_dim3A_909 = vector.broadcast %broadcast_in_dim3A_908 : vector<1x128xi1> to vector<256x128xi1>
      %broadcast_in_dim3A_910 = vector.broadcast %convert_element_type3A_907 : bf16 to vector<256x128xbf16>
      %select_n3A_911 = arith.select %broadcast_in_dim3A_909, %slice3A_799, %broadcast_in_dim3A_910 : vector<256x128xi1>, vector<256x128xbf16>
      %ge3A_912 = arith.constant 64 : i32
      %ge3A_913 = vector.broadcast %ge3A_912 : i32 to vector<1x128xi32>
      %ge3A_914 = arith.cmpi sge, %iota3A, %ge3A_913 : vector<1x128xi32>
      %lt3A_915 = arith.constant 96 : i32
      %lt3A_916 = vector.broadcast %lt3A_915 : i32 to vector<1x128xi32>
      %lt3A_917 = arith.cmpi slt, %iota3A, %lt3A_916 : vector<1x128xi32>
      %and3A_918 = arith.andi %ge3A_914, %lt3A_917 : vector<1x128xi1>
      %jit3A_919 = arith.constant 0 : i32
      %convert_element_type3A_920 = arith.sitofp %jit3A_919 : i32 to bf16
      %broadcast_in_dim3A_921 = vector.shape_cast %and3A_918 : vector<1x128xi1> to vector<1x128xi1>
      %broadcast_in_dim3A_922 = vector.broadcast %broadcast_in_dim3A_921 : vector<1x128xi1> to vector<256x128xi1>
      %broadcast_in_dim3A_923 = vector.broadcast %convert_element_type3A_920 : bf16 to vector<256x128xbf16>
      %select_n3A_924 = arith.select %broadcast_in_dim3A_922, %slice3A_799, %broadcast_in_dim3A_923 : vector<256x128xi1>, vector<256x128xbf16>
      %ge3A_925 = arith.constant 96 : i32
      %ge3A_926 = vector.broadcast %ge3A_925 : i32 to vector<1x128xi32>
      %ge3A_927 = arith.cmpi sge, %iota3A, %ge3A_926 : vector<1x128xi32>
      %lt3A_928 = arith.constant 128 : i32
      %lt3A_929 = vector.broadcast %lt3A_928 : i32 to vector<1x128xi32>
      %lt3A_930 = arith.cmpi slt, %iota3A, %lt3A_929 : vector<1x128xi32>
      %and3A_931 = arith.andi %ge3A_927, %lt3A_930 : vector<1x128xi1>
      %jit3A_932 = arith.constant 0 : i32
      %convert_element_type3A_933 = arith.sitofp %jit3A_932 : i32 to bf16
      %broadcast_in_dim3A_934 = vector.shape_cast %and3A_931 : vector<1x128xi1> to vector<1x128xi1>
      %broadcast_in_dim3A_935 = vector.broadcast %broadcast_in_dim3A_934 : vector<1x128xi1> to vector<256x128xi1>
      %broadcast_in_dim3A_936 = vector.broadcast %convert_element_type3A_933 : bf16 to vector<256x128xbf16>
      %select_n3A_937 = arith.select %broadcast_in_dim3A_935, %slice3A_799, %broadcast_in_dim3A_936 : vector<256x128xi1>, vector<256x128xbf16>
      %concatenate3A_938 = tpu.concatenate %select_n3A_898, %select_n3A_911, %select_n3A_924, %select_n3A_937 in 0 : vector<256x128xbf16>, vector<256x128xbf16>, vector<256x128xbf16>, vector<256x128xbf16> -> vector<1024x128xbf16>
      %dot_general3A_939 = arith.constant dense<0.000000e+00> : vector<256x128xf32>
      %dot_general3A_940 = tpu.matmul %convert_element_type3A_885, %concatenate3A_938, %dot_general3A_939 {dimension_numbers = #tpu.dot_dimension_numbers<[1], [0], [0], [1], [0, 0, 1, 1], [], []>, transpose_lhs_hint = false} : vector<256x1024xbf16>, vector<1024x128xbf16>, vector<256x128xf32> -> vector<256x128xf32>
      %concatenate3A_941 = tpu.concatenate %dot_general3A_652, %dot_general3A_796, %dot_general3A_940 in 1 : vector<256x128xf32>, vector<256x128xf32>, vector<256x128xf32> -> vector<256x384xf32>
      %convert_element_type3A_942 = arith.truncf %concatenate3A_941 : vector<256x384xf32> to vector<256x384xbf16>
      %get3A_943 = arith.constant 0 : index
      %get3A_944 = arith.constant 0 : index
      %get3A_945 = vector.load %arg13[%get3A_943, %get3A_944] : memref<384x384xbf16, #tpu.memory_space<vmem>>, vector<384x384xbf16>
      %dot_general3A_946 = arith.constant dense<0.000000e+00> : vector<256x384xf32>
      %dot_general3A_947 = tpu.matmul %convert_element_type3A_942, %get3A_945, %dot_general3A_946 {dimension_numbers = #tpu.dot_dimension_numbers<[1], [1], [0], [0], [0, 0, 1, 0], [], []>, transpose_lhs_hint = false} : vector<256x384xbf16>, vector<384x384xbf16>, vector<256x384xf32> -> vector<256x384xf32>
      %add3A_948 = arith.addf %slice3A_497, %dot_general3A_947 : vector<256x384xf32>
      %mul3A_949 = arith.constant 2 : i32
      %mul3A_950 = arith.muli %mul3A_949, %arg0 : i32
      %add3A_951 = arith.constant 1 : i32
      %add3A_952 = arith.addi %mul3A_950, %add3A_951 : i32
      %mul3A_953 = arith.constant 256 : i32
      %mul3A_954 = arith.muli %add3A_952, %mul3A_953 : i32
      %swap3A_955 = arith.index_cast %mul3A_954 : i32 to index
      %swap3A_956 = arith.constant 0 : index
      %swap3A_957 = vector.load %arg10[%swap3A_955, %swap3A_956] : memref<4096x384xf32, #tpu.memory_space<vmem>>, vector<256x384xf32>
      tpu.vector_store %arg10[%swap3A_955, %swap3A_956], %add3A_948 {strides = array<i32>} : memref<4096x384xf32, #tpu.memory_space<vmem>>, vector<256x384xf32>,
      %reduce_sum3A_958 = arith.constant dense<0.000000e+00> : vector<384xf32>
      %reduce_sum3A_959 = vector.multi_reduction <add>, %add3A_948, %reduce_sum3A_958 [0] : vector<256x384xf32> to vector<384xf32>
      %broadcast_in_dim3A_960 = vector.shape_cast %reduce_sum3A_959 : vector<384xf32> to vector<1x384xf32>
      %mul3A_961 = arith.mulf %add3A_948, %add3A_948 : vector<256x384xf32>
      %reduce_sum3A_962 = arith.constant dense<0.000000e+00> : vector<384xf32>
      %reduce_sum3A_963 = vector.multi_reduction <add>, %mul3A_961, %reduce_sum3A_962 [0] : vector<256x384xf32> to vector<384xf32>
      %broadcast_in_dim3A_964 = vector.shape_cast %reduce_sum3A_963 : vector<384xf32> to vector<1x384xf32>
      %broadcast_in_dim3A_965 = arith.constant 0.000000e+00 : f32
      %broadcast_in_dim3A_966 = vector.broadcast %broadcast_in_dim3A_965 : f32 to vector<6x384xf32>
      %concatenate3A_967 = tpu.concatenate %broadcast_in_dim3A_960, %broadcast_in_dim3A_964, %broadcast_in_dim3A_966 in 0 : vector<1x384xf32>, vector<1x384xf32>, vector<6x384xf32> -> vector<8x384xf32>
      %add3A_968 = arith.addf %add3A_496, %concatenate3A_967 : vector<8x384xf32>
      %eq3A_969 = arith.constant 0 : i32
      %eq3A_970 = arith.cmpi eq, %arg0, %eq3A_969 : i32
      %convert_element_type3A_971 = arith.extui %eq3A_970 : i1 to i32
      %cond3A_972 = arith.constant 0 : i32
      %cond3A_973 = arith.cmpi ne, %convert_element_type3A_971, %cond3A_972 : i32
      scf.if %cond3A_973 {
        %swap3A_978 = arith.constant 0 : index
        %swap3A_979 = arith.constant 0 : index
        %swap3A_980 = vector.load %arg11[%swap3A_978, %swap3A_979] : memref<8x384xf32, #tpu.memory_space<vmem>>, vector<8x384xf32>
        tpu.vector_store %arg11[%swap3A_978, %swap3A_979], %add3A_968 {strides = array<i32>} : memref<8x384xf32, #tpu.memory_space<vmem>>, vector<8x384xf32>,
      } else {
      }
      %gt3A = arith.constant 0 : i32
      %gt3A_974 = arith.cmpi sgt, %arg0, %gt3A : i32
      %convert_element_type3A_975 = arith.extui %gt3A_974 : i1 to i32
      %cond3A_976 = arith.constant 0 : i32
      %cond3A_977 = arith.cmpi ne, %convert_element_type3A_975, %cond3A_976 : i32
      scf.if %cond3A_977 {
        %get3A_978 = arith.constant 0 : index
        %get3A_979 = arith.constant 0 : index
        %get3A_980 = vector.load %arg11[%get3A_978, %get3A_979] : memref<8x384xf32, #tpu.memory_space<vmem>>, vector<8x384xf32>
        %add3A_981 = arith.addf %get3A_980, %add3A_968 : vector<8x384xf32>
        %swap3A_982 = arith.constant 0 : index
        %swap3A_983 = arith.constant 0 : index
        %swap3A_984 = vector.load %arg11[%swap3A_982, %swap3A_983] : memref<8x384xf32, #tpu.memory_space<vmem>>, vector<8x384xf32>
        tpu.vector_store %arg11[%swap3A_982, %swap3A_983], %add3A_981 {strides = array<i32>} : memref<8x384xf32, #tpu.memory_space<vmem>>, vector<8x384xf32>,
      } else {
      }
    } else {
    }
    %not3A = arith.constant true
    %not3A_6 = arith.xori %lt3A_0, %not3A : i1
    %convert_element_type3A_7 = arith.extui %not3A_6 : i1 to i32
    %cond3A_8 = arith.constant 0 : i32
    %cond3A_9 = arith.cmpi ne, %convert_element_type3A_7, %cond3A_8 : i32
    scf.if %cond3A_9 {
      %sub3A = arith.constant 8 : i32
      %sub3A_10 = arith.subi %arg0, %sub3A : i32
      %mul3A = arith.constant 512 : i32
      %mul3A_11 = arith.muli %sub3A_10, %mul3A : i32
      %get3A = arith.index_cast %mul3A_11 : i32 to index
      %get3A_12 = arith.constant 0 : index
      %get3A_13 = vector.load %arg10[%get3A, %get3A_12] : memref<4096x384xf32, #tpu.memory_space<vmem>>, vector<512x384xf32>
      %get3A_14 = arith.constant 0 : index
      %get3A_15 = arith.constant 0 : index
      %get3A_16 = vector.load %arg11[%get3A_14, %get3A_15] : memref<8x384xf32, #tpu.memory_space<vmem>>, vector<8x384xf32>
      %slice3A = vector.extract_strided_slice %get3A_16 {offsets = [0, 0], sizes = [1, 384], strides = [1, 1]} : vector<8x384xf32> to vector<1x384xf32>
      %mul3A_17 = arith.constant 2.44140625E-4 : f32
      %mul3A_18 = vector.broadcast %mul3A_17 : f32 to vector<1x384xf32>
      %mul3A_19 = arith.mulf %slice3A, %mul3A_18 : vector<1x384xf32>
      %slice3A_20 = vector.extract_strided_slice %get3A_16 {offsets = [1, 0], sizes = [1, 384], strides = [1, 1]} : vector<8x384xf32> to vector<1x384xf32>
      %mul3A_21 = arith.constant 2.44140625E-4 : f32
      %mul3A_22 = vector.broadcast %mul3A_21 : f32 to vector<1x384xf32>
      %mul3A_23 = arith.mulf %slice3A_20, %mul3A_22 : vector<1x384xf32>
      %mul3A_24 = arith.mulf %mul3A_19, %mul3A_19 : vector<1x384xf32>
      %sub3A_25 = arith.subf %mul3A_23, %mul3A_24 : vector<1x384xf32>
      %get3A_26 = arith.constant 2 : index
      %get3A_27 = arith.constant 0 : index
      %get3A_28 = vector.load %arg2[%get3A_26, %get3A_27] : memref<8x384xf32, #tpu.memory_space<vmem>>, vector<1x384xf32>
      %add3A = arith.constant 9.99999974E-6 : f32
      %add3A_29 = vector.broadcast %add3A : f32 to vector<1x384xf32>
      %add3A_30 = arith.addf %sub3A_25, %add3A_29 : vector<1x384xf32>
      %rsqrt3A = math.rsqrt %add3A_30 : vector<1x384xf32>
      %mul3A_31 = arith.mulf %get3A_28, %rsqrt3A : vector<1x384xf32>
      %get3A_32 = arith.constant 3 : index
      %get3A_33 = arith.constant 0 : index
      %get3A_34 = vector.load %arg2[%get3A_32, %get3A_33] : memref<8x384xf32, #tpu.memory_space<vmem>>, vector<1x384xf32>
      %mul3A_35 = arith.mulf %mul3A_19, %mul3A_31 : vector<1x384xf32>
      %sub3A_36 = arith.subf %get3A_34, %mul3A_35 : vector<1x384xf32>
      %mul3A_37 = vector.broadcast %mul3A_31 : vector<1x384xf32> to vector<512x384xf32>
      %mul3A_38 = arith.mulf %get3A_13, %mul3A_37 : vector<512x384xf32>
      %add3A_39 = vector.broadcast %sub3A_36 : vector<1x384xf32> to vector<512x384xf32>
      %add3A_40 = arith.addf %mul3A_38, %add3A_39 : vector<512x384xf32>
      %convert_element_type3A_41 = arith.truncf %add3A_40 : vector<512x384xf32> to vector<512x384xbf16>
      %get3A_42 = arith.constant 0 : index
      %get3A_43 = arith.constant 0 : index
      %get3A_44 = vector.load %arg14[%get3A_42, %get3A_43] : memref<1536x384xbf16, #tpu.memory_space<vmem>>, vector<1536x384xbf16>
      %dot_general3A = arith.constant dense<0.000000e+00> : vector<512x1536xf32>
      %dot_general3A_45 = tpu.matmul %convert_element_type3A_41, %get3A_44, %dot_general3A {dimension_numbers = #tpu.dot_dimension_numbers<[1], [1], [0], [0], [0, 0, 1, 0], [], []>, transpose_lhs_hint = false} : vector<512x384xbf16>, vector<1536x384xbf16>, vector<512x1536xf32> -> vector<512x1536xf32>
      %max3A = arith.constant 0.000000e+00 : f32
      %max3A_46 = vector.broadcast %max3A : f32 to vector<512x1536xf32>
      %max3A_47 = arith.maximumf %dot_general3A_45, %max3A_46 : vector<512x1536xf32>
      %convert_element_type3A_48 = arith.truncf %max3A_47 : vector<512x1536xf32> to vector<512x1536xbf16>
      %get3A_49 = arith.constant 0 : index
      %get3A_50 = arith.constant 0 : index
      %get3A_51 = vector.load %arg15[%get3A_49, %get3A_50] : memref<384x1536xbf16, #tpu.memory_space<vmem>>, vector<384x1536xbf16>
      %dot_general3A_52 = arith.constant dense<0.000000e+00> : vector<512x384xf32>
      %dot_general3A_53 = tpu.matmul %convert_element_type3A_48, %get3A_51, %dot_general3A_52 {dimension_numbers = #tpu.dot_dimension_numbers<[1], [1], [0], [0], [0, 0, 1, 0], [], []>, transpose_lhs_hint = false} : vector<512x1536xbf16>, vector<384x1536xbf16>, vector<512x384xf32> -> vector<512x384xf32>
      %add3A_54 = arith.addf %get3A_13, %dot_general3A_53 : vector<512x384xf32>
      %swap3A = arith.constant 0 : index
      %swap3A_55 = arith.constant 0 : index
      %swap3A_56 = vector.load %arg8[%swap3A, %swap3A_55] : memref<512x384xf32, #tpu.memory_space<vmem>>, vector<512x384xf32>
      tpu.vector_store %arg8[%swap3A, %swap3A_55], %add3A_54 {strides = array<i32>} : memref<512x384xf32, #tpu.memory_space<vmem>>, vector<512x384xf32>,
    } else {
    }
    return
  }
  func.func @transform_0(%arg0: i32) -> (i32, i32) {
    %c0_i32 = arith.constant 0 : i32
    %c0_i32_0 = arith.constant 0 : i32
    %c0_i32_1 = arith.constant 0 : i32
    return %c0_i32, %c0_i32_0 : i32, i32
  }
  func.func @transform_1(%arg0: i32) -> (i32, i32) {
    %c0_i32 = arith.constant 0 : i32
    %c0_i32_0 = arith.constant 0 : i32
    %c0_i32_1 = arith.constant 0 : i32
    return %c0_i32, %c0_i32_0 : i32, i32
  }
  func.func @transform_2(%arg0: i32) -> (i32, i32) {
    %lt3A = arith.constant 8 : i32
    %lt3A_0 = arith.cmpi slt, %arg0, %lt3A : i32
    %jit3A = arith.constant 0 : i32
    %select_n3A = arith.select %lt3A_0, %arg0, %jit3A : i32
    %c0_i32 = arith.constant 0 : i32
    %c0_i32_1 = arith.constant 0 : i32
    return %select_n3A, %c0_i32 : i32, i32
  }
  func.func @transform_3(%arg0: i32) -> (i32, i32, i32) {
    %c1_i32 = arith.constant 1 : i32
    %c0_i32 = arith.constant 0 : i32
    %c0_i32_0 = arith.constant 0 : i32
    %c0_i32_1 = arith.constant 0 : i32
    return %c1_i32, %c0_i32, %c0_i32_0 : i32, i32, i32
  }
  func.func @transform_4(%arg0: i32) -> (i32, i32, i32) {
    %c1_i32 = arith.constant 1 : i32
    %c0_i32 = arith.constant 0 : i32
    %c0_i32_0 = arith.constant 0 : i32
    %c0_i32_1 = arith.constant 0 : i32
    return %c1_i32, %c0_i32, %c0_i32_0 : i32, i32, i32
  }
  func.func @transform_5(%arg0: i32) -> (i32, i32, i32) {
    %c1_i32 = arith.constant 1 : i32
    %c0_i32 = arith.constant 0 : i32
    %c0_i32_0 = arith.constant 0 : i32
    %c0_i32_1 = arith.constant 0 : i32
    return %c1_i32, %c0_i32, %c0_i32_0 : i32, i32, i32
  }
  func.func @transform_6(%arg0: i32) -> (i32, i32, i32) {
    %c1_i32 = arith.constant 1 : i32
    %c0_i32 = arith.constant 0 : i32
    %c0_i32_0 = arith.constant 0 : i32
    %c0_i32_1 = arith.constant 0 : i32
    return %c1_i32, %c0_i32, %c0_i32_0 : i32, i32, i32
  }
  func.func @transform_7(%arg0: i32) -> (i32, i32) {
    %lt3A = arith.constant 8 : i32
    %lt3A_0 = arith.cmpi slt, %arg0, %lt3A : i32
    %sub3A = arith.constant 8 : i32
    %sub3A_1 = arith.subi %arg0, %sub3A : i32
    %select_n3A = arith.select %lt3A_0, %arg0, %sub3A_1 : i32
    %c0_i32 = arith.constant 0 : i32
    %c0_i32_2 = arith.constant 0 : i32
    return %select_n3A, %c0_i32 : i32, i32
  }
  func.func @transform_8(%arg0: i32) -> (i32, i32) {
    %c0_i32 = arith.constant 0 : i32
    %c0_i32_0 = arith.constant 0 : i32
    %c0_i32_1 = arith.constant 0 : i32
    return %c0_i32, %c0_i32_0 : i32, i32
  }
}

module attributes {stable_mosaic.version = 14 : i64} {
  func.func @_block_body(%arg0: i32, %arg1: memref<8x384xf32, #tpu.memory_space<vmem>>, %arg2: memref<8x384xf32, #tpu.memory_space<vmem>>, %arg3: memref<512x384xf32, #tpu.memory_space<vmem>>, %arg4: memref<1x1152x384xf32, #tpu.memory_space<vmem>>, %arg5: memref<1x384x384xf32, #tpu.memory_space<vmem>>, %arg6: memref<1x1536x384xf32, #tpu.memory_space<vmem>>, %arg7: memref<1x384x1536xf32, #tpu.memory_space<vmem>>, %arg8: memref<512x384xf32, #tpu.memory_space<vmem>>, %arg9: memref<8x384xf32, #tpu.memory_space<vmem>>, %arg10: memref<4096x384xf32, #tpu.memory_space<vmem>>, %arg11: memref<8x384xf32, #tpu.memory_space<vmem>>, %arg12: memref<1152x384xbf16, #tpu.memory_space<vmem>>, %arg13: memref<384x384xbf16, #tpu.memory_space<vmem>>, %arg14: memref<1536x384xbf16, #tpu.memory_space<vmem>>, %arg15: memref<384x1536xbf16, #tpu.memory_space<vmem>>) attributes {dimension_semantics = [#tpu.dimension_semantics<arbitrary>], iteration_bounds = array<i64: 16>, scalar_prefetch = 0 : i64, scratch_operands = 6 : i64, tpu.core_type = #tpu.core_type<tc>, window_params = [{pipeline_mode = #tpu.pipeline_mode<synchronous>, transform_indices = @transform_0, window_bounds = array<i64: 8, 384>}, {pipeline_mode = #tpu.pipeline_mode<synchronous>, transform_indices = @transform_1, window_bounds = array<i64: 8, 384>}, {transform_indices = @transform_2, window_bounds = array<i64: 512, 384>}, {transform_indices = @transform_3, window_bounds = array<i64: 1, 1152, 384>}, {transform_indices = @transform_4, window_bounds = array<i64: 1, 384, 384>}, {transform_indices = @transform_5, window_bounds = array<i64: 1, 1536, 384>}, {transform_indices = @transform_6, window_bounds = array<i64: 1, 384, 1536>}, {transform_indices = @transform_7, window_bounds = array<i64: 512, 384>}, {pipeline_mode = #tpu.pipeline_mode<synchronous>, transform_indices = @transform_8, window_bounds = array<i64: 8, 384>}]} {
    %lt3A = arith.constant 8 : i32
    %lt3A_0 = arith.cmpi slt, %arg0, %lt3A : i32
    %eq3A = arith.constant 0 : i32
    %eq3A_1 = arith.cmpi eq, %arg0, %eq3A : i32
    %and3A = arith.andi %lt3A_0, %eq3A_1 : i1
    %convert_element_type3A = arith.extui %and3A : i1 to i32
    %cond3A = arith.constant 0 : i32
    %cond3A_2 = arith.cmpi ne, %convert_element_type3A, %cond3A : i32
    scf.if %cond3A_2 {
      %get3A = arith.constant 0 : index
      %get3A_10 = arith.constant 0 : index
      %get3A_11 = arith.constant 0 : index
      %get3A_12 = vector.load %arg4[%get3A, %get3A_10, %get3A_11] : memref<1x1152x384xf32, #tpu.memory_space<vmem>>, vector<1x1152x384xf32>
      %get3A_13 = vector.shape_cast %get3A_12 : vector<1x1152x384xf32> to vector<1152x384xf32>
      %iota3A = tpu.iota {dimensions = array<i32: 0>} : vector<1152x384xi32>
      %lt3A_14 = arith.constant 384 : i32
      %lt3A_15 = vector.broadcast %lt3A_14 : i32 to vector<1152x384xi32>
      %lt3A_16 = arith.cmpi slt, %iota3A, %lt3A_15 : vector<1152x384xi32>
      %mul3A = arith.constant 0.176776692 : f32
      %mul3A_17 = vector.broadcast %mul3A : f32 to vector<1152x384xf32>
      %mul3A_18 = arith.mulf %get3A_13, %mul3A_17 : vector<1152x384xf32>
      %select_n3A = arith.select %lt3A_16, %mul3A_18, %get3A_13 : vector<1152x384xi1>, vector<1152x384xf32>
      %convert_element_type3A_19 = arith.truncf %select_n3A : vector<1152x384xf32> to vector<1152x384xbf16>
      %swap3A = arith.constant 0 : index
      %swap3A_20 = arith.constant 0 : index
      %swap3A_21 = vector.load %arg12[%swap3A, %swap3A_20] : memref<1152x384xbf16, #tpu.memory_space<vmem>>, vector<1152x384xbf16>
      tpu.vector_store %arg12[%swap3A, %swap3A_20], %convert_element_type3A_19 {strides = array<i32>} : memref<1152x384xbf16, #tpu.memory_space<vmem>>, vector<1152x384xbf16>,
      %get3A_22 = arith.constant 0 : index
      %get3A_23 = arith.constant 0 : index
      %get3A_24 = arith.constant 0 : index
      %get3A_25 = vector.load %arg5[%get3A_22, %get3A_23, %get3A_24] : memref<1x384x384xf32, #tpu.memory_space<vmem>>, vector<1x384x384xf32>
      %get3A_26 = vector.shape_cast %get3A_25 : vector<1x384x384xf32> to vector<384x384xf32>
      %convert_element_type3A_27 = arith.truncf %get3A_26 : vector<384x384xf32> to vector<384x384xbf16>
      %swap3A_28 = arith.constant 0 : index
      %swap3A_29 = arith.constant 0 : index
      %swap3A_30 = vector.load %arg13[%swap3A_28, %swap3A_29] : memref<384x384xbf16, #tpu.memory_space<vmem>>, vector<384x384xbf16>
      tpu.vector_store %arg13[%swap3A_28, %swap3A_29], %convert_element_type3A_27 {strides = array<i32>} : memref<384x384xbf16, #tpu.memory_space<vmem>>, vector<384x384xbf16>,
      %get3A_31 = arith.constant 0 : index
      %get3A_32 = arith.constant 0 : index
      %get3A_33 = arith.constant 0 : index
      %get3A_34 = vector.load %arg6[%get3A_31, %get3A_32, %get3A_33] : memref<1x1536x384xf32, #tpu.memory_space<vmem>>, vector<1x1536x384xf32>
      %get3A_35 = vector.shape_cast %get3A_34 : vector<1x1536x384xf32> to vector<1536x384xf32>
      %convert_element_type3A_36 = arith.truncf %get3A_35 : vector<1536x384xf32> to vector<1536x384xbf16>
      %swap3A_37 = arith.constant 0 : index
      %swap3A_38 = arith.constant 0 : index
      %swap3A_39 = vector.load %arg14[%swap3A_37, %swap3A_38] : memref<1536x384xbf16, #tpu.memory_space<vmem>>, vector<1536x384xbf16>
      tpu.vector_store %arg14[%swap3A_37, %swap3A_38], %convert_element_type3A_36 {strides = array<i32>} : memref<1536x384xbf16, #tpu.memory_space<vmem>>, vector<1536x384xbf16>,
      %get3A_40 = arith.constant 0 : index
      %get3A_41 = arith.constant 0 : index
      %get3A_42 = arith.constant 0 : index
      %get3A_43 = vector.load %arg7[%get3A_40, %get3A_41, %get3A_42] : memref<1x384x1536xf32, #tpu.memory_space<vmem>>, vector<1x384x1536xf32>
      %get3A_44 = vector.shape_cast %get3A_43 : vector<1x384x1536xf32> to vector<384x1536xf32>
      %convert_element_type3A_45 = arith.truncf %get3A_44 : vector<384x1536xf32> to vector<384x1536xbf16>
      %swap3A_46 = arith.constant 0 : index
      %swap3A_47 = arith.constant 0 : index
      %swap3A_48 = vector.load %arg15[%swap3A_46, %swap3A_47] : memref<384x1536xbf16, #tpu.memory_space<vmem>>, vector<384x1536xbf16>
      tpu.vector_store %arg15[%swap3A_46, %swap3A_47], %convert_element_type3A_45 {strides = array<i32>} : memref<384x1536xbf16, #tpu.memory_space<vmem>>, vector<384x1536xbf16>,
    } else {
    }
    %convert_element_type3A_3 = arith.extui %lt3A_0 : i1 to i32
    %cond3A_4 = arith.constant 0 : i32
    %cond3A_5 = arith.cmpi ne, %convert_element_type3A_3, %cond3A_4 : i32
    scf.if %cond3A_5 {
      %get3A = arith.constant 0 : index
      %get3A_10 = arith.constant 0 : index
      %get3A_11 = vector.load %arg3[%get3A, %get3A_10] : memref<512x384xf32, #tpu.memory_space<vmem>>, vector<512x384xf32>
      %get3A_12 = arith.constant 0 : index
      %get3A_13 = arith.constant 0 : index
      %get3A_14 = vector.load %arg1[%get3A_12, %get3A_13] : memref<8x384xf32, #tpu.memory_space<vmem>>, vector<8x384xf32>
      %slice3A = vector.extract_strided_slice %get3A_14 {offsets = [0, 0], sizes = [1, 384], strides = [1, 1]} : vector<8x384xf32> to vector<1x384xf32>
      %mul3A = arith.constant 2.44140625E-4 : f32
      %mul3A_15 = vector.broadcast %mul3A : f32 to vector<1x384xf32>
      %mul3A_16 = arith.mulf %slice3A, %mul3A_15 : vector<1x384xf32>
      %slice3A_17 = vector.extract_strided_slice %get3A_14 {offsets = [1, 0], sizes = [1, 384], strides = [1, 1]} : vector<8x384xf32> to vector<1x384xf32>
      %mul3A_18 = arith.constant 2.44140625E-4 : f32
      %mul3A_19 = vector.broadcast %mul3A_18 : f32 to vector<1x384xf32>
      %mul3A_20 = arith.mulf %slice3A_17, %mul3A_19 : vector<1x384xf32>
      %mul3A_21 = arith.mulf %mul3A_16, %mul3A_16 : vector<1x384xf32>
      %sub3A = arith.subf %mul3A_20, %mul3A_21 : vector<1x384xf32>
      %get3A_22 = arith.constant 0 : index
      %get3A_23 = arith.constant 0 : index
      %get3A_24 = vector.load %arg2[%get3A_22, %get3A_23] : memref<8x384xf32, #tpu.memory_space<vmem>>, vector<1x384xf32>
      %add3A = arith.constant 9.99999974E-6 : f32
      %add3A_25 = vector.broadcast %add3A : f32 to vector<1x384xf32>
      %add3A_26 = arith.addf %sub3A, %add3A_25 : vector<1x384xf32>
      %rsqrt3A = math.rsqrt %add3A_26 : vector<1x384xf32>
      %mul3A_27 = arith.mulf %get3A_24, %rsqrt3A : vector<1x384xf32>
      %get3A_28 = arith.constant 1 : index
      %get3A_29 = arith.constant 0 : index
      %get3A_30 = vector.load %arg2[%get3A_28, %get3A_29] : memref<8x384xf32, #tpu.memory_space<vmem>>, vector<1x384xf32>
      %mul3A_31 = arith.mulf %mul3A_16, %mul3A_27 : vector<1x384xf32>
      %sub3A_32 = arith.subf %get3A_30, %mul3A_31 : vector<1x384xf32>
      %iota3A = tpu.iota {dimensions = array<i32: 1>} : vector<1x128xi32>
      %broadcast_in_dim3A = arith.constant 0.000000e+00 : f32
      %broadcast_in_dim3A_33 = vector.broadcast %broadcast_in_dim3A : f32 to vector<8x384xf32>
      %slice3A_34 = vector.extract_strided_slice %get3A_11 {offsets = [0, 0], sizes = [256, 384], strides = [1, 1]} : vector<512x384xf32> to vector<256x384xf32>
      %mul3A_35 = vector.broadcast %mul3A_27 : vector<1x384xf32> to vector<256x384xf32>
      %mul3A_36 = arith.mulf %slice3A_34, %mul3A_35 : vector<256x384xf32>
      %add3A_37 = vector.broadcast %sub3A_32 : vector<1x384xf32> to vector<256x384xf32>
      %add3A_38 = arith.addf %mul3A_36, %add3A_37 : vector<256x384xf32>
      %convert_element_type3A_39 = arith.truncf %add3A_38 : vector<256x384xf32> to vector<256x384xbf16>
      %get3A_40 = arith.constant 0 : index
      %get3A_41 = arith.constant 0 : index
      %get3A_42 = vector.load %arg12[%get3A_40, %get3A_41] : memref<1152x384xbf16, #tpu.memory_space<vmem>>, vector<1152x384xbf16>
      %dot_general3A = arith.constant dense<0.000000e+00> : vector<256x1152xf32>
      %dot_general3A_43 = tpu.matmul %convert_element_type3A_39, %get3A_42, %dot_general3A {dimension_numbers = #tpu.dot_dimension_numbers<[1], [1], [0], [0], [0, 0, 1, 0], [], []>, transpose_lhs_hint = false} : vector<256x384xbf16>, vector<1152x384xbf16>, vector<256x1152xf32> -> vector<256x1152xf32>
      %convert_element_type3A_44 = arith.truncf %dot_general3A_43 : vector<256x1152xf32> to vector<256x1152xbf16>
      %slice3A_45 = vector.extract_strided_slice %convert_element_type3A_44 {offsets = [0, 0], sizes = [256, 128], strides = [1, 1]} : vector<256x1152xbf16> to vector<256x128xbf16>
      %slice3A_46 = vector.extract_strided_slice %convert_element_type3A_44 {offsets = [0, 384], sizes = [256, 128], strides = [1, 1]} : vector<256x1152xbf16> to vector<256x128xbf16>
      %slice3A_47 = vector.extract_strided_slice %convert_element_type3A_44 {offsets = [0, 768], sizes = [256, 128], strides = [1, 1]} : vector<256x1152xbf16> to vector<256x128xbf16>
      %ge3A = arith.constant 0 : i32
      %ge3A_48 = vector.broadcast %ge3A : i32 to vector<1x128xi32>
      %ge3A_49 = arith.cmpi sge, %iota3A, %ge3A_48 : vector<1x128xi32>
      %lt3A_50 = arith.constant 32 : i32
      %lt3A_51 = vector.broadcast %lt3A_50 : i32 to vector<1x128xi32>
      %lt3A_52 = arith.cmpi slt, %iota3A, %lt3A_51 : vector<1x128xi32>
      %and3A_53 = arith.andi %ge3A_49, %lt3A_52 : vector<1x128xi1>
      %jit3A = arith.constant 0 : i32
      %convert_element_type3A_54 = arith.sitofp %jit3A : i32 to bf16
      %broadcast_in_dim3A_55 = vector.shape_cast %and3A_53 : vector<1x128xi1> to vector<1x128xi1>
      %broadcast_in_dim3A_56 = vector.broadcast %broadcast_in_dim3A_55 : vector<1x128xi1> to vector<256x128xi1>
      %broadcast_in_dim3A_57 = vector.broadcast %convert_element_type3A_54 : bf16 to vector<256x128xbf16>
      %select_n3A = arith.select %broadcast_in_dim3A_56, %slice3A_46, %broadcast_in_dim3A_57 : vector<256x128xi1>, vector<256x128xbf16>
      %ge3A_58 = arith.constant 32 : i32
      %ge3A_59 = vector.broadcast %ge3A_58 : i32 to vector<1x128xi32>
      %ge3A_60 = arith.cmpi sge, %iota3A, %ge3A_59 : vector<1x128xi32>
      %lt3A_61 = arith.constant 64 : i32
      %lt3A_62 = vector.broadcast %lt3A_61 : i32 to vector<1x128xi32>
      %lt3A_63 = arith.cmpi slt, %iota3A, %lt3A_62 : vector<1x128xi32>
      %and3A_64 = arith.andi %ge3A_60, %lt3A_63 : vector<1x128xi1>
      %jit3A_65 = arith.constant 0 : i32
      %convert_element_type3A_66 = arith.sitofp %jit3A_65 : i32 to bf16
      %broadcast_in_dim3A_67 = vector.shape_cast %and3A_64 : vector<1x128xi1> to vector<1x128xi1>
      %broadcast_in_dim3A_68 = vector.broadcast %broadcast_in_dim3A_67 : vector<1x128xi1> to vector<256x128xi1>
      %broadcast_in_dim3A_69 = vector.broadcast %convert_element_type3A_66 : bf16 to vector<256x128xbf16>
      %select_n3A_70 = arith.select %broadcast_in_dim3A_68, %slice3A_46, %broadcast_in_dim3A_69 : vector<256x128xi1>, vector<256x128xbf16>
      %ge3A_71 = arith.constant 64 : i32
      %ge3A_72 = vector.broadcast %ge3A_71 : i32 to vector<1x128xi32>
      %ge3A_73 = arith.cmpi sge, %iota3A, %ge3A_72 : vector<1x128xi32>
      %lt3A_74 = arith.constant 96 : i32
      %lt3A_75 = vector.broadcast %lt3A_74 : i32 to vector<1x128xi32>
      %lt3A_76 = arith.cmpi slt, %iota3A, %lt3A_75 : vector<1x128xi32>
      %and3A_77 = arith.andi %ge3A_73, %lt3A_76 : vector<1x128xi1>
      %jit3A_78 = arith.constant 0 : i32
      %convert_element_type3A_79 = arith.sitofp %jit3A_78 : i32 to bf16
      %broadcast_in_dim3A_80 = vector.shape_cast %and3A_77 : vector<1x128xi1> to vector<1x128xi1>
      %broadcast_in_dim3A_81 = vector.broadcast %broadcast_in_dim3A_80 : vector<1x128xi1> to vector<256x128xi1>
      %broadcast_in_dim3A_82 = vector.broadcast %convert_element_type3A_79 : bf16 to vector<256x128xbf16>
      %select_n3A_83 = arith.select %broadcast_in_dim3A_81, %slice3A_46, %broadcast_in_dim3A_82 : vector<256x128xi1>, vector<256x128xbf16>
      %ge3A_84 = arith.constant 96 : i32
      %ge3A_85 = vector.broadcast %ge3A_84 : i32 to vector<1x128xi32>
      %ge3A_86 = arith.cmpi sge, %iota3A, %ge3A_85 : vector<1x128xi32>
      %lt3A_87 = arith.constant 128 : i32
      %lt3A_88 = vector.broadcast %lt3A_87 : i32 to vector<1x128xi32>
      %lt3A_89 = arith.cmpi slt, %iota3A, %lt3A_88 : vector<1x128xi32>
      %and3A_90 = arith.andi %ge3A_86, %lt3A_89 : vector<1x128xi1>
      %jit3A_91 = arith.constant 0 : i32
      %convert_element_type3A_92 = arith.sitofp %jit3A_91 : i32 to bf16
      %broadcast_in_dim3A_93 = vector.shape_cast %and3A_90 : vector<1x128xi1> to vector<1x128xi1>
      %broadcast_in_dim3A_94 = vector.broadcast %broadcast_in_dim3A_93 : vector<1x128xi1> to vector<256x128xi1>
      %broadcast_in_dim3A_95 = vector.broadcast %convert_element_type3A_92 : bf16 to vector<256x128xbf16>
      %select_n3A_96 = arith.select %broadcast_in_dim3A_94, %slice3A_46, %broadcast_in_dim3A_95 : vector<256x128xi1>, vector<256x128xbf16>
      %concatenate3A = tpu.concatenate %select_n3A, %select_n3A_70, %select_n3A_83, %select_n3A_96 in 0 : vector<256x128xbf16>, vector<256x128xbf16>, vector<256x128xbf16>, vector<256x128xbf16> -> vector<1024x128xbf16>
      %dot_general3A_97 = arith.constant dense<0.000000e+00> : vector<256x1024xf32>
      %dot_general3A_98 = tpu.matmul %slice3A_45, %concatenate3A, %dot_general3A_97 {dimension_numbers = #tpu.dot_dimension_numbers<[1], [1], [0], [0], [0, 0, 1, 0], [], []>, transpose_lhs_hint = false} : vector<256x128xbf16>, vector<1024x128xbf16>, vector<256x1024xf32> -> vector<256x1024xf32>
      %exp3A = math.exp %dot_general3A_98 : vector<256x1024xf32>
      %slice3A_99 = vector.extract_strided_slice %exp3A {offsets = [0, 0], sizes = [256, 256], strides = [1, 1]} : vector<256x1024xf32> to vector<256x256xf32>
      %slice3A_100 = vector.extract_strided_slice %exp3A {offsets = [0, 0], sizes = [256, 256], strides = [1, 1]} : vector<256x1024xf32> to vector<256x256xf32>
      %reduce_sum3A = arith.constant dense<0.000000e+00> : vector<256xf32>
      %reduce_sum3A_101 = vector.multi_reduction <add>, %slice3A_100, %reduce_sum3A [1] : vector<256x256xf32> to vector<256xf32>
      %broadcast_in_dim3A_102 = vector.shape_cast %reduce_sum3A_101 : vector<256xf32> to vector<256x1xf32>
      %div3A = vector.broadcast %broadcast_in_dim3A_102 : vector<256x1xf32> to vector<256x256xf32>
      %div3A_103 = arith.divf %slice3A_99, %div3A : vector<256x256xf32>
      %slice3A_104 = vector.extract_strided_slice %exp3A {offsets = [0, 256], sizes = [256, 256], strides = [1, 1]} : vector<256x1024xf32> to vector<256x256xf32>
      %slice3A_105 = vector.extract_strided_slice %exp3A {offsets = [0, 256], sizes = [256, 256], strides = [1, 1]} : vector<256x1024xf32> to vector<256x256xf32>
      %reduce_sum3A_106 = arith.constant dense<0.000000e+00> : vector<256xf32>
      %reduce_sum3A_107 = vector.multi_reduction <add>, %slice3A_105, %reduce_sum3A_106 [1] : vector<256x256xf32> to vector<256xf32>
      %broadcast_in_dim3A_108 = vector.shape_cast %reduce_sum3A_107 : vector<256xf32> to vector<256x1xf32>
      %div3A_109 = vector.broadcast %broadcast_in_dim3A_108 : vector<256x1xf32> to vector<256x256xf32>
      %div3A_110 = arith.divf %slice3A_104, %div3A_109 : vector<256x256xf32>
      %slice3A_111 = vector.extract_strided_slice %exp3A {offsets = [0, 512], sizes = [256, 256], strides = [1, 1]} : vector<256x1024xf32> to vector<256x256xf32>
      %slice3A_112 = vector.extract_strided_slice %exp3A {offsets = [0, 512], sizes = [256, 256], strides = [1, 1]} : vector<256x1024xf32> to vector<256x256xf32>
      %reduce_sum3A_113 = arith.constant dense<0.000000e+00> : vector<256xf32>
      %reduce_sum3A_114 = vector.multi_reduction <add>, %slice3A_112, %reduce_sum3A_113 [1] : vector<256x256xf32> to vector<256xf32>
      %broadcast_in_dim3A_115 = vector.shape_cast %reduce_sum3A_114 : vector<256xf32> to vector<256x1xf32>
      %div3A_116 = vector.broadcast %broadcast_in_dim3A_115 : vector<256x1xf32> to vector<256x256xf32>
      %div3A_117 = arith.divf %slice3A_111, %div3A_116 : vector<256x256xf32>
      %slice3A_118 = vector.extract_strided_slice %exp3A {offsets = [0, 768], sizes = [256, 256], strides = [1, 1]} : vector<256x1024xf32> to vector<256x256xf32>
      %slice3A_119 = vector.extract_strided_slice %exp3A {offsets = [0, 768], sizes = [256, 256], strides = [1, 1]} : vector<256x1024xf32> to vector<256x256xf32>
      %reduce_sum3A_120 = arith.constant dense<0.000000e+00> : vector<256xf32>
      %reduce_sum3A_121 = vector.multi_reduction <add>, %slice3A_119, %reduce_sum3A_120 [1] : vector<256x256xf32> to vector<256xf32>
      %broadcast_in_dim3A_122 = vector.shape_cast %reduce_sum3A_121 : vector<256xf32> to vector<256x1xf32>
      %div3A_123 = vector.broadcast %broadcast_in_dim3A_122 : vector<256x1xf32> to vector<256x256xf32>
      %div3A_124 = arith.divf %slice3A_118, %div3A_123 : vector<256x256xf32>
      %concatenate3A_125 = tpu.concatenate %div3A_103, %div3A_110, %div3A_117, %div3A_124 in 1 : vector<256x256xf32>, vector<256x256xf32>, vector<256x256xf32>, vector<256x256xf32> -> vector<256x1024xf32>
      %convert_element_type3A_126 = arith.truncf %concatenate3A_125 : vector<256x1024xf32> to vector<256x1024xbf16>
      %ge3A_127 = arith.constant 0 : i32
      %ge3A_128 = vector.broadcast %ge3A_127 : i32 to vector<1x128xi32>
      %ge3A_129 = arith.cmpi sge, %iota3A, %ge3A_128 : vector<1x128xi32>
      %lt3A_130 = arith.constant 32 : i32
      %lt3A_131 = vector.broadcast %lt3A_130 : i32 to vector<1x128xi32>
      %lt3A_132 = arith.cmpi slt, %iota3A, %lt3A_131 : vector<1x128xi32>
      %and3A_133 = arith.andi %ge3A_129, %lt3A_132 : vector<1x128xi1>
      %jit3A_134 = arith.constant 0 : i32
      %convert_element_type3A_135 = arith.sitofp %jit3A_134 : i32 to bf16
      %broadcast_in_dim3A_136 = vector.shape_cast %and3A_133 : vector<1x128xi1> to vector<1x128xi1>
      %broadcast_in_dim3A_137 = vector.broadcast %broadcast_in_dim3A_136 : vector<1x128xi1> to vector<256x128xi1>
      %broadcast_in_dim3A_138 = vector.broadcast %convert_element_type3A_135 : bf16 to vector<256x128xbf16>
      %select_n3A_139 = arith.select %broadcast_in_dim3A_137, %slice3A_47, %broadcast_in_dim3A_138 : vector<256x128xi1>, vector<256x128xbf16>
      %ge3A_140 = arith.constant 32 : i32
      %ge3A_141 = vector.broadcast %ge3A_140 : i32 to vector<1x128xi32>
      %ge3A_142 = arith.cmpi sge, %iota3A, %ge3A_141 : vector<1x128xi32>
      %lt3A_143 = arith.constant 64 : i32
      %lt3A_144 = vector.broadcast %lt3A_143 : i32 to vector<1x128xi32>
      %lt3A_145 = arith.cmpi slt, %iota3A, %lt3A_144 : vector<1x128xi32>
      %and3A_146 = arith.andi %ge3A_142, %lt3A_145 : vector<1x128xi1>
      %jit3A_147 = arith.constant 0 : i32
      %convert_element_type3A_148 = arith.sitofp %jit3A_147 : i32 to bf16
      %broadcast_in_dim3A_149 = vector.shape_cast %and3A_146 : vector<1x128xi1> to vector<1x128xi1>
      %broadcast_in_dim3A_150 = vector.broadcast %broadcast_in_dim3A_149 : vector<1x128xi1> to vector<256x128xi1>
      %broadcast_in_dim3A_151 = vector.broadcast %convert_element_type3A_148 : bf16 to vector<256x128xbf16>
      %select_n3A_152 = arith.select %broadcast_in_dim3A_150, %slice3A_47, %broadcast_in_dim3A_151 : vector<256x128xi1>, vector<256x128xbf16>
      %ge3A_153 = arith.constant 64 : i32
      %ge3A_154 = vector.broadcast %ge3A_153 : i32 to vector<1x128xi32>
      %ge3A_155 = arith.cmpi sge, %iota3A, %ge3A_154 : vector<1x128xi32>
      %lt3A_156 = arith.constant 96 : i32
      %lt3A_157 = vector.broadcast %lt3A_156 : i32 to vector<1x128xi32>
      %lt3A_158 = arith.cmpi slt, %iota3A, %lt3A_157 : vector<1x128xi32>
      %and3A_159 = arith.andi %ge3A_155, %lt3A_158 : vector<1x128xi1>
      %jit3A_160 = arith.constant 0 : i32
      %convert_element_type3A_161 = arith.sitofp %jit3A_160 : i32 to bf16
      %broadcast_in_dim3A_162 = vector.shape_cast %and3A_159 : vector<1x128xi1> to vector<1x128xi1>
      %broadcast_in_dim3A_163 = vector.broadcast %broadcast_in_dim3A_162 : vector<1x128xi1> to vector<256x128xi1>
      %broadcast_in_dim3A_164 = vector.broadcast %convert_element_type3A_161 : bf16 to vector<256x128xbf16>
      %select_n3A_165 = arith.select %broadcast_in_dim3A_163, %slice3A_47, %broadcast_in_dim3A_164 : vector<256x128xi1>, vector<256x128xbf16>
      %ge3A_166 = arith.constant 96 : i32
      %ge3A_167 = vector.broadcast %ge3A_166 : i32 to vector<1x128xi32>
      %ge3A_168 = arith.cmpi sge, %iota3A, %ge3A_167 : vector<1x128xi32>
      %lt3A_169 = arith.constant 128 : i32
      %lt3A_170 = vector.broadcast %lt3A_169 : i32 to vector<1x128xi32>
      %lt3A_171 = arith.cmpi slt, %iota3A, %lt3A_170 : vector<1x128xi32>
      %and3A_172 = arith.andi %ge3A_168, %lt3A_171 : vector<1x128xi1>
      %jit3A_173 = arith.constant 0 : i32
      %convert_element_type3A_174 = arith.sitofp %jit3A_173 : i32 to bf16
      %broadcast_in_dim3A_175 = vector.shape_cast %and3A_172 : vector<1x128xi1> to vector<1x128xi1>
      %broadcast_in_dim3A_176 = vector.broadcast %broadcast_in_dim3A_175 : vector<1x128xi1> to vector<256x128xi1>
      %broadcast_in_dim3A_177 = vector.broadcast %convert_element_type3A_174 : bf16 to vector<256x128xbf16>
      %select_n3A_178 = arith.select %broadcast_in_dim3A_176, %slice3A_47, %broadcast_in_dim3A_177 : vector<256x128xi1>, vector<256x128xbf16>
      %concatenate3A_179 = tpu.concatenate %select_n3A_139, %select_n3A_152, %select_n3A_165, %select_n3A_178 in 0 : vector<256x128xbf16>, vector<256x128xbf16>, vector<256x128xbf16>, vector<256x128xbf16> -> vector<1024x128xbf16>
      %dot_general3A_180 = arith.constant dense<0.000000e+00> : vector<256x128xf32>
      %dot_general3A_181 = tpu.matmul %convert_element_type3A_126, %concatenate3A_179, %dot_general3A_180 {dimension_numbers = #tpu.dot_dimension_numbers<[1], [0], [0], [1], [0, 0, 1, 1], [], []>, transpose_lhs_hint = false} : vector<256x1024xbf16>, vector<1024x128xbf16>, vector<256x128xf32> -> vector<256x128xf32>
      %slice3A_182 = vector.extract_strided_slice %convert_element_type3A_44 {offsets = [0, 128], sizes = [256, 128], strides = [1, 1]} : vector<256x1152xbf16> to vector<256x128xbf16>
      %slice3A_183 = vector.extract_strided_slice %convert_element_type3A_44 {offsets = [0, 512], sizes = [256, 128], strides = [1, 1]} : vector<256x1152xbf16> to vector<256x128xbf16>
      %slice3A_184 = vector.extract_strided_slice %convert_element_type3A_44 {offsets = [0, 896], sizes = [256, 128], strides = [1, 1]} : vector<256x1152xbf16> to vector<256x128xbf16>
      %ge3A_185 = arith.constant 0 : i32
      %ge3A_186 = vector.broadcast %ge3A_185 : i32 to vector<1x128xi32>
      %ge3A_187 = arith.cmpi sge, %iota3A, %ge3A_186 : vector<1x128xi32>
      %lt3A_188 = arith.constant 32 : i32
      %lt3A_189 = vector.broadcast %lt3A_188 : i32 to vector<1x128xi32>
      %lt3A_190 = arith.cmpi slt, %iota3A, %lt3A_189 : vector<1x128xi32>
      %and3A_191 = arith.andi %ge3A_187, %lt3A_190 : vector<1x128xi1>
      %jit3A_192 = arith.constant 0 : i32
      %convert_element_type3A_193 = arith.sitofp %jit3A_192 : i32 to bf16
      %broadcast_in_dim3A_194 = vector.shape_cast %and3A_191 : vector<1x128xi1> to vector<1x128xi1>
      %broadcast_in_dim3A_195 = vector.broadcast %broadcast_in_dim3A_194 : vector<1x128xi1> to vector<256x128xi1>
      %broadcast_in_dim3A_196 = vector.broadcast %convert_element_type3A_193 : bf16 to vector<256x128xbf16>
      %select_n3A_197 = arith.select %broadcast_in_dim3A_195, %slice3A_183, %broadcast_in_dim3A_196 : vector<256x128xi1>, vector<256x128xbf16>
      %ge3A_198 = arith.constant 32 : i32
      %ge3A_199 = vector.broadcast %ge3A_198 : i32 to vector<1x128xi32>
      %ge3A_200 = arith.cmpi sge, %iota3A, %ge3A_199 : vector<1x128xi32>
      %lt3A_201 = arith.constant 64 : i32
      %lt3A_202 = vector.broadcast %lt3A_201 : i32 to vector<1x128xi32>
      %lt3A_203 = arith.cmpi slt, %iota3A, %lt3A_202 : vector<1x128xi32>
      %and3A_204 = arith.andi %ge3A_200, %lt3A_203 : vector<1x128xi1>
      %jit3A_205 = arith.constant 0 : i32
      %convert_element_type3A_206 = arith.sitofp %jit3A_205 : i32 to bf16
      %broadcast_in_dim3A_207 = vector.shape_cast %and3A_204 : vector<1x128xi1> to vector<1x128xi1>
      %broadcast_in_dim3A_208 = vector.broadcast %broadcast_in_dim3A_207 : vector<1x128xi1> to vector<256x128xi1>
      %broadcast_in_dim3A_209 = vector.broadcast %convert_element_type3A_206 : bf16 to vector<256x128xbf16>
      %select_n3A_210 = arith.select %broadcast_in_dim3A_208, %slice3A_183, %broadcast_in_dim3A_209 : vector<256x128xi1>, vector<256x128xbf16>
      %ge3A_211 = arith.constant 64 : i32
      %ge3A_212 = vector.broadcast %ge3A_211 : i32 to vector<1x128xi32>
      %ge3A_213 = arith.cmpi sge, %iota3A, %ge3A_212 : vector<1x128xi32>
      %lt3A_214 = arith.constant 96 : i32
      %lt3A_215 = vector.broadcast %lt3A_214 : i32 to vector<1x128xi32>
      %lt3A_216 = arith.cmpi slt, %iota3A, %lt3A_215 : vector<1x128xi32>
      %and3A_217 = arith.andi %ge3A_213, %lt3A_216 : vector<1x128xi1>
      %jit3A_218 = arith.constant 0 : i32
      %convert_element_type3A_219 = arith.sitofp %jit3A_218 : i32 to bf16
      %broadcast_in_dim3A_220 = vector.shape_cast %and3A_217 : vector<1x128xi1> to vector<1x128xi1>
      %broadcast_in_dim3A_221 = vector.broadcast %broadcast_in_dim3A_220 : vector<1x128xi1> to vector<256x128xi1>
      %broadcast_in_dim3A_222 = vector.broadcast %convert_element_type3A_219 : bf16 to vector<256x128xbf16>
      %select_n3A_223 = arith.select %broadcast_in_dim3A_221, %slice3A_183, %broadcast_in_dim3A_222 : vector<256x128xi1>, vector<256x128xbf16>
      %ge3A_224 = arith.constant 96 : i32
      %ge3A_225 = vector.broadcast %ge3A_224 : i32 to vector<1x128xi32>
      %ge3A_226 = arith.cmpi sge, %iota3A, %ge3A_225 : vector<1x128xi32>
      %lt3A_227 = arith.constant 128 : i32
      %lt3A_228 = vector.broadcast %lt3A_227 : i32 to vector<1x128xi32>
      %lt3A_229 = arith.cmpi slt, %iota3A, %lt3A_228 : vector<1x128xi32>
      %and3A_230 = arith.andi %ge3A_226, %lt3A_229 : vector<1x128xi1>
      %jit3A_231 = arith.constant 0 : i32
      %convert_element_type3A_232 = arith.sitofp %jit3A_231 : i32 to bf16
      %broadcast_in_dim3A_233 = vector.shape_cast %and3A_230 : vector<1x128xi1> to vector<1x128xi1>
      %broadcast_in_dim3A_234 = vector.broadcast %broadcast_in_dim3A_233 : vector<1x128xi1> to vector<256x128xi1>
      %broadcast_in_dim3A_235 = vector.broadcast %convert_element_type3A_232 : bf16 to vector<256x128xbf16>
      %select_n3A_236 = arith.select %broadcast_in_dim3A_234, %slice3A_183, %broadcast_in_dim3A_235 : vector<256x128xi1>, vector<256x128xbf16>
      %concatenate3A_237 = tpu.concatenate %select_n3A_197, %select_n3A_210, %select_n3A_223, %select_n3A_236 in 0 : vector<256x128xbf16>, vector<256x128xbf16>, vector<256x128xbf16>, vector<256x128xbf16> -> vector<1024x128xbf16>
      %dot_general3A_238 = arith.constant dense<0.000000e+00> : vector<256x1024xf32>
      %dot_general3A_239 = tpu.matmul %slice3A_182, %concatenate3A_237, %dot_general3A_238 {dimension_numbers = #tpu.dot_dimension_numbers<[1], [1], [0], [0], [0, 0, 1, 0], [], []>, transpose_lhs_hint = false} : vector<256x128xbf16>, vector<1024x128xbf16>, vector<256x1024xf32> -> vector<256x1024xf32>
      %exp3A_240 = math.exp %dot_general3A_239 : vector<256x1024xf32>
      %slice3A_241 = vector.extract_strided_slice %exp3A_240 {offsets = [0, 0], sizes = [256, 256], strides = [1, 1]} : vector<256x1024xf32> to vector<256x256xf32>
      %slice3A_242 = vector.extract_strided_slice %exp3A_240 {offsets = [0, 0], sizes = [256, 256], strides = [1, 1]} : vector<256x1024xf32> to vector<256x256xf32>
      %reduce_sum3A_243 = arith.constant dense<0.000000e+00> : vector<256xf32>
      %reduce_sum3A_244 = vector.multi_reduction <add>, %slice3A_242, %reduce_sum3A_243 [1] : vector<256x256xf32> to vector<256xf32>
      %broadcast_in_dim3A_245 = vector.shape_cast %reduce_sum3A_244 : vector<256xf32> to vector<256x1xf32>
      %div3A_246 = vector.broadcast %broadcast_in_dim3A_245 : vector<256x1xf32> to vector<256x256xf32>
      %div3A_247 = arith.divf %slice3A_241, %div3A_246 : vector<256x256xf32>
      %slice3A_248 = vector.extract_strided_slice %exp3A_240 {offsets = [0, 256], sizes = [256, 256], strides = [1, 1]} : vector<256x1024xf32> to vector<256x256xf32>
      %slice3A_249 = vector.extract_strided_slice %exp3A_240 {offsets = [0, 256], sizes = [256, 256], strides = [1, 1]} : vector<256x1024xf32> to vector<256x256xf32>
      %reduce_sum3A_250 = arith.constant dense<0.000000e+00> : vector<256xf32>
      %reduce_sum3A_251 = vector.multi_reduction <add>, %slice3A_249, %reduce_sum3A_250 [1] : vector<256x256xf32> to vector<256xf32>
      %broadcast_in_dim3A_252 = vector.shape_cast %reduce_sum3A_251 : vector<256xf32> to vector<256x1xf32>
      %div3A_253 = vector.broadcast %broadcast_in_dim3A_252 : vector<256x1xf32> to vector<256x256xf32>
      %div3A_254 = arith.divf %slice3A_248, %div3A_253 : vector<256x256xf32>
      %slice3A_255 = vector.extract_strided_slice %exp3A_240 {offsets = [0, 512], sizes = [256, 256], strides = [1, 1]} : vector<256x1024xf32> to vector<256x256xf32>
      %slice3A_256 = vector.extract_strided_slice %exp3A_240 {offsets = [0, 512], sizes = [256, 256], strides = [1, 1]} : vector<256x1024xf32> to vector<256x256xf32>
      %reduce_sum3A_257 = arith.constant dense<0.000000e+00> : vector<256xf32>
      %reduce_sum3A_258 = vector.multi_reduction <add>, %slice3A_256, %reduce_sum3A_257 [1] : vector<256x256xf32> to vector<256xf32>
      %broadcast_in_dim3A_259 = vector.shape_cast %reduce_sum3A_258 : vector<256xf32> to vector<256x1xf32>
      %div3A_260 = vector.broadcast %broadcast_in_dim3A_259 : vector<256x1xf32> to vector<256x256xf32>
      %div3A_261 = arith.divf %slice3A_255, %div3A_260 : vector<256x256xf32>
      %slice3A_262 = vector.extract_strided_slice %exp3A_240 {offsets = [0, 768], sizes = [256, 256], strides = [1, 1]} : vector<256x1024xf32> to vector<256x256xf32>
      %slice3A_263 = vector.extract_strided_slice %exp3A_240 {offsets = [0, 768], sizes = [256, 256], strides = [1, 1]} : vector<256x1024xf32> to vector<256x256xf32>
      %reduce_sum3A_264 = arith.constant dense<0.000000e+00> : vector<256xf32>
      %reduce_sum3A_265 = vector.multi_reduction <add>, %slice3A_263, %reduce_sum3A_264 [1] : vector<256x256xf32> to vector<256xf32>
      %broadcast_in_dim3A_266 = vector.shape_cast %reduce_sum3A_265 : vector<256xf32> to vector<256x1xf32>
      %div3A_267 = vector.broadcast %broadcast_in_dim3A_266 : vector<256x1xf32> to vector<256x256xf32>
      %div3A_268 = arith.divf %slice3A_262, %div3A_267 : vector<256x256xf32>
      %concatenate3A_269 = tpu.concatenate %div3A_247, %div3A_254, %div3A_261, %div3A_268 in 1 : vector<256x256xf32>, vector<256x256xf32>, vector<256x256xf32>, vector<256x256xf32> -> vector<256x1024xf32>
      %convert_element_type3A_270 = arith.truncf %concatenate3A_269 : vector<256x1024xf32> to vector<256x1024xbf16>
      %ge3A_271 = arith.constant 0 : i32
      %ge3A_272 = vector.broadcast %ge3A_271 : i32 to vector<1x128xi32>
      %ge3A_273 = arith.cmpi sge, %iota3A, %ge3A_272 : vector<1x128xi32>
      %lt3A_274 = arith.constant 32 : i32
      %lt3A_275 = vector.broadcast %lt3A_274 : i32 to vector<1x128xi32>
      %lt3A_276 = arith.cmpi slt, %iota3A, %lt3A_275 : vector<1x128xi32>
      %and3A_277 = arith.andi %ge3A_273, %lt3A_276 : vector<1x128xi1>
      %jit3A_278 = arith.constant 0 : i32
      %convert_element_type3A_279 = arith.sitofp %jit3A_278 : i32 to bf16
      %broadcast_in_dim3A_280 = vector.shape_cast %and3A_277 : vector<1x128xi1> to vector<1x128xi1>
      %broadcast_in_dim3A_281 = vector.broadcast %broadcast_in_dim3A_280 : vector<1x128xi1> to vector<256x128xi1>
      %broadcast_in_dim3A_282 = vector.broadcast %convert_element_type3A_279 : bf16 to vector<256x128xbf16>
      %select_n3A_283 = arith.select %broadcast_in_dim3A_281, %slice3A_184, %broadcast_in_dim3A_282 : vector<256x128xi1>, vector<256x128xbf16>
      %ge3A_284 = arith.constant 32 : i32
      %ge3A_285 = vector.broadcast %ge3A_284 : i32 to vector<1x128xi32>
      %ge3A_286 = arith.cmpi sge, %iota3A, %ge3A_285 : vector<1x128xi32>
      %lt3A_287 = arith.constant 64 : i32
      %lt3A_288 = vector.broadcast %lt3A_287 : i32 to vector<1x128xi32>
      %lt3A_289 = arith.cmpi slt, %iota3A, %lt3A_288 : vector<1x128xi32>
      %and3A_290 = arith.andi %ge3A_286, %lt3A_289 : vector<1x128xi1>
      %jit3A_291 = arith.constant 0 : i32
      %convert_element_type3A_292 = arith.sitofp %jit3A_291 : i32 to bf16
      %broadcast_in_dim3A_293 = vector.shape_cast %and3A_290 : vector<1x128xi1> to vector<1x128xi1>
      %broadcast_in_dim3A_294 = vector.broadcast %broadcast_in_dim3A_293 : vector<1x128xi1> to vector<256x128xi1>
      %broadcast_in_dim3A_295 = vector.broadcast %convert_element_type3A_292 : bf16 to vector<256x128xbf16>
      %select_n3A_296 = arith.select %broadcast_in_dim3A_294, %slice3A_184, %broadcast_in_dim3A_295 : vector<256x128xi1>, vector<256x128xbf16>
      %ge3A_297 = arith.constant 64 : i32
      %ge3A_298 = vector.broadcast %ge3A_297 : i32 to vector<1x128xi32>
      %ge3A_299 = arith.cmpi sge, %iota3A, %ge3A_298 : vector<1x128xi32>
      %lt3A_300 = arith.constant 96 : i32
      %lt3A_301 = vector.broadcast %lt3A_300 : i32 to vector<1x128xi32>
      %lt3A_302 = arith.cmpi slt, %iota3A, %lt3A_301 : vector<1x128xi32>
      %and3A_303 = arith.andi %ge3A_299, %lt3A_302 : vector<1x128xi1>
      %jit3A_304 = arith.constant 0 : i32
      %convert_element_type3A_305 = arith.sitofp %jit3A_304 : i32 to bf16
      %broadcast_in_dim3A_306 = vector.shape_cast %and3A_303 : vector<1x128xi1> to vector<1x128xi1>
      %broadcast_in_dim3A_307 = vector.broadcast %broadcast_in_dim3A_306 : vector<1x128xi1> to vector<256x128xi1>
      %broadcast_in_dim3A_308 = vector.broadcast %convert_element_type3A_305 : bf16 to vector<256x128xbf16>
      %select_n3A_309 = arith.select %broadcast_in_dim3A_307, %slice3A_184, %broadcast_in_dim3A_308 : vector<256x128xi1>, vector<256x128xbf16>
      %ge3A_310 = arith.constant 96 : i32
      %ge3A_311 = vector.broadcast %ge3A_310 : i32 to vector<1x128xi32>
      %ge3A_312 = arith.cmpi sge, %iota3A, %ge3A_311 : vector<1x128xi32>
      %lt3A_313 = arith.constant 128 : i32
      %lt3A_314 = vector.broadcast %lt3A_313 : i32 to vector<1x128xi32>
      %lt3A_315 = arith.cmpi slt, %iota3A, %lt3A_314 : vector<1x128xi32>
      %and3A_316 = arith.andi %ge3A_312, %lt3A_315 : vector<1x128xi1>
      %jit3A_317 = arith.constant 0 : i32
      %convert_element_type3A_318 = arith.sitofp %jit3A_317 : i32 to bf16
      %broadcast_in_dim3A_319 = vector.shape_cast %and3A_316 : vector<1x128xi1> to vector<1x128xi1>
      %broadcast_in_dim3A_320 = vector.broadcast %broadcast_in_dim3A_319 : vector<1x128xi1> to vector<256x128xi1>
      %broadcast_in_dim3A_321 = vector.broadcast %convert_element_type3A_318 : bf16 to vector<256x128xbf16>
      %select_n3A_322 = arith.select %broadcast_in_dim3A_320, %slice3A_184, %broadcast_in_dim3A_321 : vector<256x128xi1>, vector<256x128xbf16>
      %concatenate3A_323 = tpu.concatenate %select_n3A_283, %select_n3A_296, %select_n3A_309, %select_n3A_322 in 0 : vector<256x128xbf16>, vector<256x128xbf16>, vector<256x128xbf16>, vector<256x128xbf16> -> vector<1024x128xbf16>
      %dot_general3A_324 = arith.constant dense<0.000000e+00> : vector<256x128xf32>
      %dot_general3A_325 = tpu.matmul %convert_element_type3A_270, %concatenate3A_323, %dot_general3A_324 {dimension_numbers = #tpu.dot_dimension_numbers<[1], [0], [0], [1], [0, 0, 1, 1], [], []>, transpose_lhs_hint = false} : vector<256x1024xbf16>, vector<1024x128xbf16>, vector<256x128xf32> -> vector<256x128xf32>
      %slice3A_326 = vector.extract_strided_slice %convert_element_type3A_44 {offsets = [0, 256], sizes = [256, 128], strides = [1, 1]} : vector<256x1152xbf16> to vector<256x128xbf16>
      %slice3A_327 = vector.extract_strided_slice %convert_element_type3A_44 {offsets = [0, 640], sizes = [256, 128], strides = [1, 1]} : vector<256x1152xbf16> to vector<256x128xbf16>
      %slice3A_328 = vector.extract_strided_slice %convert_element_type3A_44 {offsets = [0, 1024], sizes = [256, 128], strides = [1, 1]} : vector<256x1152xbf16> to vector<256x128xbf16>
      %ge3A_329 = arith.constant 0 : i32
      %ge3A_330 = vector.broadcast %ge3A_329 : i32 to vector<1x128xi32>
      %ge3A_331 = arith.cmpi sge, %iota3A, %ge3A_330 : vector<1x128xi32>
      %lt3A_332 = arith.constant 32 : i32
      %lt3A_333 = vector.broadcast %lt3A_332 : i32 to vector<1x128xi32>
      %lt3A_334 = arith.cmpi slt, %iota3A, %lt3A_333 : vector<1x128xi32>
      %and3A_335 = arith.andi %ge3A_331, %lt3A_334 : vector<1x128xi1>
      %jit3A_336 = arith.constant 0 : i32
      %convert_element_type3A_337 = arith.sitofp %jit3A_336 : i32 to bf16
      %broadcast_in_dim3A_338 = vector.shape_cast %and3A_335 : vector<1x128xi1> to vector<1x128xi1>
      %broadcast_in_dim3A_339 = vector.broadcast %broadcast_in_dim3A_338 : vector<1x128xi1> to vector<256x128xi1>
      %broadcast_in_dim3A_340 = vector.broadcast %convert_element_type3A_337 : bf16 to vector<256x128xbf16>
      %select_n3A_341 = arith.select %broadcast_in_dim3A_339, %slice3A_327, %broadcast_in_dim3A_340 : vector<256x128xi1>, vector<256x128xbf16>
      %ge3A_342 = arith.constant 32 : i32
      %ge3A_343 = vector.broadcast %ge3A_342 : i32 to vector<1x128xi32>
      %ge3A_344 = arith.cmpi sge, %iota3A, %ge3A_343 : vector<1x128xi32>
      %lt3A_345 = arith.constant 64 : i32
      %lt3A_346 = vector.broadcast %lt3A_345 : i32 to vector<1x128xi32>
      %lt3A_347 = arith.cmpi slt, %iota3A, %lt3A_346 : vector<1x128xi32>
      %and3A_348 = arith.andi %ge3A_344, %lt3A_347 : vector<1x128xi1>
      %jit3A_349 = arith.constant 0 : i32
      %convert_element_type3A_350 = arith.sitofp %jit3A_349 : i32 to bf16
      %broadcast_in_dim3A_351 = vector.shape_cast %and3A_348 : vector<1x128xi1> to vector<1x128xi1>
      %broadcast_in_dim3A_352 = vector.broadcast %broadcast_in_dim3A_351 : vector<1x128xi1> to vector<256x128xi1>
      %broadcast_in_dim3A_353 = vector.broadcast %convert_element_type3A_350 : bf16 to vector<256x128xbf16>
      %select_n3A_354 = arith.select %broadcast_in_dim3A_352, %slice3A_327, %broadcast_in_dim3A_353 : vector<256x128xi1>, vector<256x128xbf16>
      %ge3A_355 = arith.constant 64 : i32
      %ge3A_356 = vector.broadcast %ge3A_355 : i32 to vector<1x128xi32>
      %ge3A_357 = arith.cmpi sge, %iota3A, %ge3A_356 : vector<1x128xi32>
      %lt3A_358 = arith.constant 96 : i32
      %lt3A_359 = vector.broadcast %lt3A_358 : i32 to vector<1x128xi32>
      %lt3A_360 = arith.cmpi slt, %iota3A, %lt3A_359 : vector<1x128xi32>
      %and3A_361 = arith.andi %ge3A_357, %lt3A_360 : vector<1x128xi1>
      %jit3A_362 = arith.constant 0 : i32
      %convert_element_type3A_363 = arith.sitofp %jit3A_362 : i32 to bf16
      %broadcast_in_dim3A_364 = vector.shape_cast %and3A_361 : vector<1x128xi1> to vector<1x128xi1>
      %broadcast_in_dim3A_365 = vector.broadcast %broadcast_in_dim3A_364 : vector<1x128xi1> to vector<256x128xi1>
      %broadcast_in_dim3A_366 = vector.broadcast %convert_element_type3A_363 : bf16 to vector<256x128xbf16>
      %select_n3A_367 = arith.select %broadcast_in_dim3A_365, %slice3A_327, %broadcast_in_dim3A_366 : vector<256x128xi1>, vector<256x128xbf16>
      %ge3A_368 = arith.constant 96 : i32
      %ge3A_369 = vector.broadcast %ge3A_368 : i32 to vector<1x128xi32>
      %ge3A_370 = arith.cmpi sge, %iota3A, %ge3A_369 : vector<1x128xi32>
      %lt3A_371 = arith.constant 128 : i32
      %lt3A_372 = vector.broadcast %lt3A_371 : i32 to vector<1x128xi32>
      %lt3A_373 = arith.cmpi slt, %iota3A, %lt3A_372 : vector<1x128xi32>
      %and3A_374 = arith.andi %ge3A_370, %lt3A_373 : vector<1x128xi1>
      %jit3A_375 = arith.constant 0 : i32
      %convert_element_type3A_376 = arith.sitofp %jit3A_375 : i32 to bf16
      %broadcast_in_dim3A_377 = vector.shape_cast %and3A_374 : vector<1x128xi1> to vector<1x128xi1>
      %broadcast_in_dim3A_378 = vector.broadcast %broadcast_in_dim3A_377 : vector<1x128xi1> to vector<256x128xi1>
      %broadcast_in_dim3A_379 = vector.broadcast %convert_element_type3A_376 : bf16 to vector<256x128xbf16>
      %select_n3A_380 = arith.select %broadcast_in_dim3A_378, %slice3A_327, %broadcast_in_dim3A_379 : vector<256x128xi1>, vector<256x128xbf16>
      %concatenate3A_381 = tpu.concatenate %select_n3A_341, %select_n3A_354, %select_n3A_367, %select_n3A_380 in 0 : vector<256x128xbf16>, vector<256x128xbf16>, vector<256x128xbf16>, vector<256x128xbf16> -> vector<1024x128xbf16>
      %dot_general3A_382 = arith.constant dense<0.000000e+00> : vector<256x1024xf32>
      %dot_general3A_383 = tpu.matmul %slice3A_326, %concatenate3A_381, %dot_general3A_382 {dimension_numbers = #tpu.dot_dimension_numbers<[1], [1], [0], [0], [0, 0, 1, 0], [], []>, transpose_lhs_hint = false} : vector<256x128xbf16>, vector<1024x128xbf16>, vector<256x1024xf32> -> vector<256x1024xf32>
      %exp3A_384 = math.exp %dot_general3A_383 : vector<256x1024xf32>
      %slice3A_385 = vector.extract_strided_slice %exp3A_384 {offsets = [0, 0], sizes = [256, 256], strides = [1, 1]} : vector<256x1024xf32> to vector<256x256xf32>
      %slice3A_386 = vector.extract_strided_slice %exp3A_384 {offsets = [0, 0], sizes = [256, 256], strides = [1, 1]} : vector<256x1024xf32> to vector<256x256xf32>
      %reduce_sum3A_387 = arith.constant dense<0.000000e+00> : vector<256xf32>
      %reduce_sum3A_388 = vector.multi_reduction <add>, %slice3A_386, %reduce_sum3A_387 [1] : vector<256x256xf32> to vector<256xf32>
      %broadcast_in_dim3A_389 = vector.shape_cast %reduce_sum3A_388 : vector<256xf32> to vector<256x1xf32>
      %div3A_390 = vector.broadcast %broadcast_in_dim3A_389 : vector<256x1xf32> to vector<256x256xf32>
      %div3A_391 = arith.divf %slice3A_385, %div3A_390 : vector<256x256xf32>
      %slice3A_392 = vector.extract_strided_slice %exp3A_384 {offsets = [0, 256], sizes = [256, 256], strides = [1, 1]} : vector<256x1024xf32> to vector<256x256xf32>
      %slice3A_393 = vector.extract_strided_slice %exp3A_384 {offsets = [0, 256], sizes = [256, 256], strides = [1, 1]} : vector<256x1024xf32> to vector<256x256xf32>
      %reduce_sum3A_394 = arith.constant dense<0.000000e+00> : vector<256xf32>
      %reduce_sum3A_395 = vector.multi_reduction <add>, %slice3A_393, %reduce_sum3A_394 [1] : vector<256x256xf32> to vector<256xf32>
      %broadcast_in_dim3A_396 = vector.shape_cast %reduce_sum3A_395 : vector<256xf32> to vector<256x1xf32>
      %div3A_397 = vector.broadcast %broadcast_in_dim3A_396 : vector<256x1xf32> to vector<256x256xf32>
      %div3A_398 = arith.divf %slice3A_392, %div3A_397 : vector<256x256xf32>
      %slice3A_399 = vector.extract_strided_slice %exp3A_384 {offsets = [0, 512], sizes = [256, 256], strides = [1, 1]} : vector<256x1024xf32> to vector<256x256xf32>
      %slice3A_400 = vector.extract_strided_slice %exp3A_384 {offsets = [0, 512], sizes = [256, 256], strides = [1, 1]} : vector<256x1024xf32> to vector<256x256xf32>
      %reduce_sum3A_401 = arith.constant dense<0.000000e+00> : vector<256xf32>
      %reduce_sum3A_402 = vector.multi_reduction <add>, %slice3A_400, %reduce_sum3A_401 [1] : vector<256x256xf32> to vector<256xf32>
      %broadcast_in_dim3A_403 = vector.shape_cast %reduce_sum3A_402 : vector<256xf32> to vector<256x1xf32>
      %div3A_404 = vector.broadcast %broadcast_in_dim3A_403 : vector<256x1xf32> to vector<256x256xf32>
      %div3A_405 = arith.divf %slice3A_399, %div3A_404 : vector<256x256xf32>
      %slice3A_406 = vector.extract_strided_slice %exp3A_384 {offsets = [0, 768], sizes = [256, 256], strides = [1, 1]} : vector<256x1024xf32> to vector<256x256xf32>
      %slice3A_407 = vector.extract_strided_slice %exp3A_384 {offsets = [0, 768], sizes = [256, 256], strides = [1, 1]} : vector<256x1024xf32> to vector<256x256xf32>
      %reduce_sum3A_408 = arith.constant dense<0.000000e+00> : vector<256xf32>
      %reduce_sum3A_409 = vector.multi_reduction <add>, %slice3A_407, %reduce_sum3A_408 [1] : vector<256x256xf32> to vector<256xf32>
      %broadcast_in_dim3A_410 = vector.shape_cast %reduce_sum3A_409 : vector<256xf32> to vector<256x1xf32>
      %div3A_411 = vector.broadcast %broadcast_in_dim3A_410 : vector<256x1xf32> to vector<256x256xf32>
      %div3A_412 = arith.divf %slice3A_406, %div3A_411 : vector<256x256xf32>
      %concatenate3A_413 = tpu.concatenate %div3A_391, %div3A_398, %div3A_405, %div3A_412 in 1 : vector<256x256xf32>, vector<256x256xf32>, vector<256x256xf32>, vector<256x256xf32> -> vector<256x1024xf32>
      %convert_element_type3A_414 = arith.truncf %concatenate3A_413 : vector<256x1024xf32> to vector<256x1024xbf16>
      %ge3A_415 = arith.constant 0 : i32
      %ge3A_416 = vector.broadcast %ge3A_415 : i32 to vector<1x128xi32>
      %ge3A_417 = arith.cmpi sge, %iota3A, %ge3A_416 : vector<1x128xi32>
      %lt3A_418 = arith.constant 32 : i32
      %lt3A_419 = vector.broadcast %lt3A_418 : i32 to vector<1x128xi32>
      %lt3A_420 = arith.cmpi slt, %iota3A, %lt3A_419 : vector<1x128xi32>
      %and3A_421 = arith.andi %ge3A_417, %lt3A_420 : vector<1x128xi1>
      %jit3A_422 = arith.constant 0 : i32
      %convert_element_type3A_423 = arith.sitofp %jit3A_422 : i32 to bf16
      %broadcast_in_dim3A_424 = vector.shape_cast %and3A_421 : vector<1x128xi1> to vector<1x128xi1>
      %broadcast_in_dim3A_425 = vector.broadcast %broadcast_in_dim3A_424 : vector<1x128xi1> to vector<256x128xi1>
      %broadcast_in_dim3A_426 = vector.broadcast %convert_element_type3A_423 : bf16 to vector<256x128xbf16>
      %select_n3A_427 = arith.select %broadcast_in_dim3A_425, %slice3A_328, %broadcast_in_dim3A_426 : vector<256x128xi1>, vector<256x128xbf16>
      %ge3A_428 = arith.constant 32 : i32
      %ge3A_429 = vector.broadcast %ge3A_428 : i32 to vector<1x128xi32>
      %ge3A_430 = arith.cmpi sge, %iota3A, %ge3A_429 : vector<1x128xi32>
      %lt3A_431 = arith.constant 64 : i32
      %lt3A_432 = vector.broadcast %lt3A_431 : i32 to vector<1x128xi32>
      %lt3A_433 = arith.cmpi slt, %iota3A, %lt3A_432 : vector<1x128xi32>
      %and3A_434 = arith.andi %ge3A_430, %lt3A_433 : vector<1x128xi1>
      %jit3A_435 = arith.constant 0 : i32
      %convert_element_type3A_436 = arith.sitofp %jit3A_435 : i32 to bf16
      %broadcast_in_dim3A_437 = vector.shape_cast %and3A_434 : vector<1x128xi1> to vector<1x128xi1>
      %broadcast_in_dim3A_438 = vector.broadcast %broadcast_in_dim3A_437 : vector<1x128xi1> to vector<256x128xi1>
      %broadcast_in_dim3A_439 = vector.broadcast %convert_element_type3A_436 : bf16 to vector<256x128xbf16>
      %select_n3A_440 = arith.select %broadcast_in_dim3A_438, %slice3A_328, %broadcast_in_dim3A_439 : vector<256x128xi1>, vector<256x128xbf16>
      %ge3A_441 = arith.constant 64 : i32
      %ge3A_442 = vector.broadcast %ge3A_441 : i32 to vector<1x128xi32>
      %ge3A_443 = arith.cmpi sge, %iota3A, %ge3A_442 : vector<1x128xi32>
      %lt3A_444 = arith.constant 96 : i32
      %lt3A_445 = vector.broadcast %lt3A_444 : i32 to vector<1x128xi32>
      %lt3A_446 = arith.cmpi slt, %iota3A, %lt3A_445 : vector<1x128xi32>
      %and3A_447 = arith.andi %ge3A_443, %lt3A_446 : vector<1x128xi1>
      %jit3A_448 = arith.constant 0 : i32
      %convert_element_type3A_449 = arith.sitofp %jit3A_448 : i32 to bf16
      %broadcast_in_dim3A_450 = vector.shape_cast %and3A_447 : vector<1x128xi1> to vector<1x128xi1>
      %broadcast_in_dim3A_451 = vector.broadcast %broadcast_in_dim3A_450 : vector<1x128xi1> to vector<256x128xi1>
      %broadcast_in_dim3A_452 = vector.broadcast %convert_element_type3A_449 : bf16 to vector<256x128xbf16>
      %select_n3A_453 = arith.select %broadcast_in_dim3A_451, %slice3A_328, %broadcast_in_dim3A_452 : vector<256x128xi1>, vector<256x128xbf16>
      %ge3A_454 = arith.constant 96 : i32
      %ge3A_455 = vector.broadcast %ge3A_454 : i32 to vector<1x128xi32>
      %ge3A_456 = arith.cmpi sge, %iota3A, %ge3A_455 : vector<1x128xi32>
      %lt3A_457 = arith.constant 128 : i32
      %lt3A_458 = vector.broadcast %lt3A_457 : i32 to vector<1x128xi32>
      %lt3A_459 = arith.cmpi slt, %iota3A, %lt3A_458 : vector<1x128xi32>
      %and3A_460 = arith.andi %ge3A_456, %lt3A_459 : vector<1x128xi1>
      %jit3A_461 = arith.constant 0 : i32
      %convert_element_type3A_462 = arith.sitofp %jit3A_461 : i32 to bf16
      %broadcast_in_dim3A_463 = vector.shape_cast %and3A_460 : vector<1x128xi1> to vector<1x128xi1>
      %broadcast_in_dim3A_464 = vector.broadcast %broadcast_in_dim3A_463 : vector<1x128xi1> to vector<256x128xi1>
      %broadcast_in_dim3A_465 = vector.broadcast %convert_element_type3A_462 : bf16 to vector<256x128xbf16>
      %select_n3A_466 = arith.select %broadcast_in_dim3A_464, %slice3A_328, %broadcast_in_dim3A_465 : vector<256x128xi1>, vector<256x128xbf16>
      %concatenate3A_467 = tpu.concatenate %select_n3A_427, %select_n3A_440, %select_n3A_453, %select_n3A_466 in 0 : vector<256x128xbf16>, vector<256x128xbf16>, vector<256x128xbf16>, vector<256x128xbf16> -> vector<1024x128xbf16>
      %dot_general3A_468 = arith.constant dense<0.000000e+00> : vector<256x128xf32>
      %dot_general3A_469 = tpu.matmul %convert_element_type3A_414, %concatenate3A_467, %dot_general3A_468 {dimension_numbers = #tpu.dot_dimension_numbers<[1], [0], [0], [1], [0, 0, 1, 1], [], []>, transpose_lhs_hint = false} : vector<256x1024xbf16>, vector<1024x128xbf16>, vector<256x128xf32> -> vector<256x128xf32>
      %concatenate3A_470 = tpu.concatenate %dot_general3A_181, %dot_general3A_325, %dot_general3A_469 in 1 : vector<256x128xf32>, vector<256x128xf32>, vector<256x128xf32> -> vector<256x384xf32>
      %convert_element_type3A_471 = arith.truncf %concatenate3A_470 : vector<256x384xf32> to vector<256x384xbf16>
      %get3A_472 = arith.constant 0 : index
      %get3A_473 = arith.constant 0 : index
      %get3A_474 = vector.load %arg13[%get3A_472, %get3A_473] : memref<384x384xbf16, #tpu.memory_space<vmem>>, vector<384x384xbf16>
      %dot_general3A_475 = arith.constant dense<0.000000e+00> : vector<256x384xf32>
      %dot_general3A_476 = tpu.matmul %convert_element_type3A_471, %get3A_474, %dot_general3A_475 {dimension_numbers = #tpu.dot_dimension_numbers<[1], [1], [0], [0], [0, 0, 1, 0], [], []>, transpose_lhs_hint = false} : vector<256x384xbf16>, vector<384x384xbf16>, vector<256x384xf32> -> vector<256x384xf32>
      %add3A_477 = arith.addf %slice3A_34, %dot_general3A_476 : vector<256x384xf32>
      %mul3A_478 = arith.constant 2 : i32
      %mul3A_479 = arith.muli %mul3A_478, %arg0 : i32
      %add3A_480 = arith.constant 0 : i32
      %add3A_481 = arith.addi %mul3A_479, %add3A_480 : i32
      %mul3A_482 = arith.constant 256 : i32
      %mul3A_483 = arith.muli %add3A_481, %mul3A_482 : i32
      %swap3A = arith.index_cast %mul3A_483 : i32 to index
      %swap3A_484 = arith.constant 0 : index
      %swap3A_485 = vector.load %arg10[%swap3A, %swap3A_484] : memref<4096x384xf32, #tpu.memory_space<vmem>>, vector<256x384xf32>
      tpu.vector_store %arg10[%swap3A, %swap3A_484], %add3A_477 {strides = array<i32>} : memref<4096x384xf32, #tpu.memory_space<vmem>>, vector<256x384xf32>,
      %reduce_sum3A_486 = arith.constant dense<0.000000e+00> : vector<384xf32>
      %reduce_sum3A_487 = vector.multi_reduction <add>, %add3A_477, %reduce_sum3A_486 [0] : vector<256x384xf32> to vector<384xf32>
      %broadcast_in_dim3A_488 = vector.shape_cast %reduce_sum3A_487 : vector<384xf32> to vector<1x384xf32>
      %mul3A_489 = arith.mulf %add3A_477, %add3A_477 : vector<256x384xf32>
      %reduce_sum3A_490 = arith.constant dense<0.000000e+00> : vector<384xf32>
      %reduce_sum3A_491 = vector.multi_reduction <add>, %mul3A_489, %reduce_sum3A_490 [0] : vector<256x384xf32> to vector<384xf32>
      %broadcast_in_dim3A_492 = vector.shape_cast %reduce_sum3A_491 : vector<384xf32> to vector<1x384xf32>
      %broadcast_in_dim3A_493 = arith.constant 0.000000e+00 : f32
      %broadcast_in_dim3A_494 = vector.broadcast %broadcast_in_dim3A_493 : f32 to vector<6x384xf32>
      %concatenate3A_495 = tpu.concatenate %broadcast_in_dim3A_488, %broadcast_in_dim3A_492, %broadcast_in_dim3A_494 in 0 : vector<1x384xf32>, vector<1x384xf32>, vector<6x384xf32> -> vector<8x384xf32>
      %add3A_496 = arith.addf %broadcast_in_dim3A_33, %concatenate3A_495 : vector<8x384xf32>
      %slice3A_497 = vector.extract_strided_slice %get3A_11 {offsets = [256, 0], sizes = [256, 384], strides = [1, 1]} : vector<512x384xf32> to vector<256x384xf32>
      %mul3A_498 = vector.broadcast %mul3A_27 : vector<1x384xf32> to vector<256x384xf32>
      %mul3A_499 = arith.mulf %slice3A_497, %mul3A_498 : vector<256x384xf32>
      %add3A_500 = vector.broadcast %sub3A_32 : vector<1x384xf32> to vector<256x384xf32>
      %add3A_501 = arith.addf %mul3A_499, %add3A_500 : vector<256x384xf32>
      %convert_element_type3A_502 = arith.truncf %add3A_501 : vector<256x384xf32> to vector<256x384xbf16>
      %get3A_503 = arith.constant 0 : index
      %get3A_504 = arith.constant 0 : index
      %get3A_505 = vector.load %arg12[%get3A_503, %get3A_504] : memref<1152x384xbf16, #tpu.memory_space<vmem>>, vector<1152x384xbf16>
      %dot_general3A_506 = arith.constant dense<0.000000e+00> : vector<256x1152xf32>
      %dot_general3A_507 = tpu.matmul %convert_element_type3A_502, %get3A_505, %dot_general3A_506 {dimension_numbers = #tpu.dot_dimension_numbers<[1], [1], [0], [0], [0, 0, 1, 0], [], []>, transpose_lhs_hint = false} : vector<256x384xbf16>, vector<1152x384xbf16>, vector<256x1152xf32> -> vector<256x1152xf32>
      %convert_element_type3A_508 = arith.truncf %dot_general3A_507 : vector<256x1152xf32> to vector<256x1152xbf16>
      %slice3A_509 = vector.extract_strided_slice %convert_element_type3A_508 {offsets = [0, 0], sizes = [256, 128], strides = [1, 1]} : vector<256x1152xbf16> to vector<256x128xbf16>
      %slice3A_510 = vector.extract_strided_slice %convert_element_type3A_508 {offsets = [0, 384], sizes = [256, 128], strides = [1, 1]} : vector<256x1152xbf16> to vector<256x128xbf16>
      %slice3A_511 = vector.extract_strided_slice %convert_element_type3A_508 {offsets = [0, 768], sizes = [256, 128], strides = [1, 1]} : vector<256x1152xbf16> to vector<256x128xbf16>
      %ge3A_512 = arith.constant 0 : i32
      %ge3A_513 = vector.broadcast %ge3A_512 : i32 to vector<1x128xi32>
      %ge3A_514 = arith.cmpi sge, %iota3A, %ge3A_513 : vector<1x128xi32>
      %lt3A_515 = arith.constant 32 : i32
      %lt3A_516 = vector.broadcast %lt3A_515 : i32 to vector<1x128xi32>
      %lt3A_517 = arith.cmpi slt, %iota3A, %lt3A_516 : vector<1x128xi32>
      %and3A_518 = arith.andi %ge3A_514, %lt3A_517 : vector<1x128xi1>
      %jit3A_519 = arith.constant 0 : i32
      %convert_element_type3A_520 = arith.sitofp %jit3A_519 : i32 to bf16
      %broadcast_in_dim3A_521 = vector.shape_cast %and3A_518 : vector<1x128xi1> to vector<1x128xi1>
      %broadcast_in_dim3A_522 = vector.broadcast %broadcast_in_dim3A_521 : vector<1x128xi1> to vector<256x128xi1>
      %broadcast_in_dim3A_523 = vector.broadcast %convert_element_type3A_520 : bf16 to vector<256x128xbf16>
      %select_n3A_524 = arith.select %broadcast_in_dim3A_522, %slice3A_510, %broadcast_in_dim3A_523 : vector<256x128xi1>, vector<256x128xbf16>
      %ge3A_525 = arith.constant 32 : i32
      %ge3A_526 = vector.broadcast %ge3A_525 : i32 to vector<1x128xi32>
      %ge3A_527 = arith.cmpi sge, %iota3A, %ge3A_526 : vector<1x128xi32>
      %lt3A_528 = arith.constant 64 : i32
      %lt3A_529 = vector.broadcast %lt3A_528 : i32 to vector<1x128xi32>
      %lt3A_530 = arith.cmpi slt, %iota3A, %lt3A_529 : vector<1x128xi32>
      %and3A_531 = arith.andi %ge3A_527, %lt3A_530 : vector<1x128xi1>
      %jit3A_532 = arith.constant 0 : i32
      %convert_element_type3A_533 = arith.sitofp %jit3A_532 : i32 to bf16
      %broadcast_in_dim3A_534 = vector.shape_cast %and3A_531 : vector<1x128xi1> to vector<1x128xi1>
      %broadcast_in_dim3A_535 = vector.broadcast %broadcast_in_dim3A_534 : vector<1x128xi1> to vector<256x128xi1>
      %broadcast_in_dim3A_536 = vector.broadcast %convert_element_type3A_533 : bf16 to vector<256x128xbf16>
      %select_n3A_537 = arith.select %broadcast_in_dim3A_535, %slice3A_510, %broadcast_in_dim3A_536 : vector<256x128xi1>, vector<256x128xbf16>
      %ge3A_538 = arith.constant 64 : i32
      %ge3A_539 = vector.broadcast %ge3A_538 : i32 to vector<1x128xi32>
      %ge3A_540 = arith.cmpi sge, %iota3A, %ge3A_539 : vector<1x128xi32>
      %lt3A_541 = arith.constant 96 : i32
      %lt3A_542 = vector.broadcast %lt3A_541 : i32 to vector<1x128xi32>
      %lt3A_543 = arith.cmpi slt, %iota3A, %lt3A_542 : vector<1x128xi32>
      %and3A_544 = arith.andi %ge3A_540, %lt3A_543 : vector<1x128xi1>
      %jit3A_545 = arith.constant 0 : i32
      %convert_element_type3A_546 = arith.sitofp %jit3A_545 : i32 to bf16
      %broadcast_in_dim3A_547 = vector.shape_cast %and3A_544 : vector<1x128xi1> to vector<1x128xi1>
      %broadcast_in_dim3A_548 = vector.broadcast %broadcast_in_dim3A_547 : vector<1x128xi1> to vector<256x128xi1>
      %broadcast_in_dim3A_549 = vector.broadcast %convert_element_type3A_546 : bf16 to vector<256x128xbf16>
      %select_n3A_550 = arith.select %broadcast_in_dim3A_548, %slice3A_510, %broadcast_in_dim3A_549 : vector<256x128xi1>, vector<256x128xbf16>
      %ge3A_551 = arith.constant 96 : i32
      %ge3A_552 = vector.broadcast %ge3A_551 : i32 to vector<1x128xi32>
      %ge3A_553 = arith.cmpi sge, %iota3A, %ge3A_552 : vector<1x128xi32>
      %lt3A_554 = arith.constant 128 : i32
      %lt3A_555 = vector.broadcast %lt3A_554 : i32 to vector<1x128xi32>
      %lt3A_556 = arith.cmpi slt, %iota3A, %lt3A_555 : vector<1x128xi32>
      %and3A_557 = arith.andi %ge3A_553, %lt3A_556 : vector<1x128xi1>
      %jit3A_558 = arith.constant 0 : i32
      %convert_element_type3A_559 = arith.sitofp %jit3A_558 : i32 to bf16
      %broadcast_in_dim3A_560 = vector.shape_cast %and3A_557 : vector<1x128xi1> to vector<1x128xi1>
      %broadcast_in_dim3A_561 = vector.broadcast %broadcast_in_dim3A_560 : vector<1x128xi1> to vector<256x128xi1>
      %broadcast_in_dim3A_562 = vector.broadcast %convert_element_type3A_559 : bf16 to vector<256x128xbf16>
      %select_n3A_563 = arith.select %broadcast_in_dim3A_561, %slice3A_510, %broadcast_in_dim3A_562 : vector<256x128xi1>, vector<256x128xbf16>
      %concatenate3A_564 = tpu.concatenate %select_n3A_524, %select_n3A_537, %select_n3A_550, %select_n3A_563 in 0 : vector<256x128xbf16>, vector<256x128xbf16>, vector<256x128xbf16>, vector<256x128xbf16> -> vector<1024x128xbf16>
      %dot_general3A_565 = arith.constant dense<0.000000e+00> : vector<256x1024xf32>
      %dot_general3A_566 = tpu.matmul %slice3A_509, %concatenate3A_564, %dot_general3A_565 {dimension_numbers = #tpu.dot_dimension_numbers<[1], [1], [0], [0], [0, 0, 1, 0], [], []>, transpose_lhs_hint = false} : vector<256x128xbf16>, vector<1024x128xbf16>, vector<256x1024xf32> -> vector<256x1024xf32>
      %exp3A_567 = math.exp %dot_general3A_566 : vector<256x1024xf32>
      %slice3A_568 = vector.extract_strided_slice %exp3A_567 {offsets = [0, 0], sizes = [256, 256], strides = [1, 1]} : vector<256x1024xf32> to vector<256x256xf32>
      %slice3A_569 = vector.extract_strided_slice %exp3A_567 {offsets = [0, 0], sizes = [256, 256], strides = [1, 1]} : vector<256x1024xf32> to vector<256x256xf32>
      %reduce_sum3A_570 = arith.constant dense<0.000000e+00> : vector<256xf32>
      %reduce_sum3A_571 = vector.multi_reduction <add>, %slice3A_569, %reduce_sum3A_570 [1] : vector<256x256xf32> to vector<256xf32>
      %broadcast_in_dim3A_572 = vector.shape_cast %reduce_sum3A_571 : vector<256xf32> to vector<256x1xf32>
      %div3A_573 = vector.broadcast %broadcast_in_dim3A_572 : vector<256x1xf32> to vector<256x256xf32>
      %div3A_574 = arith.divf %slice3A_568, %div3A_573 : vector<256x256xf32>
      %slice3A_575 = vector.extract_strided_slice %exp3A_567 {offsets = [0, 256], sizes = [256, 256], strides = [1, 1]} : vector<256x1024xf32> to vector<256x256xf32>
      %slice3A_576 = vector.extract_strided_slice %exp3A_567 {offsets = [0, 256], sizes = [256, 256], strides = [1, 1]} : vector<256x1024xf32> to vector<256x256xf32>
      %reduce_sum3A_577 = arith.constant dense<0.000000e+00> : vector<256xf32>
      %reduce_sum3A_578 = vector.multi_reduction <add>, %slice3A_576, %reduce_sum3A_577 [1] : vector<256x256xf32> to vector<256xf32>
      %broadcast_in_dim3A_579 = vector.shape_cast %reduce_sum3A_578 : vector<256xf32> to vector<256x1xf32>
      %div3A_580 = vector.broadcast %broadcast_in_dim3A_579 : vector<256x1xf32> to vector<256x256xf32>
      %div3A_581 = arith.divf %slice3A_575, %div3A_580 : vector<256x256xf32>
      %slice3A_582 = vector.extract_strided_slice %exp3A_567 {offsets = [0, 512], sizes = [256, 256], strides = [1, 1]} : vector<256x1024xf32> to vector<256x256xf32>
      %slice3A_583 = vector.extract_strided_slice %exp3A_567 {offsets = [0, 512], sizes = [256, 256], strides = [1, 1]} : vector<256x1024xf32> to vector<256x256xf32>
      %reduce_sum3A_584 = arith.constant dense<0.000000e+00> : vector<256xf32>
      %reduce_sum3A_585 = vector.multi_reduction <add>, %slice3A_583, %reduce_sum3A_584 [1] : vector<256x256xf32> to vector<256xf32>
      %broadcast_in_dim3A_586 = vector.shape_cast %reduce_sum3A_585 : vector<256xf32> to vector<256x1xf32>
      %div3A_587 = vector.broadcast %broadcast_in_dim3A_586 : vector<256x1xf32> to vector<256x256xf32>
      %div3A_588 = arith.divf %slice3A_582, %div3A_587 : vector<256x256xf32>
      %slice3A_589 = vector.extract_strided_slice %exp3A_567 {offsets = [0, 768], sizes = [256, 256], strides = [1, 1]} : vector<256x1024xf32> to vector<256x256xf32>
      %slice3A_590 = vector.extract_strided_slice %exp3A_567 {offsets = [0, 768], sizes = [256, 256], strides = [1, 1]} : vector<256x1024xf32> to vector<256x256xf32>
      %reduce_sum3A_591 = arith.constant dense<0.000000e+00> : vector<256xf32>
      %reduce_sum3A_592 = vector.multi_reduction <add>, %slice3A_590, %reduce_sum3A_591 [1] : vector<256x256xf32> to vector<256xf32>
      %broadcast_in_dim3A_593 = vector.shape_cast %reduce_sum3A_592 : vector<256xf32> to vector<256x1xf32>
      %div3A_594 = vector.broadcast %broadcast_in_dim3A_593 : vector<256x1xf32> to vector<256x256xf32>
      %div3A_595 = arith.divf %slice3A_589, %div3A_594 : vector<256x256xf32>
      %concatenate3A_596 = tpu.concatenate %div3A_574, %div3A_581, %div3A_588, %div3A_595 in 1 : vector<256x256xf32>, vector<256x256xf32>, vector<256x256xf32>, vector<256x256xf32> -> vector<256x1024xf32>
      %convert_element_type3A_597 = arith.truncf %concatenate3A_596 : vector<256x1024xf32> to vector<256x1024xbf16>
      %ge3A_598 = arith.constant 0 : i32
      %ge3A_599 = vector.broadcast %ge3A_598 : i32 to vector<1x128xi32>
      %ge3A_600 = arith.cmpi sge, %iota3A, %ge3A_599 : vector<1x128xi32>
      %lt3A_601 = arith.constant 32 : i32
      %lt3A_602 = vector.broadcast %lt3A_601 : i32 to vector<1x128xi32>
      %lt3A_603 = arith.cmpi slt, %iota3A, %lt3A_602 : vector<1x128xi32>
      %and3A_604 = arith.andi %ge3A_600, %lt3A_603 : vector<1x128xi1>
      %jit3A_605 = arith.constant 0 : i32
      %convert_element_type3A_606 = arith.sitofp %jit3A_605 : i32 to bf16
      %broadcast_in_dim3A_607 = vector.shape_cast %and3A_604 : vector<1x128xi1> to vector<1x128xi1>
      %broadcast_in_dim3A_608 = vector.broadcast %broadcast_in_dim3A_607 : vector<1x128xi1> to vector<256x128xi1>
      %broadcast_in_dim3A_609 = vector.broadcast %convert_element_type3A_606 : bf16 to vector<256x128xbf16>
      %select_n3A_610 = arith.select %broadcast_in_dim3A_608, %slice3A_511, %broadcast_in_dim3A_609 : vector<256x128xi1>, vector<256x128xbf16>
      %ge3A_611 = arith.constant 32 : i32
      %ge3A_612 = vector.broadcast %ge3A_611 : i32 to vector<1x128xi32>
      %ge3A_613 = arith.cmpi sge, %iota3A, %ge3A_612 : vector<1x128xi32>
      %lt3A_614 = arith.constant 64 : i32
      %lt3A_615 = vector.broadcast %lt3A_614 : i32 to vector<1x128xi32>
      %lt3A_616 = arith.cmpi slt, %iota3A, %lt3A_615 : vector<1x128xi32>
      %and3A_617 = arith.andi %ge3A_613, %lt3A_616 : vector<1x128xi1>
      %jit3A_618 = arith.constant 0 : i32
      %convert_element_type3A_619 = arith.sitofp %jit3A_618 : i32 to bf16
      %broadcast_in_dim3A_620 = vector.shape_cast %and3A_617 : vector<1x128xi1> to vector<1x128xi1>
      %broadcast_in_dim3A_621 = vector.broadcast %broadcast_in_dim3A_620 : vector<1x128xi1> to vector<256x128xi1>
      %broadcast_in_dim3A_622 = vector.broadcast %convert_element_type3A_619 : bf16 to vector<256x128xbf16>
      %select_n3A_623 = arith.select %broadcast_in_dim3A_621, %slice3A_511, %broadcast_in_dim3A_622 : vector<256x128xi1>, vector<256x128xbf16>
      %ge3A_624 = arith.constant 64 : i32
      %ge3A_625 = vector.broadcast %ge3A_624 : i32 to vector<1x128xi32>
      %ge3A_626 = arith.cmpi sge, %iota3A, %ge3A_625 : vector<1x128xi32>
      %lt3A_627 = arith.constant 96 : i32
      %lt3A_628 = vector.broadcast %lt3A_627 : i32 to vector<1x128xi32>
      %lt3A_629 = arith.cmpi slt, %iota3A, %lt3A_628 : vector<1x128xi32>
      %and3A_630 = arith.andi %ge3A_626, %lt3A_629 : vector<1x128xi1>
      %jit3A_631 = arith.constant 0 : i32
      %convert_element_type3A_632 = arith.sitofp %jit3A_631 : i32 to bf16
      %broadcast_in_dim3A_633 = vector.shape_cast %and3A_630 : vector<1x128xi1> to vector<1x128xi1>
      %broadcast_in_dim3A_634 = vector.broadcast %broadcast_in_dim3A_633 : vector<1x128xi1> to vector<256x128xi1>
      %broadcast_in_dim3A_635 = vector.broadcast %convert_element_type3A_632 : bf16 to vector<256x128xbf16>
      %select_n3A_636 = arith.select %broadcast_in_dim3A_634, %slice3A_511, %broadcast_in_dim3A_635 : vector<256x128xi1>, vector<256x128xbf16>
      %ge3A_637 = arith.constant 96 : i32
      %ge3A_638 = vector.broadcast %ge3A_637 : i32 to vector<1x128xi32>
      %ge3A_639 = arith.cmpi sge, %iota3A, %ge3A_638 : vector<1x128xi32>
      %lt3A_640 = arith.constant 128 : i32
      %lt3A_641 = vector.broadcast %lt3A_640 : i32 to vector<1x128xi32>
      %lt3A_642 = arith.cmpi slt, %iota3A, %lt3A_641 : vector<1x128xi32>
      %and3A_643 = arith.andi %ge3A_639, %lt3A_642 : vector<1x128xi1>
      %jit3A_644 = arith.constant 0 : i32
      %convert_element_type3A_645 = arith.sitofp %jit3A_644 : i32 to bf16
      %broadcast_in_dim3A_646 = vector.shape_cast %and3A_643 : vector<1x128xi1> to vector<1x128xi1>
      %broadcast_in_dim3A_647 = vector.broadcast %broadcast_in_dim3A_646 : vector<1x128xi1> to vector<256x128xi1>
      %broadcast_in_dim3A_648 = vector.broadcast %convert_element_type3A_645 : bf16 to vector<256x128xbf16>
      %select_n3A_649 = arith.select %broadcast_in_dim3A_647, %slice3A_511, %broadcast_in_dim3A_648 : vector<256x128xi1>, vector<256x128xbf16>
      %concatenate3A_650 = tpu.concatenate %select_n3A_610, %select_n3A_623, %select_n3A_636, %select_n3A_649 in 0 : vector<256x128xbf16>, vector<256x128xbf16>, vector<256x128xbf16>, vector<256x128xbf16> -> vector<1024x128xbf16>
      %dot_general3A_651 = arith.constant dense<0.000000e+00> : vector<256x128xf32>
      %dot_general3A_652 = tpu.matmul %convert_element_type3A_597, %concatenate3A_650, %dot_general3A_651 {dimension_numbers = #tpu.dot_dimension_numbers<[1], [0], [0], [1], [0, 0, 1, 1], [], []>, transpose_lhs_hint = false} : vector<256x1024xbf16>, vector<1024x128xbf16>, vector<256x128xf32> -> vector<256x128xf32>
      %slice3A_653 = vector.extract_strided_slice %convert_element_type3A_508 {offsets = [0, 128], sizes = [256, 128], strides = [1, 1]} : vector<256x1152xbf16> to vector<256x128xbf16>
      %slice3A_654 = vector.extract_strided_slice %convert_element_type3A_508 {offsets = [0, 512], sizes = [256, 128], strides = [1, 1]} : vector<256x1152xbf16> to vector<256x128xbf16>
      %slice3A_655 = vector.extract_strided_slice %convert_element_type3A_508 {offsets = [0, 896], sizes = [256, 128], strides = [1, 1]} : vector<256x1152xbf16> to vector<256x128xbf16>
      %ge3A_656 = arith.constant 0 : i32
      %ge3A_657 = vector.broadcast %ge3A_656 : i32 to vector<1x128xi32>
      %ge3A_658 = arith.cmpi sge, %iota3A, %ge3A_657 : vector<1x128xi32>
      %lt3A_659 = arith.constant 32 : i32
      %lt3A_660 = vector.broadcast %lt3A_659 : i32 to vector<1x128xi32>
      %lt3A_661 = arith.cmpi slt, %iota3A, %lt3A_660 : vector<1x128xi32>
      %and3A_662 = arith.andi %ge3A_658, %lt3A_661 : vector<1x128xi1>
      %jit3A_663 = arith.constant 0 : i32
      %convert_element_type3A_664 = arith.sitofp %jit3A_663 : i32 to bf16
      %broadcast_in_dim3A_665 = vector.shape_cast %and3A_662 : vector<1x128xi1> to vector<1x128xi1>
      %broadcast_in_dim3A_666 = vector.broadcast %broadcast_in_dim3A_665 : vector<1x128xi1> to vector<256x128xi1>
      %broadcast_in_dim3A_667 = vector.broadcast %convert_element_type3A_664 : bf16 to vector<256x128xbf16>
      %select_n3A_668 = arith.select %broadcast_in_dim3A_666, %slice3A_654, %broadcast_in_dim3A_667 : vector<256x128xi1>, vector<256x128xbf16>
      %ge3A_669 = arith.constant 32 : i32
      %ge3A_670 = vector.broadcast %ge3A_669 : i32 to vector<1x128xi32>
      %ge3A_671 = arith.cmpi sge, %iota3A, %ge3A_670 : vector<1x128xi32>
      %lt3A_672 = arith.constant 64 : i32
      %lt3A_673 = vector.broadcast %lt3A_672 : i32 to vector<1x128xi32>
      %lt3A_674 = arith.cmpi slt, %iota3A, %lt3A_673 : vector<1x128xi32>
      %and3A_675 = arith.andi %ge3A_671, %lt3A_674 : vector<1x128xi1>
      %jit3A_676 = arith.constant 0 : i32
      %convert_element_type3A_677 = arith.sitofp %jit3A_676 : i32 to bf16
      %broadcast_in_dim3A_678 = vector.shape_cast %and3A_675 : vector<1x128xi1> to vector<1x128xi1>
      %broadcast_in_dim3A_679 = vector.broadcast %broadcast_in_dim3A_678 : vector<1x128xi1> to vector<256x128xi1>
      %broadcast_in_dim3A_680 = vector.broadcast %convert_element_type3A_677 : bf16 to vector<256x128xbf16>
      %select_n3A_681 = arith.select %broadcast_in_dim3A_679, %slice3A_654, %broadcast_in_dim3A_680 : vector<256x128xi1>, vector<256x128xbf16>
      %ge3A_682 = arith.constant 64 : i32
      %ge3A_683 = vector.broadcast %ge3A_682 : i32 to vector<1x128xi32>
      %ge3A_684 = arith.cmpi sge, %iota3A, %ge3A_683 : vector<1x128xi32>
      %lt3A_685 = arith.constant 96 : i32
      %lt3A_686 = vector.broadcast %lt3A_685 : i32 to vector<1x128xi32>
      %lt3A_687 = arith.cmpi slt, %iota3A, %lt3A_686 : vector<1x128xi32>
      %and3A_688 = arith.andi %ge3A_684, %lt3A_687 : vector<1x128xi1>
      %jit3A_689 = arith.constant 0 : i32
      %convert_element_type3A_690 = arith.sitofp %jit3A_689 : i32 to bf16
      %broadcast_in_dim3A_691 = vector.shape_cast %and3A_688 : vector<1x128xi1> to vector<1x128xi1>
      %broadcast_in_dim3A_692 = vector.broadcast %broadcast_in_dim3A_691 : vector<1x128xi1> to vector<256x128xi1>
      %broadcast_in_dim3A_693 = vector.broadcast %convert_element_type3A_690 : bf16 to vector<256x128xbf16>
      %select_n3A_694 = arith.select %broadcast_in_dim3A_692, %slice3A_654, %broadcast_in_dim3A_693 : vector<256x128xi1>, vector<256x128xbf16>
      %ge3A_695 = arith.constant 96 : i32
      %ge3A_696 = vector.broadcast %ge3A_695 : i32 to vector<1x128xi32>
      %ge3A_697 = arith.cmpi sge, %iota3A, %ge3A_696 : vector<1x128xi32>
      %lt3A_698 = arith.constant 128 : i32
      %lt3A_699 = vector.broadcast %lt3A_698 : i32 to vector<1x128xi32>
      %lt3A_700 = arith.cmpi slt, %iota3A, %lt3A_699 : vector<1x128xi32>
      %and3A_701 = arith.andi %ge3A_697, %lt3A_700 : vector<1x128xi1>
      %jit3A_702 = arith.constant 0 : i32
      %convert_element_type3A_703 = arith.sitofp %jit3A_702 : i32 to bf16
      %broadcast_in_dim3A_704 = vector.shape_cast %and3A_701 : vector<1x128xi1> to vector<1x128xi1>
      %broadcast_in_dim3A_705 = vector.broadcast %broadcast_in_dim3A_704 : vector<1x128xi1> to vector<256x128xi1>
      %broadcast_in_dim3A_706 = vector.broadcast %convert_element_type3A_703 : bf16 to vector<256x128xbf16>
      %select_n3A_707 = arith.select %broadcast_in_dim3A_705, %slice3A_654, %broadcast_in_dim3A_706 : vector<256x128xi1>, vector<256x128xbf16>
      %concatenate3A_708 = tpu.concatenate %select_n3A_668, %select_n3A_681, %select_n3A_694, %select_n3A_707 in 0 : vector<256x128xbf16>, vector<256x128xbf16>, vector<256x128xbf16>, vector<256x128xbf16> -> vector<1024x128xbf16>
      %dot_general3A_709 = arith.constant dense<0.000000e+00> : vector<256x1024xf32>
      %dot_general3A_710 = tpu.matmul %slice3A_653, %concatenate3A_708, %dot_general3A_709 {dimension_numbers = #tpu.dot_dimension_numbers<[1], [1], [0], [0], [0, 0, 1, 0], [], []>, transpose_lhs_hint = false} : vector<256x128xbf16>, vector<1024x128xbf16>, vector<256x1024xf32> -> vector<256x1024xf32>
      %exp3A_711 = math.exp %dot_general3A_710 : vector<256x1024xf32>
      %slice3A_712 = vector.extract_strided_slice %exp3A_711 {offsets = [0, 0], sizes = [256, 256], strides = [1, 1]} : vector<256x1024xf32> to vector<256x256xf32>
      %slice3A_713 = vector.extract_strided_slice %exp3A_711 {offsets = [0, 0], sizes = [256, 256], strides = [1, 1]} : vector<256x1024xf32> to vector<256x256xf32>
      %reduce_sum3A_714 = arith.constant dense<0.000000e+00> : vector<256xf32>
      %reduce_sum3A_715 = vector.multi_reduction <add>, %slice3A_713, %reduce_sum3A_714 [1] : vector<256x256xf32> to vector<256xf32>
      %broadcast_in_dim3A_716 = vector.shape_cast %reduce_sum3A_715 : vector<256xf32> to vector<256x1xf32>
      %div3A_717 = vector.broadcast %broadcast_in_dim3A_716 : vector<256x1xf32> to vector<256x256xf32>
      %div3A_718 = arith.divf %slice3A_712, %div3A_717 : vector<256x256xf32>
      %slice3A_719 = vector.extract_strided_slice %exp3A_711 {offsets = [0, 256], sizes = [256, 256], strides = [1, 1]} : vector<256x1024xf32> to vector<256x256xf32>
      %slice3A_720 = vector.extract_strided_slice %exp3A_711 {offsets = [0, 256], sizes = [256, 256], strides = [1, 1]} : vector<256x1024xf32> to vector<256x256xf32>
      %reduce_sum3A_721 = arith.constant dense<0.000000e+00> : vector<256xf32>
      %reduce_sum3A_722 = vector.multi_reduction <add>, %slice3A_720, %reduce_sum3A_721 [1] : vector<256x256xf32> to vector<256xf32>
      %broadcast_in_dim3A_723 = vector.shape_cast %reduce_sum3A_722 : vector<256xf32> to vector<256x1xf32>
      %div3A_724 = vector.broadcast %broadcast_in_dim3A_723 : vector<256x1xf32> to vector<256x256xf32>
      %div3A_725 = arith.divf %slice3A_719, %div3A_724 : vector<256x256xf32>
      %slice3A_726 = vector.extract_strided_slice %exp3A_711 {offsets = [0, 512], sizes = [256, 256], strides = [1, 1]} : vector<256x1024xf32> to vector<256x256xf32>
      %slice3A_727 = vector.extract_strided_slice %exp3A_711 {offsets = [0, 512], sizes = [256, 256], strides = [1, 1]} : vector<256x1024xf32> to vector<256x256xf32>
      %reduce_sum3A_728 = arith.constant dense<0.000000e+00> : vector<256xf32>
      %reduce_sum3A_729 = vector.multi_reduction <add>, %slice3A_727, %reduce_sum3A_728 [1] : vector<256x256xf32> to vector<256xf32>
      %broadcast_in_dim3A_730 = vector.shape_cast %reduce_sum3A_729 : vector<256xf32> to vector<256x1xf32>
      %div3A_731 = vector.broadcast %broadcast_in_dim3A_730 : vector<256x1xf32> to vector<256x256xf32>
      %div3A_732 = arith.divf %slice3A_726, %div3A_731 : vector<256x256xf32>
      %slice3A_733 = vector.extract_strided_slice %exp3A_711 {offsets = [0, 768], sizes = [256, 256], strides = [1, 1]} : vector<256x1024xf32> to vector<256x256xf32>
      %slice3A_734 = vector.extract_strided_slice %exp3A_711 {offsets = [0, 768], sizes = [256, 256], strides = [1, 1]} : vector<256x1024xf32> to vector<256x256xf32>
      %reduce_sum3A_735 = arith.constant dense<0.000000e+00> : vector<256xf32>
      %reduce_sum3A_736 = vector.multi_reduction <add>, %slice3A_734, %reduce_sum3A_735 [1] : vector<256x256xf32> to vector<256xf32>
      %broadcast_in_dim3A_737 = vector.shape_cast %reduce_sum3A_736 : vector<256xf32> to vector<256x1xf32>
      %div3A_738 = vector.broadcast %broadcast_in_dim3A_737 : vector<256x1xf32> to vector<256x256xf32>
      %div3A_739 = arith.divf %slice3A_733, %div3A_738 : vector<256x256xf32>
      %concatenate3A_740 = tpu.concatenate %div3A_718, %div3A_725, %div3A_732, %div3A_739 in 1 : vector<256x256xf32>, vector<256x256xf32>, vector<256x256xf32>, vector<256x256xf32> -> vector<256x1024xf32>
      %convert_element_type3A_741 = arith.truncf %concatenate3A_740 : vector<256x1024xf32> to vector<256x1024xbf16>
      %ge3A_742 = arith.constant 0 : i32
      %ge3A_743 = vector.broadcast %ge3A_742 : i32 to vector<1x128xi32>
      %ge3A_744 = arith.cmpi sge, %iota3A, %ge3A_743 : vector<1x128xi32>
      %lt3A_745 = arith.constant 32 : i32
      %lt3A_746 = vector.broadcast %lt3A_745 : i32 to vector<1x128xi32>
      %lt3A_747 = arith.cmpi slt, %iota3A, %lt3A_746 : vector<1x128xi32>
      %and3A_748 = arith.andi %ge3A_744, %lt3A_747 : vector<1x128xi1>
      %jit3A_749 = arith.constant 0 : i32
      %convert_element_type3A_750 = arith.sitofp %jit3A_749 : i32 to bf16
      %broadcast_in_dim3A_751 = vector.shape_cast %and3A_748 : vector<1x128xi1> to vector<1x128xi1>
      %broadcast_in_dim3A_752 = vector.broadcast %broadcast_in_dim3A_751 : vector<1x128xi1> to vector<256x128xi1>
      %broadcast_in_dim3A_753 = vector.broadcast %convert_element_type3A_750 : bf16 to vector<256x128xbf16>
      %select_n3A_754 = arith.select %broadcast_in_dim3A_752, %slice3A_655, %broadcast_in_dim3A_753 : vector<256x128xi1>, vector<256x128xbf16>
      %ge3A_755 = arith.constant 32 : i32
      %ge3A_756 = vector.broadcast %ge3A_755 : i32 to vector<1x128xi32>
      %ge3A_757 = arith.cmpi sge, %iota3A, %ge3A_756 : vector<1x128xi32>
      %lt3A_758 = arith.constant 64 : i32
      %lt3A_759 = vector.broadcast %lt3A_758 : i32 to vector<1x128xi32>
      %lt3A_760 = arith.cmpi slt, %iota3A, %lt3A_759 : vector<1x128xi32>
      %and3A_761 = arith.andi %ge3A_757, %lt3A_760 : vector<1x128xi1>
      %jit3A_762 = arith.constant 0 : i32
      %convert_element_type3A_763 = arith.sitofp %jit3A_762 : i32 to bf16
      %broadcast_in_dim3A_764 = vector.shape_cast %and3A_761 : vector<1x128xi1> to vector<1x128xi1>
      %broadcast_in_dim3A_765 = vector.broadcast %broadcast_in_dim3A_764 : vector<1x128xi1> to vector<256x128xi1>
      %broadcast_in_dim3A_766 = vector.broadcast %convert_element_type3A_763 : bf16 to vector<256x128xbf16>
      %select_n3A_767 = arith.select %broadcast_in_dim3A_765, %slice3A_655, %broadcast_in_dim3A_766 : vector<256x128xi1>, vector<256x128xbf16>
      %ge3A_768 = arith.constant 64 : i32
      %ge3A_769 = vector.broadcast %ge3A_768 : i32 to vector<1x128xi32>
      %ge3A_770 = arith.cmpi sge, %iota3A, %ge3A_769 : vector<1x128xi32>
      %lt3A_771 = arith.constant 96 : i32
      %lt3A_772 = vector.broadcast %lt3A_771 : i32 to vector<1x128xi32>
      %lt3A_773 = arith.cmpi slt, %iota3A, %lt3A_772 : vector<1x128xi32>
      %and3A_774 = arith.andi %ge3A_770, %lt3A_773 : vector<1x128xi1>
      %jit3A_775 = arith.constant 0 : i32
      %convert_element_type3A_776 = arith.sitofp %jit3A_775 : i32 to bf16
      %broadcast_in_dim3A_777 = vector.shape_cast %and3A_774 : vector<1x128xi1> to vector<1x128xi1>
      %broadcast_in_dim3A_778 = vector.broadcast %broadcast_in_dim3A_777 : vector<1x128xi1> to vector<256x128xi1>
      %broadcast_in_dim3A_779 = vector.broadcast %convert_element_type3A_776 : bf16 to vector<256x128xbf16>
      %select_n3A_780 = arith.select %broadcast_in_dim3A_778, %slice3A_655, %broadcast_in_dim3A_779 : vector<256x128xi1>, vector<256x128xbf16>
      %ge3A_781 = arith.constant 96 : i32
      %ge3A_782 = vector.broadcast %ge3A_781 : i32 to vector<1x128xi32>
      %ge3A_783 = arith.cmpi sge, %iota3A, %ge3A_782 : vector<1x128xi32>
      %lt3A_784 = arith.constant 128 : i32
      %lt3A_785 = vector.broadcast %lt3A_784 : i32 to vector<1x128xi32>
      %lt3A_786 = arith.cmpi slt, %iota3A, %lt3A_785 : vector<1x128xi32>
      %and3A_787 = arith.andi %ge3A_783, %lt3A_786 : vector<1x128xi1>
      %jit3A_788 = arith.constant 0 : i32
      %convert_element_type3A_789 = arith.sitofp %jit3A_788 : i32 to bf16
      %broadcast_in_dim3A_790 = vector.shape_cast %and3A_787 : vector<1x128xi1> to vector<1x128xi1>
      %broadcast_in_dim3A_791 = vector.broadcast %broadcast_in_dim3A_790 : vector<1x128xi1> to vector<256x128xi1>
      %broadcast_in_dim3A_792 = vector.broadcast %convert_element_type3A_789 : bf16 to vector<256x128xbf16>
      %select_n3A_793 = arith.select %broadcast_in_dim3A_791, %slice3A_655, %broadcast_in_dim3A_792 : vector<256x128xi1>, vector<256x128xbf16>
      %concatenate3A_794 = tpu.concatenate %select_n3A_754, %select_n3A_767, %select_n3A_780, %select_n3A_793 in 0 : vector<256x128xbf16>, vector<256x128xbf16>, vector<256x128xbf16>, vector<256x128xbf16> -> vector<1024x128xbf16>
      %dot_general3A_795 = arith.constant dense<0.000000e+00> : vector<256x128xf32>
      %dot_general3A_796 = tpu.matmul %convert_element_type3A_741, %concatenate3A_794, %dot_general3A_795 {dimension_numbers = #tpu.dot_dimension_numbers<[1], [0], [0], [1], [0, 0, 1, 1], [], []>, transpose_lhs_hint = false} : vector<256x1024xbf16>, vector<1024x128xbf16>, vector<256x128xf32> -> vector<256x128xf32>
      %slice3A_797 = vector.extract_strided_slice %convert_element_type3A_508 {offsets = [0, 256], sizes = [256, 128], strides = [1, 1]} : vector<256x1152xbf16> to vector<256x128xbf16>
      %slice3A_798 = vector.extract_strided_slice %convert_element_type3A_508 {offsets = [0, 640], sizes = [256, 128], strides = [1, 1]} : vector<256x1152xbf16> to vector<256x128xbf16>
      %slice3A_799 = vector.extract_strided_slice %convert_element_type3A_508 {offsets = [0, 1024], sizes = [256, 128], strides = [1, 1]} : vector<256x1152xbf16> to vector<256x128xbf16>
      %ge3A_800 = arith.constant 0 : i32
      %ge3A_801 = vector.broadcast %ge3A_800 : i32 to vector<1x128xi32>
      %ge3A_802 = arith.cmpi sge, %iota3A, %ge3A_801 : vector<1x128xi32>
      %lt3A_803 = arith.constant 32 : i32
      %lt3A_804 = vector.broadcast %lt3A_803 : i32 to vector<1x128xi32>
      %lt3A_805 = arith.cmpi slt, %iota3A, %lt3A_804 : vector<1x128xi32>
      %and3A_806 = arith.andi %ge3A_802, %lt3A_805 : vector<1x128xi1>
      %jit3A_807 = arith.constant 0 : i32
      %convert_element_type3A_808 = arith.sitofp %jit3A_807 : i32 to bf16
      %broadcast_in_dim3A_809 = vector.shape_cast %and3A_806 : vector<1x128xi1> to vector<1x128xi1>
      %broadcast_in_dim3A_810 = vector.broadcast %broadcast_in_dim3A_809 : vector<1x128xi1> to vector<256x128xi1>
      %broadcast_in_dim3A_811 = vector.broadcast %convert_element_type3A_808 : bf16 to vector<256x128xbf16>
      %select_n3A_812 = arith.select %broadcast_in_dim3A_810, %slice3A_798, %broadcast_in_dim3A_811 : vector<256x128xi1>, vector<256x128xbf16>
      %ge3A_813 = arith.constant 32 : i32
      %ge3A_814 = vector.broadcast %ge3A_813 : i32 to vector<1x128xi32>
      %ge3A_815 = arith.cmpi sge, %iota3A, %ge3A_814 : vector<1x128xi32>
      %lt3A_816 = arith.constant 64 : i32
      %lt3A_817 = vector.broadcast %lt3A_816 : i32 to vector<1x128xi32>
      %lt3A_818 = arith.cmpi slt, %iota3A, %lt3A_817 : vector<1x128xi32>
      %and3A_819 = arith.andi %ge3A_815, %lt3A_818 : vector<1x128xi1>
      %jit3A_820 = arith.constant 0 : i32
      %convert_element_type3A_821 = arith.sitofp %jit3A_820 : i32 to bf16
      %broadcast_in_dim3A_822 = vector.shape_cast %and3A_819 : vector<1x128xi1> to vector<1x128xi1>
      %broadcast_in_dim3A_823 = vector.broadcast %broadcast_in_dim3A_822 : vector<1x128xi1> to vector<256x128xi1>
      %broadcast_in_dim3A_824 = vector.broadcast %convert_element_type3A_821 : bf16 to vector<256x128xbf16>
      %select_n3A_825 = arith.select %broadcast_in_dim3A_823, %slice3A_798, %broadcast_in_dim3A_824 : vector<256x128xi1>, vector<256x128xbf16>
      %ge3A_826 = arith.constant 64 : i32
      %ge3A_827 = vector.broadcast %ge3A_826 : i32 to vector<1x128xi32>
      %ge3A_828 = arith.cmpi sge, %iota3A, %ge3A_827 : vector<1x128xi32>
      %lt3A_829 = arith.constant 96 : i32
      %lt3A_830 = vector.broadcast %lt3A_829 : i32 to vector<1x128xi32>
      %lt3A_831 = arith.cmpi slt, %iota3A, %lt3A_830 : vector<1x128xi32>
      %and3A_832 = arith.andi %ge3A_828, %lt3A_831 : vector<1x128xi1>
      %jit3A_833 = arith.constant 0 : i32
      %convert_element_type3A_834 = arith.sitofp %jit3A_833 : i32 to bf16
      %broadcast_in_dim3A_835 = vector.shape_cast %and3A_832 : vector<1x128xi1> to vector<1x128xi1>
      %broadcast_in_dim3A_836 = vector.broadcast %broadcast_in_dim3A_835 : vector<1x128xi1> to vector<256x128xi1>
      %broadcast_in_dim3A_837 = vector.broadcast %convert_element_type3A_834 : bf16 to vector<256x128xbf16>
      %select_n3A_838 = arith.select %broadcast_in_dim3A_836, %slice3A_798, %broadcast_in_dim3A_837 : vector<256x128xi1>, vector<256x128xbf16>
      %ge3A_839 = arith.constant 96 : i32
      %ge3A_840 = vector.broadcast %ge3A_839 : i32 to vector<1x128xi32>
      %ge3A_841 = arith.cmpi sge, %iota3A, %ge3A_840 : vector<1x128xi32>
      %lt3A_842 = arith.constant 128 : i32
      %lt3A_843 = vector.broadcast %lt3A_842 : i32 to vector<1x128xi32>
      %lt3A_844 = arith.cmpi slt, %iota3A, %lt3A_843 : vector<1x128xi32>
      %and3A_845 = arith.andi %ge3A_841, %lt3A_844 : vector<1x128xi1>
      %jit3A_846 = arith.constant 0 : i32
      %convert_element_type3A_847 = arith.sitofp %jit3A_846 : i32 to bf16
      %broadcast_in_dim3A_848 = vector.shape_cast %and3A_845 : vector<1x128xi1> to vector<1x128xi1>
      %broadcast_in_dim3A_849 = vector.broadcast %broadcast_in_dim3A_848 : vector<1x128xi1> to vector<256x128xi1>
      %broadcast_in_dim3A_850 = vector.broadcast %convert_element_type3A_847 : bf16 to vector<256x128xbf16>
      %select_n3A_851 = arith.select %broadcast_in_dim3A_849, %slice3A_798, %broadcast_in_dim3A_850 : vector<256x128xi1>, vector<256x128xbf16>
      %concatenate3A_852 = tpu.concatenate %select_n3A_812, %select_n3A_825, %select_n3A_838, %select_n3A_851 in 0 : vector<256x128xbf16>, vector<256x128xbf16>, vector<256x128xbf16>, vector<256x128xbf16> -> vector<1024x128xbf16>
      %dot_general3A_853 = arith.constant dense<0.000000e+00> : vector<256x1024xf32>
      %dot_general3A_854 = tpu.matmul %slice3A_797, %concatenate3A_852, %dot_general3A_853 {dimension_numbers = #tpu.dot_dimension_numbers<[1], [1], [0], [0], [0, 0, 1, 0], [], []>, transpose_lhs_hint = false} : vector<256x128xbf16>, vector<1024x128xbf16>, vector<256x1024xf32> -> vector<256x1024xf32>
      %exp3A_855 = math.exp %dot_general3A_854 : vector<256x1024xf32>
      %slice3A_856 = vector.extract_strided_slice %exp3A_855 {offsets = [0, 0], sizes = [256, 256], strides = [1, 1]} : vector<256x1024xf32> to vector<256x256xf32>
      %slice3A_857 = vector.extract_strided_slice %exp3A_855 {offsets = [0, 0], sizes = [256, 256], strides = [1, 1]} : vector<256x1024xf32> to vector<256x256xf32>
      %reduce_sum3A_858 = arith.constant dense<0.000000e+00> : vector<256xf32>
      %reduce_sum3A_859 = vector.multi_reduction <add>, %slice3A_857, %reduce_sum3A_858 [1] : vector<256x256xf32> to vector<256xf32>
      %broadcast_in_dim3A_860 = vector.shape_cast %reduce_sum3A_859 : vector<256xf32> to vector<256x1xf32>
      %div3A_861 = vector.broadcast %broadcast_in_dim3A_860 : vector<256x1xf32> to vector<256x256xf32>
      %div3A_862 = arith.divf %slice3A_856, %div3A_861 : vector<256x256xf32>
      %slice3A_863 = vector.extract_strided_slice %exp3A_855 {offsets = [0, 256], sizes = [256, 256], strides = [1, 1]} : vector<256x1024xf32> to vector<256x256xf32>
      %slice3A_864 = vector.extract_strided_slice %exp3A_855 {offsets = [0, 256], sizes = [256, 256], strides = [1, 1]} : vector<256x1024xf32> to vector<256x256xf32>
      %reduce_sum3A_865 = arith.constant dense<0.000000e+00> : vector<256xf32>
      %reduce_sum3A_866 = vector.multi_reduction <add>, %slice3A_864, %reduce_sum3A_865 [1] : vector<256x256xf32> to vector<256xf32>
      %broadcast_in_dim3A_867 = vector.shape_cast %reduce_sum3A_866 : vector<256xf32> to vector<256x1xf32>
      %div3A_868 = vector.broadcast %broadcast_in_dim3A_867 : vector<256x1xf32> to vector<256x256xf32>
      %div3A_869 = arith.divf %slice3A_863, %div3A_868 : vector<256x256xf32>
      %slice3A_870 = vector.extract_strided_slice %exp3A_855 {offsets = [0, 512], sizes = [256, 256], strides = [1, 1]} : vector<256x1024xf32> to vector<256x256xf32>
      %slice3A_871 = vector.extract_strided_slice %exp3A_855 {offsets = [0, 512], sizes = [256, 256], strides = [1, 1]} : vector<256x1024xf32> to vector<256x256xf32>
      %reduce_sum3A_872 = arith.constant dense<0.000000e+00> : vector<256xf32>
      %reduce_sum3A_873 = vector.multi_reduction <add>, %slice3A_871, %reduce_sum3A_872 [1] : vector<256x256xf32> to vector<256xf32>
      %broadcast_in_dim3A_874 = vector.shape_cast %reduce_sum3A_873 : vector<256xf32> to vector<256x1xf32>
      %div3A_875 = vector.broadcast %broadcast_in_dim3A_874 : vector<256x1xf32> to vector<256x256xf32>
      %div3A_876 = arith.divf %slice3A_870, %div3A_875 : vector<256x256xf32>
      %slice3A_877 = vector.extract_strided_slice %exp3A_855 {offsets = [0, 768], sizes = [256, 256], strides = [1, 1]} : vector<256x1024xf32> to vector<256x256xf32>
      %slice3A_878 = vector.extract_strided_slice %exp3A_855 {offsets = [0, 768], sizes = [256, 256], strides = [1, 1]} : vector<256x1024xf32> to vector<256x256xf32>
      %reduce_sum3A_879 = arith.constant dense<0.000000e+00> : vector<256xf32>
      %reduce_sum3A_880 = vector.multi_reduction <add>, %slice3A_878, %reduce_sum3A_879 [1] : vector<256x256xf32> to vector<256xf32>
      %broadcast_in_dim3A_881 = vector.shape_cast %reduce_sum3A_880 : vector<256xf32> to vector<256x1xf32>
      %div3A_882 = vector.broadcast %broadcast_in_dim3A_881 : vector<256x1xf32> to vector<256x256xf32>
      %div3A_883 = arith.divf %slice3A_877, %div3A_882 : vector<256x256xf32>
      %concatenate3A_884 = tpu.concatenate %div3A_862, %div3A_869, %div3A_876, %div3A_883 in 1 : vector<256x256xf32>, vector<256x256xf32>, vector<256x256xf32>, vector<256x256xf32> -> vector<256x1024xf32>
      %convert_element_type3A_885 = arith.truncf %concatenate3A_884 : vector<256x1024xf32> to vector<256x1024xbf16>
      %ge3A_886 = arith.constant 0 : i32
      %ge3A_887 = vector.broadcast %ge3A_886 : i32 to vector<1x128xi32>
      %ge3A_888 = arith.cmpi sge, %iota3A, %ge3A_887 : vector<1x128xi32>
      %lt3A_889 = arith.constant 32 : i32
      %lt3A_890 = vector.broadcast %lt3A_889 : i32 to vector<1x128xi32>
      %lt3A_891 = arith.cmpi slt, %iota3A, %lt3A_890 : vector<1x128xi32>
      %and3A_892 = arith.andi %ge3A_888, %lt3A_891 : vector<1x128xi1>
      %jit3A_893 = arith.constant 0 : i32
      %convert_element_type3A_894 = arith.sitofp %jit3A_893 : i32 to bf16
      %broadcast_in_dim3A_895 = vector.shape_cast %and3A_892 : vector<1x128xi1> to vector<1x128xi1>
      %broadcast_in_dim3A_896 = vector.broadcast %broadcast_in_dim3A_895 : vector<1x128xi1> to vector<256x128xi1>
      %broadcast_in_dim3A_897 = vector.broadcast %convert_element_type3A_894 : bf16 to vector<256x128xbf16>
      %select_n3A_898 = arith.select %broadcast_in_dim3A_896, %slice3A_799, %broadcast_in_dim3A_897 : vector<256x128xi1>, vector<256x128xbf16>
      %ge3A_899 = arith.constant 32 : i32
      %ge3A_900 = vector.broadcast %ge3A_899 : i32 to vector<1x128xi32>
      %ge3A_901 = arith.cmpi sge, %iota3A, %ge3A_900 : vector<1x128xi32>
      %lt3A_902 = arith.constant 64 : i32
      %lt3A_903 = vector.broadcast %lt3A_902 : i32 to vector<1x128xi32>
      %lt3A_904 = arith.cmpi slt, %iota3A, %lt3A_903 : vector<1x128xi32>
      %and3A_905 = arith.andi %ge3A_901, %lt3A_904 : vector<1x128xi1>
      %jit3A_906 = arith.constant 0 : i32
      %convert_element_type3A_907 = arith.sitofp %jit3A_906 : i32 to bf16
      %broadcast_in_dim3A_908 = vector.shape_cast %and3A_905 : vector<1x128xi1> to vector<1x128xi1>
      %broadcast_in_dim3A_909 = vector.broadcast %broadcast_in_dim3A_908 : vector<1x128xi1> to vector<256x128xi1>
      %broadcast_in_dim3A_910 = vector.broadcast %convert_element_type3A_907 : bf16 to vector<256x128xbf16>
      %select_n3A_911 = arith.select %broadcast_in_dim3A_909, %slice3A_799, %broadcast_in_dim3A_910 : vector<256x128xi1>, vector<256x128xbf16>
      %ge3A_912 = arith.constant 64 : i32
      %ge3A_913 = vector.broadcast %ge3A_912 : i32 to vector<1x128xi32>
      %ge3A_914 = arith.cmpi sge, %iota3A, %ge3A_913 : vector<1x128xi32>
      %lt3A_915 = arith.constant 96 : i32
      %lt3A_916 = vector.broadcast %lt3A_915 : i32 to vector<1x128xi32>
      %lt3A_917 = arith.cmpi slt, %iota3A, %lt3A_916 : vector<1x128xi32>
      %and3A_918 = arith.andi %ge3A_914, %lt3A_917 : vector<1x128xi1>
      %jit3A_919 = arith.constant 0 : i32
      %convert_element_type3A_920 = arith.sitofp %jit3A_919 : i32 to bf16
      %broadcast_in_dim3A_921 = vector.shape_cast %and3A_918 : vector<1x128xi1> to vector<1x128xi1>
      %broadcast_in_dim3A_922 = vector.broadcast %broadcast_in_dim3A_921 : vector<1x128xi1> to vector<256x128xi1>
      %broadcast_in_dim3A_923 = vector.broadcast %convert_element_type3A_920 : bf16 to vector<256x128xbf16>
      %select_n3A_924 = arith.select %broadcast_in_dim3A_922, %slice3A_799, %broadcast_in_dim3A_923 : vector<256x128xi1>, vector<256x128xbf16>
      %ge3A_925 = arith.constant 96 : i32
      %ge3A_926 = vector.broadcast %ge3A_925 : i32 to vector<1x128xi32>
      %ge3A_927 = arith.cmpi sge, %iota3A, %ge3A_926 : vector<1x128xi32>
      %lt3A_928 = arith.constant 128 : i32
      %lt3A_929 = vector.broadcast %lt3A_928 : i32 to vector<1x128xi32>
      %lt3A_930 = arith.cmpi slt, %iota3A, %lt3A_929 : vector<1x128xi32>
      %and3A_931 = arith.andi %ge3A_927, %lt3A_930 : vector<1x128xi1>
      %jit3A_932 = arith.constant 0 : i32
      %convert_element_type3A_933 = arith.sitofp %jit3A_932 : i32 to bf16
      %broadcast_in_dim3A_934 = vector.shape_cast %and3A_931 : vector<1x128xi1> to vector<1x128xi1>
      %broadcast_in_dim3A_935 = vector.broadcast %broadcast_in_dim3A_934 : vector<1x128xi1> to vector<256x128xi1>
      %broadcast_in_dim3A_936 = vector.broadcast %convert_element_type3A_933 : bf16 to vector<256x128xbf16>
      %select_n3A_937 = arith.select %broadcast_in_dim3A_935, %slice3A_799, %broadcast_in_dim3A_936 : vector<256x128xi1>, vector<256x128xbf16>
      %concatenate3A_938 = tpu.concatenate %select_n3A_898, %select_n3A_911, %select_n3A_924, %select_n3A_937 in 0 : vector<256x128xbf16>, vector<256x128xbf16>, vector<256x128xbf16>, vector<256x128xbf16> -> vector<1024x128xbf16>
      %dot_general3A_939 = arith.constant dense<0.000000e+00> : vector<256x128xf32>
      %dot_general3A_940 = tpu.matmul %convert_element_type3A_885, %concatenate3A_938, %dot_general3A_939 {dimension_numbers = #tpu.dot_dimension_numbers<[1], [0], [0], [1], [0, 0, 1, 1], [], []>, transpose_lhs_hint = false} : vector<256x1024xbf16>, vector<1024x128xbf16>, vector<256x128xf32> -> vector<256x128xf32>
      %concatenate3A_941 = tpu.concatenate %dot_general3A_652, %dot_general3A_796, %dot_general3A_940 in 1 : vector<256x128xf32>, vector<256x128xf32>, vector<256x128xf32> -> vector<256x384xf32>
      %convert_element_type3A_942 = arith.truncf %concatenate3A_941 : vector<256x384xf32> to vector<256x384xbf16>
      %get3A_943 = arith.constant 0 : index
      %get3A_944 = arith.constant 0 : index
      %get3A_945 = vector.load %arg13[%get3A_943, %get3A_944] : memref<384x384xbf16, #tpu.memory_space<vmem>>, vector<384x384xbf16>
      %dot_general3A_946 = arith.constant dense<0.000000e+00> : vector<256x384xf32>
      %dot_general3A_947 = tpu.matmul %convert_element_type3A_942, %get3A_945, %dot_general3A_946 {dimension_numbers = #tpu.dot_dimension_numbers<[1], [1], [0], [0], [0, 0, 1, 0], [], []>, transpose_lhs_hint = false} : vector<256x384xbf16>, vector<384x384xbf16>, vector<256x384xf32> -> vector<256x384xf32>
      %add3A_948 = arith.addf %slice3A_497, %dot_general3A_947 : vector<256x384xf32>
      %mul3A_949 = arith.constant 2 : i32
      %mul3A_950 = arith.muli %mul3A_949, %arg0 : i32
      %add3A_951 = arith.constant 1 : i32
      %add3A_952 = arith.addi %mul3A_950, %add3A_951 : i32
      %mul3A_953 = arith.constant 256 : i32
      %mul3A_954 = arith.muli %add3A_952, %mul3A_953 : i32
      %swap3A_955 = arith.index_cast %mul3A_954 : i32 to index
      %swap3A_956 = arith.constant 0 : index
      %swap3A_957 = vector.load %arg10[%swap3A_955, %swap3A_956] : memref<4096x384xf32, #tpu.memory_space<vmem>>, vector<256x384xf32>
      tpu.vector_store %arg10[%swap3A_955, %swap3A_956], %add3A_948 {strides = array<i32>} : memref<4096x384xf32, #tpu.memory_space<vmem>>, vector<256x384xf32>,
      %reduce_sum3A_958 = arith.constant dense<0.000000e+00> : vector<384xf32>
      %reduce_sum3A_959 = vector.multi_reduction <add>, %add3A_948, %reduce_sum3A_958 [0] : vector<256x384xf32> to vector<384xf32>
      %broadcast_in_dim3A_960 = vector.shape_cast %reduce_sum3A_959 : vector<384xf32> to vector<1x384xf32>
      %mul3A_961 = arith.mulf %add3A_948, %add3A_948 : vector<256x384xf32>
      %reduce_sum3A_962 = arith.constant dense<0.000000e+00> : vector<384xf32>
      %reduce_sum3A_963 = vector.multi_reduction <add>, %mul3A_961, %reduce_sum3A_962 [0] : vector<256x384xf32> to vector<384xf32>
      %broadcast_in_dim3A_964 = vector.shape_cast %reduce_sum3A_963 : vector<384xf32> to vector<1x384xf32>
      %broadcast_in_dim3A_965 = arith.constant 0.000000e+00 : f32
      %broadcast_in_dim3A_966 = vector.broadcast %broadcast_in_dim3A_965 : f32 to vector<6x384xf32>
      %concatenate3A_967 = tpu.concatenate %broadcast_in_dim3A_960, %broadcast_in_dim3A_964, %broadcast_in_dim3A_966 in 0 : vector<1x384xf32>, vector<1x384xf32>, vector<6x384xf32> -> vector<8x384xf32>
      %add3A_968 = arith.addf %add3A_496, %concatenate3A_967 : vector<8x384xf32>
      %eq3A_969 = arith.constant 0 : i32
      %eq3A_970 = arith.cmpi eq, %arg0, %eq3A_969 : i32
      %convert_element_type3A_971 = arith.extui %eq3A_970 : i1 to i32
      %cond3A_972 = arith.constant 0 : i32
      %cond3A_973 = arith.cmpi ne, %convert_element_type3A_971, %cond3A_972 : i32
      scf.if %cond3A_973 {
        %swap3A_978 = arith.constant 0 : index
        %swap3A_979 = arith.constant 0 : index
        %swap3A_980 = vector.load %arg11[%swap3A_978, %swap3A_979] : memref<8x384xf32, #tpu.memory_space<vmem>>, vector<8x384xf32>
        tpu.vector_store %arg11[%swap3A_978, %swap3A_979], %add3A_968 {strides = array<i32>} : memref<8x384xf32, #tpu.memory_space<vmem>>, vector<8x384xf32>,
      } else {
      }
      %gt3A = arith.constant 0 : i32
      %gt3A_974 = arith.cmpi sgt, %arg0, %gt3A : i32
      %convert_element_type3A_975 = arith.extui %gt3A_974 : i1 to i32
      %cond3A_976 = arith.constant 0 : i32
      %cond3A_977 = arith.cmpi ne, %convert_element_type3A_975, %cond3A_976 : i32
      scf.if %cond3A_977 {
        %get3A_978 = arith.constant 0 : index
        %get3A_979 = arith.constant 0 : index
        %get3A_980 = vector.load %arg11[%get3A_978, %get3A_979] : memref<8x384xf32, #tpu.memory_space<vmem>>, vector<8x384xf32>
        %add3A_981 = arith.addf %get3A_980, %add3A_968 : vector<8x384xf32>
        %swap3A_982 = arith.constant 0 : index
        %swap3A_983 = arith.constant 0 : index
        %swap3A_984 = vector.load %arg11[%swap3A_982, %swap3A_983] : memref<8x384xf32, #tpu.memory_space<vmem>>, vector<8x384xf32>
        tpu.vector_store %arg11[%swap3A_982, %swap3A_983], %add3A_981 {strides = array<i32>} : memref<8x384xf32, #tpu.memory_space<vmem>>, vector<8x384xf32>,
      } else {
      }
    } else {
    }
    %not3A = arith.constant true
    %not3A_6 = arith.xori %lt3A_0, %not3A : i1
    %convert_element_type3A_7 = arith.extui %not3A_6 : i1 to i32
    %cond3A_8 = arith.constant 0 : i32
    %cond3A_9 = arith.cmpi ne, %convert_element_type3A_7, %cond3A_8 : i32
    scf.if %cond3A_9 {
      %sub3A = arith.constant 8 : i32
      %sub3A_10 = arith.subi %arg0, %sub3A : i32
      %mul3A = arith.constant 512 : i32
      %mul3A_11 = arith.muli %sub3A_10, %mul3A : i32
      %get3A = arith.index_cast %mul3A_11 : i32 to index
      %get3A_12 = arith.constant 0 : index
      %get3A_13 = vector.load %arg10[%get3A, %get3A_12] : memref<4096x384xf32, #tpu.memory_space<vmem>>, vector<512x384xf32>
      %get3A_14 = arith.constant 0 : index
      %get3A_15 = arith.constant 0 : index
      %get3A_16 = vector.load %arg11[%get3A_14, %get3A_15] : memref<8x384xf32, #tpu.memory_space<vmem>>, vector<8x384xf32>
      %slice3A = vector.extract_strided_slice %get3A_16 {offsets = [0, 0], sizes = [1, 384], strides = [1, 1]} : vector<8x384xf32> to vector<1x384xf32>
      %mul3A_17 = arith.constant 2.44140625E-4 : f32
      %mul3A_18 = vector.broadcast %mul3A_17 : f32 to vector<1x384xf32>
      %mul3A_19 = arith.mulf %slice3A, %mul3A_18 : vector<1x384xf32>
      %slice3A_20 = vector.extract_strided_slice %get3A_16 {offsets = [1, 0], sizes = [1, 384], strides = [1, 1]} : vector<8x384xf32> to vector<1x384xf32>
      %mul3A_21 = arith.constant 2.44140625E-4 : f32
      %mul3A_22 = vector.broadcast %mul3A_21 : f32 to vector<1x384xf32>
      %mul3A_23 = arith.mulf %slice3A_20, %mul3A_22 : vector<1x384xf32>
      %mul3A_24 = arith.mulf %mul3A_19, %mul3A_19 : vector<1x384xf32>
      %sub3A_25 = arith.subf %mul3A_23, %mul3A_24 : vector<1x384xf32>
      %get3A_26 = arith.constant 2 : index
      %get3A_27 = arith.constant 0 : index
      %get3A_28 = vector.load %arg2[%get3A_26, %get3A_27] : memref<8x384xf32, #tpu.memory_space<vmem>>, vector<1x384xf32>
      %add3A = arith.constant 9.99999974E-6 : f32
      %add3A_29 = vector.broadcast %add3A : f32 to vector<1x384xf32>
      %add3A_30 = arith.addf %sub3A_25, %add3A_29 : vector<1x384xf32>
      %rsqrt3A = math.rsqrt %add3A_30 : vector<1x384xf32>
      %mul3A_31 = arith.mulf %get3A_28, %rsqrt3A : vector<1x384xf32>
      %get3A_32 = arith.constant 3 : index
      %get3A_33 = arith.constant 0 : index
      %get3A_34 = vector.load %arg2[%get3A_32, %get3A_33] : memref<8x384xf32, #tpu.memory_space<vmem>>, vector<1x384xf32>
      %mul3A_35 = arith.mulf %mul3A_19, %mul3A_31 : vector<1x384xf32>
      %sub3A_36 = arith.subf %get3A_34, %mul3A_35 : vector<1x384xf32>
      %mul3A_37 = vector.broadcast %mul3A_31 : vector<1x384xf32> to vector<512x384xf32>
      %mul3A_38 = arith.mulf %get3A_13, %mul3A_37 : vector<512x384xf32>
      %add3A_39 = vector.broadcast %sub3A_36 : vector<1x384xf32> to vector<512x384xf32>
      %add3A_40 = arith.addf %mul3A_38, %add3A_39 : vector<512x384xf32>
      %convert_element_type3A_41 = arith.truncf %add3A_40 : vector<512x384xf32> to vector<512x384xbf16>
      %get3A_42 = arith.constant 0 : index
      %get3A_43 = arith.constant 0 : index
      %get3A_44 = vector.load %arg14[%get3A_42, %get3A_43] : memref<1536x384xbf16, #tpu.memory_space<vmem>>, vector<1536x384xbf16>
      %dot_general3A = arith.constant dense<0.000000e+00> : vector<512x1536xf32>
      %dot_general3A_45 = tpu.matmul %convert_element_type3A_41, %get3A_44, %dot_general3A {dimension_numbers = #tpu.dot_dimension_numbers<[1], [1], [0], [0], [0, 0, 1, 0], [], []>, transpose_lhs_hint = false} : vector<512x384xbf16>, vector<1536x384xbf16>, vector<512x1536xf32> -> vector<512x1536xf32>
      %max3A = arith.constant 0.000000e+00 : f32
      %max3A_46 = vector.broadcast %max3A : f32 to vector<512x1536xf32>
      %max3A_47 = arith.maximumf %dot_general3A_45, %max3A_46 : vector<512x1536xf32>
      %convert_element_type3A_48 = arith.truncf %max3A_47 : vector<512x1536xf32> to vector<512x1536xbf16>
      %get3A_49 = arith.constant 0 : index
      %get3A_50 = arith.constant 0 : index
      %get3A_51 = vector.load %arg15[%get3A_49, %get3A_50] : memref<384x1536xbf16, #tpu.memory_space<vmem>>, vector<384x1536xbf16>
      %dot_general3A_52 = arith.constant dense<0.000000e+00> : vector<512x384xf32>
      %dot_general3A_53 = tpu.matmul %convert_element_type3A_48, %get3A_51, %dot_general3A_52 {dimension_numbers = #tpu.dot_dimension_numbers<[1], [1], [0], [0], [0, 0, 1, 0], [], []>, transpose_lhs_hint = false} : vector<512x1536xbf16>, vector<384x1536xbf16>, vector<512x384xf32> -> vector<512x384xf32>
      %add3A_54 = arith.addf %get3A_13, %dot_general3A_53 : vector<512x384xf32>
      %swap3A = arith.constant 0 : index
      %swap3A_55 = arith.constant 0 : index
      %swap3A_56 = vector.load %arg8[%swap3A, %swap3A_55] : memref<512x384xf32, #tpu.memory_space<vmem>>, vector<512x384xf32>
      tpu.vector_store %arg8[%swap3A, %swap3A_55], %add3A_54 {strides = array<i32>} : memref<512x384xf32, #tpu.memory_space<vmem>>, vector<512x384xf32>,
      %reduce_sum3A = arith.constant dense<0.000000e+00> : vector<384xf32>
      %reduce_sum3A_57 = vector.multi_reduction <add>, %add3A_54, %reduce_sum3A [0] : vector<512x384xf32> to vector<384xf32>
      %broadcast_in_dim3A = vector.shape_cast %reduce_sum3A_57 : vector<384xf32> to vector<1x384xf32>
      %mul3A_58 = arith.mulf %add3A_54, %add3A_54 : vector<512x384xf32>
      %reduce_sum3A_59 = arith.constant dense<0.000000e+00> : vector<384xf32>
      %reduce_sum3A_60 = vector.multi_reduction <add>, %mul3A_58, %reduce_sum3A_59 [0] : vector<512x384xf32> to vector<384xf32>
      %broadcast_in_dim3A_61 = vector.shape_cast %reduce_sum3A_60 : vector<384xf32> to vector<1x384xf32>
      %broadcast_in_dim3A_62 = arith.constant 0.000000e+00 : f32
      %broadcast_in_dim3A_63 = vector.broadcast %broadcast_in_dim3A_62 : f32 to vector<6x384xf32>
      %concatenate3A = tpu.concatenate %broadcast_in_dim3A, %broadcast_in_dim3A_61, %broadcast_in_dim3A_63 in 0 : vector<1x384xf32>, vector<1x384xf32>, vector<6x384xf32> -> vector<8x384xf32>
      %eq3A_64 = arith.constant 0 : i32
      %eq3A_65 = arith.cmpi eq, %sub3A_10, %eq3A_64 : i32
      %convert_element_type3A_66 = arith.extui %eq3A_65 : i1 to i32
      %cond3A_67 = arith.constant 0 : i32
      %cond3A_68 = arith.cmpi ne, %convert_element_type3A_66, %cond3A_67 : i32
      scf.if %cond3A_68 {
        %swap3A_73 = arith.constant 0 : index
        %swap3A_74 = arith.constant 0 : index
        %swap3A_75 = vector.load %arg9[%swap3A_73, %swap3A_74] : memref<8x384xf32, #tpu.memory_space<vmem>>, vector<8x384xf32>
        tpu.vector_store %arg9[%swap3A_73, %swap3A_74], %concatenate3A {strides = array<i32>} : memref<8x384xf32, #tpu.memory_space<vmem>>, vector<8x384xf32>,
      } else {
      }
      %gt3A = arith.constant 0 : i32
      %gt3A_69 = arith.cmpi sgt, %sub3A_10, %gt3A : i32
      %convert_element_type3A_70 = arith.extui %gt3A_69 : i1 to i32
      %cond3A_71 = arith.constant 0 : i32
      %cond3A_72 = arith.cmpi ne, %convert_element_type3A_70, %cond3A_71 : i32
      scf.if %cond3A_72 {
        %get3A_73 = arith.constant 0 : index
        %get3A_74 = arith.constant 0 : index
        %get3A_75 = vector.load %arg9[%get3A_73, %get3A_74] : memref<8x384xf32, #tpu.memory_space<vmem>>, vector<8x384xf32>
        %add3A_76 = arith.addf %get3A_75, %concatenate3A : vector<8x384xf32>
        %swap3A_77 = arith.constant 0 : index
        %swap3A_78 = arith.constant 0 : index
        %swap3A_79 = vector.load %arg9[%swap3A_77, %swap3A_78] : memref<8x384xf32, #tpu.memory_space<vmem>>, vector<8x384xf32>
        tpu.vector_store %arg9[%swap3A_77, %swap3A_78], %add3A_76 {strides = array<i32>} : memref<8x384xf32, #tpu.memory_space<vmem>>, vector<8x384xf32>,
      } else {
      }
    } else {
    }
    return
  }
  func.func @transform_0(%arg0: i32) -> (i32, i32) {
    %c0_i32 = arith.constant 0 : i32
    %c0_i32_0 = arith.constant 0 : i32
    %c0_i32_1 = arith.constant 0 : i32
    return %c0_i32, %c0_i32_0 : i32, i32
  }
  func.func @transform_1(%arg0: i32) -> (i32, i32) {
    %c0_i32 = arith.constant 0 : i32
    %c0_i32_0 = arith.constant 0 : i32
    %c0_i32_1 = arith.constant 0 : i32
    return %c0_i32, %c0_i32_0 : i32, i32
  }
  func.func @transform_2(%arg0: i32) -> (i32, i32) {
    %lt3A = arith.constant 8 : i32
    %lt3A_0 = arith.cmpi slt, %arg0, %lt3A : i32
    %jit3A = arith.constant 0 : i32
    %select_n3A = arith.select %lt3A_0, %arg0, %jit3A : i32
    %c0_i32 = arith.constant 0 : i32
    %c0_i32_1 = arith.constant 0 : i32
    return %select_n3A, %c0_i32 : i32, i32
  }
  func.func @transform_3(%arg0: i32) -> (i32, i32, i32) {
    %c0_i32 = arith.constant 0 : i32
    %c0_i32_0 = arith.constant 0 : i32
    %c0_i32_1 = arith.constant 0 : i32
    %c0_i32_2 = arith.constant 0 : i32
    return %c0_i32, %c0_i32_0, %c0_i32_1 : i32, i32, i32
  }
  func.func @transform_4(%arg0: i32) -> (i32, i32, i32) {
    %c0_i32 = arith.constant 0 : i32
    %c0_i32_0 = arith.constant 0 : i32
    %c0_i32_1 = arith.constant 0 : i32
    %c0_i32_2 = arith.constant 0 : i32
    return %c0_i32, %c0_i32_0, %c0_i32_1 : i32, i32, i32
  }
  func.func @transform_5(%arg0: i32) -> (i32, i32, i32) {
    %c0_i32 = arith.constant 0 : i32
    %c0_i32_0 = arith.constant 0 : i32
    %c0_i32_1 = arith.constant 0 : i32
    %c0_i32_2 = arith.constant 0 : i32
    return %c0_i32, %c0_i32_0, %c0_i32_1 : i32, i32, i32
  }
  func.func @transform_6(%arg0: i32) -> (i32, i32, i32) {
    %c0_i32 = arith.constant 0 : i32
    %c0_i32_0 = arith.constant 0 : i32
    %c0_i32_1 = arith.constant 0 : i32
    %c0_i32_2 = arith.constant 0 : i32
    return %c0_i32, %c0_i32_0, %c0_i32_1 : i32, i32, i32
  }
  func.func @transform_7(%arg0: i32) -> (i32, i32) {
    %lt3A = arith.constant 8 : i32
    %lt3A_0 = arith.cmpi slt, %arg0, %lt3A : i32
    %sub3A = arith.constant 8 : i32
    %sub3A_1 = arith.subi %arg0, %sub3A : i32
    %select_n3A = arith.select %lt3A_0, %arg0, %sub3A_1 : i32
    %c0_i32 = arith.constant 0 : i32
    %c0_i32_2 = arith.constant 0 : i32
    return %select_n3A, %c0_i32 : i32, i32
  }
  func.func @transform_8(%arg0: i32) -> (i32, i32) {
    %c0_i32 = arith.constant 0 : i32
    %c0_i32_0 = arith.constant 0 : i32
    %c0_i32_1 = arith.constant 0 : i32
    return %c0_i32, %c0_i32_0 : i32, i32
  }
}

</mosaic_0001>

<sc_bundles>
// kernel: kernel.11.cloned.1.call-start
scs
__scs_entry_jumppad:
0x0: {  	(pc) =	sbr.rel $0x88, $3  }
0x1: {  	(tag) =	ssettag $0x0;
	lr =	simm.s32 $0x1  }
0x2: {  	[smem:$0x3F97] =	sst lr;
	_ =	strace $0xD0000000  }
0x3: {  	_ = 	snop  }
0x4: {  	_ = 	snop  }
0x5: {  	_ = 	snop  }
0x6: {  	_ = 	snop  }
0x7: {  	_ = 	snop  }
__scs_overlays_trampoline_lowered:
0x8: {  	[smem:$0x3FA6] =	sst s0  }
0x9: {  	[smem:$0x3FA7] =	sst s1  }
0xa: {  	[smem:$0x3FA8] =	sst s2  }
0xb: {  	[smem:$0x3FA9] =	sst s3  }
0xc: {  	[smem:$0x3FAA] =	sst s4  }
0xd: {  	[smem:$0x3FAB] =	sst s5  }
0xe: {  	[smem:$0x3FAC] =	sst s6  }
0xf: {  	[smem:$0x3FAD] =	sst s7  }
0x10: {  	[smem:$0x3FAE] =	sst s8  }
0x11: {  	[smem:$0x3FAF] =	sst s9;
	s0 =	simm.s32 @!p0 $0x0  }
0x12: {  	s1 =	sld [smem:$0x3F95];
	s0 =	simm.s32 @p0 $0x1  }
0x13: {  	[smem:$0x3FB0] =	sst s0;
	s0 =	simm.s32 @!p1 $0x0  }
0x14: {  	s2 =	sld [smem:$0x3F94];
	s0 =	simm.s32 @p1 $0x1  }
0x15: {  	[smem:$0x3FB1] =	sst s0;
	s0 =	simm.s32 @!p2 $0x0  }
0x16: {  	s3 =	sld [smem:$0x3FDB];
	s0 =	simm.s32 @p2 $0x1  }
0x17: {  	s4 =	simm.s32 $0x1BF5;
	[smem:$0x3FB3] =	sst s0  }
0x18: {  	s0 =	sld [smem:$0x3F96];
	_ =	swait.ge [sflag:s4], $0x0  }
0x19: {  	s7 =	sld [smem:$0x3F97]  }
0x1a: {  	s8 =	sadd.s32 $0xFFFFE003, lr  }
0x1b: {  	s9 =	sadd.s32 $0xFFFFFEF7, lr;
	s5 =	simm.s32 $0xFFFFFFFF;
	p2 =	slt.u32 s8, $0xFFFFF086  }
0x1c: {  	p1 =	slt.u32 s9, $0xF7A;
	s5 =	simm.s32 @!p2 $0x0  }
0x1d: {  	s5 =	simm.s32 @p1 $0x1;
	p0 =	seq.s32 s7, s2  }
0x1e: {  	s7 =	smul.u32 @!p0 $0xF7A, s2;
	p2 =	seq.s32 @!p0 s5, $0x0  }
0x1f: {  	s9 =	smul.u32 $0xF7A, s1;
	s8 =	simm.s32 @!p0 $0x1BF5;
	p2 =	por !p2, p0  }
0x20: {  	[sflag:s8] =	ssyncset.s32 @!p0 $0xFFFFF086;
	s6 =	sadd.s32 @!p0 s3, s7;
	s7 =	simm.s32 @!p0 $0x108  }
0x21: {  	s3 =	sadd.s32 s3, s9;
	s6 =	sadd.s32 @!p0 $0x88, s6;
	s7 =	simm.s32 @p2 $0x1082  }
0x22: {  	[simem:s7], [sflag:s8] =	dma.local @!p0 [hbm:s6], $0xF7A  }
0x23: {  	s9 =	sor.u32 $0xD0000000, s2;
	s6 =	simm.s32 $0x108;
	_ =	swait.ge @!p0 [sflag:s8], $0x0  }
0x24: {  	s3 =	sadd.s32 $0x88, s3;
	s6 =	simm.s32 @!p1 $0x1082;
	[sflag:s4] =	ssyncset.s32 $0xFFFFF086  }
0x25: {  	[simem:s6], [sflag:s4] =	dma.local [hbm:s3], $0xF7A  }
0x26: {  	[smem:$0x3F97] =	sst s1;
	(tag) =	ssettag s2;
	_ =	strace s9  }
0x27: {  	s1 =	sld [smem:$0x3FA7]  }
0x28: {  	s2 =	sld [smem:$0x3FA8]  }
0x29: {  	s4 =	sld [smem:$0x3FAA]  }
0x2a: {  	p0 =	seq.s32 s5, $0x0;
	s5 =	sld [smem:$0x3FAB]  }
0x2b: {  	s6 =	sld [smem:$0x3FAC]  }
0x2c: {  	s7 =	sld [smem:$0x3FAD]  }
0x2d: {  	s3 =	simm.s32 $0x108;
	s8 =	sld [smem:$0x3FAE]  }
0x2e: {  	s3 =	simm.s32 @!p0 $0x1082;
	s9 =	sld [smem:$0x3FAF]  }
0x2f: {  	lr =	sadd.s32 s0, s3;
	s0 =	sld [smem:$0x3FA6]  }
0x30: {  	s3 =	sld [smem:$0x3FA9]  }
0x31: {  	[smem:$0x3FB2] =	sst s10  }
0x32: {  	s10 =	sld [smem:$0x3FB0];
	_ =	sdelay $0x3  }
0x33: {  	p0 =	seq.s32 s10, $0x1;
	s10 =	sld [smem:$0x3FB2];
	_ =	sdelay $0x3  }
0x34: {  	[smem:$0x3FB2] =	sst s10  }
0x35: {  	s10 =	sld [smem:$0x3FB1];
	_ =	sdelay $0x3  }
0x36: {  	p1 =	seq.s32 s10, $0x1;
	s10 =	sld [smem:$0x3FB2];
	_ =	sdelay $0x3  }
0x37: {  	[smem:$0x3FB2] =	sst s10  }
0x38: {  	s10 =	sld [smem:$0x3FB3]  }
0x39: {  	_ = 	snop;
	(pc) =	sbr.ind lr, $3  }
0x3a: {  	_ = 	snop  }
0x3b: {  	_ = 	snop  }
0x3c: {  	p2 =	seq.s32 s10, $0x1;
	s10 =	sld [smem:$0x3FB2]  }
0x3d: {  	_ =	shalt  }
0x3e: {  	_ =	shalt  }
0x3f: {  	_ =	shalt  }
0x40: {  	_ =	shalt  }
0x41: {  	_ =	shalt  }
0x42: {  	_ =	shalt  }
0x43: {  	_ =	shalt  }
0x44: {  	_ =	shalt  }
0x45: {  	_ =	shalt  }
0x46: {  	_ =	shalt  }
0x47: {  	_ =	shalt  }
0x48: {  	_ =	shalt  }
0x49: {  	_ =	shalt  }
0x4a: {  	_ =	shalt  }
0x4b: {  	_ =	shalt  }
0x4c: {  	_ =	shalt  }
0x4d: {  	_ =	shalt  }
0x4e: {  	_ =	shalt  }
0x4f: {  	_ =	shalt  }
0x50: {  	_ =	shalt  }
0x51: {  	_ =	shalt  }
0x52: {  	_ =	shalt  }
0x53: {  	_ =	shalt  }
0x54: {  	_ =	shalt  }
0x55: {  	_ =	shalt  }
0x56: {  	_ =	shalt  }
0x57: {  	_ =	shalt  }
0x58: {  	_ =	shalt  }
0x59: {  	_ =	shalt  }
0x5a: {  	_ =	shalt  }
0x5b: {  	_ =	shalt  }
0x5c: {  	_ =	shalt  }
0x5d: {  	_ =	shalt  }
0x5e: {  	_ =	shalt  }
0x5f: {  	_ =	shalt  }
0x60: {  	_ =	shalt  }
0x61: {  	_ =	shalt  }
0x62: {  	_ =	shalt  }
0x63: {  	_ =	shalt  }
0x64: {  	_ =	shalt  }
0x65: {  	_ =	shalt  }
0x66: {  	_ =	shalt  }
0x67: {  	_ =	shalt  }
0x68: {  	_ =	shalt  }
0x69: {  	_ =	shalt  }
0x6a: {  	_ =	shalt  }
0x6b: {  	_ =	shalt  }
0x6c: {  	_ =	shalt  }
0x6d: {  	_ =	shalt  }
0x6e: {  	_ =	shalt  }
0x6f: {  	_ =	shalt  }
0x70: {  	_ =	shalt  }
0x71: {  	_ =	shalt  }
0x72: {  	_ =	shalt  }
0x73: {  	_ =	shalt  }
0x74: {  	_ =	shalt  }
0x75: {  	_ =	shalt  }
0x76: {  	_ =	shalt  }
0x77: {  	_ =	shalt  }
0x78: {  	_ =	shalt  }
0x79: {  	_ =	shalt  }
0x7a: {  	_ =	shalt  }
0x7b: {  	_ =	shalt  }
0x7c: {  	_ =	shalt  }
0x7d: {  	_ =	shalt  }
0x7e: {  	_ =	shalt  }
0x7f: {  	_ =	shalt  }
0x80: {  	_ =	shalt  }
0x81: {  	_ =	shalt  }
0x82: {  	_ =	shalt  }
0x83: {  	_ =	shalt  }
0x84: {  	_ =	shalt  }
0x85: {  	_ =	shalt  }
0x86: {  	_ =	shalt  }
0x87: {  	_ =	shalt  }
.Lfunc_end0:
.L_simem_size_0:
called_computation.1_lowered:
.L_overlay_start_0:
0x88: {  	s2 =	sld [smem:$0x3FD9]  }
0x89: {  	s3 =	sld [smem:$0x3FFE];
	_ =	sdelay $0x1  }
0x8a: {  	s1 =	srdreg.scid  }
0x8b: {  	s0 =	sand.u32 $0x1, s1  }
0x8c: {  	s14 =	sshll.u32 s0, $0xA;
	s2 =	sadd.s32 s3, s2  }
0x8d: {  	s2 =	sadd.s32 s2, s14  }
0x8e: {  	[smem:$0x3FBE] =	sst s2  }
0x8f: {  	_ = 	snop  }
0x90: {  	s2 =	sld [smem:$0x3FD0];
	_ =	sdelay $0x2  }
0x91: {  	s15 =	simm.s32 $0xA;
	s4 =	simm.s32 $0x10  }
0x92: {  	[smem:s4], [sflag:s15] =	dma.local [hbm:s2], $0x1  }
0x93: {  	_ =	swait.eq [sflag:s15], $0x1  }
0x94: {  	[sflag:s15] =	ssyncset.done $0x0  }
0x95: {  	s16 =	sld [smem:$0x10];
	[sflag:s15] =	ssyncadd.s32 $0xFFFFFFFF  }
0x96: {  	s17 =	sld [smem:$0x11];
	(tm) =	ssettm $0x1  }
0x97: {  	s18 =	sld [smem:$0x3FFB];
	_ =	sdelay $0x3  }
0x98: {  	_ =	strace s18  }
0x99: {  	s4 =	sld [smem:$0x3FFC];
	_ =	sdelay $0x3  }
0x9a: {  	_ =	strace s4  }
0x9b: {  	s4 =	sld [smem:$0x3FFD];
	_ =	sdelay $0x3  }
0x9c: {  	_ =	strace s4  }
0x9d: {  	_ =	strace $0x8FFFFFFF  }
0x9e: {  	s19 =	sld [smem:$0x3FDB];
	_ =	sdelay $0x1  }
0x9f: {  	s5 =	simm.s32 $_scs_section_size  }
0xa0: {  	s6 =	simm.s32 $_size__tile_overlayer_lowered;
	s7 =	simm.s32 $_tile_overlayer_lowered  }
0xa1: {  	s22 =	simm.s32 $0x1BFF;
	s21 =	sshll.u32 s7, $0x1;
	s4 =	sadd.s32 s5, s19  }
0xa2: {  	s8 =	simm.s32 $0x0;
	s20 =	sshll.u32 s6, $0x1;
	s6 =	sadd.s32 s21, s4  }
0xa3: {  	[timem:s8], [sflag:s22] =	dma.local [hbm:s6], s20  }
0xa4: {  	_ =	swait.ge [sflag:s22], s20  }
0xa5: {  	s5 =	ssub.s32 $0x0, s20;
	[sflag:s22] =	ssyncset.done $0x0  }
0xa6: {  	[sflag:s22] =	ssyncadd.s32 s5;
	_ =	sdelay $0x1  }
0xa7: {  	s23 =	simm.s32 $0x1B8B  }
0xa8: {  	_ =	swait.ge [sflag:s23], $0x1  }
0xa9: {  	[sflag:s23] =	ssyncset.done $0x0  }
0xaa: {  	s25 =	simm.s32 $0x1B8E;
	s24 =	sld [smem:$0x3FFE];
	[sflag:s23] =	ssyncadd.s32 $0xFFFFFFFF  }
0xab: {  	s26 =	simm.s32 $execute0_lowered;
	[smem:$0x3FD2] =	sst s25  }
0xac: {  	s6 =	sshll.u32 s26, $0x1;
	_ =	strace $0x80000049;
	[dreg:$0x1] =	wrdreg $0xFFFFFFFF  }
0xad: {  	s28 =	simm.s32 $_size_execute0_lowered;
	s4 =	sadd.s32 s4, s6;
	[dreg:$0x0] =	wrdreg $0x0  }
0xae: {  	s6 =	sshll.u32 s28, $0x1;
	[dreg:$0x2] =	wrdreg s4  }
0xaf: {  	[dreg:$0x3] =	wrdreg s6  }
0xb0: {  	[dreg:$0x4] =	wrdreg $0xC0  }
0xb1: {  	_ =	task [dreg:s8], $0x5FFFF  }
0xb2: {  	[dreg:$0x1] =	wrdreg $0xFFFFFFFF  }
0xb3: {  	[dreg:$0x0] =	wrdreg $0x60  }
0xb4: {  	[dreg:$0x2] =	wrdreg s16  }
0xb5: {  	[dreg:$0x3] =	wrdreg s17  }
0xb6: {  	[dreg:$0x4] =	wrdreg s24  }
0xb7: {  	[dreg:$0x5] =	wrdreg $0x9  }
0xb8: {  	_ =	task.clear_ibuf [dreg:s8], $0x6FFFF;
	_ =	strace $0x90000049  }
0xb9: {  	s29 =	simm.s32 $0x9;
	_ =	strace $0x8000004B  }
0xba: {  	_ =	swait.ge [sflag:s29], $0x1  }
0xbb: {  	[sflag:s29] =	ssyncadd.s32 $0xFFFFFFFF  }
0xbc: {  	_ =	strace $0x9000004B  }
0xbd: {  	_ =	sfence  }
0xbe: {  	s30 =	sld [smem:$0x0];
	_ =	sdelay $0x2  }
0xbf: {  	s31 =	sshll.u32 s1, $0xD;
	s1 =	sshrl.u32 s1, $0x2  }
0xc0: {  	s3 =	sand.u32 $0x4000, s31;
	s1 =	sadd.s32 s1, s30  }
0xc1: {  	s0 =	sor.u32 s3, s0;
	s1 =	sshll.u32 s1, $0x11  }
0xc2: {  	s0 =	sor.u32 s1, s0  }
0xc3: {  	s0 =	sadd.s32 $0x8F2B, s0  }
0xc4: {  	[sflag:s0] =	ssyncadd.remote.s32 $0x1  }
0xc5: {  	_ =	sfence.sel $0xFFFF  }
0xc6: {  	[dreg:$0x0] =	wrdreg $0xFFFFFFFF;
	(pc) =	sbr.abs _section_cstart, $3  }
0xc7: {  	[dreg:$0x1] =	wrdreg $0xFFFFFFFF  }
0xc8: {  	_ =	task.clear_ibuf [dreg:s8], $0x2FFFF;
	_ =	strace $0x9FFFFFFF  }
0xc9: {  	(tm) =	ssettm $0x7FFFFFFF  }
tec
execute0_lowered:
.L_overlay_start_1:
0x0: {  	(tag) =	ssettag $0x1  }
0x1: {  	s1 =	rddreg [dreg:$0x0]  }
0x2: {  	s0 =	rddreg [dreg:$0x1]  }
0x3: {  	s2 =	rddreg [dreg:$0x2]  }
0x4: {  	s3 =	srdreg.scid;
	s4 =	stileid.u32;
	s26 =	simm.s32 $0x80  }
0x5: {  	s21 =	simm.s32 $0xD00;
	s22 =	simm.s32 $0x1500;
	s28 =	simm.s32 $0x3100  }
0x6: {  	s29 =	simm.s32 $0x3900;
	s30 =	simm.s32 $0x3D00;
	s31 =	simm.s32 $0x4500  }
0x7: {  	s9 =	simm.s32 $0x5500;
	s10 =	simm.s32 $0x5D00;
	s11 =	simm.s32 $0x6100  }
0x8: {  	s12 =	simm.s32 $0x6900;
	s13 =	simm.s32 $0x6D00;
	s14 =	simm.s32 $0x7500  }
0x9: {  	s15 =	simm.s32 $0x7900;
	s16 =	simm.s32 $0x8100;
	s17 =	simm.s32 $0x8500  }
0xa: {  	s18 =	simm.s32 $0x8D00;
	s8 =	simm.s32 $0x9100;
	s5 =	sand.u32 $0x1, s3  }
0xb: {  	s3 =	simm.s32 $0x0;
	s4 =	sshll.u32 s4, $0x5;
	s6 =	sshll.u32 s5, $0x4  }
0xc: {  	[smem:$0x7FF] =	sst s3;
	s5 =	ssub.s32 $0x2, s5;
	s6 =	sor.u32 s6, s4  }
0xd: {  	_ =	strace $0x8000004A;
	s4 =	sadd.s32 $0x3C00, s2;
	s23 =	sshrl.u32 s5, $0x1  }
0xe: {  	[dreg:$0x6] =	wrdreg s26;
	s26 =	simm.s32 $0x2D00;
	s7 =	sadd.s32 s6, s2  }
0xf: {  	s0 =	sadd.s32 s0, s6;
	s25 =	ssub.s32 s5, s23;
	s5 =	sadd.s32 $0x100, s1  }
0x10: {  	v2 =	vlaneseq.u32;
	s6 =	sadd.s32 $0x3D00, s2;
	s23 =	simm.s32 $0x1900;
	s2 =	simm.s32 $0x5100  }
0x11: {  	vm0 =	vmmov $0xffff;
	vm1 =	vmmov $0xff;
	v1 =	vshrl.u32 v2, $0x3;
	[dreg:$0x4] =	wrdreg s0;
	s24 =	sadd.s32 $0x3A00, s7;
	s7 =	smax.u32 s25, $0x1  }
0x12: {  	v0 =	vand.u32 $0x7, v2;
	v2 =	vor.u32 $0x8, v2;
	v1 =	vmul.u32 $0x8, v1;
	s25 =	simm.s32 $0x2500;
	[dreg:$0x5] =	wrdreg s24;
	s24 =	simm.s32 $0x2100  }
.LBB2_1:
0x13: {  	s19 =	rddreg [dreg:$0x4];
	s0 =	simm.s32 $0x3  }
0x14: {  	[tilespmem:s3], [sflag:$0x3] =	stream.linear.gather [hbm4b:s19+s3], $0x80, $0x38;
	[tilespmem:$0xC100] =	vst v63  }
0x15: {  	_ =	swait.ge [sflag:s0], $0x80  }
0x16: {  	s19 =	rddreg [dreg:$0x5];
	[sflag:s0] =	ssyncset.done $0x0  }
0x17: {  	s20 =	rddreg [dreg:$0x6];
	[sflag:s0] =	ssyncadd.s32 $0xFFFFFF80  }
0x18: {  	[tilespmem:s20], [sflag:$0x3] =	stream.linear.gather [hbm4b:s19+s3], $0x80, $0x38;
	[tilespmem:$0xC100] =	vst v63  }
0x19: {  	_ =	swait.ge [sflag:s0], $0x80  }
0x1a: {  	[sflag:s0] =	ssyncset.done $0x0  }
0x1b: {  	[sflag:s0] =	ssyncadd.s32 $0xFFFFFF80  }
0x1c: {  	v3 =	vld [tilespmem:$0x0];
	_ =	sdelay $0x4  }
0x1d: {  	v4 =	vshrl.u32 v3, $0x3  }
0x1e: {  	v4 =	vmul.u32 $0x18, v4  }
0x1f: {  	v3 =	vand.u32 $0x7, v3  }
0x20: {  	v3 =	vor.u32 v3, v4  }
0x21: {  	v4 =	vperm.xlane v3, v0;
	_ =	sdelay $0x1  }
0x22: {  	v4 =	vadd.s32 v1, v4;
	_ =	sdelay $0x1  }
0x23: {  	v3 =	vperm.xlane v3, v2;
	_ =	sdelay $0x1  }
0x24: {  	s19 =	simm.s32 $0x100;
	v3 =	vadd.s32 v1, v3  }
0x25: {  	[tilespmem:s19], [sflag:$0x1] =	stream.indirect_vreg.gather [hbm4b:s1+s3], $0x80, v4, vm0, $0xb8;
	[tilespmem:$0xC100] =	vst v63  }
0x26: {  	s20 =	simm.s32 $0x900  }
0x27: {  	[tilespmem:s20], [sflag:$0x1] =	stream.indirect_vreg.gather [hbm4b:s5+s3], $0x80, v4, vm1, $0xb8;
	[tilespmem:$0xC100] =	vst v63  }
0x28: {  	_ = 	snop  }
0x29: {  	[tilespmem:s21], [sflag:$0x1] =	stream.indirect_vreg.gather [hbm4b:s1+s3], $0x80, v3, vm0, $0xb8;
	[tilespmem:$0xC100] =	vst v63  }
0x2a: {  	_ = 	snop  }
0x2b: {  	[tilespmem:s22], [sflag:$0x1] =	stream.indirect_vreg.gather [hbm4b:s5+s3], $0x80, v3, vm1, $0xb8;
	[tilespmem:$0xC100] =	vst v63  }
0x2c: {  	v3 =	vld [tilespmem:$0x10];
	_ =	sdelay $0x4  }
0x2d: {  	v49 =	vshrl.u32 v3, $0x3  }
0x2e: {  	v4 =	vmul.u32 $0x18, v49  }
0x2f: {  	v3 =	vand.u32 $0x7, v3  }
0x30: {  	v3 =	vor.u32 v3, v4  }
0x31: {  	v4 =	vperm.xlane v3, v0;
	_ =	sdelay $0x1  }
0x32: {  	v4 =	vadd.s32 v1, v4;
	_ =	sdelay $0x1  }
0x33: {  	v3 =	vperm.xlane v3, v2;
	_ =	sdelay $0x1  }
0x34: {  	v3 =	vadd.s32 v1, v3  }
0x35: {  	[tilespmem:s23], [sflag:$0x1] =	stream.indirect_vreg.gather [hbm4b:s1+s3], $0x80, v4, vm0, $0xb8;
	[tilespmem:$0xC100] =	vst v63  }
0x36: {  	_ = 	snop  }
0x37: {  	[tilespmem:s24], [sflag:$0x1] =	stream.indirect_vreg.gather [hbm4b:s5+s3], $0x80, v4, vm1, $0xb8;
	[tilespmem:$0xC100] =	vst v63  }
0x38: {  	_ = 	snop  }
0x39: {  	[tilespmem:s25], [sflag:$0x1] =	stream.indirect_vreg.gather [hbm4b:s1+s3], $0x80, v3, vm0, $0xb8;
	[tilespmem:$0xC100] =	vst v63  }
0x3a: {  	_ = 	snop  }
0x3b: {  	[tilespmem:s26], [sflag:$0x1] =	stream.indirect_vreg.gather [hbm4b:s5+s3], $0x80, v3, vm1, $0xb8;
	[tilespmem:$0xC100] =	vst v63  }
0x3c: {  	v3 =	vld [tilespmem:$0x20];
	_ =	sdelay $0x4  }
0x3d: {  	v50 =	vshrl.u32 v3, $0x3  }
0x3e: {  	v4 =	vmul.u32 $0x18, v50  }
0x3f: {  	v3 =	vand.u32 $0x7, v3  }
0x40: {  	v3 =	vor.u32 v3, v4  }
0x41: {  	v4 =	vperm.xlane v3, v0;
	_ =	sdelay $0x1  }
0x42: {  	v4 =	vadd.s32 v1, v4;
	_ =	sdelay $0x1  }
0x43: {  	v3 =	vperm.xlane v3, v2;
	_ =	sdelay $0x1  }
0x44: {  	v3 =	vadd.s32 v1, v3  }
0x45: {  	[tilespmem:s28], [sflag:$0x1] =	stream.indirect_vreg.gather [hbm4b:s1+s3], $0x80, v4, vm0, $0xb8;
	[tilespmem:$0xC100] =	vst v63  }
0x46: {  	_ = 	snop  }
0x47: {  	[tilespmem:s29], [sflag:$0x1] =	stream.indirect_vreg.gather [hbm4b:s5+s3], $0x80, v4, vm1, $0xb8;
	[tilespmem:$0xC100] =	vst v63  }
0x48: {  	_ = 	snop  }
0x49: {  	[tilespmem:s30], [sflag:$0x1] =	stream.indirect_vreg.gather [hbm4b:s1+s3], $0x80, v3, vm0, $0xb8;
	[tilespmem:$0xC100] =	vst v63  }
0x4a: {  	_ = 	snop  }
0x4b: {  	[tilespmem:s31], [sflag:$0x1] =	stream.indirect_vreg.gather [hbm4b:s5+s3], $0x80, v3, vm1, $0xb8;
	[tilespmem:$0xC100] =	vst v63  }
0x4c: {  	v3 =	vld [tilespmem:$0x30];
	_ =	sdelay $0x4  }
0x4d: {  	v51 =	vshrl.u32 v3, $0x3  }
0x4e: {  	v4 =	vmul.u32 $0x18, v51  }
0x4f: {  	v3 =	vand.u32 $0x7, v3  }
0x50: {  	v3 =	vor.u32 v3, v4  }
0x51: {  	v4 =	vperm.xlane v3, v0;
	_ =	sdelay $0x1  }
0x52: {  	v4 =	vadd.s32 v1, v4;
	_ =	sdelay $0x1  }
0x53: {  	v3 =	vperm.xlane v3, v2;
	_ =	sdelay $0x1  }
0x54: {  	s0 =	simm.s32 $0x4900;
	v3 =	vadd.s32 v1, v3  }
0x55: {  	[tilespmem:s0], [sflag:$0x1] =	stream.indirect_vreg.gather [hbm4b:s1+s3], $0x80, v4, vm0, $0xb8;
	[tilespmem:$0xC100] =	vst v63  }
0x56: {  	_ = 	snop  }
0x57: {  	[tilespmem:s2], [sflag:$0x1] =	stream.indirect_vreg.gather [hbm4b:s5+s3], $0x80, v4, vm1, $0xb8;
	[tilespmem:$0xC100] =	vst v63  }
0x58: {  	_ = 	snop  }
0x59: {  	[tilespmem:s9], [sflag:$0x1] =	stream.indirect_vreg.gather [hbm4b:s1+s3], $0x80, v3, vm0, $0xb8;
	[tilespmem:$0xC100] =	vst v63  }
0x5a: {  	_ = 	snop  }
0x5b: {  	[tilespmem:s10], [sflag:$0x1] =	stream.indirect_vreg.gather [hbm4b:s5+s3], $0x80, v3, vm1, $0xb8;
	[tilespmem:$0xC100] =	vst v63  }
0x5c: {  	v3 =	vld [tilespmem:$0x40];
	_ =	sdelay $0x4  }
0x5d: {  	v52 =	vshrl.u32 v3, $0x3  }
0x5e: {  	v4 =	vmul.u32 $0x18, v52  }
0x5f: {  	v3 =	vand.u32 $0x7, v3  }
0x60: {  	v3 =	vor.u32 v3, v4  }
0x61: {  	v4 =	vperm.xlane v3, v0;
	_ =	sdelay $0x1  }
0x62: {  	v4 =	vadd.s32 v1, v4;
	_ =	sdelay $0x1  }
0x63: {  	v3 =	vperm.xlane v3, v2;
	_ =	sdelay $0x1  }
0x64: {  	v3 =	vadd.s32 v1, v3  }
0x65: {  	[tilespmem:s11], [sflag:$0x1] =	stream.indirect_vreg.gather [hbm4b:s1+s3], $0x80, v4, vm0, $0xb8;
	[tilespmem:$0xC100] =	vst v63  }
0x66: {  	_ = 	snop  }
0x67: {  	[tilespmem:s12], [sflag:$0x1] =	stream.indirect_vreg.gather [hbm4b:s5+s3], $0x80, v4, vm1, $0xb8;
	[tilespmem:$0xC100] =	vst v63  }
0x68: {  	_ = 	snop  }
0x69: {  	[tilespmem:s13], [sflag:$0x1] =	stream.indirect_vreg.gather [hbm4b:s1+s3], $0x80, v3, vm0, $0xb8;
	[tilespmem:$0xC100] =	vst v63  }
0x6a: {  	_ = 	snop  }
0x6b: {  	[tilespmem:s14], [sflag:$0x1] =	stream.indirect_vreg.gather [hbm4b:s5+s3], $0x80, v3, vm1, $0xb8;
	[tilespmem:$0xC100] =	vst v63  }
0x6c: {  	v3 =	vld [tilespmem:$0x50];
	_ =	sdelay $0x4  }
0x6d: {  	v53 =	vshrl.u32 v3, $0x3  }
0x6e: {  	v4 =	vmul.u32 $0x18, v53  }
0x6f: {  	v3 =	vand.u32 $0x7, v3  }
0x70: {  	v3 =	vor.u32 v3, v4  }
0x71: {  	v4 =	vperm.xlane v3, v0;
	_ =	sdelay $0x1  }
0x72: {  	v4 =	vadd.s32 v1, v4;
	_ =	sdelay $0x1  }
0x73: {  	v3 =	vperm.xlane v3, v2;
	_ =	sdelay $0x1  }
0x74: {  	v3 =	vadd.s32 v1, v3  }
0x75: {  	[tilespmem:s15], [sflag:$0x1] =	stream.indirect_vreg.gather [hbm4b:s1+s3], $0x80, v4, vm0, $0xb8;
	[tilespmem:$0xC100] =	vst v63  }
0x76: {  	_ = 	snop  }
0x77: {  	[tilespmem:s16], [sflag:$0x1] =	stream.indirect_vreg.gather [hbm4b:s5+s3], $0x80, v4, vm1, $0xb8;
	[tilespmem:$0xC100] =	vst v63  }
0x78: {  	_ = 	snop  }
0x79: {  	[tilespmem:s17], [sflag:$0x1] =	stream.indirect_vreg.gather [hbm4b:s1+s3], $0x80, v3, vm0, $0xb8;
	[tilespmem:$0xC100] =	vst v63  }
0x7a: {  	_ = 	snop  }
0x7b: {  	[tilespmem:s18], [sflag:$0x1] =	stream.indirect_vreg.gather [hbm4b:s5+s3], $0x80, v3, vm1, $0xb8;
	[tilespmem:$0xC100] =	vst v63  }
0x7c: {  	v3 =	vld [tilespmem:$0x60];
	_ =	sdelay $0x4  }
0x7d: {  	v54 =	vshrl.u32 v3, $0x3  }
0x7e: {  	v4 =	vmul.u32 $0x18, v54  }
0x7f: {  	v3 =	vand.u32 $0x7, v3  }
0x80: {  	v3 =	vor.u32 v3, v4  }
0x81: {  	v4 =	vperm.xlane v3, v0;
	_ =	sdelay $0x1  }
0x82: {  	v4 =	vadd.s32 v1, v4;
	_ =	sdelay $0x1  }
0x83: {  	v3 =	vperm.xlane v3, v2;
	_ =	sdelay $0x1  }
0x84: {  	v3 =	vadd.s32 v1, v3  }
0x85: {  	[tilespmem:s8], [sflag:$0x1] =	stream.indirect_vreg.gather [hbm4b:s1+s3], $0x80, v4, vm0, $0xb8;
	[tilespmem:$0xC100] =	vst v63  }
0x86: {  	s0 =	simm.s32 $0x9900  }
0x87: {  	[tilespmem:s0], [sflag:$0x1] =	stream.indirect_vreg.gather [hbm4b:s5+s3], $0x80, v4, vm1, $0xb8;
	[tilespmem:$0xC100] =	vst v63  }
0x88: {  	s0 =	simm.s32 $0x9D00  }
0x89: {  	[tilespmem:s0], [sflag:$0x1] =	stream.indirect_vreg.gather [hbm4b:s1+s3], $0x80, v3, vm0, $0xb8;
	[tilespmem:$0xC100] =	vst v63  }
0x8a: {  	s0 =	simm.s32 $0xA500  }
0x8b: {  	[tilespmem:s0], [sflag:$0x1] =	stream.indirect_vreg.gather [hbm4b:s5+s3], $0x80, v3, vm1, $0xb8;
	[tilespmem:$0xC100] =	vst v63  }
0x8c: {  	v3 =	vld [tilespmem:$0x70];
	_ =	sdelay $0x4  }
0x8d: {  	v55 =	vshrl.u32 v3, $0x3  }
0x8e: {  	v4 =	vmul.u32 $0x18, v55  }
0x8f: {  	v3 =	vand.u32 $0x7, v3  }
0x90: {  	v3 =	vor.u32 v3, v4  }
0x91: {  	v4 =	vperm.xlane v3, v0;
	_ =	sdelay $0x1  }
0x92: {  	v4 =	vadd.s32 v1, v4;
	_ =	sdelay $0x1  }
0x93: {  	v3 =	vperm.xlane v3, v2;
	_ =	sdelay $0x1  }
0x94: {  	s0 =	simm.s32 $0xA900;
	v3 =	vadd.s32 v1, v3  }
0x95: {  	[tilespmem:s0], [sflag:$0x1] =	stream.indirect_vreg.gather [hbm4b:s1+s3], $0x80, v4, vm0, $0xb8;
	[tilespmem:$0xC100] =	vst v63  }
0x96: {  	s0 =	simm.s32 $0xB100  }
0x97: {  	[tilespmem:s0], [sflag:$0x1] =	stream.indirect_vreg.gather [hbm4b:s5+s3], $0x80, v4, vm1, $0xb8;
	[tilespmem:$0xC100] =	vst v63  }
0x98: {  	s0 =	simm.s32 $0xB500  }
0x99: {  	[tilespmem:s0], [sflag:$0x1] =	stream.indirect_vreg.gather [hbm4b:s1+s3], $0x80, v3, vm0, $0xb8;
	[tilespmem:$0xC100] =	vst v63  }
0x9a: {  	s0 =	simm.s32 $0xBD00  }
0x9b: {  	[tilespmem:s0], [sflag:$0x1] =	stream.indirect_vreg.gather [hbm4b:s5+s3], $0x80, v3, vm1, $0xb8;
	[tilespmem:$0xC100] =	vst v63  }
0x9c: {  	s0 =	simm.s32 $0x1  }
0x9d: {  	_ =	swait.ge [sflag:s0], $0xC000  }
0x9e: {  	[sflag:s0] =	ssyncset.done $0x0  }
0x9f: {  	[sflag:s0] =	ssyncadd.s32 $0xFFFF4000  }
0xa0: {  	v3 =	vld [tilespmem:$0x80];
	_ =	sdelay $0x4  }
0xa1: {  	v56 =	vshrl.u32 v3, $0x3  }
0xa2: {  	v4 =	vmul.u32 $0x18, v56  }
0xa3: {  	v3 =	vand.u32 $0x7, v3  }
0xa4: {  	v3 =	vor.u32 v3, v4  }
0xa5: {  	v4 =	vperm.xlane v3, v0;
	_ =	sdelay $0x1  }
0xa6: {  	v4 =	vadd.s32 v1, v4;
	_ =	sdelay $0x1  }
0xa7: {  	v3 =	vperm.xlane v3, v2;
	_ =	sdelay $0x1  }
0xa8: {  	v3 =	vadd.s32 v1, v3  }
0xa9: {  	[hbm4b:s4+s3] =	stream.indirect_vreg.scatter [tilespmem:s19], [sflag:$0x2], $0x80, v4, vm0, $0xb8;
	[tilespmem:$0xC100] =	vst v63  }
0xaa: {  	_ = 	snop  }
0xab: {  	[hbm4b:s6+s3] =	stream.indirect_vreg.scatter [tilespmem:s20], [sflag:$0x2], $0x80, v4, vm1, $0xb8;
	[tilespmem:$0xC100] =	vst v63  }
0xac: {  	_ = 	snop  }
0xad: {  	[hbm4b:s4+s3] =	stream.indirect_vreg.scatter [tilespmem:s21], [sflag:$0x2], $0x80, v3, vm0, $0xb8;
	[tilespmem:$0xC100] =	vst v63  }
0xae: {  	_ = 	snop  }
0xaf: {  	[hbm4b:s6+s3] =	stream.indirect_vreg.scatter [tilespmem:s22], [sflag:$0x2], $0x80, v3, vm1, $0xb8;
	[tilespmem:$0xC100] =	vst v63  }
0xb0: {  	v3 =	vld [tilespmem:$0x90];
	_ =	sdelay $0x4  }
0xb1: {  	v57 =	vshrl.u32 v3, $0x3  }
0xb2: {  	v4 =	vmul.u32 $0x18, v57  }
0xb3: {  	v3 =	vand.u32 $0x7, v3  }
0xb4: {  	v3 =	vor.u32 v3, v4  }
0xb5: {  	v4 =	vperm.xlane v3, v0;
	_ =	sdelay $0x1  }
0xb6: {  	v4 =	vadd.s32 v1, v4;
	_ =	sdelay $0x1  }
0xb7: {  	v3 =	vperm.xlane v3, v2;
	_ =	sdelay $0x1  }
0xb8: {  	v3 =	vadd.s32 v1, v3  }
0xb9: {  	[hbm4b:s4+s3] =	stream.indirect_vreg.scatter [tilespmem:s23], [sflag:$0x2], $0x80, v4, vm0, $0xb8;
	[tilespmem:$0xC100] =	vst v63  }
0xba: {  	_ = 	snop  }
0xbb: {  	[hbm4b:s6+s3] =	stream.indirect_vreg.scatter [tilespmem:s24], [sflag:$0x2], $0x80, v4, vm1, $0xb8;
	[tilespmem:$0xC100] =	vst v63  }
0xbc: {  	_ = 	snop  }
0xbd: {  	[hbm4b:s4+s3] =	stream.indirect_vreg.scatter [tilespmem:s25], [sflag:$0x2], $0x80, v3, vm0, $0xb8;
	[tilespmem:$0xC100] =	vst v63  }
0xbe: {  	_ = 	snop  }
0xbf: {  	[hbm4b:s6+s3] =	stream.indirect_vreg.scatter [tilespmem:s26], [sflag:$0x2], $0x80, v3, vm1, $0xb8;
	[tilespmem:$0xC100] =	vst v63  }
0xc0: {  	v3 =	vld [tilespmem:$0xA0];
	_ =	sdelay $0x4  }
0xc1: {  	v58 =	vshrl.u32 v3, $0x3  }
0xc2: {  	v4 =	vmul.u32 $0x18, v58  }
0xc3: {  	v3 =	vand.u32 $0x7, v3  }
0xc4: {  	v3 =	vor.u32 v3, v4  }
0xc5: {  	v4 =	vperm.xlane v3, v0;
	_ =	sdelay $0x1  }
0xc6: {  	v4 =	vadd.s32 v1, v4;
	_ =	sdelay $0x1  }
0xc7: {  	v3 =	vperm.xlane v3, v2;
	_ =	sdelay $0x1  }
0xc8: {  	v3 =	vadd.s32 v1, v3  }
0xc9: {  	[hbm4b:s4+s3] =	stream.indirect_vreg.scatter [tilespmem:s28], [sflag:$0x2], $0x80, v4, vm0, $0xb8;
	[tilespmem:$0xC100] =	vst v63  }
0xca: {  	_ = 	snop  }
0xcb: {  	[hbm4b:s6+s3] =	stream.indirect_vreg.scatter [tilespmem:s29], [sflag:$0x2], $0x80, v4, vm1, $0xb8;
	[tilespmem:$0xC100] =	vst v63  }
0xcc: {  	_ = 	snop  }
0xcd: {  	[hbm4b:s4+s3] =	stream.indirect_vreg.scatter [tilespmem:s30], [sflag:$0x2], $0x80, v3, vm0, $0xb8;
	[tilespmem:$0xC100] =	vst v63  }
0xce: {  	_ = 	snop  }
0xcf: {  	[hbm4b:s6+s3] =	stream.indirect_vreg.scatter [tilespmem:s31], [sflag:$0x2], $0x80, v3, vm1, $0xb8;
	[tilespmem:$0xC100] =	vst v63  }
0xd0: {  	v3 =	vld [tilespmem:$0xB0];
	_ =	sdelay $0x4  }
0xd1: {  	v59 =	vshrl.u32 v3, $0x3  }
0xd2: {  	v4 =	vmul.u32 $0x18, v59  }
0xd3: {  	v3 =	vand.u32 $0x7, v3  }
0xd4: {  	v3 =	vor.u32 v3, v4  }
0xd5: {  	v4 =	vperm.xlane v3, v0;
	_ =	sdelay $0x1  }
0xd6: {  	v4 =	vadd.s32 v1, v4;
	_ =	sdelay $0x1  }
0xd7: {  	v3 =	vperm.xlane v3, v2;
	_ =	sdelay $0x1  }
0xd8: {  	s20 =	simm.s32 $0x4900;
	v3 =	vadd.s32 v1, v3  }
0xd9: {  	[hbm4b:s4+s3] =	stream.indirect_vreg.scatter [tilespmem:s20], [sflag:$0x2], $0x80, v4, vm0, $0xb8;
	[tilespmem:$0xC100] =	vst v63  }
0xda: {  	_ = 	snop  }
0xdb: {  	[hbm4b:s6+s3] =	stream.indirect_vreg.scatter [tilespmem:s2], [sflag:$0x2], $0x80, v4, vm1, $0xb8;
	[tilespmem:$0xC100] =	vst v63  }
0xdc: {  	_ = 	snop  }
0xdd: {  	[hbm4b:s4+s3] =	stream.indirect_vreg.scatter [tilespmem:s9], [sflag:$0x2], $0x80, v3, vm0, $0xb8;
	[tilespmem:$0xC100] =	vst v63  }
0xde: {  	_ = 	snop  }
0xdf: {  	[hbm4b:s6+s3] =	stream.indirect_vreg.scatter [tilespmem:s10], [sflag:$0x2], $0x80, v3, vm1, $0xb8;
	[tilespmem:$0xC100] =	vst v63  }
0xe0: {  	v3 =	vld [tilespmem:$0xC0];
	_ =	sdelay $0x4  }
0xe1: {  	v60 =	vshrl.u32 v3, $0x3  }
0xe2: {  	v4 =	vmul.u32 $0x18, v60  }
0xe3: {  	v3 =	vand.u32 $0x7, v3  }
0xe4: {  	v3 =	vor.u32 v3, v4  }
0xe5: {  	v4 =	vperm.xlane v3, v0;
	_ =	sdelay $0x1  }
0xe6: {  	v4 =	vadd.s32 v1, v4;
	_ =	sdelay $0x1  }
0xe7: {  	v3 =	vperm.xlane v3, v2;
	_ =	sdelay $0x1  }
0xe8: {  	v3 =	vadd.s32 v1, v3  }
0xe9: {  	[hbm4b:s4+s3] =	stream.indirect_vreg.scatter [tilespmem:s11], [sflag:$0x2], $0x80, v4, vm0, $0xb8;
	[tilespmem:$0xC100] =	vst v63  }
0xea: {  	_ = 	snop  }
0xeb: {  	[hbm4b:s6+s3] =	stream.indirect_vreg.scatter [tilespmem:s12], [sflag:$0x2], $0x80, v4, vm1, $0xb8;
	[tilespmem:$0xC100] =	vst v63  }
0xec: {  	_ = 	snop  }
0xed: {  	[hbm4b:s4+s3] =	stream.indirect_vreg.scatter [tilespmem:s13], [sflag:$0x2], $0x80, v3, vm0, $0xb8;
	[tilespmem:$0xC100] =	vst v63  }
0xee: {  	_ = 	snop  }
0xef: {  	[hbm4b:s6+s3] =	stream.indirect_vreg.scatter [tilespmem:s14], [sflag:$0x2], $0x80, v3, vm1, $0xb8;
	[tilespmem:$0xC100] =	vst v63  }
0xf0: {  	v3 =	vld [tilespmem:$0xD0];
	_ =	sdelay $0x4  }
0xf1: {  	v61 =	vshrl.u32 v3, $0x3  }
0xf2: {  	v4 =	vmul.u32 $0x18, v61  }
0xf3: {  	v3 =	vand.u32 $0x7, v3  }
0xf4: {  	v3 =	vor.u32 v3, v4  }
0xf5: {  	v4 =	vperm.xlane v3, v0;
	_ =	sdelay $0x1  }
0xf6: {  	v4 =	vadd.s32 v1, v4;
	_ =	sdelay $0x1  }
0xf7: {  	v3 =	vperm.xlane v3, v2;
	_ =	sdelay $0x1  }
0xf8: {  	v3 =	vadd.s32 v1, v3  }
0xf9: {  	[hbm4b:s4+s3] =	stream.indirect_vreg.scatter [tilespmem:s15], [sflag:$0x2], $0x80, v4, vm0, $0xb8;
	[tilespmem:$0xC100] =	vst v63  }
0xfa: {  	_ = 	snop  }
0xfb: {  	[hbm4b:s6+s3] =	stream.indirect_vreg.scatter [tilespmem:s16], [sflag:$0x2], $0x80, v4, vm1, $0xb8;
	[tilespmem:$0xC100] =	vst v63  }
0xfc: {  	_ = 	snop  }
0xfd: {  	[hbm4b:s4+s3] =	stream.indirect_vreg.scatter [tilespmem:s17], [sflag:$0x2], $0x80, v3, vm0, $0xb8;
	[tilespmem:$0xC100] =	vst v63  }
0xfe: {  	_ = 	snop  }
0xff: {  	[hbm4b:s6+s3] =	stream.indirect_vreg.scatter [tilespmem:s18], [sflag:$0x2], $0x80, v3, vm1, $0xb8;
	[tilespmem:$0xC100] =	vst v63  }
0x100: {  	v3 =	vld [tilespmem:$0xE0];
	_ =	sdelay $0x4  }
0x101: {  	v62 =	vshrl.u32 v3, $0x3  }
0x102: {  	v4 =	vmul.u32 $0x18, v62  }
0x103: {  	v3 =	vand.u32 $0x7, v3  }
0x104: {  	v3 =	vor.u32 v3, v4  }
0x105: {  	v4 =	vperm.xlane v3, v0;
	_ =	sdelay $0x1  }
0x106: {  	v4 =	vadd.s32 v1, v4;
	_ =	sdelay $0x1  }
0x107: {  	v3 =	vperm.xlane v3, v2;
	_ =	sdelay $0x1  }
0x108: {  	v3 =	vadd.s32 v1, v3  }
0x109: {  	[hbm4b:s4+s3] =	stream.indirect_vreg.scatter [tilespmem:s8], [sflag:$0x2], $0x80, v4, vm0, $0xb8;
	[tilespmem:$0xC100] =	vst v63  }
0x10a: {  	s19 =	simm.s32 $0x9900  }
0x10b: {  	[hbm4b:s6+s3] =	stream.indirect_vreg.scatter [tilespmem:s19], [sflag:$0x2], $0x80, v4, vm1, $0xb8;
	[tilespmem:$0xC100] =	vst v63  }
0x10c: {  	s20 =	simm.s32 $0x9D00  }
0x10d: {  	[hbm4b:s4+s3] =	stream.indirect_vreg.scatter [tilespmem:s20], [sflag:$0x2], $0x80, v3, vm0, $0xb8;
	[tilespmem:$0xC100] =	vst v63  }
0x10e: {  	s19 =	simm.s32 $0xA500  }
0x10f: {  	[hbm4b:s6+s3] =	stream.indirect_vreg.scatter [tilespmem:s19], [sflag:$0x2], $0x80, v3, vm1, $0xb8;
	[tilespmem:$0xC100] =	vst v63  }
0x110: {  	v3 =	vld [tilespmem:$0xF0];
	_ =	sdelay $0x4  }
0x111: {  	v63 =	vshrl.u32 v3, $0x3  }
0x112: {  	v4 =	vmul.u32 $0x18, v63  }
0x113: {  	v3 =	vand.u32 $0x7, v3  }
0x114: {  	v3 =	vor.u32 v3, v4  }
0x115: {  	v4 =	vperm.xlane v3, v0;
	_ =	sdelay $0x1  }
0x116: {  	v4 =	vadd.s32 v1, v4;
	_ =	sdelay $0x1  }
0x117: {  	v3 =	vperm.xlane v3, v2;
	_ =	sdelay $0x1  }
0x118: {  	s20 =	simm.s32 $0xA900;
	v3 =	vadd.s32 v1, v3  }
0x119: {  	[hbm4b:s4+s3] =	stream.indirect_vreg.scatter [tilespmem:s20], [sflag:$0x2], $0x80, v4, vm0, $0xb8;
	[tilespmem:$0xC100] =	vst v63  }
0x11a: {  	s19 =	simm.s32 $0xB100  }
0x11b: {  	[hbm4b:s6+s3] =	stream.indirect_vreg.scatter [tilespmem:s19], [sflag:$0x2], $0x80, v4, vm1, $0xb8;
	[tilespmem:$0xC100] =	vst v63  }
0x11c: {  	p0 =	sne.s32 s7, $0x1;
	s20 =	simm.s32 $0xB500  }
0x11d: {  	[hbm4b:s4+s3] =	stream.indirect_vreg.scatter [tilespmem:s20], [sflag:$0x2], $0x80, v3, vm0, $0xb8;
	[tilespmem:$0xC100] =	vst v63  }
.Ltmp0:
0x11e: {  	s19 =	simm.s32 $0xBD00;
	s20 =	simm.s32 $0x2;
	(pc) =	sbr.rel @p0 .LBB2_1-.Ltmp0, $4  }
0x11f: {  	[hbm4b:s6+s3] =	stream.indirect_vreg.scatter [tilespmem:s19], [sflag:$0x2], $0x80, v3, vm1, $0xb8;
	[tilespmem:$0xC100] =	vst v63  }
0x120: {  	_ =	swait.ge [sflag:s20], $0xC000  }
0x121: {  	[sflag:s20] =	ssyncset.done $0x0  }
0x122: {  	s7 =	sadd.s32 $0xFFFFFFFF, s7;
	[sflag:s20] =	ssyncadd.s32 $0xFFFF4000  }
0x123: {  	_ =	sfence.sel $0x180000  }
0x124: {  	[bflag:$0x0] =	sbarrier.arrive $0xFFFF  }
0x125: {  	_ =	strace $0x9000004A  }
0x126: {  	s0 =	stileid.u32;
	[bflag:$0x2] =	sbarrier.arrive $0xFFFF  }
0x127: {  	p0 =	sne.s32 s0, $0x0;
	s0 =	rddreg [dreg:$0x3]  }
0x128: {  	s0 =	sadd.s32 @!p0 $0x100000, s0  }
0x129: {  	[sflag:s0] =	ssyncadd.tile.s32 @!p0 $0x1;
	_ =	shalt  }
.Lfunc_end2:
_tile_overlayer_lowered:
.L_overlay_start_2:
0x12a: {  	(tag) =	ssettag $0x2  }
0x12b: {  	s0 =	rddreg [dreg:$0x0];
	s2 =	stileid.u32  }
0x12c: {  	s1 =	rddreg [dreg:$0x1];
	p0 =	sne.s32 s2, $0x0  }
0x12d: {  	s3 =	rddreg [dreg:$0x2];
	[bflag:$0x3] =	sbarrier.arrive $0xFFFF;
	s2 =	simm.s32 @!p0 $0x1C03  }
0x12e: {  	[timem:s3], [sflag:s2] =	dma.local @!p0 [hbm:s0], s1  }
0x12f: {  	s0 =	simm.s32 @!p0 $0x3  }
0x130: {  	_ =	swait.ge @!p0 [sflag:s0], s1  }
0x131: {  	s1 =	ssub.s32 @!p0 $0x0, s1;
	[sflag:s0] =	ssyncset.done @!p0 $0x0  }
0x132: {  	[sflag:s0] =	ssyncadd.s32 @!p0 s1  }
0x133: {  	[bflag:$0x3] =	sbarrier.arrive $0xFFFF  }
0x134: {  	_ =	shalt  }

// kernel: kernel.14.cloned.1.call-start
scs
__scs_entry_jumppad:
0x0: {  	(pc) =	sbr.rel $0x88, $3  }
0x1: {  	(tag) =	ssettag $0x0;
	lr =	simm.s32 $0x1  }
0x2: {  	[smem:$0x3F97] =	sst lr;
	_ =	strace $0xD0000000  }
0x3: {  	_ = 	snop  }
0x4: {  	_ = 	snop  }
0x5: {  	_ = 	snop  }
0x6: {  	_ = 	snop  }
0x7: {  	_ = 	snop  }
__scs_overlays_trampoline_lowered:
0x8: {  	[smem:$0x3FA6] =	sst s0  }
0x9: {  	[smem:$0x3FA7] =	sst s1  }
0xa: {  	[smem:$0x3FA8] =	sst s2  }
0xb: {  	[smem:$0x3FA9] =	sst s3  }
0xc: {  	[smem:$0x3FAA] =	sst s4  }
0xd: {  	[smem:$0x3FAB] =	sst s5  }
0xe: {  	[smem:$0x3FAC] =	sst s6  }
0xf: {  	[smem:$0x3FAD] =	sst s7  }
0x10: {  	[smem:$0x3FAE] =	sst s8  }
0x11: {  	[smem:$0x3FAF] =	sst s9;
	s0 =	simm.s32 @!p0 $0x0  }
0x12: {  	s1 =	sld [smem:$0x3F95];
	s0 =	simm.s32 @p0 $0x1  }
0x13: {  	[smem:$0x3FB0] =	sst s0;
	s0 =	simm.s32 @!p1 $0x0  }
0x14: {  	s2 =	sld [smem:$0x3F94];
	s0 =	simm.s32 @p1 $0x1  }
0x15: {  	[smem:$0x3FB1] =	sst s0;
	s0 =	simm.s32 @!p2 $0x0  }
0x16: {  	s3 =	sld [smem:$0x3FDB];
	s0 =	simm.s32 @p2 $0x1  }
0x17: {  	s4 =	simm.s32 $0x1BF5;
	[smem:$0x3FB3] =	sst s0  }
0x18: {  	s0 =	sld [smem:$0x3F96];
	_ =	swait.ge [sflag:s4], $0x0  }
0x19: {  	s7 =	sld [smem:$0x3F97]  }
0x1a: {  	s8 =	sadd.s32 $0xFFFFE003, lr  }
0x1b: {  	s9 =	sadd.s32 $0xFFFFFEF7, lr;
	s5 =	simm.s32 $0xFFFFFFFF;
	p2 =	slt.u32 s8, $0xFFFFF086  }
0x1c: {  	p1 =	slt.u32 s9, $0xF7A;
	s5 =	simm.s32 @!p2 $0x0  }
0x1d: {  	s5 =	simm.s32 @p1 $0x1;
	p0 =	seq.s32 s7, s2  }
0x1e: {  	s7 =	smul.u32 @!p0 $0xF7A, s2;
	p2 =	seq.s32 @!p0 s5, $0x0  }
0x1f: {  	s9 =	smul.u32 $0xF7A, s1;
	s8 =	simm.s32 @!p0 $0x1BF5;
	p2 =	por !p2, p0  }
0x20: {  	[sflag:s8] =	ssyncset.s32 @!p0 $0xFFFFF086;
	s6 =	sadd.s32 @!p0 s3, s7;
	s7 =	simm.s32 @!p0 $0x108  }
0x21: {  	s3 =	sadd.s32 s3, s9;
	s6 =	sadd.s32 @!p0 $0x88, s6;
	s7 =	simm.s32 @p2 $0x1082  }
0x22: {  	[simem:s7], [sflag:s8] =	dma.local @!p0 [hbm:s6], $0xF7A  }
0x23: {  	s9 =	sor.u32 $0xD0000000, s2;
	s6 =	simm.s32 $0x108;
	_ =	swait.ge @!p0 [sflag:s8], $0x0  }
0x24: {  	s3 =	sadd.s32 $0x88, s3;
	s6 =	simm.s32 @!p1 $0x1082;
	[sflag:s4] =	ssyncset.s32 $0xFFFFF086  }
0x25: {  	[simem:s6], [sflag:s4] =	dma.local [hbm:s3], $0xF7A  }
0x26: {  	[smem:$0x3F97] =	sst s1;
	(tag) =	ssettag s2;
	_ =	strace s9  }
0x27: {  	s1 =	sld [smem:$0x3FA7]  }
0x28: {  	s2 =	sld [smem:$0x3FA8]  }
0x29: {  	s4 =	sld [smem:$0x3FAA]  }
0x2a: {  	p0 =	seq.s32 s5, $0x0;
	s5 =	sld [smem:$0x3FAB]  }
0x2b: {  	s6 =	sld [smem:$0x3FAC]  }
0x2c: {  	s7 =	sld [smem:$0x3FAD]  }
0x2d: {  	s3 =	simm.s32 $0x108;
	s8 =	sld [smem:$0x3FAE]  }
0x2e: {  	s3 =	simm.s32 @!p0 $0x1082;
	s9 =	sld [smem:$0x3FAF]  }
0x2f: {  	lr =	sadd.s32 s0, s3;
	s0 =	sld [smem:$0x3FA6]  }
0x30: {  	s3 =	sld [smem:$0x3FA9]  }
0x31: {  	[smem:$0x3FB2] =	sst s10  }
0x32: {  	s10 =	sld [smem:$0x3FB0];
	_ =	sdelay $0x3  }
0x33: {  	p0 =	seq.s32 s10, $0x1;
	s10 =	sld [smem:$0x3FB2];
	_ =	sdelay $0x3  }
0x34: {  	[smem:$0x3FB2] =	sst s10  }
0x35: {  	s10 =	sld [smem:$0x3FB1];
	_ =	sdelay $0x3  }
0x36: {  	p1 =	seq.s32 s10, $0x1;
	s10 =	sld [smem:$0x3FB2];
	_ =	sdelay $0x3  }
0x37: {  	[smem:$0x3FB2] =	sst s10  }
0x38: {  	s10 =	sld [smem:$0x3FB3]  }
0x39: {  	_ = 	snop;
	(pc) =	sbr.ind lr, $3  }
0x3a: {  	_ = 	snop  }
0x3b: {  	_ = 	snop  }
0x3c: {  	p2 =	seq.s32 s10, $0x1;
	s10 =	sld [smem:$0x3FB2]  }
0x3d: {  	_ =	shalt  }
0x3e: {  	_ =	shalt  }
0x3f: {  	_ =	shalt  }
0x40: {  	_ =	shalt  }
0x41: {  	_ =	shalt  }
0x42: {  	_ =	shalt  }
0x43: {  	_ =	shalt  }
0x44: {  	_ =	shalt  }
0x45: {  	_ =	shalt  }
0x46: {  	_ =	shalt  }
0x47: {  	_ =	shalt  }
0x48: {  	_ =	shalt  }
0x49: {  	_ =	shalt  }
0x4a: {  	_ =	shalt  }
0x4b: {  	_ =	shalt  }
0x4c: {  	_ =	shalt  }
0x4d: {  	_ =	shalt  }
0x4e: {  	_ =	shalt  }
0x4f: {  	_ =	shalt  }
0x50: {  	_ =	shalt  }
0x51: {  	_ =	shalt  }
0x52: {  	_ =	shalt  }
0x53: {  	_ =	shalt  }
0x54: {  	_ =	shalt  }
0x55: {  	_ =	shalt  }
0x56: {  	_ =	shalt  }
0x57: {  	_ =	shalt  }
0x58: {  	_ =	shalt  }
0x59: {  	_ =	shalt  }
0x5a: {  	_ =	shalt  }
0x5b: {  	_ =	shalt  }
0x5c: {  	_ =	shalt  }
0x5d: {  	_ =	shalt  }
0x5e: {  	_ =	shalt  }
0x5f: {  	_ =	shalt  }
0x60: {  	_ =	shalt  }
0x61: {  	_ =	shalt  }
0x62: {  	_ =	shalt  }
0x63: {  	_ =	shalt  }
0x64: {  	_ =	shalt  }
0x65: {  	_ =	shalt  }
0x66: {  	_ =	shalt  }
0x67: {  	_ =	shalt  }
0x68: {  	_ =	shalt  }
0x69: {  	_ =	shalt  }
0x6a: {  	_ =	shalt  }
0x6b: {  	_ =	shalt  }
0x6c: {  	_ =	shalt  }
0x6d: {  	_ =	shalt  }
0x6e: {  	_ =	shalt  }
0x6f: {  	_ =	shalt  }
0x70: {  	_ =	shalt  }
0x71: {  	_ =	shalt  }
0x72: {  	_ =	shalt  }
0x73: {  	_ =	shalt  }
0x74: {  	_ =	shalt  }
0x75: {  	_ =	shalt  }
0x76: {  	_ =	shalt  }
0x77: {  	_ =	shalt  }
0x78: {  	_ =	shalt  }
0x79: {  	_ =	shalt  }
0x7a: {  	_ =	shalt  }
0x7b: {  	_ =	shalt  }
0x7c: {  	_ =	shalt  }
0x7d: {  	_ =	shalt  }
0x7e: {  	_ =	shalt  }
0x7f: {  	_ =	shalt  }
0x80: {  	_ =	shalt  }
0x81: {  	_ =	shalt  }
0x82: {  	_ =	shalt  }
0x83: {  	_ =	shalt  }
0x84: {  	_ =	shalt  }
0x85: {  	_ =	shalt  }
0x86: {  	_ =	shalt  }
0x87: {  	_ =	shalt  }
.Lfunc_end0:
.L_simem_size_0:
called_computation.2_lowered:
.L_overlay_start_0:
0x88: {  	s2 =	sld [smem:$0x3FD9]  }
0x89: {  	s3 =	sld [smem:$0x3FFE];
	_ =	sdelay $0x1  }
0x8a: {  	s1 =	srdreg.scid  }
0x8b: {  	s0 =	sand.u32 $0x1, s1  }
0x8c: {  	s14 =	sshll.u32 s0, $0xA;
	s2 =	sadd.s32 s3, s2  }
0x8d: {  	s2 =	sadd.s32 s2, s14  }
0x8e: {  	[smem:$0x3FBE] =	sst s2  }
0x8f: {  	_ = 	snop  }
0x90: {  	s2 =	sld [smem:$0x3FD0];
	_ =	sdelay $0x2  }
0x91: {  	s15 =	simm.s32 $0xA;
	s4 =	simm.s32 $0x10  }
0x92: {  	[smem:s4], [sflag:s15] =	dma.local [hbm:s2], $0x1  }
0x93: {  	_ =	swait.eq [sflag:s15], $0x1  }
0x94: {  	[sflag:s15] =	ssyncset.done $0x0  }
0x95: {  	[sflag:s15] =	ssyncadd.s32 $0xFFFFFFFF  }
0x96: {  	s16 =	sld [smem:$0x10];
	(tm) =	ssettm $0x1  }
0x97: {  	s17 =	sld [smem:$0x3FFB];
	_ =	sdelay $0x3  }
0x98: {  	_ =	strace s17  }
0x99: {  	s3 =	sld [smem:$0x3FFC];
	_ =	sdelay $0x3  }
0x9a: {  	_ =	strace s3  }
0x9b: {  	s3 =	sld [smem:$0x3FFD];
	_ =	sdelay $0x3  }
0x9c: {  	_ =	strace s3  }
0x9d: {  	_ =	strace $0x8FFFFFFF  }
0x9e: {  	s18 =	sld [smem:$0x3FDB];
	_ =	sdelay $0x1  }
0x9f: {  	s19 =	simm.s32 $_scs_section_size  }
0xa0: {  	s5 =	simm.s32 $_size__tile_overlayer_lowered;
	s6 =	simm.s32 $_tile_overlayer_lowered  }
0xa1: {  	s22 =	simm.s32 $0x1BFF;
	s21 =	sshll.u32 s6, $0x1;
	s3 =	sadd.s32 s19, s18  }
0xa2: {  	s7 =	simm.s32 $0x0;
	s20 =	sshll.u32 s5, $0x1;
	s5 =	sadd.s32 s21, s3  }
0xa3: {  	[timem:s7], [sflag:s22] =	dma.local [hbm:s5], s20  }
0xa4: {  	_ =	swait.ge [sflag:s22], s20  }
0xa5: {  	s4 =	ssub.s32 $0x0, s20;
	[sflag:s22] =	ssyncset.done $0x0  }
0xa6: {  	[sflag:s22] =	ssyncadd.s32 s4;
	_ =	sdelay $0x1  }
0xa7: {  	s23 =	simm.s32 $0x1B8B  }
0xa8: {  	_ =	swait.ge [sflag:s23], $0x1  }
0xa9: {  	[sflag:s23] =	ssyncset.done $0x0  }
0xaa: {  	s25 =	simm.s32 $0x1B8E;
	s24 =	sld [smem:$0x3FFE];
	[sflag:s23] =	ssyncadd.s32 $0xFFFFFFFF  }
0xab: {  	s26 =	simm.s32 $execute0_lowered;
	[smem:$0x3FD2] =	sst s25  }
0xac: {  	s5 =	sshll.u32 s26, $0x1;
	_ =	strace $0x8000004C;
	[dreg:$0x1] =	wrdreg $0xFFFFFFFF  }
0xad: {  	s28 =	simm.s32 $_size_execute0_lowered;
	s3 =	sadd.s32 s3, s5;
	[dreg:$0x0] =	wrdreg $0x0  }
0xae: {  	s5 =	sshll.u32 s28, $0x1;
	[dreg:$0x2] =	wrdreg s3  }
0xaf: {  	[dreg:$0x3] =	wrdreg s5  }
0xb0: {  	[dreg:$0x4] =	wrdreg $0xC0  }
0xb1: {  	_ =	task [dreg:s7], $0x5FFFF  }
0xb2: {  	[dreg:$0x1] =	wrdreg $0xFFFFFFFF  }
0xb3: {  	[dreg:$0x0] =	wrdreg $0x60  }
0xb4: {  	[dreg:$0x2] =	wrdreg s24  }
0xb5: {  	[dreg:$0x3] =	wrdreg s16  }
0xb6: {  	[dreg:$0x4] =	wrdreg $0x9  }
0xb7: {  	_ =	task.clear_ibuf [dreg:s7], $0x5FFFF;
	_ =	strace $0x9000004C  }
0xb8: {  	s29 =	simm.s32 $0x9;
	_ =	strace $0x8000004E  }
0xb9: {  	_ =	swait.ge [sflag:s29], $0x1  }
0xba: {  	[sflag:s29] =	ssyncadd.s32 $0xFFFFFFFF  }
0xbb: {  	_ =	strace $0x9000004E  }
0xbc: {  	_ =	sfence  }
0xbd: {  	s30 =	sld [smem:$0x0];
	_ =	sdelay $0x2  }
0xbe: {  	s31 =	sshll.u32 s1, $0xD;
	s1 =	sshrl.u32 s1, $0x2  }
0xbf: {  	s3 =	sand.u32 $0x4000, s31;
	s1 =	sadd.s32 s1, s30  }
0xc0: {  	s0 =	sor.u32 s3, s0;
	s1 =	sshll.u32 s1, $0x11  }
0xc1: {  	s0 =	sor.u32 s1, s0  }
0xc2: {  	s0 =	sadd.s32 $0x8F2B, s0  }
0xc3: {  	[sflag:s0] =	ssyncadd.remote.s32 $0x1  }
0xc4: {  	_ =	sfence.sel $0xFFFF  }
0xc5: {  	[dreg:$0x0] =	wrdreg $0xFFFFFFFF;
	(pc) =	sbr.abs _section_cstart, $3  }
0xc6: {  	[dreg:$0x1] =	wrdreg $0xFFFFFFFF  }
0xc7: {  	_ =	task.clear_ibuf [dreg:s7], $0x2FFFF;
	_ =	strace $0x9FFFFFFF  }
0xc8: {  	(tm) =	ssettm $0x7FFFFFFF  }
0xc9: {  	_ =	shalt  }
tec
execute0_lowered:
.L_overlay_start_1:
0x0: {  	(tag) =	ssettag $0x1  }
0x1: {  	s1 =	srdreg.scid;
	s4 =	rddreg [dreg:$0x0]  }
0x2: {  	s0 =	stileid.u32;
	s3 =	rddreg [dreg:$0x1]  }
0x3: {  	s18 =	simm.s32 $0x880;
	s19 =	simm.s32 $0xC80;
	s20 =	simm.s32 $0x1480  }
0x4: {  	s21 =	simm.s32 $0x1880;
	s23 =	simm.s32 $0x2080;
	s24 =	simm.s32 $0x2480  }
0x5: {  	s25 =	simm.s32 $0x2C80;
	s26 =	simm.s32 $0x3080;
	s7 =	simm.s32 $0x80  }
0x6: {  	s9 =	simm.s32 $0x3C80;
	s1 =	sand.u32 $0x1, s1;
	s2 =	sshll.u32 s0, $0x1  }
0x7: {  	s10 =	simm.s32 $0x4480;
	s5 =	sor.u32 s1, s2;
	s2 =	simm.s32 $0x0  }
0x8: {  	s11 =	simm.s32 $0x4880;
	s12 =	simm.s32 $0x5080;
	[smem:$0x7FF] =	sst s2  }
0x9: {  	s13 =	simm.s32 $0x5480;
	_ =	strace $0x8000004D;
	[dreg:$0x5] =	wrdreg s18  }
0xa: {  	s14 =	simm.s32 $0x5C80;
	s15 =	simm.s32 $0x6080;
	[dreg:$0x6] =	wrdreg s19  }
0xb: {  	s16 =	simm.s32 $0x6880;
	s17 =	simm.s32 $0x6C80;
	[dreg:$0x7] =	wrdreg s20  }
0xc: {  	s28 =	simm.s32 $0xA880;
	s29 =	simm.s32 $0xB080;
	[dreg:$0x8] =	wrdreg s21  }
0xd: {  	s30 =	simm.s32 $0xB480;
	s31 =	simm.s32 $0xBC80;
	[dreg:$0x9] =	wrdreg s23  }
0xe: {  	s1 =	ssub.s32 $0x2, s1;
	s6 =	sshll.u32 s5, $0x4;
	[dreg:$0xa] =	wrdreg s24  }
0xf: {  	s5 =	smul.u32 $0x1800, s5;
	s22 =	sshrl.u32 s1, $0x1;
	[dreg:$0xb] =	wrdreg s25  }
0x10: {  	s6 =	sadd.s32 s6, s4;
	s1 =	ssub.s32 s1, s22;
	[dreg:$0xc] =	wrdreg s26  }
0x11: {  	s18 =	simm.s32 $0x7480;
	s19 =	simm.s32 $0x7880;
	s20 =	simm.s32 $0x8080  }
0x12: {  	s21 =	simm.s32 $0x8480;
	s22 =	simm.s32 $0x8C80;
	s23 =	simm.s32 $0x9080  }
0x13: {  	s24 =	simm.s32 $0x9880;
	s25 =	simm.s32 $0x9C80;
	s6 =	sadd.s32 $0x3A00, s6  }
0x14: {  	v2 =	vlaneseq.u32;
	s26 =	simm.s32 $0xA480;
	s3 =	sadd.s32 s3, s5;
	[dreg:$0x3] =	wrdreg s6  }
0x15: {  	vm0 =	vmmov $0xffff;
	vm1 =	vmmov $0xff;
	v1 =	vshrl.u32 v2, $0x3;
	s5 =	smax.u32 s1, $0x1;
	s1 =	simm.s32 $0x1;
	[dreg:$0x4] =	wrdreg s3  }
0x16: {  	v0 =	vand.u32 $0x7, v2;
	v2 =	vor.u32 $0x8, v2;
	v1 =	vmul.u32 $0x8, v1;
	s3 =	sadd.s32 $0x3C00, s4;
	s4 =	sadd.s32 $0x3D00, s4;
	s6 =	simm.s32 $0x2  }
.LBB2_1:
0x17: {  	s0 =	rddreg [dreg:$0x3]  }
0x18: {  	[tilespmem:s2], [sflag:$0x2] =	stream.linear.gather [hbm4b:s0+s2], $0x80, $0x38;
	[tilespmem:$0xC080] =	vst v63  }
0x19: {  	_ =	swait.ge [sflag:s6], $0x80  }
0x1a: {  	[sflag:s6] =	ssyncset.done $0x0  }
0x1b: {  	[sflag:s6] =	ssyncadd.s32 $0xFFFFFF80  }
0x1c: {  	v3 =	vld [tilespmem:$0x0];
	_ =	sdelay $0x4  }
0x1d: {  	v4 =	vshrl.u32 v3, $0x3  }
0x1e: {  	v4 =	vmul.u32 $0x18, v4  }
0x1f: {  	v3 =	vand.u32 $0x7, v3  }
0x20: {  	v3 =	vor.u32 v3, v4  }
0x21: {  	v4 =	vperm.xlane v3, v0;
	_ =	sdelay $0x1  }
0x22: {  	v4 =	vadd.s32 v1, v4;
	_ =	sdelay $0x1  }
0x23: {  	v3 =	vperm.xlane v3, v2;
	_ =	sdelay $0x1  }
0x24: {  	v3 =	vadd.s32 v1, v3  }
0x25: {  	[tilespmem:s7], [sflag:$0x1] =	stream.indirect_vreg.gather [hbm4b:s3+s2], $0x80, v4, vm0, $0xb8;
	[tilespmem:$0xC080] =	vst v63  }
0x26: {  	s0 =	rddreg [dreg:$0x5]  }
0x27: {  	[tilespmem:s0], [sflag:$0x1] =	stream.indirect_vreg.gather [hbm4b:s4+s2], $0x80, v4, vm1, $0xb8;
	[tilespmem:$0xC080] =	vst v63  }
0x28: {  	s8 =	rddreg [dreg:$0x6]  }
0x29: {  	[tilespmem:s8], [sflag:$0x1] =	stream.indirect_vreg.gather [hbm4b:s3+s2], $0x80, v3, vm0, $0xb8;
	[tilespmem:$0xC080] =	vst v63  }
0x2a: {  	s0 =	rddreg [dreg:$0x7]  }
0x2b: {  	[tilespmem:s0], [sflag:$0x1] =	stream.indirect_vreg.gather [hbm4b:s4+s2], $0x80, v3, vm1, $0xb8;
	[tilespmem:$0xC080] =	vst v63  }
0x2c: {  	v3 =	vld [tilespmem:$0x10];
	_ =	sdelay $0x4  }
0x2d: {  	v57 =	vshrl.u32 v3, $0x3  }
0x2e: {  	v4 =	vmul.u32 $0x18, v57  }
0x2f: {  	v3 =	vand.u32 $0x7, v3  }
0x30: {  	v3 =	vor.u32 v3, v4  }
0x31: {  	v4 =	vperm.xlane v3, v0;
	_ =	sdelay $0x1  }
0x32: {  	v4 =	vadd.s32 v1, v4;
	_ =	sdelay $0x1  }
0x33: {  	v3 =	vperm.xlane v3, v2;
	_ =	sdelay $0x1  }
0x34: {  	s0 =	rddreg [dreg:$0x8];
	v3 =	vadd.s32 v1, v3  }
0x35: {  	[tilespmem:s0], [sflag:$0x1] =	stream.indirect_vreg.gather [hbm4b:s3+s2], $0x80, v4, vm0, $0xb8;
	[tilespmem:$0xC080] =	vst v63  }
0x36: {  	s8 =	rddreg [dreg:$0x9]  }
0x37: {  	[tilespmem:s8], [sflag:$0x1] =	stream.indirect_vreg.gather [hbm4b:s4+s2], $0x80, v4, vm1, $0xb8;
	[tilespmem:$0xC080] =	vst v63  }
0x38: {  	s0 =	rddreg [dreg:$0xa]  }
0x39: {  	[tilespmem:s0], [sflag:$0x1] =	stream.indirect_vreg.gather [hbm4b:s3+s2], $0x80, v3, vm0, $0xb8;
	[tilespmem:$0xC080] =	vst v63  }
0x3a: {  	s8 =	rddreg [dreg:$0xb]  }
0x3b: {  	[tilespmem:s8], [sflag:$0x1] =	stream.indirect_vreg.gather [hbm4b:s4+s2], $0x80, v3, vm1, $0xb8;
	[tilespmem:$0xC080] =	vst v63  }
0x3c: {  	v3 =	vld [tilespmem:$0x20];
	_ =	sdelay $0x4  }
0x3d: {  	v58 =	vshrl.u32 v3, $0x3  }
0x3e: {  	v4 =	vmul.u32 $0x18, v58  }
0x3f: {  	v3 =	vand.u32 $0x7, v3  }
0x40: {  	v3 =	vor.u32 v3, v4  }
0x41: {  	v4 =	vperm.xlane v3, v0;
	_ =	sdelay $0x1  }
0x42: {  	v4 =	vadd.s32 v1, v4;
	_ =	sdelay $0x1  }
0x43: {  	v3 =	vperm.xlane v3, v2;
	_ =	sdelay $0x1  }
0x44: {  	s8 =	rddreg [dreg:$0xc];
	v3 =	vadd.s32 v1, v3  }
0x45: {  	[tilespmem:s8], [sflag:$0x1] =	stream.indirect_vreg.gather [hbm4b:s3+s2], $0x80, v4, vm0, $0xb8;
	[tilespmem:$0xC080] =	vst v63  }
0x46: {  	s8 =	simm.s32 $0x3880  }
0x47: {  	[tilespmem:s8], [sflag:$0x1] =	stream.indirect_vreg.gather [hbm4b:s4+s2], $0x80, v4, vm1, $0xb8;
	[tilespmem:$0xC080] =	vst v63  }
0x48: {  	_ = 	snop  }
0x49: {  	[tilespmem:s9], [sflag:$0x1] =	stream.indirect_vreg.gather [hbm4b:s3+s2], $0x80, v3, vm0, $0xb8;
	[tilespmem:$0xC080] =	vst v63  }
0x4a: {  	_ = 	snop  }
0x4b: {  	[tilespmem:s10], [sflag:$0x1] =	stream.indirect_vreg.gather [hbm4b:s4+s2], $0x80, v3, vm1, $0xb8;
	[tilespmem:$0xC080] =	vst v63  }
0x4c: {  	v3 =	vld [tilespmem:$0x30];
	_ =	sdelay $0x4  }
0x4d: {  	v59 =	vshrl.u32 v3, $0x3  }
0x4e: {  	v4 =	vmul.u32 $0x18, v59  }
0x4f: {  	v3 =	vand.u32 $0x7, v3  }
0x50: {  	v3 =	vor.u32 v3, v4  }
0x51: {  	v4 =	vperm.xlane v3, v0;
	_ =	sdelay $0x1  }
0x52: {  	v4 =	vadd.s32 v1, v4;
	_ =	sdelay $0x1  }
0x53: {  	v3 =	vperm.xlane v3, v2;
	_ =	sdelay $0x1  }
0x54: {  	v3 =	vadd.s32 v1, v3  }
0x55: {  	[tilespmem:s11], [sflag:$0x1] =	stream.indirect_vreg.gather [hbm4b:s3+s2], $0x80, v4, vm0, $0xb8;
	[tilespmem:$0xC080] =	vst v63  }
0x56: {  	_ = 	snop  }
0x57: {  	[tilespmem:s12], [sflag:$0x1] =	stream.indirect_vreg.gather [hbm4b:s4+s2], $0x80, v4, vm1, $0xb8;
	[tilespmem:$0xC080] =	vst v63  }
0x58: {  	_ = 	snop  }
0x59: {  	[tilespmem:s13], [sflag:$0x1] =	stream.indirect_vreg.gather [hbm4b:s3+s2], $0x80, v3, vm0, $0xb8;
	[tilespmem:$0xC080] =	vst v63  }
0x5a: {  	_ = 	snop  }
0x5b: {  	[tilespmem:s14], [sflag:$0x1] =	stream.indirect_vreg.gather [hbm4b:s4+s2], $0x80, v3, vm1, $0xb8;
	[tilespmem:$0xC080] =	vst v63  }
0x5c: {  	v3 =	vld [tilespmem:$0x40];
	_ =	sdelay $0x4  }
0x5d: {  	v60 =	vshrl.u32 v3, $0x3  }
0x5e: {  	v4 =	vmul.u32 $0x18, v60  }
0x5f: {  	v3 =	vand.u32 $0x7, v3  }
0x60: {  	v3 =	vor.u32 v3, v4  }
0x61: {  	v4 =	vperm.xlane v3, v0;
	_ =	sdelay $0x1  }
0x62: {  	v4 =	vadd.s32 v1, v4;
	_ =	sdelay $0x1  }
0x63: {  	v3 =	vperm.xlane v3, v2;
	_ =	sdelay $0x1  }
0x64: {  	v3 =	vadd.s32 v1, v3  }
0x65: {  	[tilespmem:s15], [sflag:$0x1] =	stream.indirect_vreg.gather [hbm4b:s3+s2], $0x80, v4, vm0, $0xb8;
	[tilespmem:$0xC080] =	vst v63  }
0x66: {  	_ = 	snop  }
0x67: {  	[tilespmem:s16], [sflag:$0x1] =	stream.indirect_vreg.gather [hbm4b:s4+s2], $0x80, v4, vm1, $0xb8;
	[tilespmem:$0xC080] =	vst v63  }
0x68: {  	_ = 	snop  }
0x69: {  	[tilespmem:s17], [sflag:$0x1] =	stream.indirect_vreg.gather [hbm4b:s3+s2], $0x80, v3, vm0, $0xb8;
	[tilespmem:$0xC080] =	vst v63  }
0x6a: {  	_ = 	snop  }
0x6b: {  	[tilespmem:s18], [sflag:$0x1] =	stream.indirect_vreg.gather [hbm4b:s4+s2], $0x80, v3, vm1, $0xb8;
	[tilespmem:$0xC080] =	vst v63  }
0x6c: {  	v3 =	vld [tilespmem:$0x50];
	_ =	sdelay $0x4  }
0x6d: {  	v61 =	vshrl.u32 v3, $0x3  }
0x6e: {  	v4 =	vmul.u32 $0x18, v61  }
0x6f: {  	v3 =	vand.u32 $0x7, v3  }
0x70: {  	v3 =	vor.u32 v3, v4  }
0x71: {  	v4 =	vperm.xlane v3, v0;
	_ =	sdelay $0x1  }
0x72: {  	v4 =	vadd.s32 v1, v4;
	_ =	sdelay $0x1  }
0x73: {  	v3 =	vperm.xlane v3, v2;
	_ =	sdelay $0x1  }
0x74: {  	v3 =	vadd.s32 v1, v3  }
0x75: {  	[tilespmem:s19], [sflag:$0x1] =	stream.indirect_vreg.gather [hbm4b:s3+s2], $0x80, v4, vm0, $0xb8;
	[tilespmem:$0xC080] =	vst v63  }
0x76: {  	_ = 	snop  }
0x77: {  	[tilespmem:s20], [sflag:$0x1] =	stream.indirect_vreg.gather [hbm4b:s4+s2], $0x80, v4, vm1, $0xb8;
	[tilespmem:$0xC080] =	vst v63  }
0x78: {  	_ = 	snop  }
0x79: {  	[tilespmem:s21], [sflag:$0x1] =	stream.indirect_vreg.gather [hbm4b:s3+s2], $0x80, v3, vm0, $0xb8;
	[tilespmem:$0xC080] =	vst v63  }
0x7a: {  	_ = 	snop  }
0x7b: {  	[tilespmem:s22], [sflag:$0x1] =	stream.indirect_vreg.gather [hbm4b:s4+s2], $0x80, v3, vm1, $0xb8;
	[tilespmem:$0xC080] =	vst v63  }
0x7c: {  	v3 =	vld [tilespmem:$0x60];
	_ =	sdelay $0x4  }
0x7d: {  	v62 =	vshrl.u32 v3, $0x3  }
0x7e: {  	v4 =	vmul.u32 $0x18, v62  }
0x7f: {  	v3 =	vand.u32 $0x7, v3  }
0x80: {  	v3 =	vor.u32 v3, v4  }
0x81: {  	v4 =	vperm.xlane v3, v0;
	_ =	sdelay $0x1  }
0x82: {  	v4 =	vadd.s32 v1, v4;
	_ =	sdelay $0x1  }
0x83: {  	v3 =	vperm.xlane v3, v2;
	_ =	sdelay $0x1  }
0x84: {  	v3 =	vadd.s32 v1, v3  }
0x85: {  	[tilespmem:s23], [sflag:$0x1] =	stream.indirect_vreg.gather [hbm4b:s3+s2], $0x80, v4, vm0, $0xb8;
	[tilespmem:$0xC080] =	vst v63  }
0x86: {  	_ = 	snop  }
0x87: {  	[tilespmem:s24], [sflag:$0x1] =	stream.indirect_vreg.gather [hbm4b:s4+s2], $0x80, v4, vm1, $0xb8;
	[tilespmem:$0xC080] =	vst v63  }
0x88: {  	_ = 	snop  }
0x89: {  	[tilespmem:s25], [sflag:$0x1] =	stream.indirect_vreg.gather [hbm4b:s3+s2], $0x80, v3, vm0, $0xb8;
	[tilespmem:$0xC080] =	vst v63  }
0x8a: {  	_ = 	snop  }
0x8b: {  	[tilespmem:s26], [sflag:$0x1] =	stream.indirect_vreg.gather [hbm4b:s4+s2], $0x80, v3, vm1, $0xb8;
	[tilespmem:$0xC080] =	vst v63  }
0x8c: {  	v3 =	vld [tilespmem:$0x70];
	_ =	sdelay $0x4  }
0x8d: {  	v63 =	vshrl.u32 v3, $0x3  }
0x8e: {  	v4 =	vmul.u32 $0x18, v63  }
0x8f: {  	v3 =	vand.u32 $0x7, v3  }
0x90: {  	v3 =	vor.u32 v3, v4  }
0x91: {  	v4 =	vperm.xlane v3, v0;
	_ =	sdelay $0x1  }
0x92: {  	v4 =	vadd.s32 v1, v4;
	_ =	sdelay $0x1  }
0x93: {  	v3 =	vperm.xlane v3, v2;
	_ =	sdelay $0x1  }
0x94: {  	v3 =	vadd.s32 v1, v3  }
0x95: {  	[tilespmem:s28], [sflag:$0x1] =	stream.indirect_vreg.gather [hbm4b:s3+s2], $0x80, v4, vm0, $0xb8;
	[tilespmem:$0xC080] =	vst v63  }
0x96: {  	_ = 	snop  }
0x97: {  	[tilespmem:s29], [sflag:$0x1] =	stream.indirect_vreg.gather [hbm4b:s4+s2], $0x80, v4, vm1, $0xb8;
	[tilespmem:$0xC080] =	vst v63  }
0x98: {  	_ = 	snop  }
0x99: {  	[tilespmem:s30], [sflag:$0x1] =	stream.indirect_vreg.gather [hbm4b:s3+s2], $0x80, v3, vm0, $0xb8;
	[tilespmem:$0xC080] =	vst v63  }
0x9a: {  	_ = 	snop  }
0x9b: {  	[tilespmem:s31], [sflag:$0x1] =	stream.indirect_vreg.gather [hbm4b:s4+s2], $0x80, v3, vm1, $0xb8;
	[tilespmem:$0xC080] =	vst v63  }
0x9c: {  	_ =	swait.ge [sflag:s1], $0xC000  }
0x9d: {  	p0 =	sne.s32 s5, $0x1;
	[sflag:s1] =	ssyncset.done $0x0  }
.Ltmp0:
0x9e: {  	s8 =	rddreg [dreg:$0x4];
	[sflag:s1] =	ssyncadd.s32 $0xFFFF4000;
	(pc) =	sbr.rel @p0 .LBB2_1-.Ltmp0, $4  }
0x9f: {  	[hbm4b:s8+s2] =	stream.linear.scatter [tilespmem:s7], [sflag:$0x2], $0xC000, $0x38;
	[tilespmem:$0xC080] =	vst v63  }
0xa0: {  	_ =	swait.ge [sflag:s6], $0xC000  }
0xa1: {  	[sflag:s6] =	ssyncset.done $0x0  }
0xa2: {  	s5 =	sadd.s32 $0xFFFFFFFF, s5;
	[sflag:s6] =	ssyncadd.s32 $0xFFFF4000  }
0xa3: {  	_ =	sfence.sel $0x180000  }
0xa4: {  	[bflag:$0x0] =	sbarrier.arrive $0xFFFF  }
0xa5: {  	_ =	strace $0x9000004D  }
0xa6: {  	s0 =	stileid.u32;
	[bflag:$0x2] =	sbarrier.arrive $0xFFFF  }
0xa7: {  	p0 =	sne.s32 s0, $0x0;
	s0 =	rddreg [dreg:$0x2]  }
0xa8: {  	s0 =	sadd.s32 @!p0 $0x100000, s0  }
0xa9: {  	[sflag:s0] =	ssyncadd.tile.s32 @!p0 $0x1;
	_ =	shalt  }
.Lfunc_end2:
_tile_overlayer_lowered:
.L_overlay_start_2:
0xaa: {  	(tag) =	ssettag $0x2  }
0xab: {  	s0 =	rddreg [dreg:$0x0];
	s2 =	stileid.u32  }
0xac: {  	s1 =	rddreg [dreg:$0x1];
	p0 =	sne.s32 s2, $0x0  }
0xad: {  	s3 =	rddreg [dreg:$0x2];
	[bflag:$0x3] =	sbarrier.arrive $0xFFFF;
	s2 =	simm.s32 @!p0 $0x1C02  }
0xae: {  	[timem:s3], [sflag:s2] =	dma.local @!p0 [hbm:s0], s1  }
0xaf: {  	s0 =	simm.s32 @!p0 $0x2  }
0xb0: {  	_ =	swait.ge @!p0 [sflag:s0], s1  }
0xb1: {  	s1 =	ssub.s32 @!p0 $0x0, s1;
	[sflag:s0] =	ssyncset.done @!p0 $0x0  }
0xb2: {  	[sflag:s0] =	ssyncadd.s32 @!p0 s1  }
0xb3: {  	[bflag:$0x3] =	sbarrier.arrive $0xFFFF  }
0xb4: {  	_ =	shalt  }

// kernel: kernel.8.cloned.1.call-start
scs
__scs_entry_jumppad:
0x0: {  	(pc) =	sbr.rel $0x88, $3  }
0x1: {  	(tag) =	ssettag $0x0;
	lr =	simm.s32 $0x1  }
0x2: {  	[smem:$0x3F97] =	sst lr;
	_ =	strace $0xD0000000  }
0x3: {  	_ = 	snop  }
0x4: {  	_ = 	snop  }
0x5: {  	_ = 	snop  }
0x6: {  	_ = 	snop  }
0x7: {  	_ = 	snop  }
__scs_overlays_trampoline_lowered:
0x8: {  	[smem:$0x3FA6] =	sst s0  }
0x9: {  	[smem:$0x3FA7] =	sst s1  }
0xa: {  	[smem:$0x3FA8] =	sst s2  }
0xb: {  	[smem:$0x3FA9] =	sst s3  }
0xc: {  	[smem:$0x3FAA] =	sst s4  }
0xd: {  	[smem:$0x3FAB] =	sst s5  }
0xe: {  	[smem:$0x3FAC] =	sst s6  }
0xf: {  	[smem:$0x3FAD] =	sst s7  }
0x10: {  	[smem:$0x3FAE] =	sst s8  }
0x11: {  	[smem:$0x3FAF] =	sst s9;
	s0 =	simm.s32 @!p0 $0x0  }
0x12: {  	s1 =	sld [smem:$0x3F95];
	s0 =	simm.s32 @p0 $0x1  }
0x13: {  	[smem:$0x3FB0] =	sst s0;
	s0 =	simm.s32 @!p1 $0x0  }
0x14: {  	s2 =	sld [smem:$0x3F94];
	s0 =	simm.s32 @p1 $0x1  }
0x15: {  	[smem:$0x3FB1] =	sst s0;
	s0 =	simm.s32 @!p2 $0x0  }
0x16: {  	s3 =	sld [smem:$0x3FDB];
	s0 =	simm.s32 @p2 $0x1  }
0x17: {  	s4 =	simm.s32 $0x1BF5;
	[smem:$0x3FB3] =	sst s0  }
0x18: {  	s0 =	sld [smem:$0x3F96];
	_ =	swait.ge [sflag:s4], $0x0  }
0x19: {  	s7 =	sld [smem:$0x3F97]  }
0x1a: {  	s8 =	sadd.s32 $0xFFFFE003, lr  }
0x1b: {  	s9 =	sadd.s32 $0xFFFFFEF7, lr;
	s5 =	simm.s32 $0xFFFFFFFF;
	p2 =	slt.u32 s8, $0xFFFFF086  }
0x1c: {  	p1 =	slt.u32 s9, $0xF7A;
	s5 =	simm.s32 @!p2 $0x0  }
0x1d: {  	s5 =	simm.s32 @p1 $0x1;
	p0 =	seq.s32 s7, s2  }
0x1e: {  	s7 =	smul.u32 @!p0 $0xF7A, s2;
	p2 =	seq.s32 @!p0 s5, $0x0  }
0x1f: {  	s9 =	smul.u32 $0xF7A, s1;
	s8 =	simm.s32 @!p0 $0x1BF5;
	p2 =	por !p2, p0  }
0x20: {  	[sflag:s8] =	ssyncset.s32 @!p0 $0xFFFFF086;
	s6 =	sadd.s32 @!p0 s3, s7;
	s7 =	simm.s32 @!p0 $0x108  }
0x21: {  	s3 =	sadd.s32 s3, s9;
	s6 =	sadd.s32 @!p0 $0x88, s6;
	s7 =	simm.s32 @p2 $0x1082  }
0x22: {  	[simem:s7], [sflag:s8] =	dma.local @!p0 [hbm:s6], $0xF7A  }
0x23: {  	s9 =	sor.u32 $0xD0000000, s2;
	s6 =	simm.s32 $0x108;
	_ =	swait.ge @!p0 [sflag:s8], $0x0  }
0x24: {  	s3 =	sadd.s32 $0x88, s3;
	s6 =	simm.s32 @!p1 $0x1082;
	[sflag:s4] =	ssyncset.s32 $0xFFFFF086  }
0x25: {  	[simem:s6], [sflag:s4] =	dma.local [hbm:s3], $0xF7A  }
0x26: {  	[smem:$0x3F97] =	sst s1;
	(tag) =	ssettag s2;
	_ =	strace s9  }
0x27: {  	s1 =	sld [smem:$0x3FA7]  }
0x28: {  	s2 =	sld [smem:$0x3FA8]  }
0x29: {  	s4 =	sld [smem:$0x3FAA]  }
0x2a: {  	p0 =	seq.s32 s5, $0x0;
	s5 =	sld [smem:$0x3FAB]  }
0x2b: {  	s6 =	sld [smem:$0x3FAC]  }
0x2c: {  	s7 =	sld [smem:$0x3FAD]  }
0x2d: {  	s3 =	simm.s32 $0x108;
	s8 =	sld [smem:$0x3FAE]  }
0x2e: {  	s3 =	simm.s32 @!p0 $0x1082;
	s9 =	sld [smem:$0x3FAF]  }
0x2f: {  	lr =	sadd.s32 s0, s3;
	s0 =	sld [smem:$0x3FA6]  }
0x30: {  	s3 =	sld [smem:$0x3FA9]  }
0x31: {  	[smem:$0x3FB2] =	sst s10  }
0x32: {  	s10 =	sld [smem:$0x3FB0];
	_ =	sdelay $0x3  }
0x33: {  	p0 =	seq.s32 s10, $0x1;
	s10 =	sld [smem:$0x3FB2];
	_ =	sdelay $0x3  }
0x34: {  	[smem:$0x3FB2] =	sst s10  }
0x35: {  	s10 =	sld [smem:$0x3FB1];
	_ =	sdelay $0x3  }
0x36: {  	p1 =	seq.s32 s10, $0x1;
	s10 =	sld [smem:$0x3FB2];
	_ =	sdelay $0x3  }
0x37: {  	[smem:$0x3FB2] =	sst s10  }
0x38: {  	s10 =	sld [smem:$0x3FB3]  }
0x39: {  	_ = 	snop;
	(pc) =	sbr.ind lr, $3  }
0x3a: {  	_ = 	snop  }
0x3b: {  	_ = 	snop  }
0x3c: {  	p2 =	seq.s32 s10, $0x1;
	s10 =	sld [smem:$0x3FB2]  }
0x3d: {  	_ =	shalt  }
0x3e: {  	_ =	shalt  }
0x3f: {  	_ =	shalt  }
0x40: {  	_ =	shalt  }
0x41: {  	_ =	shalt  }
0x42: {  	_ =	shalt  }
0x43: {  	_ =	shalt  }
0x44: {  	_ =	shalt  }
0x45: {  	_ =	shalt  }
0x46: {  	_ =	shalt  }
0x47: {  	_ =	shalt  }
0x48: {  	_ =	shalt  }
0x49: {  	_ =	shalt  }
0x4a: {  	_ =	shalt  }
0x4b: {  	_ =	shalt  }
0x4c: {  	_ =	shalt  }
0x4d: {  	_ =	shalt  }
0x4e: {  	_ =	shalt  }
0x4f: {  	_ =	shalt  }
0x50: {  	_ =	shalt  }
0x51: {  	_ =	shalt  }
0x52: {  	_ =	shalt  }
0x53: {  	_ =	shalt  }
0x54: {  	_ =	shalt  }
0x55: {  	_ =	shalt  }
0x56: {  	_ =	shalt  }
0x57: {  	_ =	shalt  }
0x58: {  	_ =	shalt  }
0x59: {  	_ =	shalt  }
0x5a: {  	_ =	shalt  }
0x5b: {  	_ =	shalt  }
0x5c: {  	_ =	shalt  }
0x5d: {  	_ =	shalt  }
0x5e: {  	_ =	shalt  }
0x5f: {  	_ =	shalt  }
0x60: {  	_ =	shalt  }
0x61: {  	_ =	shalt  }
0x62: {  	_ =	shalt  }
0x63: {  	_ =	shalt  }
0x64: {  	_ =	shalt  }
0x65: {  	_ =	shalt  }
0x66: {  	_ =	shalt  }
0x67: {  	_ =	shalt  }
0x68: {  	_ =	shalt  }
0x69: {  	_ =	shalt  }
0x6a: {  	_ =	shalt  }
0x6b: {  	_ =	shalt  }
0x6c: {  	_ =	shalt  }
0x6d: {  	_ =	shalt  }
0x6e: {  	_ =	shalt  }
0x6f: {  	_ =	shalt  }
0x70: {  	_ =	shalt  }
0x71: {  	_ =	shalt  }
0x72: {  	_ =	shalt  }
0x73: {  	_ =	shalt  }
0x74: {  	_ =	shalt  }
0x75: {  	_ =	shalt  }
0x76: {  	_ =	shalt  }
0x77: {  	_ =	shalt  }
0x78: {  	_ =	shalt  }
0x79: {  	_ =	shalt  }
0x7a: {  	_ =	shalt  }
0x7b: {  	_ =	shalt  }
0x7c: {  	_ =	shalt  }
0x7d: {  	_ =	shalt  }
0x7e: {  	_ =	shalt  }
0x7f: {  	_ =	shalt  }
0x80: {  	_ =	shalt  }
0x81: {  	_ =	shalt  }
0x82: {  	_ =	shalt  }
0x83: {  	_ =	shalt  }
0x84: {  	_ =	shalt  }
0x85: {  	_ =	shalt  }
0x86: {  	_ =	shalt  }
0x87: {  	_ =	shalt  }
.Lfunc_end0:
.L_simem_size_0:
called_computation_lowered:
.L_overlay_start_0:
0x88: {  	s2 =	sld [smem:$0x3FD9]  }
0x89: {  	s3 =	sld [smem:$0x3FFE];
	_ =	sdelay $0x1  }
0x8a: {  	s1 =	srdreg.scid  }
0x8b: {  	s0 =	sand.u32 $0x1, s1  }
0x8c: {  	s15 =	sshll.u32 s0, $0xA;
	s2 =	sadd.s32 s3, s2  }
0x8d: {  	s2 =	sadd.s32 s2, s15  }
0x8e: {  	[smem:$0x3FBE] =	sst s2  }
0x8f: {  	_ = 	snop  }
0x90: {  	s2 =	sld [smem:$0x3FD0];
	_ =	sdelay $0x2  }
0x91: {  	s4 =	simm.s32 $0xA;
	s5 =	simm.s32 $0x10;
	s16 =	sld [smem:$0x3FC9]  }
0x92: {  	[smem:s5], [sflag:s4] =	dma.local [hbm:s2], $0x1  }
0x93: {  	_ =	swait.eq [sflag:s4], $0x1  }
0x94: {  	[sflag:s4] =	ssyncset.done $0x0  }
0x95: {  	s17 =	sld [smem:$0x10];
	[sflag:s4] =	ssyncadd.s32 $0xFFFFFFFF  }
0x96: {  	s18 =	sld [smem:$0x11];
	(tm) =	ssettm $0x1  }
0x97: {  	s19 =	sld [smem:$0x3FFB];
	_ =	sdelay $0x3  }
0x98: {  	_ =	strace s19  }
0x99: {  	s5 =	sld [smem:$0x3FFC];
	_ =	sdelay $0x3  }
0x9a: {  	_ =	strace s5  }
0x9b: {  	s5 =	sld [smem:$0x3FFD];
	_ =	sdelay $0x3  }
0x9c: {  	_ =	strace s5  }
0x9d: {  	_ =	strace $0x8FFFFFFF  }
0x9e: {  	s20 =	sld [smem:$0x3FDB];
	_ =	sdelay $0x1  }
0x9f: {  	s6 =	simm.s32 $_scs_section_size  }
0xa0: {  	s7 =	simm.s32 $_size__tile_overlayer_lowered;
	s8 =	simm.s32 $_tile_overlayer_lowered  }
0xa1: {  	s23 =	simm.s32 $0x1BFF;
	s22 =	sshll.u32 s8, $0x1;
	s5 =	sadd.s32 s6, s20  }
0xa2: {  	s9 =	simm.s32 $0x0;
	s21 =	sshll.u32 s7, $0x1;
	s7 =	sadd.s32 s22, s5  }
0xa3: {  	[timem:s9], [sflag:s23] =	dma.local [hbm:s7], s21  }
0xa4: {  	_ =	swait.ge [sflag:s23], s21  }
0xa5: {  	s6 =	ssub.s32 $0x0, s21;
	[sflag:s23] =	ssyncset.done $0x0  }
0xa6: {  	[sflag:s23] =	ssyncadd.s32 s6;
	_ =	sdelay $0x1  }
0xa7: {  	s24 =	simm.s32 $0x1B8B  }
0xa8: {  	_ =	swait.ge [sflag:s24], $0x1  }
0xa9: {  	[sflag:s24] =	ssyncset.done $0x0  }
0xaa: {  	s25 =	simm.s32 $0x1B8E;
	[sflag:s24] =	ssyncadd.s32 $0xFFFFFFFF  }
0xab: {  	s26 =	simm.s32 $execute0_lowered;
	[smem:$0x3FD2] =	sst s25  }
0xac: {  	s6 =	sshll.u32 s26, $0x1;
	_ =	strace $0x80000046;
	[dreg:$0x1] =	wrdreg $0xFFFFFFFF  }
0xad: {  	s28 =	simm.s32 $_size_execute0_lowered;
	s5 =	sadd.s32 s5, s6;
	[dreg:$0x0] =	wrdreg $0x0  }
0xae: {  	s6 =	sshll.u32 s28, $0x1;
	[dreg:$0x2] =	wrdreg s5  }
0xaf: {  	[dreg:$0x3] =	wrdreg s6  }
0xb0: {  	[dreg:$0x4] =	wrdreg $0xC0  }
0xb1: {  	_ =	task [dreg:s9], $0x5FFFF  }
0xb2: {  	[dreg:$0x1] =	wrdreg $0xFFFFFFFF  }
0xb3: {  	[dreg:$0x0] =	wrdreg $0x60  }
0xb4: {  	[dreg:$0x2] =	wrdreg s16  }
0xb5: {  	[dreg:$0x3] =	wrdreg s18  }
0xb6: {  	[dreg:$0x4] =	wrdreg s17  }
0xb7: {  	[dreg:$0x5] =	wrdreg $0x9  }
0xb8: {  	_ =	task.clear_ibuf [dreg:s9], $0x6FFFF;
	_ =	strace $0x90000046  }
0xb9: {  	s29 =	simm.s32 $0x9;
	_ =	strace $0x80000048  }
0xba: {  	_ =	swait.ge [sflag:s29], $0x1  }
0xbb: {  	[sflag:s29] =	ssyncadd.s32 $0xFFFFFFFF  }
0xbc: {  	_ =	strace $0x90000048  }
0xbd: {  	_ =	sfence  }
0xbe: {  	s30 =	sld [smem:$0x0];
	_ =	sdelay $0x2  }
0xbf: {  	s31 =	sshll.u32 s1, $0xD;
	s1 =	sshrl.u32 s1, $0x2  }
0xc0: {  	s3 =	sand.u32 $0x4000, s31;
	s1 =	sadd.s32 s1, s30  }
0xc1: {  	s0 =	sor.u32 s3, s0;
	s1 =	sshll.u32 s1, $0x11  }
0xc2: {  	s0 =	sor.u32 s1, s0  }
0xc3: {  	s0 =	sadd.s32 $0x8F2B, s0  }
0xc4: {  	[sflag:s0] =	ssyncadd.remote.s32 $0x1  }
0xc5: {  	_ =	sfence.sel $0xFFFF  }
0xc6: {  	[dreg:$0x0] =	wrdreg $0xFFFFFFFF;
	(pc) =	sbr.abs _section_cstart, $3  }
0xc7: {  	[dreg:$0x1] =	wrdreg $0xFFFFFFFF  }
0xc8: {  	_ =	task.clear_ibuf [dreg:s9], $0x2FFFF;
	_ =	strace $0x9FFFFFFF  }
0xc9: {  	(tm) =	ssettm $0x7FFFFFFF  }
tec
execute0_lowered:
.L_overlay_start_1:
0x0: {  	(tag) =	ssettag $0x1  }
0x1: {  	s1 =	rddreg [dreg:$0x0]  }
0x2: {  	s4 =	rddreg [dreg:$0x1];
	s3 =	srdreg.scid  }
0x3: {  	s0 =	stileid.u32;
	s2 =	rddreg [dreg:$0x2];
	s18 =	simm.s32 $0x880  }
0x4: {  	s19 =	simm.s32 $0xC80;
	s20 =	simm.s32 $0x1480;
	s22 =	simm.s32 $0x1880  }
0x5: {  	s23 =	simm.s32 $0x2080;
	s24 =	simm.s32 $0x2480;
	s25 =	simm.s32 $0x2C80  }
0x6: {  	s26 =	simm.s32 $0x3080;
	s9 =	simm.s32 $0x3C80;
	s10 =	simm.s32 $0x4480  }
0x7: {  	s11 =	simm.s32 $0x4880;
	s5 =	sand.u32 $0x1, s3;
	s3 =	simm.s32 $0x0  }
0x8: {  	s12 =	simm.s32 $0x5080;
	s13 =	simm.s32 $0x5480;
	[smem:$0x7FF] =	sst s3  }
0x9: {  	s14 =	simm.s32 $0x5C80;
	_ =	strace $0x80000047;
	[dreg:$0x6] =	wrdreg s18  }
0xa: {  	s15 =	simm.s32 $0x6080;
	s16 =	simm.s32 $0x6880;
	[dreg:$0x7] =	wrdreg s19  }
0xb: {  	s17 =	simm.s32 $0x6C80;
	s28 =	simm.s32 $0xA880;
	[dreg:$0x8] =	wrdreg s20  }
0xc: {  	s29 =	simm.s32 $0xB080;
	s30 =	simm.s32 $0xB480;
	[dreg:$0x9] =	wrdreg s22  }
0xd: {  	s31 =	simm.s32 $0xBC80;
	s6 =	sshll.u32 s0, $0x1;
	[dreg:$0xa] =	wrdreg s23  }
0xe: {  	s6 =	sor.u32 s5, s6;
	s21 =	ssub.s32 $0x2, s5;
	[dreg:$0xb] =	wrdreg s24  }
0xf: {  	s7 =	sshll.u32 s6, $0x4;
	s6 =	smul.u32 $0x1800, s6;
	[dreg:$0xc] =	wrdreg s25  }
0x10: {  	s5 =	sshrl.u32 s21, $0x1;
	[dreg:$0xd] =	wrdreg s26;
	s18 =	simm.s32 $0x7480  }
0x11: {  	s19 =	simm.s32 $0x7880;
	s20 =	simm.s32 $0x8080;
	s22 =	simm.s32 $0x8C80  }
0x12: {  	s23 =	simm.s32 $0x9080;
	s24 =	simm.s32 $0x9880;
	s25 =	simm.s32 $0x9C80  }
0x13: {  	s26 =	simm.s32 $0xA480;
	s4 =	sadd.s32 s4, s7;
	s5 =	ssub.s32 s21, s5  }
0x14: {  	v2 =	vlaneseq.u32;
	s7 =	simm.s32 $0x80;
	s21 =	simm.s32 $0x8480;
	[dreg:$0x4] =	wrdreg s4  }
0x15: {  	vm0 =	vmmov $0xffff;
	vm1 =	vmmov $0xff;
	v1 =	vshrl.u32 v2, $0x3;
	s1 =	sadd.s32 s1, s6;
	s4 =	sadd.s32 $0x100, s2;
	s5 =	smax.u32 s5, $0x1  }
0x16: {  	v0 =	vand.u32 $0x7, v2;
	v2 =	vor.u32 $0x8, v2;
	v1 =	vmul.u32 $0x8, v1;
	s6 =	simm.s32 $0x2;
	[dreg:$0x5] =	wrdreg s1;
	s1 =	simm.s32 $0x1  }
.LBB2_1:
0x17: {  	s0 =	rddreg [dreg:$0x4]  }
0x18: {  	[tilespmem:s3], [sflag:$0x2] =	stream.linear.gather [hbm4b:s0+s3], $0x80, $0x38;
	[tilespmem:$0xC080] =	vst v63  }
0x19: {  	_ =	swait.ge [sflag:s6], $0x80  }
0x1a: {  	[sflag:s6] =	ssyncset.done $0x0  }
0x1b: {  	s8 =	rddreg [dreg:$0x5];
	[sflag:s6] =	ssyncadd.s32 $0xFFFFFF80  }
0x1c: {  	[tilespmem:s7], [sflag:$0x2] =	stream.linear.gather [hbm4b:s8+s3], $0xC000, $0x38;
	[tilespmem:$0xC080] =	vst v63  }
0x1d: {  	_ =	swait.ge [sflag:s6], $0xC000  }
0x1e: {  	[sflag:s6] =	ssyncset.done $0x0  }
0x1f: {  	[sflag:s6] =	ssyncadd.s32 $0xFFFF4000  }
0x20: {  	v3 =	vld [tilespmem:$0x0];
	_ =	sdelay $0x4  }
0x21: {  	v4 =	vshrl.u32 v3, $0x3  }
0x22: {  	v4 =	vmul.u32 $0x18, v4  }
0x23: {  	v3 =	vand.u32 $0x7, v3  }
0x24: {  	v3 =	vor.u32 v3, v4  }
0x25: {  	v4 =	vperm.xlane v3, v0;
	_ =	sdelay $0x1  }
0x26: {  	v4 =	vadd.s32 v1, v4;
	_ =	sdelay $0x1  }
0x27: {  	v3 =	vperm.xlane v3, v2;
	_ =	sdelay $0x1  }
0x28: {  	v3 =	vadd.s32 v1, v3  }
0x29: {  	[hbm4b:s2+s3] =	stream.indirect_vreg.scatter [tilespmem:s7], [sflag:$0x1], $0x80, v4, vm0, $0xb8;
	[tilespmem:$0xC080] =	vst v63  }
0x2a: {  	s0 =	rddreg [dreg:$0x6]  }
0x2b: {  	[hbm4b:s4+s3] =	stream.indirect_vreg.scatter [tilespmem:s0], [sflag:$0x1], $0x80, v4, vm1, $0xb8;
	[tilespmem:$0xC080] =	vst v63  }
0x2c: {  	s8 =	rddreg [dreg:$0x7]  }
0x2d: {  	[hbm4b:s2+s3] =	stream.indirect_vreg.scatter [tilespmem:s8], [sflag:$0x1], $0x80, v3, vm0, $0xb8;
	[tilespmem:$0xC080] =	vst v63  }
0x2e: {  	s0 =	rddreg [dreg:$0x8]  }
0x2f: {  	[hbm4b:s4+s3] =	stream.indirect_vreg.scatter [tilespmem:s0], [sflag:$0x1], $0x80, v3, vm1, $0xb8;
	[tilespmem:$0xC080] =	vst v63  }
0x30: {  	v3 =	vld [tilespmem:$0x10];
	_ =	sdelay $0x4  }
0x31: {  	v57 =	vshrl.u32 v3, $0x3  }
0x32: {  	v4 =	vmul.u32 $0x18, v57  }
0x33: {  	v3 =	vand.u32 $0x7, v3  }
0x34: {  	v3 =	vor.u32 v3, v4  }
0x35: {  	v4 =	vperm.xlane v3, v0;
	_ =	sdelay $0x1  }
0x36: {  	v4 =	vadd.s32 v1, v4;
	_ =	sdelay $0x1  }
0x37: {  	v3 =	vperm.xlane v3, v2;
	_ =	sdelay $0x1  }
0x38: {  	s0 =	rddreg [dreg:$0x9];
	v3 =	vadd.s32 v1, v3  }
0x39: {  	[hbm4b:s2+s3] =	stream.indirect_vreg.scatter [tilespmem:s0], [sflag:$0x1], $0x80, v4, vm0, $0xb8;
	[tilespmem:$0xC080] =	vst v63  }
0x3a: {  	s8 =	rddreg [dreg:$0xa]  }
0x3b: {  	[hbm4b:s4+s3] =	stream.indirect_vreg.scatter [tilespmem:s8], [sflag:$0x1], $0x80, v4, vm1, $0xb8;
	[tilespmem:$0xC080] =	vst v63  }
0x3c: {  	s0 =	rddreg [dreg:$0xb]  }
0x3d: {  	[hbm4b:s2+s3] =	stream.indirect_vreg.scatter [tilespmem:s0], [sflag:$0x1], $0x80, v3, vm0, $0xb8;
	[tilespmem:$0xC080] =	vst v63  }
0x3e: {  	s8 =	rddreg [dreg:$0xc]  }
0x3f: {  	[hbm4b:s4+s3] =	stream.indirect_vreg.scatter [tilespmem:s8], [sflag:$0x1], $0x80, v3, vm1, $0xb8;
	[tilespmem:$0xC080] =	vst v63  }
0x40: {  	v3 =	vld [tilespmem:$0x20];
	_ =	sdelay $0x4  }
0x41: {  	v58 =	vshrl.u32 v3, $0x3  }
0x42: {  	v4 =	vmul.u32 $0x18, v58  }
0x43: {  	v3 =	vand.u32 $0x7, v3  }
0x44: {  	v3 =	vor.u32 v3, v4  }
0x45: {  	v4 =	vperm.xlane v3, v0;
	_ =	sdelay $0x1  }
0x46: {  	v4 =	vadd.s32 v1, v4;
	_ =	sdelay $0x1  }
0x47: {  	v3 =	vperm.xlane v3, v2;
	_ =	sdelay $0x1  }
0x48: {  	s8 =	rddreg [dreg:$0xd];
	v3 =	vadd.s32 v1, v3  }
0x49: {  	[hbm4b:s2+s3] =	stream.indirect_vreg.scatter [tilespmem:s8], [sflag:$0x1], $0x80, v4, vm0, $0xb8;
	[tilespmem:$0xC080] =	vst v63  }
0x4a: {  	s8 =	simm.s32 $0x3880  }
0x4b: {  	[hbm4b:s4+s3] =	stream.indirect_vreg.scatter [tilespmem:s8], [sflag:$0x1], $0x80, v4, vm1, $0xb8;
	[tilespmem:$0xC080] =	vst v63  }
0x4c: {  	_ = 	snop  }
0x4d: {  	[hbm4b:s2+s3] =	stream.indirect_vreg.scatter [tilespmem:s9], [sflag:$0x1], $0x80, v3, vm0, $0xb8;
	[tilespmem:$0xC080] =	vst v63  }
0x4e: {  	_ = 	snop  }
0x4f: {  	[hbm4b:s4+s3] =	stream.indirect_vreg.scatter [tilespmem:s10], [sflag:$0x1], $0x80, v3, vm1, $0xb8;
	[tilespmem:$0xC080] =	vst v63  }
0x50: {  	v3 =	vld [tilespmem:$0x30];
	_ =	sdelay $0x4  }
0x51: {  	v59 =	vshrl.u32 v3, $0x3  }
0x52: {  	v4 =	vmul.u32 $0x18, v59  }
0x53: {  	v3 =	vand.u32 $0x7, v3  }
0x54: {  	v3 =	vor.u32 v3, v4  }
0x55: {  	v4 =	vperm.xlane v3, v0;
	_ =	sdelay $0x1  }
0x56: {  	v4 =	vadd.s32 v1, v4;
	_ =	sdelay $0x1  }
0x57: {  	v3 =	vperm.xlane v3, v2;
	_ =	sdelay $0x1  }
0x58: {  	v3 =	vadd.s32 v1, v3  }
0x59: {  	[hbm4b:s2+s3] =	stream.indirect_vreg.scatter [tilespmem:s11], [sflag:$0x1], $0x80, v4, vm0, $0xb8;
	[tilespmem:$0xC080] =	vst v63  }
0x5a: {  	_ = 	snop  }
0x5b: {  	[hbm4b:s4+s3] =	stream.indirect_vreg.scatter [tilespmem:s12], [sflag:$0x1], $0x80, v4, vm1, $0xb8;
	[tilespmem:$0xC080] =	vst v63  }
0x5c: {  	_ = 	snop  }
0x5d: {  	[hbm4b:s2+s3] =	stream.indirect_vreg.scatter [tilespmem:s13], [sflag:$0x1], $0x80, v3, vm0, $0xb8;
	[tilespmem:$0xC080] =	vst v63  }
0x5e: {  	_ = 	snop  }
0x5f: {  	[hbm4b:s4+s3] =	stream.indirect_vreg.scatter [tilespmem:s14], [sflag:$0x1], $0x80, v3, vm1, $0xb8;
	[tilespmem:$0xC080] =	vst v63  }
0x60: {  	v3 =	vld [tilespmem:$0x40];
	_ =	sdelay $0x4  }
0x61: {  	v60 =	vshrl.u32 v3, $0x3  }
0x62: {  	v4 =	vmul.u32 $0x18, v60  }
0x63: {  	v3 =	vand.u32 $0x7, v3  }
0x64: {  	v3 =	vor.u32 v3, v4  }
0x65: {  	v4 =	vperm.xlane v3, v0;
	_ =	sdelay $0x1  }
0x66: {  	v4 =	vadd.s32 v1, v4;
	_ =	sdelay $0x1  }
0x67: {  	v3 =	vperm.xlane v3, v2;
	_ =	sdelay $0x1  }
0x68: {  	v3 =	vadd.s32 v1, v3  }
0x69: {  	[hbm4b:s2+s3] =	stream.indirect_vreg.scatter [tilespmem:s15], [sflag:$0x1], $0x80, v4, vm0, $0xb8;
	[tilespmem:$0xC080] =	vst v63  }
0x6a: {  	_ = 	snop  }
0x6b: {  	[hbm4b:s4+s3] =	stream.indirect_vreg.scatter [tilespmem:s16], [sflag:$0x1], $0x80, v4, vm1, $0xb8;
	[tilespmem:$0xC080] =	vst v63  }
0x6c: {  	_ = 	snop  }
0x6d: {  	[hbm4b:s2+s3] =	stream.indirect_vreg.scatter [tilespmem:s17], [sflag:$0x1], $0x80, v3, vm0, $0xb8;
	[tilespmem:$0xC080] =	vst v63  }
0x6e: {  	_ = 	snop  }
0x6f: {  	[hbm4b:s4+s3] =	stream.indirect_vreg.scatter [tilespmem:s18], [sflag:$0x1], $0x80, v3, vm1, $0xb8;
	[tilespmem:$0xC080] =	vst v63  }
0x70: {  	v3 =	vld [tilespmem:$0x50];
	_ =	sdelay $0x4  }
0x71: {  	v61 =	vshrl.u32 v3, $0x3  }
0x72: {  	v4 =	vmul.u32 $0x18, v61  }
0x73: {  	v3 =	vand.u32 $0x7, v3  }
0x74: {  	v3 =	vor.u32 v3, v4  }
0x75: {  	v4 =	vperm.xlane v3, v0;
	_ =	sdelay $0x1  }
0x76: {  	v4 =	vadd.s32 v1, v4;
	_ =	sdelay $0x1  }
0x77: {  	v3 =	vperm.xlane v3, v2;
	_ =	sdelay $0x1  }
0x78: {  	v3 =	vadd.s32 v1, v3  }
0x79: {  	[hbm4b:s2+s3] =	stream.indirect_vreg.scatter [tilespmem:s19], [sflag:$0x1], $0x80, v4, vm0, $0xb8;
	[tilespmem:$0xC080] =	vst v63  }
0x7a: {  	_ = 	snop  }
0x7b: {  	[hbm4b:s4+s3] =	stream.indirect_vreg.scatter [tilespmem:s20], [sflag:$0x1], $0x80, v4, vm1, $0xb8;
	[tilespmem:$0xC080] =	vst v63  }
0x7c: {  	_ = 	snop  }
0x7d: {  	[hbm4b:s2+s3] =	stream.indirect_vreg.scatter [tilespmem:s21], [sflag:$0x1], $0x80, v3, vm0, $0xb8;
	[tilespmem:$0xC080] =	vst v63  }
0x7e: {  	_ = 	snop  }
0x7f: {  	[hbm4b:s4+s3] =	stream.indirect_vreg.scatter [tilespmem:s22], [sflag:$0x1], $0x80, v3, vm1, $0xb8;
	[tilespmem:$0xC080] =	vst v63  }
0x80: {  	v3 =	vld [tilespmem:$0x60];
	_ =	sdelay $0x4  }
0x81: {  	v62 =	vshrl.u32 v3, $0x3  }
0x82: {  	v4 =	vmul.u32 $0x18, v62  }
0x83: {  	v3 =	vand.u32 $0x7, v3  }
0x84: {  	v3 =	vor.u32 v3, v4  }
0x85: {  	v4 =	vperm.xlane v3, v0;
	_ =	sdelay $0x1  }
0x86: {  	v4 =	vadd.s32 v1, v4;
	_ =	sdelay $0x1  }
0x87: {  	v3 =	vperm.xlane v3, v2;
	_ =	sdelay $0x1  }
0x88: {  	v3 =	vadd.s32 v1, v3  }
0x89: {  	[hbm4b:s2+s3] =	stream.indirect_vreg.scatter [tilespmem:s23], [sflag:$0x1], $0x80, v4, vm0, $0xb8;
	[tilespmem:$0xC080] =	vst v63  }
0x8a: {  	_ = 	snop  }
0x8b: {  	[hbm4b:s4+s3] =	stream.indirect_vreg.scatter [tilespmem:s24], [sflag:$0x1], $0x80, v4, vm1, $0xb8;
	[tilespmem:$0xC080] =	vst v63  }
0x8c: {  	_ = 	snop  }
0x8d: {  	[hbm4b:s2+s3] =	stream.indirect_vreg.scatter [tilespmem:s25], [sflag:$0x1], $0x80, v3, vm0, $0xb8;
	[tilespmem:$0xC080] =	vst v63  }
0x8e: {  	_ = 	snop  }
0x8f: {  	[hbm4b:s4+s3] =	stream.indirect_vreg.scatter [tilespmem:s26], [sflag:$0x1], $0x80, v3, vm1, $0xb8;
	[tilespmem:$0xC080] =	vst v63  }
0x90: {  	v3 =	vld [tilespmem:$0x70];
	_ =	sdelay $0x4  }
0x91: {  	v63 =	vshrl.u32 v3, $0x3  }
0x92: {  	v4 =	vmul.u32 $0x18, v63  }
0x93: {  	v3 =	vand.u32 $0x7, v3  }
0x94: {  	v3 =	vor.u32 v3, v4  }
0x95: {  	v4 =	vperm.xlane v3, v0;
	_ =	sdelay $0x1  }
0x96: {  	v4 =	vadd.s32 v1, v4;
	_ =	sdelay $0x1  }
0x97: {  	v3 =	vperm.xlane v3, v2;
	_ =	sdelay $0x1  }
0x98: {  	v3 =	vadd.s32 v1, v3  }
0x99: {  	[hbm4b:s2+s3] =	stream.indirect_vreg.scatter [tilespmem:s28], [sflag:$0x1], $0x80, v4, vm0, $0xb8;
	[tilespmem:$0xC080] =	vst v63  }
0x9a: {  	_ = 	snop  }
0x9b: {  	[hbm4b:s4+s3] =	stream.indirect_vreg.scatter [tilespmem:s29], [sflag:$0x1], $0x80, v4, vm1, $0xb8;
	[tilespmem:$0xC080] =	vst v63  }
0x9c: {  	p0 =	sne.s32 s5, $0x1  }
0x9d: {  	[hbm4b:s2+s3] =	stream.indirect_vreg.scatter [tilespmem:s30], [sflag:$0x1], $0x80, v3, vm0, $0xb8;
	[tilespmem:$0xC080] =	vst v63  }
.Ltmp0:
0x9e: {  	_ = 	snop;
	(pc) =	sbr.rel @p0 .LBB2_1-.Ltmp0, $4  }
0x9f: {  	[hbm4b:s4+s3] =	stream.indirect_vreg.scatter [tilespmem:s31], [sflag:$0x1], $0x80, v3, vm1, $0xb8;
	[tilespmem:$0xC080] =	vst v63  }
0xa0: {  	_ =	swait.ge [sflag:s1], $0xC000  }
0xa1: {  	[sflag:s1] =	ssyncset.done $0x0  }
0xa2: {  	s5 =	sadd.s32 $0xFFFFFFFF, s5;
	[sflag:s1] =	ssyncadd.s32 $0xFFFF4000  }
0xa3: {  	_ =	sfence.sel $0x180000  }
0xa4: {  	[bflag:$0x0] =	sbarrier.arrive $0xFFFF  }
0xa5: {  	_ =	strace $0x90000047  }
0xa6: {  	s0 =	stileid.u32;
	[bflag:$0x2] =	sbarrier.arrive $0xFFFF  }
0xa7: {  	p0 =	sne.s32 s0, $0x0;
	s0 =	rddreg [dreg:$0x3]  }
0xa8: {  	s0 =	sadd.s32 @!p0 $0x100000, s0  }
0xa9: {  	[sflag:s0] =	ssyncadd.tile.s32 @!p0 $0x1;
	_ =	shalt  }
.Lfunc_end2:
_tile_overlayer_lowered:
.L_overlay_start_2:
0xaa: {  	(tag) =	ssettag $0x2  }
0xab: {  	s0 =	rddreg [dreg:$0x0];
	s2 =	stileid.u32  }
0xac: {  	s1 =	rddreg [dreg:$0x1];
	p0 =	sne.s32 s2, $0x0  }
0xad: {  	s3 =	rddreg [dreg:$0x2];
	[bflag:$0x3] =	sbarrier.arrive $0xFFFF;
	s2 =	simm.s32 @!p0 $0x1C02  }
0xae: {  	[timem:s3], [sflag:s2] =	dma.local @!p0 [hbm:s0], s1  }
0xaf: {  	s0 =	simm.s32 @!p0 $0x2  }
0xb0: {  	_ =	swait.ge @!p0 [sflag:s0], s1  }
0xb1: {  	s1 =	ssub.s32 @!p0 $0x0, s1;
	[sflag:s0] =	ssyncset.done @!p0 $0x0  }
0xb2: {  	[sflag:s0] =	ssyncadd.s32 @!p0 s1  }
0xb3: {  	[bflag:$0x3] =	sbarrier.arrive $0xFFFF  }
0xb4: {  	_ =	shalt  }

</sc_bundles>
